<compile_context>
chip_gen: v7x
topology: tpu7x:2x2x1
jax: 0.10.2.dev20260603
libtpu: 0.0.44.dev20260713+nightly
codegen_flags: <defaults>
</compile_context>

<pallas_src>
import functools

import jax
import jax.numpy as jnp
from jax import lax
from jax.experimental import pallas as pl
from jax.experimental.pallas import tpu as pltpu
from jax.experimental.pallas import tpu_sc as plsc

_NC = 2
_NS = 16
_NW = _NC * _NS
_L = 16
_CHUNK = 128
_CPB = 8


def _fill_vmem(ref, rows, cols, value):
  vec = jnp.full((_L,), value, jnp.float32)

  def body(i, c):
    for j in range(cols // _L):
      ref[i, pl.ds(j * _L, _L)] = vec
    return c

  lax.fori_loop(0, rows, body, 0)


def _zero_shared_rows(src_v, acc_sh, rbase, rows):
  nfull, rem = divmod(rows, _CHUNK)
  for k in range(nfull):
    pltpu.sync_copy(src_v, acc_sh.at[pl.ds(rbase + k * _CHUNK, _CHUNK)])
  if rem:
    pltpu.sync_copy(
        src_v.at[pl.ds(0, rem)],
        acc_sh.at[pl.ds(rbase + nfull * _CHUNK, rem)],
    )


def _make_deg_kernel(n_pad, blocks_per_tile):
  rows = n_pad // _NS

  assert blocks_per_tile % 2 == 0

  @functools.partial(
      pl.kernel,
      out_type=jax.ShapeDtypeStruct((_NC, n_pad, _L), jnp.float32),
      mesh=plsc.VectorSubcoreMesh(core_axis_name="c", subcore_axis_name="s"),
      compiler_params=pltpu.CompilerParams(use_tc_tiling_on_sc=False),
      scratch_types=[
          [pltpu.VMEM((_CPB, _CHUNK), jnp.int32) for _ in range(2)],
          pltpu.VMEM((_CHUNK, _L), jnp.float32),
          pltpu.VMEM_SHARED((n_pad, _L), jnp.float32),
          [pltpu.SemaphoreType.DMA for _ in range(2)],
      ],
  )
  def deg_kernel(dst_hbm, out_hbm, dst_i, val_v, acc_sh, sem_i):
    cid = lax.axis_index("c")
    sid = lax.axis_index("s")
    wid = sid * _NC + cid
    rbase = sid * rows

    _fill_vmem(val_v, _CHUNK, _L, 0.0)
    _zero_shared_rows(val_v, acc_sh, rbase, rows)
    plsc.subcore_barrier()

    _fill_vmem(val_v, _CHUNK, _L, 1.0)
    bbase = wid * blocks_per_tile

    def outer(t, c):
      crow = (bbase + 2 * t) * _CPB
      da = pltpu.async_copy(dst_hbm.at[pl.ds(crow, _CPB)], dst_i[0], sem_i[0])
      db = pltpu.async_copy(
          dst_hbm.at[pl.ds(crow + _CPB, _CPB)], dst_i[1], sem_i[1])
      da.wait()
      for j in range(_CPB):
        pltpu.sync_copy(val_v, acc_sh.at[dst_i[0].at[j]], add=True)
      db.wait()
      for j in range(_CPB):
        pltpu.sync_copy(val_v, acc_sh.at[dst_i[1].at[j]], add=True)
      return c

    lax.fori_loop(0, blocks_per_tile // 2, outer, 0)
    plsc.subcore_barrier()
    pltpu.sync_copy(
        acc_sh.at[pl.ds(rbase, rows)], out_hbm.at[cid, pl.ds(rbase, rows)]
    )

  return deg_kernel


def _make_agg_kernel(n_pad, d, blocks_per_tile, depth, lead):
  rows = n_pad // _NS
  assert blocks_per_tile % 2 == 0
  assert lead % depth != 0 and (depth - lead) % depth != 0
  body_chunks = 2 * _CPB

  @functools.partial(
      pl.kernel,
      out_type=jax.ShapeDtypeStruct((_NC, n_pad, d), jnp.float32),
      mesh=plsc.VectorSubcoreMesh(core_axis_name="c", subcore_axis_name="s"),
      compiler_params=pltpu.CompilerParams(use_tc_tiling_on_sc=False),
      scratch_types=[
          [pltpu.VMEM((_CPB, _CHUNK), jnp.int32) for _ in range(2)],
          [pltpu.VMEM((_CPB, _CHUNK), jnp.int32) for _ in range(2)],
          [pltpu.VMEM((_CHUNK, d), jnp.float32) for _ in range(depth)],
          pltpu.VMEM_SHARED((n_pad, d), jnp.float32),
          [pltpu.SemaphoreType.DMA for _ in range(depth)],
          [pltpu.SemaphoreType.DMA for _ in range(depth)],
          [pltpu.SemaphoreType.DMA for _ in range(4)],
      ],
  )
  def agg_kernel(y_hbm, src_hbm, dst_hbm, out_hbm, src_i, dst_i, msgs,
                 acc_sh, sem_g, sem_s, sem_i):
    cid = lax.axis_index("c")
    sid = lax.axis_index("s")
    wid = sid * _NC + cid
    rbase = sid * rows

    _fill_vmem(msgs[0], _CHUNK, d, 0.0)
    _zero_shared_rows(msgs[0], acc_sh, rbase, rows)
    plsc.subcore_barrier()

    base = wid * blocks_per_tile * _CPB

    def body(k, carry):
      crow = base + 2 * k * _CPB
      idesc = [
          pltpu.async_copy(src_hbm.at[pl.ds(crow, _CPB)], src_i[0], sem_i[0]),
          pltpu.async_copy(dst_hbm.at[pl.ds(crow, _CPB)], dst_i[0], sem_i[1]),
          pltpu.async_copy(src_hbm.at[pl.ds(crow + _CPB, _CPB)], src_i[1],
                           sem_i[2]),
          pltpu.async_copy(dst_hbm.at[pl.ds(crow + _CPB, _CPB)], dst_i[1],
                           sem_i[3]),
      ]
      gdesc = [None] * depth
      sdesc = [None] * depth
      for it in range(body_chunks + lead):
        c = it - lead
        if c >= 0:
          b = c % depth
          gdesc[b].wait()
          p, jc = divmod(c, _CPB)
          sdesc[b] = pltpu.async_copy(
              msgs[b], acc_sh.at[dst_i[p].at[jc]], sem_s[b], add=True
          )
        if it < body_chunks:
          p, j = divmod(it, _CPB)
          if j == 0:
            idesc[2 * p].wait()
            idesc[2 * p + 1].wait()
          b2 = it % depth
          if it >= depth:
            sdesc[b2].wait()
          gdesc[b2] = pltpu.async_copy(
              y_hbm.at[src_i[p].at[j]], msgs[b2], sem_g[b2]
          )
      for b in range(depth):
        sdesc[b].wait()
      return carry

    lax.fori_loop(0, blocks_per_tile // 2, body, 0)
    plsc.subcore_barrier()
    pltpu.sync_copy(
        acc_sh.at[pl.ds(rbase, rows)], out_hbm.at[cid, pl.ds(rbase, rows)]
    )

  return agg_kernel


def _tc_xw(X, W1, blk=2000):
  n, d_in = X.shape
  d_hid = W1.shape[1]

  def body(x_ref, w_ref, y_ref):
    y_ref[...] = jnp.dot(
        x_ref[...], w_ref[...], preferred_element_type=jnp.float32)

  return pl.pallas_call(
      body,
      grid=(n // blk,),
      in_specs=[
          pl.BlockSpec((blk, d_in), lambda i: (i, 0)),
          pl.BlockSpec((d_in, d_hid), lambda i: (0, 0)),
      ],
      out_specs=pl.BlockSpec((blk, d_hid), lambda i: (i, 0)),
      out_shape=jax.ShapeDtypeStruct((n, d_hid), jnp.float32),
  )(X, W1)


def _tc_scale(xw, degp, blk=2000):
  n, d_hid = xw.shape

  def body(xw_ref, d_ref, y_ref, dinv_ref):
    deg = d_ref[0][:, 0:1] + d_ref[1][:, 0:1] + 1.0
    dinv = lax.rsqrt(deg)
    y_ref[...] = xw_ref[...] * dinv
    dinv_ref[...] = dinv

  return pl.pallas_call(
      body,
      grid=(n // blk,),
      in_specs=[
          pl.BlockSpec((blk, d_hid), lambda i: (i, 0)),
          pl.BlockSpec((2, blk, _L), lambda i: (0, i, 0)),
      ],
      out_specs=[
          pl.BlockSpec((blk, d_hid), lambda i: (i, 0)),
          pl.BlockSpec((blk, 1), lambda i: (i, 0)),
      ],
      out_shape=[
          jax.ShapeDtypeStruct((n, d_hid), jnp.float32),
          jax.ShapeDtypeStruct((n, 1), jnp.float32),
      ],
  )(xw, degp)


def _tc_mid(aggp, y, dinv, b1, W2, blk=2000):
  n, d_hid = y.shape
  d_out = W2.shape[1]

  def body(p_ref, y_ref, dinv_ref, b1_ref, w2_ref, y2_ref):
    dinv = dinv_ref[...]
    pre = dinv * (p_ref[0] + p_ref[1] + y_ref[...]) + b1_ref[...]
    h = jnp.maximum(pre, 0.0)
    z = jnp.dot(h, w2_ref[...], preferred_element_type=jnp.float32)
    y2_ref[...] = z * dinv

  return pl.pallas_call(
      body,
      grid=(n // blk,),
      in_specs=[
          pl.BlockSpec((2, blk, d_hid), lambda i: (0, i, 0)),
          pl.BlockSpec((blk, d_hid), lambda i: (i, 0)),
          pl.BlockSpec((blk, 1), lambda i: (i, 0)),
          pl.BlockSpec((1, d_hid), lambda i: (0, 0)),
          pl.BlockSpec((d_hid, d_out), lambda i: (0, 0)),
      ],
      out_specs=pl.BlockSpec((blk, d_out), lambda i: (i, 0)),
      out_shape=jax.ShapeDtypeStruct((n, d_out), jnp.float32),
  )(aggp, y, dinv, b1.reshape(1, -1), W2)


def _tc_final(aggp, y2, dinv, b2, blk=2000):
  n, d_out = y2.shape

  def body(q_ref, y2_ref, dinv_ref, b2_ref, out_ref):
    o = dinv_ref[...] * (q_ref[0] + q_ref[1] + y2_ref[...]) + b2_ref[...]
    m = jnp.max(o, axis=1, keepdims=True)
    e = jnp.exp(o - m)
    s = jnp.sum(e, axis=1, keepdims=True)
    out_ref[...] = (o - m) - jnp.log(s)

  return pl.pallas_call(
      body,
      grid=(n // blk,),
      in_specs=[
          pl.BlockSpec((2, blk, d_out), lambda i: (0, i, 0)),
          pl.BlockSpec((blk, d_out), lambda i: (i, 0)),
          pl.BlockSpec((blk, 1), lambda i: (i, 0)),
          pl.BlockSpec((1, d_out), lambda i: (0, 0)),
      ],
      out_specs=pl.BlockSpec((blk, d_out), lambda i: (i, 0)),
      out_shape=jax.ShapeDtypeStruct((n, d_out), jnp.float32),
  )(aggp, y2, dinv, b2.reshape(1, -1))


def kernel(X, edge_index, W1, b1, W2, b2):
  n, _ = X.shape
  e = edge_index.shape[1]

  src = edge_index[0].astype(jnp.int32)
  dst = edge_index[1].astype(jnp.int32)

  blk_edges = _NW * _CHUNK * _CPB
  bpt = 2 * -(-e // (2 * blk_edges))
  e_pad = bpt * blk_edges
  n_pad = (n + _NS) // _NS * _NS
  if e_pad > e:
    pad = e_pad - e
    src = jnp.concatenate([src, jnp.arange(pad, dtype=jnp.int32) % n])
    dst = jnp.concatenate(
        [dst, n + jnp.arange(pad, dtype=jnp.int32) % (n_pad - n)])
  nrows = e_pad // _CHUNK
  src2d = src.reshape(nrows, _CHUNK)
  dst2d = dst.reshape(nrows, _CHUNK)

  d_hid = W1.shape[1]
  d_out = W2.shape[1]
  degp = _make_deg_kernel(n_pad, bpt)(dst2d)
  xw = _tc_xw(X, W1)
  y1, dinv = _tc_scale(xw, degp)
  agg1 = _make_agg_kernel(n_pad, d_hid, bpt, 2, 1)(y1, src2d, dst2d)
  y2 = _tc_mid(agg1, y1, dinv, b1, W2)
  agg2 = _make_agg_kernel(n_pad, d_out, bpt, 4, 2)(y2, src2d, dst2d)
  return _tc_final(agg2, y2, dinv, b2)

# --- scband reference (transcript-rebuilt; emitter-appended) ---
"""Pipeline reference for scband-gcn-88691074663109 (READ-ONLY COPY).

The authoritative reference and input builder live on the scoring server;
editing this copy changes nothing except your own understanding.
"""

import jax, jax.numpy as jnp
import numpy as np

N = 10000
E = 320000
D_IN = 128
D_HID = 128
D_OUT = 64


def setup_inputs(seed: int = 0) -> dict:
    key = jax.random.key(seed)
    k1, k2, k3, k4, k5, k6 = jax.random.split(key, 6)
    X = jax.random.normal(k1, (N, D_IN), dtype=jnp.float32)
    edge_index = jax.random.randint(k2, (2, E), 0, N, dtype=jnp.int64)
    # Glorot-style init for GCN layer weights
    W1 = jax.random.normal(k3, (D_IN, D_HID), dtype=jnp.float32) * (1.0 / np.sqrt(D_IN))
    b1 = jnp.zeros((D_HID,), dtype=jnp.float32)
    W2 = jax.random.normal(k4, (D_HID, D_OUT), dtype=jnp.float32) * (1.0 / np.sqrt(D_HID))
    b2 = jnp.zeros((D_OUT,), dtype=jnp.float32)
    return {"X": X, "edge_index": edge_index, "W1": W1, "b1": b1, "W2": W2, "b2": b2}


def _gcn_conv(x, edge_index, W, b, num_nodes):
    # GCNConv: symmetric normalization with added self-loops (PyG default)
    src = edge_index[0]
    dst = edge_index[1]
    loop = jnp.arange(num_nodes, dtype=src.dtype)
    src = jnp.concatenate([src, loop])
    dst = jnp.concatenate([dst, loop])
    ones = jnp.ones(src.shape[0], dtype=x.dtype)
    deg = jnp.zeros((num_nodes,), dtype=x.dtype).at[dst].add(ones)
    deg_inv_sqrt = jnp.where(deg > 0, deg ** -0.5, 0.0)
    norm = deg_inv_sqrt[src] * deg_inv_sqrt[dst]
    xw = x @ W
    msg = xw[src] * norm[:, None]
    out = jnp.zeros((num_nodes, xw.shape[1]), dtype=x.dtype).at[dst].add(msg)
    return out + b


def reference(X, edge_index, W1, b1, W2, b2):
    h = jax.nn.relu(_gcn_conv(X, edge_index, W1, b1, N))
    out = _gcn_conv(h, edge_index, W2, b2, N)
    return jax.nn.log_softmax(out, axis=1)

if __name__ == "__main__":
    import jax
    _d = setup_inputs()
    print(jax.jit(kernel)(*tuple(_d.values())))

</pallas_src>

<mosaic_0001>
#map = affine_map<(d0, d1) -> (0, 0)>
#map1 = affine_map<(d0, d1) -> (0, 0, 0)>
module attributes {stable_mosaic.version = 14 : i64} {
  func.func @deg_kernel(%arg0: i32, %arg1: i32, %arg2: memref<2560x128xi32, #tpu.memory_space<hbm>>, %arg3: memref<2x10016x16xf32, #tpu.memory_space<hbm>>, %arg4: memref<8x128xi32, #tpu.memory_space<vmem>>, %arg5: memref<8x128xi32, #tpu.memory_space<vmem>>, %arg6: memref<128x16xf32, #tpu.memory_space<vmem>>, %arg7: memref<10016x16xf32, #tpu.memory_space<vmem_shared>>, %arg8: memref<!tpu.dma_semaphore, #tpu.memory_space<semaphore_mem>>, %arg9: memref<!tpu.dma_semaphore, #tpu.memory_space<semaphore_mem>>) attributes {dimension_semantics = [#tpu.dimension_semantics<core_parallel>, #tpu.dimension_semantics<subcore_parallel>], iteration_bounds = array<i64: 2, 16>, scalar_prefetch = 0 : i64, scratch_operands = 6 : i64, tpu.core_type = #tpu.core_type<sc_vector_subcore>, window_params = [{transform_indices = #map}, {transform_indices = #map1}]} {
    %mul3A = arith.constant 2 : i32
    %mul3A_0 = arith.muli %arg1, %mul3A : i32
    %add3A = arith.addi %mul3A_0, %arg0 : i32
    %mul3A_1 = arith.constant 626 : i32
    %mul3A_2 = arith.muli %arg1, %mul3A_1 : i32
    %broadcast_in_dim3A = arith.constant 0.000000e+00 : f32
    %broadcast_in_dim3A_3 = vector.broadcast %broadcast_in_dim3A : f32 to vector<16xf32>
    %scan3A = arith.constant 0 : i32
    %scan3A_4 = arith.constant 0 : i32
    %scan3A_5 = arith.constant 128 : i32
    %scan3A_6 = arith.addi %scan3A_4, %scan3A_5 : i32
    %scan3A_7 = arith.constant 1 : i32
    scf.for %scan3A_36 = %scan3A_4 to %scan3A_6 step %scan3A_7  : i32 {
      %swap3A = arith.index_cast %scan3A_36 : i32 to index
      %swap3A_37 = arith.constant 0 : index
      %swap3A_38 = tpu.vector_load %arg6[%swap3A, %swap3A_37] {strides = array<i32>} : memref<128x16xf32, #tpu.memory_space<vmem>>, vector<1x16xf32>,
      %swap3A_39 = vector.shape_cast %swap3A_38 : vector<1x16xf32> to vector<16xf32>
      %swap3A_40 = vector.shape_cast %broadcast_in_dim3A_3 : vector<16xf32> to vector<1x16xf32>
      tpu.vector_store %arg6[%swap3A, %swap3A_37], %swap3A_40 {strides = array<i32>} : memref<128x16xf32, #tpu.memory_space<vmem>>, vector<1x16xf32>,
    }
    %scan3A_8 = arith.constant 128 : i32
    %add3A_9 = arith.constant 0 : i32
    %add3A_10 = arith.addi %mul3A_2, %add3A_9 : i32
    "tpu.region"() ({
      %run_scoped3A = tpu.sem_alloc : memref<!tpu.dma_semaphore, #tpu.memory_space<semaphore_mem>>
      %dma_start3A = arith.constant 0 : i32
      %dma_start3A_36 = tpu.memref_slice %arg7[%add3A_10, %dma_start3A] : memref<10016x16xf32, #tpu.memory_space<vmem_shared>> -> memref<128x16xf32, #tpu.memory_space<vmem_shared>>
      %dma_start3A_37 = arith.constant 0 : i32
      %dma_start3A_38 = tpu.memref_slice %arg7[%add3A_10, %dma_start3A_37] : memref<10016x16xf32, #tpu.memory_space<vmem_shared>> -> memref<128x16xf32, #tpu.memory_space<vmem_shared>>
      tpu.enqueue_dma source(%arg6 : memref<128x16xf32, #tpu.memory_space<vmem>>) target(%dma_start3A_38 : memref<128x16xf32, #tpu.memory_space<vmem_shared>>) target_semaphore(%run_scoped3A : memref<!tpu.dma_semaphore, #tpu.memory_space<semaphore_mem>>)
      %dma_wait3A = arith.constant 0 : i32
      %dma_wait3A_39 = tpu.memref_slice %arg7[%add3A_10, %dma_wait3A] : memref<10016x16xf32, #tpu.memory_space<vmem_shared>> -> memref<128x16xf32, #tpu.memory_space<vmem_shared>>
      %dma_wait3A_40 = arith.constant 0 : i32
      %dma_wait3A_41 = tpu.memref_slice %arg7[%add3A_10, %dma_wait3A_40] : memref<10016x16xf32, #tpu.memory_space<vmem_shared>> -> memref<128x16xf32, #tpu.memory_space<vmem_shared>>
      tpu.wait_dma2 semaphore(%run_scoped3A : memref<!tpu.dma_semaphore, #tpu.memory_space<semaphore_mem>>) src(%arg6 : memref<128x16xf32, #tpu.memory_space<vmem>>) dst(%dma_wait3A_41 : memref<128x16xf32, #tpu.memory_space<vmem_shared>>)
      tpu.yield
    }) : () -> ()
    %add3A_11 = arith.constant 128 : i32
    %add3A_12 = arith.addi %mul3A_2, %add3A_11 : i32
    "tpu.region"() ({
      %run_scoped3A = tpu.sem_alloc : memref<!tpu.dma_semaphore, #tpu.memory_space<semaphore_mem>>
      %dma_start3A = arith.constant 0 : i32
      %dma_start3A_36 = tpu.memref_slice %arg7[%add3A_12, %dma_start3A] : memref<10016x16xf32, #tpu.memory_space<vmem_shared>> -> memref<128x16xf32, #tpu.memory_space<vmem_shared>>
      %dma_start3A_37 = arith.constant 0 : i32
      %dma_start3A_38 = tpu.memref_slice %arg7[%add3A_12, %dma_start3A_37] : memref<10016x16xf32, #tpu.memory_space<vmem_shared>> -> memref<128x16xf32, #tpu.memory_space<vmem_shared>>
      tpu.enqueue_dma source(%arg6 : memref<128x16xf32, #tpu.memory_space<vmem>>) target(%dma_start3A_38 : memref<128x16xf32, #tpu.memory_space<vmem_shared>>) target_semaphore(%run_scoped3A : memref<!tpu.dma_semaphore, #tpu.memory_space<semaphore_mem>>)
      %dma_wait3A = arith.constant 0 : i32
      %dma_wait3A_39 = tpu.memref_slice %arg7[%add3A_12, %dma_wait3A] : memref<10016x16xf32, #tpu.memory_space<vmem_shared>> -> memref<128x16xf32, #tpu.memory_space<vmem_shared>>
      %dma_wait3A_40 = arith.constant 0 : i32
      %dma_wait3A_41 = tpu.memref_slice %arg7[%add3A_12, %dma_wait3A_40] : memref<10016x16xf32, #tpu.memory_space<vmem_shared>> -> memref<128x16xf32, #tpu.memory_space<vmem_shared>>
      tpu.wait_dma2 semaphore(%run_scoped3A : memref<!tpu.dma_semaphore, #tpu.memory_space<semaphore_mem>>) src(%arg6 : memref<128x16xf32, #tpu.memory_space<vmem>>) dst(%dma_wait3A_41 : memref<128x16xf32, #tpu.memory_space<vmem_shared>>)
      tpu.yield
    }) : () -> ()
    %add3A_13 = arith.constant 256 : i32
    %add3A_14 = arith.addi %mul3A_2, %add3A_13 : i32
    "tpu.region"() ({
      %run_scoped3A = tpu.sem_alloc : memref<!tpu.dma_semaphore, #tpu.memory_space<semaphore_mem>>
      %dma_start3A = arith.constant 0 : i32
      %dma_start3A_36 = tpu.memref_slice %arg7[%add3A_14, %dma_start3A] : memref<10016x16xf32, #tpu.memory_space<vmem_shared>> -> memref<128x16xf32, #tpu.memory_space<vmem_shared>>
      %dma_start3A_37 = arith.constant 0 : i32
      %dma_start3A_38 = tpu.memref_slice %arg7[%add3A_14, %dma_start3A_37] : memref<10016x16xf32, #tpu.memory_space<vmem_shared>> -> memref<128x16xf32, #tpu.memory_space<vmem_shared>>
      tpu.enqueue_dma source(%arg6 : memref<128x16xf32, #tpu.memory_space<vmem>>) target(%dma_start3A_38 : memref<128x16xf32, #tpu.memory_space<vmem_shared>>) target_semaphore(%run_scoped3A : memref<!tpu.dma_semaphore, #tpu.memory_space<semaphore_mem>>)
      %dma_wait3A = arith.constant 0 : i32
      %dma_wait3A_39 = tpu.memref_slice %arg7[%add3A_14, %dma_wait3A] : memref<10016x16xf32, #tpu.memory_space<vmem_shared>> -> memref<128x16xf32, #tpu.memory_space<vmem_shared>>
      %dma_wait3A_40 = arith.constant 0 : i32
      %dma_wait3A_41 = tpu.memref_slice %arg7[%add3A_14, %dma_wait3A_40] : memref<10016x16xf32, #tpu.memory_space<vmem_shared>> -> memref<128x16xf32, #tpu.memory_space<vmem_shared>>
      tpu.wait_dma2 semaphore(%run_scoped3A : memref<!tpu.dma_semaphore, #tpu.memory_space<semaphore_mem>>) src(%arg6 : memref<128x16xf32, #tpu.memory_space<vmem>>) dst(%dma_wait3A_41 : memref<128x16xf32, #tpu.memory_space<vmem_shared>>)
      tpu.yield
    }) : () -> ()
    %add3A_15 = arith.constant 384 : i32
    %add3A_16 = arith.addi %mul3A_2, %add3A_15 : i32
    "tpu.region"() ({
      %run_scoped3A = tpu.sem_alloc : memref<!tpu.dma_semaphore, #tpu.memory_space<semaphore_mem>>
      %dma_start3A = arith.constant 0 : i32
      %dma_start3A_36 = tpu.memref_slice %arg7[%add3A_16, %dma_start3A] : memref<10016x16xf32, #tpu.memory_space<vmem_shared>> -> memref<128x16xf32, #tpu.memory_space<vmem_shared>>
      %dma_start3A_37 = arith.constant 0 : i32
      %dma_start3A_38 = tpu.memref_slice %arg7[%add3A_16, %dma_start3A_37] : memref<10016x16xf32, #tpu.memory_space<vmem_shared>> -> memref<128x16xf32, #tpu.memory_space<vmem_shared>>
      tpu.enqueue_dma source(%arg6 : memref<128x16xf32, #tpu.memory_space<vmem>>) target(%dma_start3A_38 : memref<128x16xf32, #tpu.memory_space<vmem_shared>>) target_semaphore(%run_scoped3A : memref<!tpu.dma_semaphore, #tpu.memory_space<semaphore_mem>>)
      %dma_wait3A = arith.constant 0 : i32
      %dma_wait3A_39 = tpu.memref_slice %arg7[%add3A_16, %dma_wait3A] : memref<10016x16xf32, #tpu.memory_space<vmem_shared>> -> memref<128x16xf32, #tpu.memory_space<vmem_shared>>
      %dma_wait3A_40 = arith.constant 0 : i32
      %dma_wait3A_41 = tpu.memref_slice %arg7[%add3A_16, %dma_wait3A_40] : memref<10016x16xf32, #tpu.memory_space<vmem_shared>> -> memref<128x16xf32, #tpu.memory_space<vmem_shared>>
      tpu.wait_dma2 semaphore(%run_scoped3A : memref<!tpu.dma_semaphore, #tpu.memory_space<semaphore_mem>>) src(%arg6 : memref<128x16xf32, #tpu.memory_space<vmem>>) dst(%dma_wait3A_41 : memref<128x16xf32, #tpu.memory_space<vmem_shared>>)
      tpu.yield
    }) : () -> ()
    %add3A_17 = arith.constant 512 : i32
    %add3A_18 = arith.addi %mul3A_2, %add3A_17 : i32
    "tpu.region"() ({
      %run_scoped3A = tpu.sem_alloc : memref<!tpu.dma_semaphore, #tpu.memory_space<semaphore_mem>>
      %dma_start3A = arith.constant 0 : i32
      %dma_start3A_36 = arith.constant 0 : i32
      %dma_start3A_37 = tpu.memref_slice %arg6[%dma_start3A, %dma_start3A_36] : memref<128x16xf32, #tpu.memory_space<vmem>> -> memref<114x16xf32, #tpu.memory_space<vmem>>
      %dma_start3A_38 = arith.constant 0 : i32
      %dma_start3A_39 = tpu.memref_slice %arg7[%add3A_18, %dma_start3A_38] : memref<10016x16xf32, #tpu.memory_space<vmem_shared>> -> memref<114x16xf32, #tpu.memory_space<vmem_shared>>
      %dma_start3A_40 = arith.constant 0 : i32
      %dma_start3A_41 = tpu.memref_slice %arg7[%add3A_18, %dma_start3A_40] : memref<10016x16xf32, #tpu.memory_space<vmem_shared>> -> memref<114x16xf32, #tpu.memory_space<vmem_shared>>
      %dma_start3A_42 = arith.constant 0 : i32
      %dma_start3A_43 = arith.constant 0 : i32
      %dma_start3A_44 = tpu.memref_slice %arg6[%dma_start3A_42, %dma_start3A_43] : memref<128x16xf32, #tpu.memory_space<vmem>> -> memref<114x16xf32, #tpu.memory_space<vmem>>
      tpu.enqueue_dma source(%dma_start3A_44 : memref<114x16xf32, #tpu.memory_space<vmem>>) target(%dma_start3A_41 : memref<114x16xf32, #tpu.memory_space<vmem_shared>>) target_semaphore(%run_scoped3A : memref<!tpu.dma_semaphore, #tpu.memory_space<semaphore_mem>>)
      %dma_wait3A = arith.constant 0 : i32
      %dma_wait3A_45 = arith.constant 0 : i32
      %dma_wait3A_46 = tpu.memref_slice %arg6[%dma_wait3A, %dma_wait3A_45] : memref<128x16xf32, #tpu.memory_space<vmem>> -> memref<114x16xf32, #tpu.memory_space<vmem>>
      %dma_wait3A_47 = arith.constant 0 : i32
      %dma_wait3A_48 = tpu.memref_slice %arg7[%add3A_18, %dma_wait3A_47] : memref<10016x16xf32, #tpu.memory_space<vmem_shared>> -> memref<114x16xf32, #tpu.memory_space<vmem_shared>>
      %dma_wait3A_49 = arith.constant 0 : i32
      %dma_wait3A_50 = tpu.memref_slice %arg7[%add3A_18, %dma_wait3A_49] : memref<10016x16xf32, #tpu.memory_space<vmem_shared>> -> memref<114x16xf32, #tpu.memory_space<vmem_shared>>
      %dma_wait3A_51 = arith.constant 0 : i32
      %dma_wait3A_52 = arith.constant 0 : i32
      %dma_wait3A_53 = tpu.memref_slice %arg6[%dma_wait3A_51, %dma_wait3A_52] : memref<128x16xf32, #tpu.memory_space<vmem>> -> memref<114x16xf32, #tpu.memory_space<vmem>>
      tpu.wait_dma2 semaphore(%run_scoped3A : memref<!tpu.dma_semaphore, #tpu.memory_space<semaphore_mem>>) src(%dma_wait3A_53 : memref<114x16xf32, #tpu.memory_space<vmem>>) dst(%dma_wait3A_50 : memref<114x16xf32, #tpu.memory_space<vmem_shared>>)
      tpu.yield
    }) : () -> ()
    %barrier3A = arith.constant 0 : index
    tpu.barrier barrier_id(%barrier3A)
    %broadcast_in_dim3A_19 = arith.constant 1.000000e+00 : f32
    %broadcast_in_dim3A_20 = vector.broadcast %broadcast_in_dim3A_19 : f32 to vector<16xf32>
    %scan3A_21 = arith.constant 0 : i32
    %scan3A_22 = arith.constant 0 : i32
    %scan3A_23 = arith.constant 128 : i32
    %scan3A_24 = arith.addi %scan3A_22, %scan3A_23 : i32
    %scan3A_25 = arith.constant 1 : i32
    scf.for %scan3A_36 = %scan3A_22 to %scan3A_24 step %scan3A_25  : i32 {
      %swap3A = arith.index_cast %scan3A_36 : i32 to index
      %swap3A_37 = arith.constant 0 : index
      %swap3A_38 = tpu.vector_load %arg6[%swap3A, %swap3A_37] {strides = array<i32>} : memref<128x16xf32, #tpu.memory_space<vmem>>, vector<1x16xf32>,
      %swap3A_39 = vector.shape_cast %swap3A_38 : vector<1x16xf32> to vector<16xf32>
      %swap3A_40 = vector.shape_cast %broadcast_in_dim3A_20 : vector<16xf32> to vector<1x16xf32>
      tpu.vector_store %arg6[%swap3A, %swap3A_37], %swap3A_40 {strides = array<i32>} : memref<128x16xf32, #tpu.memory_space<vmem>>, vector<1x16xf32>,
    }
    %scan3A_26 = arith.constant 128 : i32
    %mul3A_27 = arith.constant 10 : i32
    %mul3A_28 = arith.muli %add3A, %mul3A_27 : i32
    %scan3A_29 = arith.constant 0 : i32
    %scan3A_30 = arith.constant 0 : i32
    %scan3A_31 = arith.constant 5 : i32
    %scan3A_32 = arith.addi %scan3A_30, %scan3A_31 : i32
    %scan3A_33 = arith.constant 1 : i32
    scf.for %scan3A_36 = %scan3A_30 to %scan3A_32 step %scan3A_33  : i32 {
      %mul3A_37 = arith.constant 2 : i32
      %mul3A_38 = arith.muli %mul3A_37, %scan3A_36 : i32
      %add3A_39 = arith.addi %mul3A_28, %mul3A_38 : i32
      %mul3A_40 = arith.constant 8 : i32
      %mul3A_41 = arith.muli %add3A_39, %mul3A_40 : i32
      %dma_start3A = arith.constant 0 : i32
      %dma_start3A_42 = tpu.memref_slice %arg2[%mul3A_41, %dma_start3A] : memref<2560x128xi32, #tpu.memory_space<hbm>> -> memref<8x128xi32, #tpu.memory_space<hbm>>
      %dma_start3A_43 = arith.constant 0 : i32
      %dma_start3A_44 = tpu.memref_slice %arg2[%mul3A_41, %dma_start3A_43] : memref<2560x128xi32, #tpu.memory_space<hbm>> -> memref<8x128xi32, #tpu.memory_space<hbm>>
      tpu.enqueue_dma source(%dma_start3A_44 : memref<8x128xi32, #tpu.memory_space<hbm>>) target(%arg4 : memref<8x128xi32, #tpu.memory_space<vmem>>) target_semaphore(%arg8 : memref<!tpu.dma_semaphore, #tpu.memory_space<semaphore_mem>>)
      %add3A_45 = arith.constant 8 : i32
      %add3A_46 = arith.addi %mul3A_41, %add3A_45 : i32
      %dma_start3A_47 = arith.constant 0 : i32
      %dma_start3A_48 = tpu.memref_slice %arg2[%add3A_46, %dma_start3A_47] : memref<2560x128xi32, #tpu.memory_space<hbm>> -> memref<8x128xi32, #tpu.memory_space<hbm>>
      %dma_start3A_49 = arith.constant 0 : i32
      %dma_start3A_50 = tpu.memref_slice %arg2[%add3A_46, %dma_start3A_49] : memref<2560x128xi32, #tpu.memory_space<hbm>> -> memref<8x128xi32, #tpu.memory_space<hbm>>
      tpu.enqueue_dma source(%dma_start3A_50 : memref<8x128xi32, #tpu.memory_space<hbm>>) target(%arg5 : memref<8x128xi32, #tpu.memory_space<vmem>>) target_semaphore(%arg9 : memref<!tpu.dma_semaphore, #tpu.memory_space<semaphore_mem>>)
      %dma_wait3A = arith.constant 0 : i32
      %dma_wait3A_51 = tpu.memref_slice %arg2[%mul3A_41, %dma_wait3A] : memref<2560x128xi32, #tpu.memory_space<hbm>> -> memref<8x128xi32, #tpu.memory_space<hbm>>
      %dma_wait3A_52 = arith.constant 0 : i32
      %dma_wait3A_53 = tpu.memref_slice %arg2[%mul3A_41, %dma_wait3A_52] : memref<2560x128xi32, #tpu.memory_space<hbm>> -> memref<8x128xi32, #tpu.memory_space<hbm>>
      tpu.wait_dma2 semaphore(%arg8 : memref<!tpu.dma_semaphore, #tpu.memory_space<semaphore_mem>>) src(%dma_wait3A_53 : memref<8x128xi32, #tpu.memory_space<hbm>>) dst(%arg4 : memref<8x128xi32, #tpu.memory_space<vmem>>)
      %run_scoped3A = arith.constant 0 : i32
      "tpu.region"() ({
        %run_scoped3A_73 = tpu.sem_alloc : memref<!tpu.dma_semaphore, #tpu.memory_space<semaphore_mem>>
        %dma_start3A_74 = arith.constant 0 : i32
        %dma_start3A_75 = tpu.memref_slice %arg4[%run_scoped3A, %dma_start3A_74] : memref<8x128xi32, #tpu.memory_space<vmem>> -> memref<1x128xi32, #tpu.memory_space<vmem>>
        %dma_start3A_76 = tpu.memref_squeeze %dma_start3A_75 : memref<1x128xi32, #tpu.memory_space<vmem>> -> memref<128xi32, #tpu.memory_space<vmem>>
        %dma_start3A_77 = arith.constant 0 : i32
        %dma_start3A_78 = arith.constant 0 : i32
        %dma_start3A_79 = tpu.memref_slice %arg7[%dma_start3A_77, %dma_start3A_78] : memref<10016x16xf32, #tpu.memory_space<vmem_shared>> -> memref<10016x16xf32, #tpu.memory_space<vmem_shared>>
        tpu.enqueue_indirect_dma source(%arg6 : memref<128x16xf32, #tpu.memory_space<vmem>>) target(%dma_start3A_79 : memref<10016x16xf32, #tpu.memory_space<vmem_shared>>) offsets(%dma_start3A_76 : memref<128xi32, #tpu.memory_space<vmem>>) semaphore(%run_scoped3A_73 : memref<!tpu.dma_semaphore, #tpu.memory_space<semaphore_mem>>) {add = true}
        %dma_wait3A_80 = arith.constant 0 : i32
        %dma_wait3A_81 = tpu.memref_slice %arg4[%run_scoped3A, %dma_wait3A_80] : memref<8x128xi32, #tpu.memory_space<vmem>> -> memref<1x128xi32, #tpu.memory_space<vmem>>
        %dma_wait3A_82 = tpu.memref_squeeze %dma_wait3A_81 : memref<1x128xi32, #tpu.memory_space<vmem>> -> memref<128xi32, #tpu.memory_space<vmem>>
        %dma_wait3A_83 = arith.constant 0 : i32
        %dma_wait3A_84 = arith.constant 0 : i32
        %dma_wait3A_85 = tpu.memref_slice %arg7[%dma_wait3A_83, %dma_wait3A_84] : memref<10016x16xf32, #tpu.memory_space<vmem_shared>> -> memref<10016x16xf32, #tpu.memory_space<vmem_shared>>
        tpu.wait_indirect_dma semaphore(%run_scoped3A_73 : memref<!tpu.dma_semaphore, #tpu.memory_space<semaphore_mem>>) src(%arg6 : memref<128x16xf32, #tpu.memory_space<vmem>>) dst(%dma_wait3A_85 : memref<10016x16xf32, #tpu.memory_space<vmem_shared>>)
        tpu.yield
      }) : () -> ()
      %run_scoped3A_54 = arith.constant 1 : i32
      "tpu.region"() ({
        %run_scoped3A_73 = tpu.sem_alloc : memref<!tpu.dma_semaphore, #tpu.memory_space<semaphore_mem>>
        %dma_start3A_74 = arith.constant 0 : i32
        %dma_start3A_75 = tpu.memref_slice %arg4[%run_scoped3A_54, %dma_start3A_74] : memref<8x128xi32, #tpu.memory_space<vmem>> -> memref<1x128xi32, #tpu.memory_space<vmem>>
        %dma_start3A_76 = tpu.memref_squeeze %dma_start3A_75 : memref<1x128xi32, #tpu.memory_space<vmem>> -> memref<128xi32, #tpu.memory_space<vmem>>
        %dma_start3A_77 = arith.constant 0 : i32
        %dma_start3A_78 = arith.constant 0 : i32
        %dma_start3A_79 = tpu.memref_slice %arg7[%dma_start3A_77, %dma_start3A_78] : memref<10016x16xf32, #tpu.memory_space<vmem_shared>> -> memref<10016x16xf32, #tpu.memory_space<vmem_shared>>
        tpu.enqueue_indirect_dma source(%arg6 : memref<128x16xf32, #tpu.memory_space<vmem>>) target(%dma_start3A_79 : memref<10016x16xf32, #tpu.memory_space<vmem_shared>>) offsets(%dma_start3A_76 : memref<128xi32, #tpu.memory_space<vmem>>) semaphore(%run_scoped3A_73 : memref<!tpu.dma_semaphore, #tpu.memory_space<semaphore_mem>>) {add = true}
        %dma_wait3A_80 = arith.constant 0 : i32
        %dma_wait3A_81 = tpu.memref_slice %arg4[%run_scoped3A_54, %dma_wait3A_80] : memref<8x128xi32, #tpu.memory_space<vmem>> -> memref<1x128xi32, #tpu.memory_space<vmem>>
        %dma_wait3A_82 = tpu.memref_squeeze %dma_wait3A_81 : memref<1x128xi32, #tpu.memory_space<vmem>> -> memref<128xi32, #tpu.memory_space<vmem>>
        %dma_wait3A_83 = arith.constant 0 : i32
        %dma_wait3A_84 = arith.constant 0 : i32
        %dma_wait3A_85 = tpu.memref_slice %arg7[%dma_wait3A_83, %dma_wait3A_84] : memref<10016x16xf32, #tpu.memory_space<vmem_shared>> -> memref<10016x16xf32, #tpu.memory_space<vmem_shared>>
        tpu.wait_indirect_dma semaphore(%run_scoped3A_73 : memref<!tpu.dma_semaphore, #tpu.memory_space<semaphore_mem>>) src(%arg6 : memref<128x16xf32, #tpu.memory_space<vmem>>) dst(%dma_wait3A_85 : memref<10016x16xf32, #tpu.memory_space<vmem_shared>>)
        tpu.yield
      }) : () -> ()
      %run_scoped3A_55 = arith.constant 2 : i32
      "tpu.region"() ({
        %run_scoped3A_73 = tpu.sem_alloc : memref<!tpu.dma_semaphore, #tpu.memory_space<semaphore_mem>>
        %dma_start3A_74 = arith.constant 0 : i32
        %dma_start3A_75 = tpu.memref_slice %arg4[%run_scoped3A_55, %dma_start3A_74] : memref<8x128xi32, #tpu.memory_space<vmem>> -> memref<1x128xi32, #tpu.memory_space<vmem>>
        %dma_start3A_76 = tpu.memref_squeeze %dma_start3A_75 : memref<1x128xi32, #tpu.memory_space<vmem>> -> memref<128xi32, #tpu.memory_space<vmem>>
        %dma_start3A_77 = arith.constant 0 : i32
        %dma_start3A_78 = arith.constant 0 : i32
        %dma_start3A_79 = tpu.memref_slice %arg7[%dma_start3A_77, %dma_start3A_78] : memref<10016x16xf32, #tpu.memory_space<vmem_shared>> -> memref<10016x16xf32, #tpu.memory_space<vmem_shared>>
        tpu.enqueue_indirect_dma source(%arg6 : memref<128x16xf32, #tpu.memory_space<vmem>>) target(%dma_start3A_79 : memref<10016x16xf32, #tpu.memory_space<vmem_shared>>) offsets(%dma_start3A_76 : memref<128xi32, #tpu.memory_space<vmem>>) semaphore(%run_scoped3A_73 : memref<!tpu.dma_semaphore, #tpu.memory_space<semaphore_mem>>) {add = true}
        %dma_wait3A_80 = arith.constant 0 : i32
        %dma_wait3A_81 = tpu.memref_slice %arg4[%run_scoped3A_55, %dma_wait3A_80] : memref<8x128xi32, #tpu.memory_space<vmem>> -> memref<1x128xi32, #tpu.memory_space<vmem>>
        %dma_wait3A_82 = tpu.memref_squeeze %dma_wait3A_81 : memref<1x128xi32, #tpu.memory_space<vmem>> -> memref<128xi32, #tpu.memory_space<vmem>>
        %dma_wait3A_83 = arith.constant 0 : i32
        %dma_wait3A_84 = arith.constant 0 : i32
        %dma_wait3A_85 = tpu.memref_slice %arg7[%dma_wait3A_83, %dma_wait3A_84] : memref<10016x16xf32, #tpu.memory_space<vmem_shared>> -> memref<10016x16xf32, #tpu.memory_space<vmem_shared>>
        tpu.wait_indirect_dma semaphore(%run_scoped3A_73 : memref<!tpu.dma_semaphore, #tpu.memory_space<semaphore_mem>>) src(%arg6 : memref<128x16xf32, #tpu.memory_space<vmem>>) dst(%dma_wait3A_85 : memref<10016x16xf32, #tpu.memory_space<vmem_shared>>)
        tpu.yield
      }) : () -> ()
      %run_scoped3A_56 = arith.constant 3 : i32
      "tpu.region"() ({
        %run_scoped3A_73 = tpu.sem_alloc : memref<!tpu.dma_semaphore, #tpu.memory_space<semaphore_mem>>
        %dma_start3A_74 = arith.constant 0 : i32
        %dma_start3A_75 = tpu.memref_slice %arg4[%run_scoped3A_56, %dma_start3A_74] : memref<8x128xi32, #tpu.memory_space<vmem>> -> memref<1x128xi32, #tpu.memory_space<vmem>>
        %dma_start3A_76 = tpu.memref_squeeze %dma_start3A_75 : memref<1x128xi32, #tpu.memory_space<vmem>> -> memref<128xi32, #tpu.memory_space<vmem>>
        %dma_start3A_77 = arith.constant 0 : i32
        %dma_start3A_78 = arith.constant 0 : i32
        %dma_start3A_79 = tpu.memref_slice %arg7[%dma_start3A_77, %dma_start3A_78] : memref<10016x16xf32, #tpu.memory_space<vmem_shared>> -> memref<10016x16xf32, #tpu.memory_space<vmem_shared>>
        tpu.enqueue_indirect_dma source(%arg6 : memref<128x16xf32, #tpu.memory_space<vmem>>) target(%dma_start3A_79 : memref<10016x16xf32, #tpu.memory_space<vmem_shared>>) offsets(%dma_start3A_76 : memref<128xi32, #tpu.memory_space<vmem>>) semaphore(%run_scoped3A_73 : memref<!tpu.dma_semaphore, #tpu.memory_space<semaphore_mem>>) {add = true}
        %dma_wait3A_80 = arith.constant 0 : i32
        %dma_wait3A_81 = tpu.memref_slice %arg4[%run_scoped3A_56, %dma_wait3A_80] : memref<8x128xi32, #tpu.memory_space<vmem>> -> memref<1x128xi32, #tpu.memory_space<vmem>>
        %dma_wait3A_82 = tpu.memref_squeeze %dma_wait3A_81 : memref<1x128xi32, #tpu.memory_space<vmem>> -> memref<128xi32, #tpu.memory_space<vmem>>
        %dma_wait3A_83 = arith.constant 0 : i32
        %dma_wait3A_84 = arith.constant 0 : i32
        %dma_wait3A_85 = tpu.memref_slice %arg7[%dma_wait3A_83, %dma_wait3A_84] : memref<10016x16xf32, #tpu.memory_space<vmem_shared>> -> memref<10016x16xf32, #tpu.memory_space<vmem_shared>>
        tpu.wait_indirect_dma semaphore(%run_scoped3A_73 : memref<!tpu.dma_semaphore, #tpu.memory_space<semaphore_mem>>) src(%arg6 : memref<128x16xf32, #tpu.memory_space<vmem>>) dst(%dma_wait3A_85 : memref<10016x16xf32, #tpu.memory_space<vmem_shared>>)
        tpu.yield
      }) : () -> ()
      %run_scoped3A_57 = arith.constant 4 : i32
      "tpu.region"() ({
        %run_scoped3A_73 = tpu.sem_alloc : memref<!tpu.dma_semaphore, #tpu.memory_space<semaphore_mem>>
        %dma_start3A_74 = arith.constant 0 : i32
        %dma_start3A_75 = tpu.memref_slice %arg4[%run_scoped3A_57, %dma_start3A_74] : memref<8x128xi32, #tpu.memory_space<vmem>> -> memref<1x128xi32, #tpu.memory_space<vmem>>
        %dma_start3A_76 = tpu.memref_squeeze %dma_start3A_75 : memref<1x128xi32, #tpu.memory_space<vmem>> -> memref<128xi32, #tpu.memory_space<vmem>>
        %dma_start3A_77 = arith.constant 0 : i32
        %dma_start3A_78 = arith.constant 0 : i32
        %dma_start3A_79 = tpu.memref_slice %arg7[%dma_start3A_77, %dma_start3A_78] : memref<10016x16xf32, #tpu.memory_space<vmem_shared>> -> memref<10016x16xf32, #tpu.memory_space<vmem_shared>>
        tpu.enqueue_indirect_dma source(%arg6 : memref<128x16xf32, #tpu.memory_space<vmem>>) target(%dma_start3A_79 : memref<10016x16xf32, #tpu.memory_space<vmem_shared>>) offsets(%dma_start3A_76 : memref<128xi32, #tpu.memory_space<vmem>>) semaphore(%run_scoped3A_73 : memref<!tpu.dma_semaphore, #tpu.memory_space<semaphore_mem>>) {add = true}
        %dma_wait3A_80 = arith.constant 0 : i32
        %dma_wait3A_81 = tpu.memref_slice %arg4[%run_scoped3A_57, %dma_wait3A_80] : memref<8x128xi32, #tpu.memory_space<vmem>> -> memref<1x128xi32, #tpu.memory_space<vmem>>
        %dma_wait3A_82 = tpu.memref_squeeze %dma_wait3A_81 : memref<1x128xi32, #tpu.memory_space<vmem>> -> memref<128xi32, #tpu.memory_space<vmem>>
        %dma_wait3A_83 = arith.constant 0 : i32
        %dma_wait3A_84 = arith.constant 0 : i32
        %dma_wait3A_85 = tpu.memref_slice %arg7[%dma_wait3A_83, %dma_wait3A_84] : memref<10016x16xf32, #tpu.memory_space<vmem_shared>> -> memref<10016x16xf32, #tpu.memory_space<vmem_shared>>
        tpu.wait_indirect_dma semaphore(%run_scoped3A_73 : memref<!tpu.dma_semaphore, #tpu.memory_space<semaphore_mem>>) src(%arg6 : memref<128x16xf32, #tpu.memory_space<vmem>>) dst(%dma_wait3A_85 : memref<10016x16xf32, #tpu.memory_space<vmem_shared>>)
        tpu.yield
      }) : () -> ()
      %run_scoped3A_58 = arith.constant 5 : i32
      "tpu.region"() ({
        %run_scoped3A_73 = tpu.sem_alloc : memref<!tpu.dma_semaphore, #tpu.memory_space<semaphore_mem>>
        %dma_start3A_74 = arith.constant 0 : i32
        %dma_start3A_75 = tpu.memref_slice %arg4[%run_scoped3A_58, %dma_start3A_74] : memref<8x128xi32, #tpu.memory_space<vmem>> -> memref<1x128xi32, #tpu.memory_space<vmem>>
        %dma_start3A_76 = tpu.memref_squeeze %dma_start3A_75 : memref<1x128xi32, #tpu.memory_space<vmem>> -> memref<128xi32, #tpu.memory_space<vmem>>
        %dma_start3A_77 = arith.constant 0 : i32
        %dma_start3A_78 = arith.constant 0 : i32
        %dma_start3A_79 = tpu.memref_slice %arg7[%dma_start3A_77, %dma_start3A_78] : memref<10016x16xf32, #tpu.memory_space<vmem_shared>> -> memref<10016x16xf32, #tpu.memory_space<vmem_shared>>
        tpu.enqueue_indirect_dma source(%arg6 : memref<128x16xf32, #tpu.memory_space<vmem>>) target(%dma_start3A_79 : memref<10016x16xf32, #tpu.memory_space<vmem_shared>>) offsets(%dma_start3A_76 : memref<128xi32, #tpu.memory_space<vmem>>) semaphore(%run_scoped3A_73 : memref<!tpu.dma_semaphore, #tpu.memory_space<semaphore_mem>>) {add = true}
        %dma_wait3A_80 = arith.constant 0 : i32
        %dma_wait3A_81 = tpu.memref_slice %arg4[%run_scoped3A_58, %dma_wait3A_80] : memref<8x128xi32, #tpu.memory_space<vmem>> -> memref<1x128xi32, #tpu.memory_space<vmem>>
        %dma_wait3A_82 = tpu.memref_squeeze %dma_wait3A_81 : memref<1x128xi32, #tpu.memory_space<vmem>> -> memref<128xi32, #tpu.memory_space<vmem>>
        %dma_wait3A_83 = arith.constant 0 : i32
        %dma_wait3A_84 = arith.constant 0 : i32
        %dma_wait3A_85 = tpu.memref_slice %arg7[%dma_wait3A_83, %dma_wait3A_84] : memref<10016x16xf32, #tpu.memory_space<vmem_shared>> -> memref<10016x16xf32, #tpu.memory_space<vmem_shared>>
        tpu.wait_indirect_dma semaphore(%run_scoped3A_73 : memref<!tpu.dma_semaphore, #tpu.memory_space<semaphore_mem>>) src(%arg6 : memref<128x16xf32, #tpu.memory_space<vmem>>) dst(%dma_wait3A_85 : memref<10016x16xf32, #tpu.memory_space<vmem_shared>>)
        tpu.yield
      }) : () -> ()
      %run_scoped3A_59 = arith.constant 6 : i32
      "tpu.region"() ({
        %run_scoped3A_73 = tpu.sem_alloc : memref<!tpu.dma_semaphore, #tpu.memory_space<semaphore_mem>>
        %dma_start3A_74 = arith.constant 0 : i32
        %dma_start3A_75 = tpu.memref_slice %arg4[%run_scoped3A_59, %dma_start3A_74] : memref<8x128xi32, #tpu.memory_space<vmem>> -> memref<1x128xi32, #tpu.memory_space<vmem>>
        %dma_start3A_76 = tpu.memref_squeeze %dma_start3A_75 : memref<1x128xi32, #tpu.memory_space<vmem>> -> memref<128xi32, #tpu.memory_space<vmem>>
        %dma_start3A_77 = arith.constant 0 : i32
        %dma_start3A_78 = arith.constant 0 : i32
        %dma_start3A_79 = tpu.memref_slice %arg7[%dma_start3A_77, %dma_start3A_78] : memref<10016x16xf32, #tpu.memory_space<vmem_shared>> -> memref<10016x16xf32, #tpu.memory_space<vmem_shared>>
        tpu.enqueue_indirect_dma source(%arg6 : memref<128x16xf32, #tpu.memory_space<vmem>>) target(%dma_start3A_79 : memref<10016x16xf32, #tpu.memory_space<vmem_shared>>) offsets(%dma_start3A_76 : memref<128xi32, #tpu.memory_space<vmem>>) semaphore(%run_scoped3A_73 : memref<!tpu.dma_semaphore, #tpu.memory_space<semaphore_mem>>) {add = true}
        %dma_wait3A_80 = arith.constant 0 : i32
        %dma_wait3A_81 = tpu.memref_slice %arg4[%run_scoped3A_59, %dma_wait3A_80] : memref<8x128xi32, #tpu.memory_space<vmem>> -> memref<1x128xi32, #tpu.memory_space<vmem>>
        %dma_wait3A_82 = tpu.memref_squeeze %dma_wait3A_81 : memref<1x128xi32, #tpu.memory_space<vmem>> -> memref<128xi32, #tpu.memory_space<vmem>>
        %dma_wait3A_83 = arith.constant 0 : i32
        %dma_wait3A_84 = arith.constant 0 : i32
        %dma_wait3A_85 = tpu.memref_slice %arg7[%dma_wait3A_83, %dma_wait3A_84] : memref<10016x16xf32, #tpu.memory_space<vmem_shared>> -> memref<10016x16xf32, #tpu.memory_space<vmem_shared>>
        tpu.wait_indirect_dma semaphore(%run_scoped3A_73 : memref<!tpu.dma_semaphore, #tpu.memory_space<semaphore_mem>>) src(%arg6 : memref<128x16xf32, #tpu.memory_space<vmem>>) dst(%dma_wait3A_85 : memref<10016x16xf32, #tpu.memory_space<vmem_shared>>)
        tpu.yield
      }) : () -> ()
      %run_scoped3A_60 = arith.constant 7 : i32
      "tpu.region"() ({
        %run_scoped3A_73 = tpu.sem_alloc : memref<!tpu.dma_semaphore, #tpu.memory_space<semaphore_mem>>
        %dma_start3A_74 = arith.constant 0 : i32
        %dma_start3A_75 = tpu.memref_slice %arg4[%run_scoped3A_60, %dma_start3A_74] : memref<8x128xi32, #tpu.memory_space<vmem>> -> memref<1x128xi32, #tpu.memory_space<vmem>>
        %dma_start3A_76 = tpu.memref_squeeze %dma_start3A_75 : memref<1x128xi32, #tpu.memory_space<vmem>> -> memref<128xi32, #tpu.memory_space<vmem>>
        %dma_start3A_77 = arith.constant 0 : i32
        %dma_start3A_78 = arith.constant 0 : i32
        %dma_start3A_79 = tpu.memref_slice %arg7[%dma_start3A_77, %dma_start3A_78] : memref<10016x16xf32, #tpu.memory_space<vmem_shared>> -> memref<10016x16xf32, #tpu.memory_space<vmem_shared>>
        tpu.enqueue_indirect_dma source(%arg6 : memref<128x16xf32, #tpu.memory_space<vmem>>) target(%dma_start3A_79 : memref<10016x16xf32, #tpu.memory_space<vmem_shared>>) offsets(%dma_start3A_76 : memref<128xi32, #tpu.memory_space<vmem>>) semaphore(%run_scoped3A_73 : memref<!tpu.dma_semaphore, #tpu.memory_space<semaphore_mem>>) {add = true}
        %dma_wait3A_80 = arith.constant 0 : i32
        %dma_wait3A_81 = tpu.memref_slice %arg4[%run_scoped3A_60, %dma_wait3A_80] : memref<8x128xi32, #tpu.memory_space<vmem>> -> memref<1x128xi32, #tpu.memory_space<vmem>>
        %dma_wait3A_82 = tpu.memref_squeeze %dma_wait3A_81 : memref<1x128xi32, #tpu.memory_space<vmem>> -> memref<128xi32, #tpu.memory_space<vmem>>
        %dma_wait3A_83 = arith.constant 0 : i32
        %dma_wait3A_84 = arith.constant 0 : i32
        %dma_wait3A_85 = tpu.memref_slice %arg7[%dma_wait3A_83, %dma_wait3A_84] : memref<10016x16xf32, #tpu.memory_space<vmem_shared>> -> memref<10016x16xf32, #tpu.memory_space<vmem_shared>>
        tpu.wait_indirect_dma semaphore(%run_scoped3A_73 : memref<!tpu.dma_semaphore, #tpu.memory_space<semaphore_mem>>) src(%arg6 : memref<128x16xf32, #tpu.memory_space<vmem>>) dst(%dma_wait3A_85 : memref<10016x16xf32, #tpu.memory_space<vmem_shared>>)
        tpu.yield
      }) : () -> ()
      %dma_wait3A_61 = arith.constant 0 : i32
      %dma_wait3A_62 = tpu.memref_slice %arg2[%add3A_46, %dma_wait3A_61] : memref<2560x128xi32, #tpu.memory_space<hbm>> -> memref<8x128xi32, #tpu.memory_space<hbm>>
      %dma_wait3A_63 = arith.constant 0 : i32
      %dma_wait3A_64 = tpu.memref_slice %arg2[%add3A_46, %dma_wait3A_63] : memref<2560x128xi32, #tpu.memory_space<hbm>> -> memref<8x128xi32, #tpu.memory_space<hbm>>
      tpu.wait_dma2 semaphore(%arg9 : memref<!tpu.dma_semaphore, #tpu.memory_space<semaphore_mem>>) src(%dma_wait3A_64 : memref<8x128xi32, #tpu.memory_space<hbm>>) dst(%arg5 : memref<8x128xi32, #tpu.memory_space<vmem>>)
      %run_scoped3A_65 = arith.constant 0 : i32
      "tpu.region"() ({
        %run_scoped3A_73 = tpu.sem_alloc : memref<!tpu.dma_semaphore, #tpu.memory_space<semaphore_mem>>
        %dma_start3A_74 = arith.constant 0 : i32
        %dma_start3A_75 = tpu.memref_slice %arg5[%run_scoped3A_65, %dma_start3A_74] : memref<8x128xi32, #tpu.memory_space<vmem>> -> memref<1x128xi32, #tpu.memory_space<vmem>>
        %dma_start3A_76 = tpu.memref_squeeze %dma_start3A_75 : memref<1x128xi32, #tpu.memory_space<vmem>> -> memref<128xi32, #tpu.memory_space<vmem>>
        %dma_start3A_77 = arith.constant 0 : i32
        %dma_start3A_78 = arith.constant 0 : i32
        %dma_start3A_79 = tpu.memref_slice %arg7[%dma_start3A_77, %dma_start3A_78] : memref<10016x16xf32, #tpu.memory_space<vmem_shared>> -> memref<10016x16xf32, #tpu.memory_space<vmem_shared>>
        tpu.enqueue_indirect_dma source(%arg6 : memref<128x16xf32, #tpu.memory_space<vmem>>) target(%dma_start3A_79 : memref<10016x16xf32, #tpu.memory_space<vmem_shared>>) offsets(%dma_start3A_76 : memref<128xi32, #tpu.memory_space<vmem>>) semaphore(%run_scoped3A_73 : memref<!tpu.dma_semaphore, #tpu.memory_space<semaphore_mem>>) {add = true}
        %dma_wait3A_80 = arith.constant 0 : i32
        %dma_wait3A_81 = tpu.memref_slice %arg5[%run_scoped3A_65, %dma_wait3A_80] : memref<8x128xi32, #tpu.memory_space<vmem>> -> memref<1x128xi32, #tpu.memory_space<vmem>>
        %dma_wait3A_82 = tpu.memref_squeeze %dma_wait3A_81 : memref<1x128xi32, #tpu.memory_space<vmem>> -> memref<128xi32, #tpu.memory_space<vmem>>
        %dma_wait3A_83 = arith.constant 0 : i32
        %dma_wait3A_84 = arith.constant 0 : i32
        %dma_wait3A_85 = tpu.memref_slice %arg7[%dma_wait3A_83, %dma_wait3A_84] : memref<10016x16xf32, #tpu.memory_space<vmem_shared>> -> memref<10016x16xf32, #tpu.memory_space<vmem_shared>>
        tpu.wait_indirect_dma semaphore(%run_scoped3A_73 : memref<!tpu.dma_semaphore, #tpu.memory_space<semaphore_mem>>) src(%arg6 : memref<128x16xf32, #tpu.memory_space<vmem>>) dst(%dma_wait3A_85 : memref<10016x16xf32, #tpu.memory_space<vmem_shared>>)
        tpu.yield
      }) : () -> ()
      %run_scoped3A_66 = arith.constant 1 : i32
      "tpu.region"() ({
        %run_scoped3A_73 = tpu.sem_alloc : memref<!tpu.dma_semaphore, #tpu.memory_space<semaphore_mem>>
        %dma_start3A_74 = arith.constant 0 : i32
        %dma_start3A_75 = tpu.memref_slice %arg5[%run_scoped3A_66, %dma_start3A_74] : memref<8x128xi32, #tpu.memory_space<vmem>> -> memref<1x128xi32, #tpu.memory_space<vmem>>
        %dma_start3A_76 = tpu.memref_squeeze %dma_start3A_75 : memref<1x128xi32, #tpu.memory_space<vmem>> -> memref<128xi32, #tpu.memory_space<vmem>>
        %dma_start3A_77 = arith.constant 0 : i32
        %dma_start3A_78 = arith.constant 0 : i32
        %dma_start3A_79 = tpu.memref_slice %arg7[%dma_start3A_77, %dma_start3A_78] : memref<10016x16xf32, #tpu.memory_space<vmem_shared>> -> memref<10016x16xf32, #tpu.memory_space<vmem_shared>>
        tpu.enqueue_indirect_dma source(%arg6 : memref<128x16xf32, #tpu.memory_space<vmem>>) target(%dma_start3A_79 : memref<10016x16xf32, #tpu.memory_space<vmem_shared>>) offsets(%dma_start3A_76 : memref<128xi32, #tpu.memory_space<vmem>>) semaphore(%run_scoped3A_73 : memref<!tpu.dma_semaphore, #tpu.memory_space<semaphore_mem>>) {add = true}
        %dma_wait3A_80 = arith.constant 0 : i32
        %dma_wait3A_81 = tpu.memref_slice %arg5[%run_scoped3A_66, %dma_wait3A_80] : memref<8x128xi32, #tpu.memory_space<vmem>> -> memref<1x128xi32, #tpu.memory_space<vmem>>
        %dma_wait3A_82 = tpu.memref_squeeze %dma_wait3A_81 : memref<1x128xi32, #tpu.memory_space<vmem>> -> memref<128xi32, #tpu.memory_space<vmem>>
        %dma_wait3A_83 = arith.constant 0 : i32
        %dma_wait3A_84 = arith.constant 0 : i32
        %dma_wait3A_85 = tpu.memref_slice %arg7[%dma_wait3A_83, %dma_wait3A_84] : memref<10016x16xf32, #tpu.memory_space<vmem_shared>> -> memref<10016x16xf32, #tpu.memory_space<vmem_shared>>
        tpu.wait_indirect_dma semaphore(%run_scoped3A_73 : memref<!tpu.dma_semaphore, #tpu.memory_space<semaphore_mem>>) src(%arg6 : memref<128x16xf32, #tpu.memory_space<vmem>>) dst(%dma_wait3A_85 : memref<10016x16xf32, #tpu.memory_space<vmem_shared>>)
        tpu.yield
      }) : () -> ()
      %run_scoped3A_67 = arith.constant 2 : i32
      "tpu.region"() ({
        %run_scoped3A_73 = tpu.sem_alloc : memref<!tpu.dma_semaphore, #tpu.memory_space<semaphore_mem>>
        %dma_start3A_74 = arith.constant 0 : i32
        %dma_start3A_75 = tpu.memref_slice %arg5[%run_scoped3A_67, %dma_start3A_74] : memref<8x128xi32, #tpu.memory_space<vmem>> -> memref<1x128xi32, #tpu.memory_space<vmem>>
        %dma_start3A_76 = tpu.memref_squeeze %dma_start3A_75 : memref<1x128xi32, #tpu.memory_space<vmem>> -> memref<128xi32, #tpu.memory_space<vmem>>
        %dma_start3A_77 = arith.constant 0 : i32
        %dma_start3A_78 = arith.constant 0 : i32
        %dma_start3A_79 = tpu.memref_slice %arg7[%dma_start3A_77, %dma_start3A_78] : memref<10016x16xf32, #tpu.memory_space<vmem_shared>> -> memref<10016x16xf32, #tpu.memory_space<vmem_shared>>
        tpu.enqueue_indirect_dma source(%arg6 : memref<128x16xf32, #tpu.memory_space<vmem>>) target(%dma_start3A_79 : memref<10016x16xf32, #tpu.memory_space<vmem_shared>>) offsets(%dma_start3A_76 : memref<128xi32, #tpu.memory_space<vmem>>) semaphore(%run_scoped3A_73 : memref<!tpu.dma_semaphore, #tpu.memory_space<semaphore_mem>>) {add = true}
        %dma_wait3A_80 = arith.constant 0 : i32
        %dma_wait3A_81 = tpu.memref_slice %arg5[%run_scoped3A_67, %dma_wait3A_80] : memref<8x128xi32, #tpu.memory_space<vmem>> -> memref<1x128xi32, #tpu.memory_space<vmem>>
        %dma_wait3A_82 = tpu.memref_squeeze %dma_wait3A_81 : memref<1x128xi32, #tpu.memory_space<vmem>> -> memref<128xi32, #tpu.memory_space<vmem>>
        %dma_wait3A_83 = arith.constant 0 : i32
        %dma_wait3A_84 = arith.constant 0 : i32
        %dma_wait3A_85 = tpu.memref_slice %arg7[%dma_wait3A_83, %dma_wait3A_84] : memref<10016x16xf32, #tpu.memory_space<vmem_shared>> -> memref<10016x16xf32, #tpu.memory_space<vmem_shared>>
        tpu.wait_indirect_dma semaphore(%run_scoped3A_73 : memref<!tpu.dma_semaphore, #tpu.memory_space<semaphore_mem>>) src(%arg6 : memref<128x16xf32, #tpu.memory_space<vmem>>) dst(%dma_wait3A_85 : memref<10016x16xf32, #tpu.memory_space<vmem_shared>>)
        tpu.yield
      }) : () -> ()
      %run_scoped3A_68 = arith.constant 3 : i32
      "tpu.region"() ({
        %run_scoped3A_73 = tpu.sem_alloc : memref<!tpu.dma_semaphore, #tpu.memory_space<semaphore_mem>>
        %dma_start3A_74 = arith.constant 0 : i32
        %dma_start3A_75 = tpu.memref_slice %arg5[%run_scoped3A_68, %dma_start3A_74] : memref<8x128xi32, #tpu.memory_space<vmem>> -> memref<1x128xi32, #tpu.memory_space<vmem>>
        %dma_start3A_76 = tpu.memref_squeeze %dma_start3A_75 : memref<1x128xi32, #tpu.memory_space<vmem>> -> memref<128xi32, #tpu.memory_space<vmem>>
        %dma_start3A_77 = arith.constant 0 : i32
        %dma_start3A_78 = arith.constant 0 : i32
        %dma_start3A_79 = tpu.memref_slice %arg7[%dma_start3A_77, %dma_start3A_78] : memref<10016x16xf32, #tpu.memory_space<vmem_shared>> -> memref<10016x16xf32, #tpu.memory_space<vmem_shared>>
        tpu.enqueue_indirect_dma source(%arg6 : memref<128x16xf32, #tpu.memory_space<vmem>>) target(%dma_start3A_79 : memref<10016x16xf32, #tpu.memory_space<vmem_shared>>) offsets(%dma_start3A_76 : memref<128xi32, #tpu.memory_space<vmem>>) semaphore(%run_scoped3A_73 : memref<!tpu.dma_semaphore, #tpu.memory_space<semaphore_mem>>) {add = true}
        %dma_wait3A_80 = arith.constant 0 : i32
        %dma_wait3A_81 = tpu.memref_slice %arg5[%run_scoped3A_68, %dma_wait3A_80] : memref<8x128xi32, #tpu.memory_space<vmem>> -> memref<1x128xi32, #tpu.memory_space<vmem>>
        %dma_wait3A_82 = tpu.memref_squeeze %dma_wait3A_81 : memref<1x128xi32, #tpu.memory_space<vmem>> -> memref<128xi32, #tpu.memory_space<vmem>>
        %dma_wait3A_83 = arith.constant 0 : i32
        %dma_wait3A_84 = arith.constant 0 : i32
        %dma_wait3A_85 = tpu.memref_slice %arg7[%dma_wait3A_83, %dma_wait3A_84] : memref<10016x16xf32, #tpu.memory_space<vmem_shared>> -> memref<10016x16xf32, #tpu.memory_space<vmem_shared>>
        tpu.wait_indirect_dma semaphore(%run_scoped3A_73 : memref<!tpu.dma_semaphore, #tpu.memory_space<semaphore_mem>>) src(%arg6 : memref<128x16xf32, #tpu.memory_space<vmem>>) dst(%dma_wait3A_85 : memref<10016x16xf32, #tpu.memory_space<vmem_shared>>)
        tpu.yield
      }) : () -> ()
      %run_scoped3A_69 = arith.constant 4 : i32
      "tpu.region"() ({
        %run_scoped3A_73 = tpu.sem_alloc : memref<!tpu.dma_semaphore, #tpu.memory_space<semaphore_mem>>
        %dma_start3A_74 = arith.constant 0 : i32
        %dma_start3A_75 = tpu.memref_slice %arg5[%run_scoped3A_69, %dma_start3A_74] : memref<8x128xi32, #tpu.memory_space<vmem>> -> memref<1x128xi32, #tpu.memory_space<vmem>>
        %dma_start3A_76 = tpu.memref_squeeze %dma_start3A_75 : memref<1x128xi32, #tpu.memory_space<vmem>> -> memref<128xi32, #tpu.memory_space<vmem>>
        %dma_start3A_77 = arith.constant 0 : i32
        %dma_start3A_78 = arith.constant 0 : i32
        %dma_start3A_79 = tpu.memref_slice %arg7[%dma_start3A_77, %dma_start3A_78] : memref<10016x16xf32, #tpu.memory_space<vmem_shared>> -> memref<10016x16xf32, #tpu.memory_space<vmem_shared>>
        tpu.enqueue_indirect_dma source(%arg6 : memref<128x16xf32, #tpu.memory_space<vmem>>) target(%dma_start3A_79 : memref<10016x16xf32, #tpu.memory_space<vmem_shared>>) offsets(%dma_start3A_76 : memref<128xi32, #tpu.memory_space<vmem>>) semaphore(%run_scoped3A_73 : memref<!tpu.dma_semaphore, #tpu.memory_space<semaphore_mem>>) {add = true}
        %dma_wait3A_80 = arith.constant 0 : i32
        %dma_wait3A_81 = tpu.memref_slice %arg5[%run_scoped3A_69, %dma_wait3A_80] : memref<8x128xi32, #tpu.memory_space<vmem>> -> memref<1x128xi32, #tpu.memory_space<vmem>>
        %dma_wait3A_82 = tpu.memref_squeeze %dma_wait3A_81 : memref<1x128xi32, #tpu.memory_space<vmem>> -> memref<128xi32, #tpu.memory_space<vmem>>
        %dma_wait3A_83 = arith.constant 0 : i32
        %dma_wait3A_84 = arith.constant 0 : i32
        %dma_wait3A_85 = tpu.memref_slice %arg7[%dma_wait3A_83, %dma_wait3A_84] : memref<10016x16xf32, #tpu.memory_space<vmem_shared>> -> memref<10016x16xf32, #tpu.memory_space<vmem_shared>>
        tpu.wait_indirect_dma semaphore(%run_scoped3A_73 : memref<!tpu.dma_semaphore, #tpu.memory_space<semaphore_mem>>) src(%arg6 : memref<128x16xf32, #tpu.memory_space<vmem>>) dst(%dma_wait3A_85 : memref<10016x16xf32, #tpu.memory_space<vmem_shared>>)
        tpu.yield
      }) : () -> ()
      %run_scoped3A_70 = arith.constant 5 : i32
      "tpu.region"() ({
        %run_scoped3A_73 = tpu.sem_alloc : memref<!tpu.dma_semaphore, #tpu.memory_space<semaphore_mem>>
        %dma_start3A_74 = arith.constant 0 : i32
        %dma_start3A_75 = tpu.memref_slice %arg5[%run_scoped3A_70, %dma_start3A_74] : memref<8x128xi32, #tpu.memory_space<vmem>> -> memref<1x128xi32, #tpu.memory_space<vmem>>
        %dma_start3A_76 = tpu.memref_squeeze %dma_start3A_75 : memref<1x128xi32, #tpu.memory_space<vmem>> -> memref<128xi32, #tpu.memory_space<vmem>>
        %dma_start3A_77 = arith.constant 0 : i32
        %dma_start3A_78 = arith.constant 0 : i32
        %dma_start3A_79 = tpu.memref_slice %arg7[%dma_start3A_77, %dma_start3A_78] : memref<10016x16xf32, #tpu.memory_space<vmem_shared>> -> memref<10016x16xf32, #tpu.memory_space<vmem_shared>>
        tpu.enqueue_indirect_dma source(%arg6 : memref<128x16xf32, #tpu.memory_space<vmem>>) target(%dma_start3A_79 : memref<10016x16xf32, #tpu.memory_space<vmem_shared>>) offsets(%dma_start3A_76 : memref<128xi32, #tpu.memory_space<vmem>>) semaphore(%run_scoped3A_73 : memref<!tpu.dma_semaphore, #tpu.memory_space<semaphore_mem>>) {add = true}
        %dma_wait3A_80 = arith.constant 0 : i32
        %dma_wait3A_81 = tpu.memref_slice %arg5[%run_scoped3A_70, %dma_wait3A_80] : memref<8x128xi32, #tpu.memory_space<vmem>> -> memref<1x128xi32, #tpu.memory_space<vmem>>
        %dma_wait3A_82 = tpu.memref_squeeze %dma_wait3A_81 : memref<1x128xi32, #tpu.memory_space<vmem>> -> memref<128xi32, #tpu.memory_space<vmem>>
        %dma_wait3A_83 = arith.constant 0 : i32
        %dma_wait3A_84 = arith.constant 0 : i32
        %dma_wait3A_85 = tpu.memref_slice %arg7[%dma_wait3A_83, %dma_wait3A_84] : memref<10016x16xf32, #tpu.memory_space<vmem_shared>> -> memref<10016x16xf32, #tpu.memory_space<vmem_shared>>
        tpu.wait_indirect_dma semaphore(%run_scoped3A_73 : memref<!tpu.dma_semaphore, #tpu.memory_space<semaphore_mem>>) src(%arg6 : memref<128x16xf32, #tpu.memory_space<vmem>>) dst(%dma_wait3A_85 : memref<10016x16xf32, #tpu.memory_space<vmem_shared>>)
        tpu.yield
      }) : () -> ()
      %run_scoped3A_71 = arith.constant 6 : i32
      "tpu.region"() ({
        %run_scoped3A_73 = tpu.sem_alloc : memref<!tpu.dma_semaphore, #tpu.memory_space<semaphore_mem>>
        %dma_start3A_74 = arith.constant 0 : i32
        %dma_start3A_75 = tpu.memref_slice %arg5[%run_scoped3A_71, %dma_start3A_74] : memref<8x128xi32, #tpu.memory_space<vmem>> -> memref<1x128xi32, #tpu.memory_space<vmem>>
        %dma_start3A_76 = tpu.memref_squeeze %dma_start3A_75 : memref<1x128xi32, #tpu.memory_space<vmem>> -> memref<128xi32, #tpu.memory_space<vmem>>
        %dma_start3A_77 = arith.constant 0 : i32
        %dma_start3A_78 = arith.constant 0 : i32
        %dma_start3A_79 = tpu.memref_slice %arg7[%dma_start3A_77, %dma_start3A_78] : memref<10016x16xf32, #tpu.memory_space<vmem_shared>> -> memref<10016x16xf32, #tpu.memory_space<vmem_shared>>
        tpu.enqueue_indirect_dma source(%arg6 : memref<128x16xf32, #tpu.memory_space<vmem>>) target(%dma_start3A_79 : memref<10016x16xf32, #tpu.memory_space<vmem_shared>>) offsets(%dma_start3A_76 : memref<128xi32, #tpu.memory_space<vmem>>) semaphore(%run_scoped3A_73 : memref<!tpu.dma_semaphore, #tpu.memory_space<semaphore_mem>>) {add = true}
        %dma_wait3A_80 = arith.constant 0 : i32
        %dma_wait3A_81 = tpu.memref_slice %arg5[%run_scoped3A_71, %dma_wait3A_80] : memref<8x128xi32, #tpu.memory_space<vmem>> -> memref<1x128xi32, #tpu.memory_space<vmem>>
        %dma_wait3A_82 = tpu.memref_squeeze %dma_wait3A_81 : memref<1x128xi32, #tpu.memory_space<vmem>> -> memref<128xi32, #tpu.memory_space<vmem>>
        %dma_wait3A_83 = arith.constant 0 : i32
        %dma_wait3A_84 = arith.constant 0 : i32
        %dma_wait3A_85 = tpu.memref_slice %arg7[%dma_wait3A_83, %dma_wait3A_84] : memref<10016x16xf32, #tpu.memory_space<vmem_shared>> -> memref<10016x16xf32, #tpu.memory_space<vmem_shared>>
        tpu.wait_indirect_dma semaphore(%run_scoped3A_73 : memref<!tpu.dma_semaphore, #tpu.memory_space<semaphore_mem>>) src(%arg6 : memref<128x16xf32, #tpu.memory_space<vmem>>) dst(%dma_wait3A_85 : memref<10016x16xf32, #tpu.memory_space<vmem_shared>>)
        tpu.yield
      }) : () -> ()
      %run_scoped3A_72 = arith.constant 7 : i32
      "tpu.region"() ({
        %run_scoped3A_73 = tpu.sem_alloc : memref<!tpu.dma_semaphore, #tpu.memory_space<semaphore_mem>>
        %dma_start3A_74 = arith.constant 0 : i32
        %dma_start3A_75 = tpu.memref_slice %arg5[%run_scoped3A_72, %dma_start3A_74] : memref<8x128xi32, #tpu.memory_space<vmem>> -> memref<1x128xi32, #tpu.memory_space<vmem>>
        %dma_start3A_76 = tpu.memref_squeeze %dma_start3A_75 : memref<1x128xi32, #tpu.memory_space<vmem>> -> memref<128xi32, #tpu.memory_space<vmem>>
        %dma_start3A_77 = arith.constant 0 : i32
        %dma_start3A_78 = arith.constant 0 : i32
        %dma_start3A_79 = tpu.memref_slice %arg7[%dma_start3A_77, %dma_start3A_78] : memref<10016x16xf32, #tpu.memory_space<vmem_shared>> -> memref<10016x16xf32, #tpu.memory_space<vmem_shared>>
        tpu.enqueue_indirect_dma source(%arg6 : memref<128x16xf32, #tpu.memory_space<vmem>>) target(%dma_start3A_79 : memref<10016x16xf32, #tpu.memory_space<vmem_shared>>) offsets(%dma_start3A_76 : memref<128xi32, #tpu.memory_space<vmem>>) semaphore(%run_scoped3A_73 : memref<!tpu.dma_semaphore, #tpu.memory_space<semaphore_mem>>) {add = true}
        %dma_wait3A_80 = arith.constant 0 : i32
        %dma_wait3A_81 = tpu.memref_slice %arg5[%run_scoped3A_72, %dma_wait3A_80] : memref<8x128xi32, #tpu.memory_space<vmem>> -> memref<1x128xi32, #tpu.memory_space<vmem>>
        %dma_wait3A_82 = tpu.memref_squeeze %dma_wait3A_81 : memref<1x128xi32, #tpu.memory_space<vmem>> -> memref<128xi32, #tpu.memory_space<vmem>>
        %dma_wait3A_83 = arith.constant 0 : i32
        %dma_wait3A_84 = arith.constant 0 : i32
        %dma_wait3A_85 = tpu.memref_slice %arg7[%dma_wait3A_83, %dma_wait3A_84] : memref<10016x16xf32, #tpu.memory_space<vmem_shared>> -> memref<10016x16xf32, #tpu.memory_space<vmem_shared>>
        tpu.wait_indirect_dma semaphore(%run_scoped3A_73 : memref<!tpu.dma_semaphore, #tpu.memory_space<semaphore_mem>>) src(%arg6 : memref<128x16xf32, #tpu.memory_space<vmem>>) dst(%dma_wait3A_85 : memref<10016x16xf32, #tpu.memory_space<vmem_shared>>)
        tpu.yield
      }) : () -> ()
    }
    %scan3A_34 = arith.constant 5 : i32
    %barrier3A_35 = arith.constant 0 : index
    tpu.barrier barrier_id(%barrier3A_35)
    "tpu.region"() ({
      %run_scoped3A = tpu.sem_alloc : memref<!tpu.dma_semaphore, #tpu.memory_space<semaphore_mem>>
      %dma_start3A = arith.constant 0 : i32
      %dma_start3A_36 = tpu.memref_slice %arg3[%arg0, %mul3A_2, %dma_start3A] : memref<2x10016x16xf32, #tpu.memory_space<hbm>> -> memref<1x626x16xf32, #tpu.memory_space<hbm>>
      %dma_start3A_37 = tpu.memref_squeeze %dma_start3A_36 : memref<1x626x16xf32, #tpu.memory_space<hbm>> -> memref<626x16xf32, #tpu.memory_space<hbm>>
      %dma_start3A_38 = arith.constant 0 : i32
      %dma_start3A_39 = tpu.memref_slice %arg7[%mul3A_2, %dma_start3A_38] : memref<10016x16xf32, #tpu.memory_space<vmem_shared>> -> memref<626x16xf32, #tpu.memory_space<vmem_shared>>
      tpu.enqueue_dma source(%dma_start3A_39 : memref<626x16xf32, #tpu.memory_space<vmem_shared>>) target(%dma_start3A_37 : memref<626x16xf32, #tpu.memory_space<hbm>>) target_semaphore(%run_scoped3A : memref<!tpu.dma_semaphore, #tpu.memory_space<semaphore_mem>>)
      %dma_wait3A = arith.constant 0 : i32
      %dma_wait3A_40 = tpu.memref_slice %arg3[%arg0, %mul3A_2, %dma_wait3A] : memref<2x10016x16xf32, #tpu.memory_space<hbm>> -> memref<1x626x16xf32, #tpu.memory_space<hbm>>
      %dma_wait3A_41 = tpu.memref_squeeze %dma_wait3A_40 : memref<1x626x16xf32, #tpu.memory_space<hbm>> -> memref<626x16xf32, #tpu.memory_space<hbm>>
      %dma_wait3A_42 = arith.constant 0 : i32
      %dma_wait3A_43 = tpu.memref_slice %arg7[%mul3A_2, %dma_wait3A_42] : memref<10016x16xf32, #tpu.memory_space<vmem_shared>> -> memref<626x16xf32, #tpu.memory_space<vmem_shared>>
      tpu.wait_dma2 semaphore(%run_scoped3A : memref<!tpu.dma_semaphore, #tpu.memory_space<semaphore_mem>>) src(%dma_wait3A_43 : memref<626x16xf32, #tpu.memory_space<vmem_shared>>) dst(%dma_wait3A_41 : memref<626x16xf32, #tpu.memory_space<hbm>>)
      tpu.yield
    }) : () -> ()
    return
  }
}

#map = affine_map<(d0, d1) -> (0, 0)>
#map1 = affine_map<(d0, d1) -> (0, 0, 0)>
module attributes {stable_mosaic.version = 14 : i64} {
  func.func @agg_kernel(%arg0: i32, %arg1: i32, %arg2: memref<10000x64xf32, #tpu.memory_space<hbm>>, %arg3: memref<2560x128xi32, #tpu.memory_space<hbm>>, %arg4: memref<2560x128xi32, #tpu.memory_space<hbm>>, %arg5: memref<2x10016x64xf32, #tpu.memory_space<hbm>>, %arg6: memref<8x128xi32, #tpu.memory_space<vmem>>, %arg7: memref<8x128xi32, #tpu.memory_space<vmem>>, %arg8: memref<8x128xi32, #tpu.memory_space<vmem>>, %arg9: memref<8x128xi32, #tpu.memory_space<vmem>>, %arg10: memref<128x64xf32, #tpu.memory_space<vmem>>, %arg11: memref<128x64xf32, #tpu.memory_space<vmem>>, %arg12: memref<128x64xf32, #tpu.memory_space<vmem>>, %arg13: memref<128x64xf32, #tpu.memory_space<vmem>>, %arg14: memref<10016x64xf32, #tpu.memory_space<vmem_shared>>, %arg15: memref<!tpu.dma_semaphore, #tpu.memory_space<semaphore_mem>>, %arg16: memref<!tpu.dma_semaphore, #tpu.memory_space<semaphore_mem>>, %arg17: memref<!tpu.dma_semaphore, #tpu.memory_space<semaphore_mem>>, %arg18: memref<!tpu.dma_semaphore, #tpu.memory_space<semaphore_mem>>, %arg19: memref<!tpu.dma_semaphore, #tpu.memory_space<semaphore_mem>>, %arg20: memref<!tpu.dma_semaphore, #tpu.memory_space<semaphore_mem>>, %arg21: memref<!tpu.dma_semaphore, #tpu.memory_space<semaphore_mem>>, %arg22: memref<!tpu.dma_semaphore, #tpu.memory_space<semaphore_mem>>, %arg23: memref<!tpu.dma_semaphore, #tpu.memory_space<semaphore_mem>>, %arg24: memref<!tpu.dma_semaphore, #tpu.memory_space<semaphore_mem>>, %arg25: memref<!tpu.dma_semaphore, #tpu.memory_space<semaphore_mem>>, %arg26: memref<!tpu.dma_semaphore, #tpu.memory_space<semaphore_mem>>) attributes {dimension_semantics = [#tpu.dimension_semantics<core_parallel>, #tpu.dimension_semantics<subcore_parallel>], iteration_bounds = array<i64: 2, 16>, scalar_prefetch = 0 : i64, scratch_operands = 21 : i64, tpu.core_type = #tpu.core_type<sc_vector_subcore>, window_params = [{transform_indices = #map}, {transform_indices = #map}, {transform_indices = #map}, {transform_indices = #map1}]} {
    %mul3A = arith.constant 2 : i32
    %mul3A_0 = arith.muli %arg1, %mul3A : i32
    %add3A = arith.addi %mul3A_0, %arg0 : i32
    %mul3A_1 = arith.constant 626 : i32
    %mul3A_2 = arith.muli %arg1, %mul3A_1 : i32
    %broadcast_in_dim3A = arith.constant 0.000000e+00 : f32
    %broadcast_in_dim3A_3 = vector.broadcast %broadcast_in_dim3A : f32 to vector<16xf32>
    %scan3A = arith.constant 0 : i32
    %scan3A_4 = arith.constant 0 : i32
    %scan3A_5 = arith.constant 128 : i32
    %scan3A_6 = arith.addi %scan3A_4, %scan3A_5 : i32
    %scan3A_7 = arith.constant 1 : i32
    scf.for %scan3A_30 = %scan3A_4 to %scan3A_6 step %scan3A_7  : i32 {
      %swap3A = arith.index_cast %scan3A_30 : i32 to index
      %swap3A_31 = arith.constant 0 : index
      %swap3A_32 = tpu.vector_load %arg10[%swap3A, %swap3A_31] {strides = array<i32>} : memref<128x64xf32, #tpu.memory_space<vmem>>, vector<1x16xf32>,
      %swap3A_33 = vector.shape_cast %swap3A_32 : vector<1x16xf32> to vector<16xf32>
      %swap3A_34 = vector.shape_cast %broadcast_in_dim3A_3 : vector<16xf32> to vector<1x16xf32>
      tpu.vector_store %arg10[%swap3A, %swap3A_31], %swap3A_34 {strides = array<i32>} : memref<128x64xf32, #tpu.memory_space<vmem>>, vector<1x16xf32>,
      %swap3A_35 = arith.index_cast %scan3A_30 : i32 to index
      %swap3A_36 = arith.constant 16 : index
      %swap3A_37 = tpu.vector_load %arg10[%swap3A_35, %swap3A_36] {strides = array<i32>} : memref<128x64xf32, #tpu.memory_space<vmem>>, vector<1x16xf32>,
      %swap3A_38 = vector.shape_cast %swap3A_37 : vector<1x16xf32> to vector<16xf32>
      %swap3A_39 = vector.shape_cast %broadcast_in_dim3A_3 : vector<16xf32> to vector<1x16xf32>
      tpu.vector_store %arg10[%swap3A_35, %swap3A_36], %swap3A_39 {strides = array<i32>} : memref<128x64xf32, #tpu.memory_space<vmem>>, vector<1x16xf32>,
      %swap3A_40 = arith.index_cast %scan3A_30 : i32 to index
      %swap3A_41 = arith.constant 32 : index
      %swap3A_42 = tpu.vector_load %arg10[%swap3A_40, %swap3A_41] {strides = array<i32>} : memref<128x64xf32, #tpu.memory_space<vmem>>, vector<1x16xf32>,
      %swap3A_43 = vector.shape_cast %swap3A_42 : vector<1x16xf32> to vector<16xf32>
      %swap3A_44 = vector.shape_cast %broadcast_in_dim3A_3 : vector<16xf32> to vector<1x16xf32>
      tpu.vector_store %arg10[%swap3A_40, %swap3A_41], %swap3A_44 {strides = array<i32>} : memref<128x64xf32, #tpu.memory_space<vmem>>, vector<1x16xf32>,
      %swap3A_45 = arith.index_cast %scan3A_30 : i32 to index
      %swap3A_46 = arith.constant 48 : index
      %swap3A_47 = tpu.vector_load %arg10[%swap3A_45, %swap3A_46] {strides = array<i32>} : memref<128x64xf32, #tpu.memory_space<vmem>>, vector<1x16xf32>,
      %swap3A_48 = vector.shape_cast %swap3A_47 : vector<1x16xf32> to vector<16xf32>
      %swap3A_49 = vector.shape_cast %broadcast_in_dim3A_3 : vector<16xf32> to vector<1x16xf32>
      tpu.vector_store %arg10[%swap3A_45, %swap3A_46], %swap3A_49 {strides = array<i32>} : memref<128x64xf32, #tpu.memory_space<vmem>>, vector<1x16xf32>,
    }
    %scan3A_8 = arith.constant 128 : i32
    %add3A_9 = arith.constant 0 : i32
    %add3A_10 = arith.addi %mul3A_2, %add3A_9 : i32
    "tpu.region"() ({
      %run_scoped3A = tpu.sem_alloc : memref<!tpu.dma_semaphore, #tpu.memory_space<semaphore_mem>>
      %dma_start3A = arith.constant 0 : i32
      %dma_start3A_30 = tpu.memref_slice %arg14[%add3A_10, %dma_start3A] : memref<10016x64xf32, #tpu.memory_space<vmem_shared>> -> memref<128x64xf32, #tpu.memory_space<vmem_shared>>
      %dma_start3A_31 = arith.constant 0 : i32
      %dma_start3A_32 = tpu.memref_slice %arg14[%add3A_10, %dma_start3A_31] : memref<10016x64xf32, #tpu.memory_space<vmem_shared>> -> memref<128x64xf32, #tpu.memory_space<vmem_shared>>
      tpu.enqueue_dma source(%arg10 : memref<128x64xf32, #tpu.memory_space<vmem>>) target(%dma_start3A_32 : memref<128x64xf32, #tpu.memory_space<vmem_shared>>) target_semaphore(%run_scoped3A : memref<!tpu.dma_semaphore, #tpu.memory_space<semaphore_mem>>)
      %dma_wait3A = arith.constant 0 : i32
      %dma_wait3A_33 = tpu.memref_slice %arg14[%add3A_10, %dma_wait3A] : memref<10016x64xf32, #tpu.memory_space<vmem_shared>> -> memref<128x64xf32, #tpu.memory_space<vmem_shared>>
      %dma_wait3A_34 = arith.constant 0 : i32
      %dma_wait3A_35 = tpu.memref_slice %arg14[%add3A_10, %dma_wait3A_34] : memref<10016x64xf32, #tpu.memory_space<vmem_shared>> -> memref<128x64xf32, #tpu.memory_space<vmem_shared>>
      tpu.wait_dma2 semaphore(%run_scoped3A : memref<!tpu.dma_semaphore, #tpu.memory_space<semaphore_mem>>) src(%arg10 : memref<128x64xf32, #tpu.memory_space<vmem>>) dst(%dma_wait3A_35 : memref<128x64xf32, #tpu.memory_space<vmem_shared>>)
      tpu.yield
    }) : () -> ()
    %add3A_11 = arith.constant 128 : i32
    %add3A_12 = arith.addi %mul3A_2, %add3A_11 : i32
    "tpu.region"() ({
      %run_scoped3A = tpu.sem_alloc : memref<!tpu.dma_semaphore, #tpu.memory_space<semaphore_mem>>
      %dma_start3A = arith.constant 0 : i32
      %dma_start3A_30 = tpu.memref_slice %arg14[%add3A_12, %dma_start3A] : memref<10016x64xf32, #tpu.memory_space<vmem_shared>> -> memref<128x64xf32, #tpu.memory_space<vmem_shared>>
      %dma_start3A_31 = arith.constant 0 : i32
      %dma_start3A_32 = tpu.memref_slice %arg14[%add3A_12, %dma_start3A_31] : memref<10016x64xf32, #tpu.memory_space<vmem_shared>> -> memref<128x64xf32, #tpu.memory_space<vmem_shared>>
      tpu.enqueue_dma source(%arg10 : memref<128x64xf32, #tpu.memory_space<vmem>>) target(%dma_start3A_32 : memref<128x64xf32, #tpu.memory_space<vmem_shared>>) target_semaphore(%run_scoped3A : memref<!tpu.dma_semaphore, #tpu.memory_space<semaphore_mem>>)
      %dma_wait3A = arith.constant 0 : i32
      %dma_wait3A_33 = tpu.memref_slice %arg14[%add3A_12, %dma_wait3A] : memref<10016x64xf32, #tpu.memory_space<vmem_shared>> -> memref<128x64xf32, #tpu.memory_space<vmem_shared>>
      %dma_wait3A_34 = arith.constant 0 : i32
      %dma_wait3A_35 = tpu.memref_slice %arg14[%add3A_12, %dma_wait3A_34] : memref<10016x64xf32, #tpu.memory_space<vmem_shared>> -> memref<128x64xf32, #tpu.memory_space<vmem_shared>>
      tpu.wait_dma2 semaphore(%run_scoped3A : memref<!tpu.dma_semaphore, #tpu.memory_space<semaphore_mem>>) src(%arg10 : memref<128x64xf32, #tpu.memory_space<vmem>>) dst(%dma_wait3A_35 : memref<128x64xf32, #tpu.memory_space<vmem_shared>>)
      tpu.yield
    }) : () -> ()
    %add3A_13 = arith.constant 256 : i32
    %add3A_14 = arith.addi %mul3A_2, %add3A_13 : i32
    "tpu.region"() ({
      %run_scoped3A = tpu.sem_alloc : memref<!tpu.dma_semaphore, #tpu.memory_space<semaphore_mem>>
      %dma_start3A = arith.constant 0 : i32
      %dma_start3A_30 = tpu.memref_slice %arg14[%add3A_14, %dma_start3A] : memref<10016x64xf32, #tpu.memory_space<vmem_shared>> -> memref<128x64xf32, #tpu.memory_space<vmem_shared>>
      %dma_start3A_31 = arith.constant 0 : i32
      %dma_start3A_32 = tpu.memref_slice %arg14[%add3A_14, %dma_start3A_31] : memref<10016x64xf32, #tpu.memory_space<vmem_shared>> -> memref<128x64xf32, #tpu.memory_space<vmem_shared>>
      tpu.enqueue_dma source(%arg10 : memref<128x64xf32, #tpu.memory_space<vmem>>) target(%dma_start3A_32 : memref<128x64xf32, #tpu.memory_space<vmem_shared>>) target_semaphore(%run_scoped3A : memref<!tpu.dma_semaphore, #tpu.memory_space<semaphore_mem>>)
      %dma_wait3A = arith.constant 0 : i32
      %dma_wait3A_33 = tpu.memref_slice %arg14[%add3A_14, %dma_wait3A] : memref<10016x64xf32, #tpu.memory_space<vmem_shared>> -> memref<128x64xf32, #tpu.memory_space<vmem_shared>>
      %dma_wait3A_34 = arith.constant 0 : i32
      %dma_wait3A_35 = tpu.memref_slice %arg14[%add3A_14, %dma_wait3A_34] : memref<10016x64xf32, #tpu.memory_space<vmem_shared>> -> memref<128x64xf32, #tpu.memory_space<vmem_shared>>
      tpu.wait_dma2 semaphore(%run_scoped3A : memref<!tpu.dma_semaphore, #tpu.memory_space<semaphore_mem>>) src(%arg10 : memref<128x64xf32, #tpu.memory_space<vmem>>) dst(%dma_wait3A_35 : memref<128x64xf32, #tpu.memory_space<vmem_shared>>)
      tpu.yield
    }) : () -> ()
    %add3A_15 = arith.constant 384 : i32
    %add3A_16 = arith.addi %mul3A_2, %add3A_15 : i32
    "tpu.region"() ({
      %run_scoped3A = tpu.sem_alloc : memref<!tpu.dma_semaphore, #tpu.memory_space<semaphore_mem>>
      %dma_start3A = arith.constant 0 : i32
      %dma_start3A_30 = tpu.memref_slice %arg14[%add3A_16, %dma_start3A] : memref<10016x64xf32, #tpu.memory_space<vmem_shared>> -> memref<128x64xf32, #tpu.memory_space<vmem_shared>>
      %dma_start3A_31 = arith.constant 0 : i32
      %dma_start3A_32 = tpu.memref_slice %arg14[%add3A_16, %dma_start3A_31] : memref<10016x64xf32, #tpu.memory_space<vmem_shared>> -> memref<128x64xf32, #tpu.memory_space<vmem_shared>>
      tpu.enqueue_dma source(%arg10 : memref<128x64xf32, #tpu.memory_space<vmem>>) target(%dma_start3A_32 : memref<128x64xf32, #tpu.memory_space<vmem_shared>>) target_semaphore(%run_scoped3A : memref<!tpu.dma_semaphore, #tpu.memory_space<semaphore_mem>>)
      %dma_wait3A = arith.constant 0 : i32
      %dma_wait3A_33 = tpu.memref_slice %arg14[%add3A_16, %dma_wait3A] : memref<10016x64xf32, #tpu.memory_space<vmem_shared>> -> memref<128x64xf32, #tpu.memory_space<vmem_shared>>
      %dma_wait3A_34 = arith.constant 0 : i32
      %dma_wait3A_35 = tpu.memref_slice %arg14[%add3A_16, %dma_wait3A_34] : memref<10016x64xf32, #tpu.memory_space<vmem_shared>> -> memref<128x64xf32, #tpu.memory_space<vmem_shared>>
      tpu.wait_dma2 semaphore(%run_scoped3A : memref<!tpu.dma_semaphore, #tpu.memory_space<semaphore_mem>>) src(%arg10 : memref<128x64xf32, #tpu.memory_space<vmem>>) dst(%dma_wait3A_35 : memref<128x64xf32, #tpu.memory_space<vmem_shared>>)
      tpu.yield
    }) : () -> ()
    %add3A_17 = arith.constant 512 : i32
    %add3A_18 = arith.addi %mul3A_2, %add3A_17 : i32
    "tpu.region"() ({
      %run_scoped3A = tpu.sem_alloc : memref<!tpu.dma_semaphore, #tpu.memory_space<semaphore_mem>>
      %dma_start3A = arith.constant 0 : i32
      %dma_start3A_30 = arith.constant 0 : i32
      %dma_start3A_31 = tpu.memref_slice %arg10[%dma_start3A, %dma_start3A_30] : memref<128x64xf32, #tpu.memory_space<vmem>> -> memref<114x64xf32, #tpu.memory_space<vmem>>
      %dma_start3A_32 = arith.constant 0 : i32
      %dma_start3A_33 = tpu.memref_slice %arg14[%add3A_18, %dma_start3A_32] : memref<10016x64xf32, #tpu.memory_space<vmem_shared>> -> memref<114x64xf32, #tpu.memory_space<vmem_shared>>
      %dma_start3A_34 = arith.constant 0 : i32
      %dma_start3A_35 = tpu.memref_slice %arg14[%add3A_18, %dma_start3A_34] : memref<10016x64xf32, #tpu.memory_space<vmem_shared>> -> memref<114x64xf32, #tpu.memory_space<vmem_shared>>
      %dma_start3A_36 = arith.constant 0 : i32
      %dma_start3A_37 = arith.constant 0 : i32
      %dma_start3A_38 = tpu.memref_slice %arg10[%dma_start3A_36, %dma_start3A_37] : memref<128x64xf32, #tpu.memory_space<vmem>> -> memref<114x64xf32, #tpu.memory_space<vmem>>
      tpu.enqueue_dma source(%dma_start3A_38 : memref<114x64xf32, #tpu.memory_space<vmem>>) target(%dma_start3A_35 : memref<114x64xf32, #tpu.memory_space<vmem_shared>>) target_semaphore(%run_scoped3A : memref<!tpu.dma_semaphore, #tpu.memory_space<semaphore_mem>>)
      %dma_wait3A = arith.constant 0 : i32
      %dma_wait3A_39 = arith.constant 0 : i32
      %dma_wait3A_40 = tpu.memref_slice %arg10[%dma_wait3A, %dma_wait3A_39] : memref<128x64xf32, #tpu.memory_space<vmem>> -> memref<114x64xf32, #tpu.memory_space<vmem>>
      %dma_wait3A_41 = arith.constant 0 : i32
      %dma_wait3A_42 = tpu.memref_slice %arg14[%add3A_18, %dma_wait3A_41] : memref<10016x64xf32, #tpu.memory_space<vmem_shared>> -> memref<114x64xf32, #tpu.memory_space<vmem_shared>>
      %dma_wait3A_43 = arith.constant 0 : i32
      %dma_wait3A_44 = tpu.memref_slice %arg14[%add3A_18, %dma_wait3A_43] : memref<10016x64xf32, #tpu.memory_space<vmem_shared>> -> memref<114x64xf32, #tpu.memory_space<vmem_shared>>
      %dma_wait3A_45 = arith.constant 0 : i32
      %dma_wait3A_46 = arith.constant 0 : i32
      %dma_wait3A_47 = tpu.memref_slice %arg10[%dma_wait3A_45, %dma_wait3A_46] : memref<128x64xf32, #tpu.memory_space<vmem>> -> memref<114x64xf32, #tpu.memory_space<vmem>>
      tpu.wait_dma2 semaphore(%run_scoped3A : memref<!tpu.dma_semaphore, #tpu.memory_space<semaphore_mem>>) src(%dma_wait3A_47 : memref<114x64xf32, #tpu.memory_space<vmem>>) dst(%dma_wait3A_44 : memref<114x64xf32, #tpu.memory_space<vmem_shared>>)
      tpu.yield
    }) : () -> ()
    %barrier3A = arith.constant 0 : index
    tpu.barrier barrier_id(%barrier3A)
    %mul3A_19 = arith.constant 10 : i32
    %mul3A_20 = arith.muli %add3A, %mul3A_19 : i32
    %mul3A_21 = arith.constant 8 : i32
    %mul3A_22 = arith.muli %mul3A_20, %mul3A_21 : i32
    %scan3A_23 = arith.constant 0 : i32
    %scan3A_24 = arith.constant 0 : i32
    %scan3A_25 = arith.constant 5 : i32
    %scan3A_26 = arith.addi %scan3A_24, %scan3A_25 : i32
    %scan3A_27 = arith.constant 1 : i32
    scf.for %scan3A_30 = %scan3A_24 to %scan3A_26 step %scan3A_27  : i32 {
      %mul3A_31 = arith.constant 2 : i32
      %mul3A_32 = arith.muli %mul3A_31, %scan3A_30 : i32
      %mul3A_33 = arith.constant 8 : i32
      %mul3A_34 = arith.muli %mul3A_32, %mul3A_33 : i32
      %add3A_35 = arith.addi %mul3A_22, %mul3A_34 : i32
      %dma_start3A = arith.constant 0 : i32
      %dma_start3A_36 = tpu.memref_slice %arg3[%add3A_35, %dma_start3A] : memref<2560x128xi32, #tpu.memory_space<hbm>> -> memref<8x128xi32, #tpu.memory_space<hbm>>
      %dma_start3A_37 = arith.constant 0 : i32
      %dma_start3A_38 = tpu.memref_slice %arg3[%add3A_35, %dma_start3A_37] : memref<2560x128xi32, #tpu.memory_space<hbm>> -> memref<8x128xi32, #tpu.memory_space<hbm>>
      tpu.enqueue_dma source(%dma_start3A_38 : memref<8x128xi32, #tpu.memory_space<hbm>>) target(%arg6 : memref<8x128xi32, #tpu.memory_space<vmem>>) target_semaphore(%arg23 : memref<!tpu.dma_semaphore, #tpu.memory_space<semaphore_mem>>)
      %dma_start3A_39 = arith.constant 0 : i32
      %dma_start3A_40 = tpu.memref_slice %arg4[%add3A_35, %dma_start3A_39] : memref<2560x128xi32, #tpu.memory_space<hbm>> -> memref<8x128xi32, #tpu.memory_space<hbm>>
      %dma_start3A_41 = arith.constant 0 : i32
      %dma_start3A_42 = tpu.memref_slice %arg4[%add3A_35, %dma_start3A_41] : memref<2560x128xi32, #tpu.memory_space<hbm>> -> memref<8x128xi32, #tpu.memory_space<hbm>>
      tpu.enqueue_dma source(%dma_start3A_42 : memref<8x128xi32, #tpu.memory_space<hbm>>) target(%arg8 : memref<8x128xi32, #tpu.memory_space<vmem>>) target_semaphore(%arg24 : memref<!tpu.dma_semaphore, #tpu.memory_space<semaphore_mem>>)
      %add3A_43 = arith.constant 8 : i32
      %add3A_44 = arith.addi %add3A_35, %add3A_43 : i32
      %dma_start3A_45 = arith.constant 0 : i32
      %dma_start3A_46 = tpu.memref_slice %arg3[%add3A_44, %dma_start3A_45] : memref<2560x128xi32, #tpu.memory_space<hbm>> -> memref<8x128xi32, #tpu.memory_space<hbm>>
      %dma_start3A_47 = arith.constant 0 : i32
      %dma_start3A_48 = tpu.memref_slice %arg3[%add3A_44, %dma_start3A_47] : memref<2560x128xi32, #tpu.memory_space<hbm>> -> memref<8x128xi32, #tpu.memory_space<hbm>>
      tpu.enqueue_dma source(%dma_start3A_48 : memref<8x128xi32, #tpu.memory_space<hbm>>) target(%arg7 : memref<8x128xi32, #tpu.memory_space<vmem>>) target_semaphore(%arg25 : memref<!tpu.dma_semaphore, #tpu.memory_space<semaphore_mem>>)
      %add3A_49 = arith.constant 8 : i32
      %add3A_50 = arith.addi %add3A_35, %add3A_49 : i32
      %dma_start3A_51 = arith.constant 0 : i32
      %dma_start3A_52 = tpu.memref_slice %arg4[%add3A_50, %dma_start3A_51] : memref<2560x128xi32, #tpu.memory_space<hbm>> -> memref<8x128xi32, #tpu.memory_space<hbm>>
      %dma_start3A_53 = arith.constant 0 : i32
      %dma_start3A_54 = tpu.memref_slice %arg4[%add3A_50, %dma_start3A_53] : memref<2560x128xi32, #tpu.memory_space<hbm>> -> memref<8x128xi32, #tpu.memory_space<hbm>>
      tpu.enqueue_dma source(%dma_start3A_54 : memref<8x128xi32, #tpu.memory_space<hbm>>) target(%arg9 : memref<8x128xi32, #tpu.memory_space<vmem>>) target_semaphore(%arg26 : memref<!tpu.dma_semaphore, #tpu.memory_space<semaphore_mem>>)
      %dma_wait3A = arith.constant 0 : i32
      %dma_wait3A_55 = tpu.memref_slice %arg3[%add3A_35, %dma_wait3A] : memref<2560x128xi32, #tpu.memory_space<hbm>> -> memref<8x128xi32, #tpu.memory_space<hbm>>
      %dma_wait3A_56 = arith.constant 0 : i32
      %dma_wait3A_57 = tpu.memref_slice %arg3[%add3A_35, %dma_wait3A_56] : memref<2560x128xi32, #tpu.memory_space<hbm>> -> memref<8x128xi32, #tpu.memory_space<hbm>>
      tpu.wait_dma2 semaphore(%arg23 : memref<!tpu.dma_semaphore, #tpu.memory_space<semaphore_mem>>) src(%dma_wait3A_57 : memref<8x128xi32, #tpu.memory_space<hbm>>) dst(%arg6 : memref<8x128xi32, #tpu.memory_space<vmem>>)
      %dma_wait3A_58 = arith.constant 0 : i32
      %dma_wait3A_59 = tpu.memref_slice %arg4[%add3A_35, %dma_wait3A_58] : memref<2560x128xi32, #tpu.memory_space<hbm>> -> memref<8x128xi32, #tpu.memory_space<hbm>>
      %dma_wait3A_60 = arith.constant 0 : i32
      %dma_wait3A_61 = tpu.memref_slice %arg4[%add3A_35, %dma_wait3A_60] : memref<2560x128xi32, #tpu.memory_space<hbm>> -> memref<8x128xi32, #tpu.memory_space<hbm>>
      tpu.wait_dma2 semaphore(%arg24 : memref<!tpu.dma_semaphore, #tpu.memory_space<semaphore_mem>>) src(%dma_wait3A_61 : memref<8x128xi32, #tpu.memory_space<hbm>>) dst(%arg8 : memref<8x128xi32, #tpu.memory_space<vmem>>)
      %dma_start3A_62 = arith.constant 0 : i32
      %dma_start3A_63 = arith.constant 0 : i32
      %dma_start3A_64 = tpu.memref_slice %arg6[%dma_start3A_62, %dma_start3A_63] : memref<8x128xi32, #tpu.memory_space<vmem>> -> memref<1x128xi32, #tpu.memory_space<vmem>>
      %dma_start3A_65 = tpu.memref_squeeze %dma_start3A_64 : memref<1x128xi32, #tpu.memory_space<vmem>> -> memref<128xi32, #tpu.memory_space<vmem>>
      %dma_start3A_66 = arith.constant 0 : i32
      %dma_start3A_67 = arith.constant 0 : i32
      %dma_start3A_68 = tpu.memref_slice %arg2[%dma_start3A_66, %dma_start3A_67] : memref<10000x64xf32, #tpu.memory_space<hbm>> -> memref<10000x64xf32, #tpu.memory_space<hbm>>
      tpu.enqueue_indirect_dma source(%dma_start3A_68 : memref<10000x64xf32, #tpu.memory_space<hbm>>) target(%arg10 : memref<128x64xf32, #tpu.memory_space<vmem>>) offsets(%dma_start3A_65 : memref<128xi32, #tpu.memory_space<vmem>>) semaphore(%arg15 : memref<!tpu.dma_semaphore, #tpu.memory_space<semaphore_mem>>)
      %dma_start3A_69 = arith.constant 1 : i32
      %dma_start3A_70 = arith.constant 0 : i32
      %dma_start3A_71 = tpu.memref_slice %arg6[%dma_start3A_69, %dma_start3A_70] : memref<8x128xi32, #tpu.memory_space<vmem>> -> memref<1x128xi32, #tpu.memory_space<vmem>>
      %dma_start3A_72 = tpu.memref_squeeze %dma_start3A_71 : memref<1x128xi32, #tpu.memory_space<vmem>> -> memref<128xi32, #tpu.memory_space<vmem>>
      %dma_start3A_73 = arith.constant 0 : i32
      %dma_start3A_74 = arith.constant 0 : i32
      %dma_start3A_75 = tpu.memref_slice %arg2[%dma_start3A_73, %dma_start3A_74] : memref<10000x64xf32, #tpu.memory_space<hbm>> -> memref<10000x64xf32, #tpu.memory_space<hbm>>
      tpu.enqueue_indirect_dma source(%dma_start3A_75 : memref<10000x64xf32, #tpu.memory_space<hbm>>) target(%arg11 : memref<128x64xf32, #tpu.memory_space<vmem>>) offsets(%dma_start3A_72 : memref<128xi32, #tpu.memory_space<vmem>>) semaphore(%arg16 : memref<!tpu.dma_semaphore, #tpu.memory_space<semaphore_mem>>)
      %dma_wait3A_76 = arith.constant 0 : i32
      %dma_wait3A_77 = arith.constant 0 : i32
      %dma_wait3A_78 = tpu.memref_slice %arg6[%dma_wait3A_76, %dma_wait3A_77] : memref<8x128xi32, #tpu.memory_space<vmem>> -> memref<1x128xi32, #tpu.memory_space<vmem>>
      %dma_wait3A_79 = tpu.memref_squeeze %dma_wait3A_78 : memref<1x128xi32, #tpu.memory_space<vmem>> -> memref<128xi32, #tpu.memory_space<vmem>>
      %dma_wait3A_80 = arith.constant 0 : i32
      %dma_wait3A_81 = arith.constant 0 : i32
      %dma_wait3A_82 = tpu.memref_slice %arg2[%dma_wait3A_80, %dma_wait3A_81] : memref<10000x64xf32, #tpu.memory_space<hbm>> -> memref<10000x64xf32, #tpu.memory_space<hbm>>
      tpu.wait_indirect_dma semaphore(%arg15 : memref<!tpu.dma_semaphore, #tpu.memory_space<semaphore_mem>>) src(%dma_wait3A_82 : memref<10000x64xf32, #tpu.memory_space<hbm>>) dst(%arg10 : memref<128x64xf32, #tpu.memory_space<vmem>>)
      %dma_start3A_83 = arith.constant 0 : i32
      %dma_start3A_84 = arith.constant 0 : i32
      %dma_start3A_85 = tpu.memref_slice %arg8[%dma_start3A_83, %dma_start3A_84] : memref<8x128xi32, #tpu.memory_space<vmem>> -> memref<1x128xi32, #tpu.memory_space<vmem>>
      %dma_start3A_86 = tpu.memref_squeeze %dma_start3A_85 : memref<1x128xi32, #tpu.memory_space<vmem>> -> memref<128xi32, #tpu.memory_space<vmem>>
      %dma_start3A_87 = arith.constant 0 : i32
      %dma_start3A_88 = arith.constant 0 : i32
      %dma_start3A_89 = tpu.memref_slice %arg14[%dma_start3A_87, %dma_start3A_88] : memref<10016x64xf32, #tpu.memory_space<vmem_shared>> -> memref<10016x64xf32, #tpu.memory_space<vmem_shared>>
      tpu.enqueue_indirect_dma source(%arg10 : memref<128x64xf32, #tpu.memory_space<vmem>>) target(%dma_start3A_89 : memref<10016x64xf32, #tpu.memory_space<vmem_shared>>) offsets(%dma_start3A_86 : memref<128xi32, #tpu.memory_space<vmem>>) semaphore(%arg19 : memref<!tpu.dma_semaphore, #tpu.memory_space<semaphore_mem>>) {add = true}
      %dma_start3A_90 = arith.constant 2 : i32
      %dma_start3A_91 = arith.constant 0 : i32
      %dma_start3A_92 = tpu.memref_slice %arg6[%dma_start3A_90, %dma_start3A_91] : memref<8x128xi32, #tpu.memory_space<vmem>> -> memref<1x128xi32, #tpu.memory_space<vmem>>
      %dma_start3A_93 = tpu.memref_squeeze %dma_start3A_92 : memref<1x128xi32, #tpu.memory_space<vmem>> -> memref<128xi32, #tpu.memory_space<vmem>>
      %dma_start3A_94 = arith.constant 0 : i32
      %dma_start3A_95 = arith.constant 0 : i32
      %dma_start3A_96 = tpu.memref_slice %arg2[%dma_start3A_94, %dma_start3A_95] : memref<10000x64xf32, #tpu.memory_space<hbm>> -> memref<10000x64xf32, #tpu.memory_space<hbm>>
      tpu.enqueue_indirect_dma source(%dma_start3A_96 : memref<10000x64xf32, #tpu.memory_space<hbm>>) target(%arg12 : memref<128x64xf32, #tpu.memory_space<vmem>>) offsets(%dma_start3A_93 : memref<128xi32, #tpu.memory_space<vmem>>) semaphore(%arg17 : memref<!tpu.dma_semaphore, #tpu.memory_space<semaphore_mem>>)
      %dma_wait3A_97 = arith.constant 1 : i32
      %dma_wait3A_98 = arith.constant 0 : i32
      %dma_wait3A_99 = tpu.memref_slice %arg6[%dma_wait3A_97, %dma_wait3A_98] : memref<8x128xi32, #tpu.memory_space<vmem>> -> memref<1x128xi32, #tpu.memory_space<vmem>>
      %dma_wait3A_100 = tpu.memref_squeeze %dma_wait3A_99 : memref<1x128xi32, #tpu.memory_space<vmem>> -> memref<128xi32, #tpu.memory_space<vmem>>
      %dma_wait3A_101 = arith.constant 0 : i32
      %dma_wait3A_102 = arith.constant 0 : i32
      %dma_wait3A_103 = tpu.memref_slice %arg2[%dma_wait3A_101, %dma_wait3A_102] : memref<10000x64xf32, #tpu.memory_space<hbm>> -> memref<10000x64xf32, #tpu.memory_space<hbm>>
      tpu.wait_indirect_dma semaphore(%arg16 : memref<!tpu.dma_semaphore, #tpu.memory_space<semaphore_mem>>) src(%dma_wait3A_103 : memref<10000x64xf32, #tpu.memory_space<hbm>>) dst(%arg11 : memref<128x64xf32, #tpu.memory_space<vmem>>)
      %dma_start3A_104 = arith.constant 1 : i32
      %dma_start3A_105 = arith.constant 0 : i32
      %dma_start3A_106 = tpu.memref_slice %arg8[%dma_start3A_104, %dma_start3A_105] : memref<8x128xi32, #tpu.memory_space<vmem>> -> memref<1x128xi32, #tpu.memory_space<vmem>>
      %dma_start3A_107 = tpu.memref_squeeze %dma_start3A_106 : memref<1x128xi32, #tpu.memory_space<vmem>> -> memref<128xi32, #tpu.memory_space<vmem>>
      %dma_start3A_108 = arith.constant 0 : i32
      %dma_start3A_109 = arith.constant 0 : i32
      %dma_start3A_110 = tpu.memref_slice %arg14[%dma_start3A_108, %dma_start3A_109] : memref<10016x64xf32, #tpu.memory_space<vmem_shared>> -> memref<10016x64xf32, #tpu.memory_space<vmem_shared>>
      tpu.enqueue_indirect_dma source(%arg11 : memref<128x64xf32, #tpu.memory_space<vmem>>) target(%dma_start3A_110 : memref<10016x64xf32, #tpu.memory_space<vmem_shared>>) offsets(%dma_start3A_107 : memref<128xi32, #tpu.memory_space<vmem>>) semaphore(%arg20 : memref<!tpu.dma_semaphore, #tpu.memory_space<semaphore_mem>>) {add = true}
      %dma_start3A_111 = arith.constant 3 : i32
      %dma_start3A_112 = arith.constant 0 : i32
      %dma_start3A_113 = tpu.memref_slice %arg6[%dma_start3A_111, %dma_start3A_112] : memref<8x128xi32, #tpu.memory_space<vmem>> -> memref<1x128xi32, #tpu.memory_space<vmem>>
      %dma_start3A_114 = tpu.memref_squeeze %dma_start3A_113 : memref<1x128xi32, #tpu.memory_space<vmem>> -> memref<128xi32, #tpu.memory_space<vmem>>
      %dma_start3A_115 = arith.constant 0 : i32
      %dma_start3A_116 = arith.constant 0 : i32
      %dma_start3A_117 = tpu.memref_slice %arg2[%dma_start3A_115, %dma_start3A_116] : memref<10000x64xf32, #tpu.memory_space<hbm>> -> memref<10000x64xf32, #tpu.memory_space<hbm>>
      tpu.enqueue_indirect_dma source(%dma_start3A_117 : memref<10000x64xf32, #tpu.memory_space<hbm>>) target(%arg13 : memref<128x64xf32, #tpu.memory_space<vmem>>) offsets(%dma_start3A_114 : memref<128xi32, #tpu.memory_space<vmem>>) semaphore(%arg18 : memref<!tpu.dma_semaphore, #tpu.memory_space<semaphore_mem>>)
      %dma_wait3A_118 = arith.constant 2 : i32
      %dma_wait3A_119 = arith.constant 0 : i32
      %dma_wait3A_120 = tpu.memref_slice %arg6[%dma_wait3A_118, %dma_wait3A_119] : memref<8x128xi32, #tpu.memory_space<vmem>> -> memref<1x128xi32, #tpu.memory_space<vmem>>
      %dma_wait3A_121 = tpu.memref_squeeze %dma_wait3A_120 : memref<1x128xi32, #tpu.memory_space<vmem>> -> memref<128xi32, #tpu.memory_space<vmem>>
      %dma_wait3A_122 = arith.constant 0 : i32
      %dma_wait3A_123 = arith.constant 0 : i32
      %dma_wait3A_124 = tpu.memref_slice %arg2[%dma_wait3A_122, %dma_wait3A_123] : memref<10000x64xf32, #tpu.memory_space<hbm>> -> memref<10000x64xf32, #tpu.memory_space<hbm>>
      tpu.wait_indirect_dma semaphore(%arg17 : memref<!tpu.dma_semaphore, #tpu.memory_space<semaphore_mem>>) src(%dma_wait3A_124 : memref<10000x64xf32, #tpu.memory_space<hbm>>) dst(%arg12 : memref<128x64xf32, #tpu.memory_space<vmem>>)
      %dma_start3A_125 = arith.constant 2 : i32
      %dma_start3A_126 = arith.constant 0 : i32
      %dma_start3A_127 = tpu.memref_slice %arg8[%dma_start3A_125, %dma_start3A_126] : memref<8x128xi32, #tpu.memory_space<vmem>> -> memref<1x128xi32, #tpu.memory_space<vmem>>
      %dma_start3A_128 = tpu.memref_squeeze %dma_start3A_127 : memref<1x128xi32, #tpu.memory_space<vmem>> -> memref<128xi32, #tpu.memory_space<vmem>>
      %dma_start3A_129 = arith.constant 0 : i32
      %dma_start3A_130 = arith.constant 0 : i32
      %dma_start3A_131 = tpu.memref_slice %arg14[%dma_start3A_129, %dma_start3A_130] : memref<10016x64xf32, #tpu.memory_space<vmem_shared>> -> memref<10016x64xf32, #tpu.memory_space<vmem_shared>>
      tpu.enqueue_indirect_dma source(%arg12 : memref<128x64xf32, #tpu.memory_space<vmem>>) target(%dma_start3A_131 : memref<10016x64xf32, #tpu.memory_space<vmem_shared>>) offsets(%dma_start3A_128 : memref<128xi32, #tpu.memory_space<vmem>>) semaphore(%arg21 : memref<!tpu.dma_semaphore, #tpu.memory_space<semaphore_mem>>) {add = true}
      %dma_wait3A_132 = arith.constant 0 : i32
      %dma_wait3A_133 = arith.constant 0 : i32
      %dma_wait3A_134 = tpu.memref_slice %arg8[%dma_wait3A_132, %dma_wait3A_133] : memref<8x128xi32, #tpu.memory_space<vmem>> -> memref<1x128xi32, #tpu.memory_space<vmem>>
      %dma_wait3A_135 = tpu.memref_squeeze %dma_wait3A_134 : memref<1x128xi32, #tpu.memory_space<vmem>> -> memref<128xi32, #tpu.memory_space<vmem>>
      %dma_wait3A_136 = arith.constant 0 : i32
      %dma_wait3A_137 = arith.constant 0 : i32
      %dma_wait3A_138 = tpu.memref_slice %arg14[%dma_wait3A_136, %dma_wait3A_137] : memref<10016x64xf32, #tpu.memory_space<vmem_shared>> -> memref<10016x64xf32, #tpu.memory_space<vmem_shared>>
      tpu.wait_indirect_dma semaphore(%arg19 : memref<!tpu.dma_semaphore, #tpu.memory_space<semaphore_mem>>) src(%arg10 : memref<128x64xf32, #tpu.memory_space<vmem>>) dst(%dma_wait3A_138 : memref<10016x64xf32, #tpu.memory_space<vmem_shared>>)
      %dma_start3A_139 = arith.constant 4 : i32
      %dma_start3A_140 = arith.constant 0 : i32
      %dma_start3A_141 = tpu.memref_slice %arg6[%dma_start3A_139, %dma_start3A_140] : memref<8x128xi32, #tpu.memory_space<vmem>> -> memref<1x128xi32, #tpu.memory_space<vmem>>
      %dma_start3A_142 = tpu.memref_squeeze %dma_start3A_141 : memref<1x128xi32, #tpu.memory_space<vmem>> -> memref<128xi32, #tpu.memory_space<vmem>>
      %dma_start3A_143 = arith.constant 0 : i32
      %dma_start3A_144 = arith.constant 0 : i32
      %dma_start3A_145 = tpu.memref_slice %arg2[%dma_start3A_143, %dma_start3A_144] : memref<10000x64xf32, #tpu.memory_space<hbm>> -> memref<10000x64xf32, #tpu.memory_space<hbm>>
      tpu.enqueue_indirect_dma source(%dma_start3A_145 : memref<10000x64xf32, #tpu.memory_space<hbm>>) target(%arg10 : memref<128x64xf32, #tpu.memory_space<vmem>>) offsets(%dma_start3A_142 : memref<128xi32, #tpu.memory_space<vmem>>) semaphore(%arg15 : memref<!tpu.dma_semaphore, #tpu.memory_space<semaphore_mem>>)
      %dma_wait3A_146 = arith.constant 3 : i32
      %dma_wait3A_147 = arith.constant 0 : i32
      %dma_wait3A_148 = tpu.memref_slice %arg6[%dma_wait3A_146, %dma_wait3A_147] : memref<8x128xi32, #tpu.memory_space<vmem>> -> memref<1x128xi32, #tpu.memory_space<vmem>>
      %dma_wait3A_149 = tpu.memref_squeeze %dma_wait3A_148 : memref<1x128xi32, #tpu.memory_space<vmem>> -> memref<128xi32, #tpu.memory_space<vmem>>
      %dma_wait3A_150 = arith.constant 0 : i32
      %dma_wait3A_151 = arith.constant 0 : i32
      %dma_wait3A_152 = tpu.memref_slice %arg2[%dma_wait3A_150, %dma_wait3A_151] : memref<10000x64xf32, #tpu.memory_space<hbm>> -> memref<10000x64xf32, #tpu.memory_space<hbm>>
      tpu.wait_indirect_dma semaphore(%arg18 : memref<!tpu.dma_semaphore, #tpu.memory_space<semaphore_mem>>) src(%dma_wait3A_152 : memref<10000x64xf32, #tpu.memory_space<hbm>>) dst(%arg13 : memref<128x64xf32, #tpu.memory_space<vmem>>)
      %dma_start3A_153 = arith.constant 3 : i32
      %dma_start3A_154 = arith.constant 0 : i32
      %dma_start3A_155 = tpu.memref_slice %arg8[%dma_start3A_153, %dma_start3A_154] : memref<8x128xi32, #tpu.memory_space<vmem>> -> memref<1x128xi32, #tpu.memory_space<vmem>>
      %dma_start3A_156 = tpu.memref_squeeze %dma_start3A_155 : memref<1x128xi32, #tpu.memory_space<vmem>> -> memref<128xi32, #tpu.memory_space<vmem>>
      %dma_start3A_157 = arith.constant 0 : i32
      %dma_start3A_158 = arith.constant 0 : i32
      %dma_start3A_159 = tpu.memref_slice %arg14[%dma_start3A_157, %dma_start3A_158] : memref<10016x64xf32, #tpu.memory_space<vmem_shared>> -> memref<10016x64xf32, #tpu.memory_space<vmem_shared>>
      tpu.enqueue_indirect_dma source(%arg13 : memref<128x64xf32, #tpu.memory_space<vmem>>) target(%dma_start3A_159 : memref<10016x64xf32, #tpu.memory_space<vmem_shared>>) offsets(%dma_start3A_156 : memref<128xi32, #tpu.memory_space<vmem>>) semaphore(%arg22 : memref<!tpu.dma_semaphore, #tpu.memory_space<semaphore_mem>>) {add = true}
      %dma_wait3A_160 = arith.constant 1 : i32
      %dma_wait3A_161 = arith.constant 0 : i32
      %dma_wait3A_162 = tpu.memref_slice %arg8[%dma_wait3A_160, %dma_wait3A_161] : memref<8x128xi32, #tpu.memory_space<vmem>> -> memref<1x128xi32, #tpu.memory_space<vmem>>
      %dma_wait3A_163 = tpu.memref_squeeze %dma_wait3A_162 : memref<1x128xi32, #tpu.memory_space<vmem>> -> memref<128xi32, #tpu.memory_space<vmem>>
      %dma_wait3A_164 = arith.constant 0 : i32
      %dma_wait3A_165 = arith.constant 0 : i32
      %dma_wait3A_166 = tpu.memref_slice %arg14[%dma_wait3A_164, %dma_wait3A_165] : memref<10016x64xf32, #tpu.memory_space<vmem_shared>> -> memref<10016x64xf32, #tpu.memory_space<vmem_shared>>
      tpu.wait_indirect_dma semaphore(%arg20 : memref<!tpu.dma_semaphore, #tpu.memory_space<semaphore_mem>>) src(%arg11 : memref<128x64xf32, #tpu.memory_space<vmem>>) dst(%dma_wait3A_166 : memref<10016x64xf32, #tpu.memory_space<vmem_shared>>)
      %dma_start3A_167 = arith.constant 5 : i32
      %dma_start3A_168 = arith.constant 0 : i32
      %dma_start3A_169 = tpu.memref_slice %arg6[%dma_start3A_167, %dma_start3A_168] : memref<8x128xi32, #tpu.memory_space<vmem>> -> memref<1x128xi32, #tpu.memory_space<vmem>>
      %dma_start3A_170 = tpu.memref_squeeze %dma_start3A_169 : memref<1x128xi32, #tpu.memory_space<vmem>> -> memref<128xi32, #tpu.memory_space<vmem>>
      %dma_start3A_171 = arith.constant 0 : i32
      %dma_start3A_172 = arith.constant 0 : i32
      %dma_start3A_173 = tpu.memref_slice %arg2[%dma_start3A_171, %dma_start3A_172] : memref<10000x64xf32, #tpu.memory_space<hbm>> -> memref<10000x64xf32, #tpu.memory_space<hbm>>
      tpu.enqueue_indirect_dma source(%dma_start3A_173 : memref<10000x64xf32, #tpu.memory_space<hbm>>) target(%arg11 : memref<128x64xf32, #tpu.memory_space<vmem>>) offsets(%dma_start3A_170 : memref<128xi32, #tpu.memory_space<vmem>>) semaphore(%arg16 : memref<!tpu.dma_semaphore, #tpu.memory_space<semaphore_mem>>)
      %dma_wait3A_174 = arith.constant 4 : i32
      %dma_wait3A_175 = arith.constant 0 : i32
      %dma_wait3A_176 = tpu.memref_slice %arg6[%dma_wait3A_174, %dma_wait3A_175] : memref<8x128xi32, #tpu.memory_space<vmem>> -> memref<1x128xi32, #tpu.memory_space<vmem>>
      %dma_wait3A_177 = tpu.memref_squeeze %dma_wait3A_176 : memref<1x128xi32, #tpu.memory_space<vmem>> -> memref<128xi32, #tpu.memory_space<vmem>>
      %dma_wait3A_178 = arith.constant 0 : i32
      %dma_wait3A_179 = arith.constant 0 : i32
      %dma_wait3A_180 = tpu.memref_slice %arg2[%dma_wait3A_178, %dma_wait3A_179] : memref<10000x64xf32, #tpu.memory_space<hbm>> -> memref<10000x64xf32, #tpu.memory_space<hbm>>
      tpu.wait_indirect_dma semaphore(%arg15 : memref<!tpu.dma_semaphore, #tpu.memory_space<semaphore_mem>>) src(%dma_wait3A_180 : memref<10000x64xf32, #tpu.memory_space<hbm>>) dst(%arg10 : memref<128x64xf32, #tpu.memory_space<vmem>>)
      %dma_start3A_181 = arith.constant 4 : i32
      %dma_start3A_182 = arith.constant 0 : i32
      %dma_start3A_183 = tpu.memref_slice %arg8[%dma_start3A_181, %dma_start3A_182] : memref<8x128xi32, #tpu.memory_space<vmem>> -> memref<1x128xi32, #tpu.memory_space<vmem>>
      %dma_start3A_184 = tpu.memref_squeeze %dma_start3A_183 : memref<1x128xi32, #tpu.memory_space<vmem>> -> memref<128xi32, #tpu.memory_space<vmem>>
      %dma_start3A_185 = arith.constant 0 : i32
      %dma_start3A_186 = arith.constant 0 : i32
      %dma_start3A_187 = tpu.memref_slice %arg14[%dma_start3A_185, %dma_start3A_186] : memref<10016x64xf32, #tpu.memory_space<vmem_shared>> -> memref<10016x64xf32, #tpu.memory_space<vmem_shared>>
      tpu.enqueue_indirect_dma source(%arg10 : memref<128x64xf32, #tpu.memory_space<vmem>>) target(%dma_start3A_187 : memref<10016x64xf32, #tpu.memory_space<vmem_shared>>) offsets(%dma_start3A_184 : memref<128xi32, #tpu.memory_space<vmem>>) semaphore(%arg19 : memref<!tpu.dma_semaphore, #tpu.memory_space<semaphore_mem>>) {add = true}
      %dma_wait3A_188 = arith.constant 2 : i32
      %dma_wait3A_189 = arith.constant 0 : i32
      %dma_wait3A_190 = tpu.memref_slice %arg8[%dma_wait3A_188, %dma_wait3A_189] : memref<8x128xi32, #tpu.memory_space<vmem>> -> memref<1x128xi32, #tpu.memory_space<vmem>>
      %dma_wait3A_191 = tpu.memref_squeeze %dma_wait3A_190 : memref<1x128xi32, #tpu.memory_space<vmem>> -> memref<128xi32, #tpu.memory_space<vmem>>
      %dma_wait3A_192 = arith.constant 0 : i32
      %dma_wait3A_193 = arith.constant 0 : i32
      %dma_wait3A_194 = tpu.memref_slice %arg14[%dma_wait3A_192, %dma_wait3A_193] : memref<10016x64xf32, #tpu.memory_space<vmem_shared>> -> memref<10016x64xf32, #tpu.memory_space<vmem_shared>>
      tpu.wait_indirect_dma semaphore(%arg21 : memref<!tpu.dma_semaphore, #tpu.memory_space<semaphore_mem>>) src(%arg12 : memref<128x64xf32, #tpu.memory_space<vmem>>) dst(%dma_wait3A_194 : memref<10016x64xf32, #tpu.memory_space<vmem_shared>>)
      %dma_start3A_195 = arith.constant 6 : i32
      %dma_start3A_196 = arith.constant 0 : i32
      %dma_start3A_197 = tpu.memref_slice %arg6[%dma_start3A_195, %dma_start3A_196] : memref<8x128xi32, #tpu.memory_space<vmem>> -> memref<1x128xi32, #tpu.memory_space<vmem>>
      %dma_start3A_198 = tpu.memref_squeeze %dma_start3A_197 : memref<1x128xi32, #tpu.memory_space<vmem>> -> memref<128xi32, #tpu.memory_space<vmem>>
      %dma_start3A_199 = arith.constant 0 : i32
      %dma_start3A_200 = arith.constant 0 : i32
      %dma_start3A_201 = tpu.memref_slice %arg2[%dma_start3A_199, %dma_start3A_200] : memref<10000x64xf32, #tpu.memory_space<hbm>> -> memref<10000x64xf32, #tpu.memory_space<hbm>>
      tpu.enqueue_indirect_dma source(%dma_start3A_201 : memref<10000x64xf32, #tpu.memory_space<hbm>>) target(%arg12 : memref<128x64xf32, #tpu.memory_space<vmem>>) offsets(%dma_start3A_198 : memref<128xi32, #tpu.memory_space<vmem>>) semaphore(%arg17 : memref<!tpu.dma_semaphore, #tpu.memory_space<semaphore_mem>>)
      %dma_wait3A_202 = arith.constant 5 : i32
      %dma_wait3A_203 = arith.constant 0 : i32
      %dma_wait3A_204 = tpu.memref_slice %arg6[%dma_wait3A_202, %dma_wait3A_203] : memref<8x128xi32, #tpu.memory_space<vmem>> -> memref<1x128xi32, #tpu.memory_space<vmem>>
      %dma_wait3A_205 = tpu.memref_squeeze %dma_wait3A_204 : memref<1x128xi32, #tpu.memory_space<vmem>> -> memref<128xi32, #tpu.memory_space<vmem>>
      %dma_wait3A_206 = arith.constant 0 : i32
      %dma_wait3A_207 = arith.constant 0 : i32
      %dma_wait3A_208 = tpu.memref_slice %arg2[%dma_wait3A_206, %dma_wait3A_207] : memref<10000x64xf32, #tpu.memory_space<hbm>> -> memref<10000x64xf32, #tpu.memory_space<hbm>>
      tpu.wait_indirect_dma semaphore(%arg16 : memref<!tpu.dma_semaphore, #tpu.memory_space<semaphore_mem>>) src(%dma_wait3A_208 : memref<10000x64xf32, #tpu.memory_space<hbm>>) dst(%arg11 : memref<128x64xf32, #tpu.memory_space<vmem>>)
      %dma_start3A_209 = arith.constant 5 : i32
      %dma_start3A_210 = arith.constant 0 : i32
      %dma_start3A_211 = tpu.memref_slice %arg8[%dma_start3A_209, %dma_start3A_210] : memref<8x128xi32, #tpu.memory_space<vmem>> -> memref<1x128xi32, #tpu.memory_space<vmem>>
      %dma_start3A_212 = tpu.memref_squeeze %dma_start3A_211 : memref<1x128xi32, #tpu.memory_space<vmem>> -> memref<128xi32, #tpu.memory_space<vmem>>
      %dma_start3A_213 = arith.constant 0 : i32
      %dma_start3A_214 = arith.constant 0 : i32
      %dma_start3A_215 = tpu.memref_slice %arg14[%dma_start3A_213, %dma_start3A_214] : memref<10016x64xf32, #tpu.memory_space<vmem_shared>> -> memref<10016x64xf32, #tpu.memory_space<vmem_shared>>
      tpu.enqueue_indirect_dma source(%arg11 : memref<128x64xf32, #tpu.memory_space<vmem>>) target(%dma_start3A_215 : memref<10016x64xf32, #tpu.memory_space<vmem_shared>>) offsets(%dma_start3A_212 : memref<128xi32, #tpu.memory_space<vmem>>) semaphore(%arg20 : memref<!tpu.dma_semaphore, #tpu.memory_space<semaphore_mem>>) {add = true}
      %dma_wait3A_216 = arith.constant 3 : i32
      %dma_wait3A_217 = arith.constant 0 : i32
      %dma_wait3A_218 = tpu.memref_slice %arg8[%dma_wait3A_216, %dma_wait3A_217] : memref<8x128xi32, #tpu.memory_space<vmem>> -> memref<1x128xi32, #tpu.memory_space<vmem>>
      %dma_wait3A_219 = tpu.memref_squeeze %dma_wait3A_218 : memref<1x128xi32, #tpu.memory_space<vmem>> -> memref<128xi32, #tpu.memory_space<vmem>>
      %dma_wait3A_220 = arith.constant 0 : i32
      %dma_wait3A_221 = arith.constant 0 : i32
      %dma_wait3A_222 = tpu.memref_slice %arg14[%dma_wait3A_220, %dma_wait3A_221] : memref<10016x64xf32, #tpu.memory_space<vmem_shared>> -> memref<10016x64xf32, #tpu.memory_space<vmem_shared>>
      tpu.wait_indirect_dma semaphore(%arg22 : memref<!tpu.dma_semaphore, #tpu.memory_space<semaphore_mem>>) src(%arg13 : memref<128x64xf32, #tpu.memory_space<vmem>>) dst(%dma_wait3A_222 : memref<10016x64xf32, #tpu.memory_space<vmem_shared>>)
      %dma_start3A_223 = arith.constant 7 : i32
      %dma_start3A_224 = arith.constant 0 : i32
      %dma_start3A_225 = tpu.memref_slice %arg6[%dma_start3A_223, %dma_start3A_224] : memref<8x128xi32, #tpu.memory_space<vmem>> -> memref<1x128xi32, #tpu.memory_space<vmem>>
      %dma_start3A_226 = tpu.memref_squeeze %dma_start3A_225 : memref<1x128xi32, #tpu.memory_space<vmem>> -> memref<128xi32, #tpu.memory_space<vmem>>
      %dma_start3A_227 = arith.constant 0 : i32
      %dma_start3A_228 = arith.constant 0 : i32
      %dma_start3A_229 = tpu.memref_slice %arg2[%dma_start3A_227, %dma_start3A_228] : memref<10000x64xf32, #tpu.memory_space<hbm>> -> memref<10000x64xf32, #tpu.memory_space<hbm>>
      tpu.enqueue_indirect_dma source(%dma_start3A_229 : memref<10000x64xf32, #tpu.memory_space<hbm>>) target(%arg13 : memref<128x64xf32, #tpu.memory_space<vmem>>) offsets(%dma_start3A_226 : memref<128xi32, #tpu.memory_space<vmem>>) semaphore(%arg18 : memref<!tpu.dma_semaphore, #tpu.memory_space<semaphore_mem>>)
      %dma_wait3A_230 = arith.constant 6 : i32
      %dma_wait3A_231 = arith.constant 0 : i32
      %dma_wait3A_232 = tpu.memref_slice %arg6[%dma_wait3A_230, %dma_wait3A_231] : memref<8x128xi32, #tpu.memory_space<vmem>> -> memref<1x128xi32, #tpu.memory_space<vmem>>
      %dma_wait3A_233 = tpu.memref_squeeze %dma_wait3A_232 : memref<1x128xi32, #tpu.memory_space<vmem>> -> memref<128xi32, #tpu.memory_space<vmem>>
      %dma_wait3A_234 = arith.constant 0 : i32
      %dma_wait3A_235 = arith.constant 0 : i32
      %dma_wait3A_236 = tpu.memref_slice %arg2[%dma_wait3A_234, %dma_wait3A_235] : memref<10000x64xf32, #tpu.memory_space<hbm>> -> memref<10000x64xf32, #tpu.memory_space<hbm>>
      tpu.wait_indirect_dma semaphore(%arg17 : memref<!tpu.dma_semaphore, #tpu.memory_space<semaphore_mem>>) src(%dma_wait3A_236 : memref<10000x64xf32, #tpu.memory_space<hbm>>) dst(%arg12 : memref<128x64xf32, #tpu.memory_space<vmem>>)
      %dma_start3A_237 = arith.constant 6 : i32
      %dma_start3A_238 = arith.constant 0 : i32
      %dma_start3A_239 = tpu.memref_slice %arg8[%dma_start3A_237, %dma_start3A_238] : memref<8x128xi32, #tpu.memory_space<vmem>> -> memref<1x128xi32, #tpu.memory_space<vmem>>
      %dma_start3A_240 = tpu.memref_squeeze %dma_start3A_239 : memref<1x128xi32, #tpu.memory_space<vmem>> -> memref<128xi32, #tpu.memory_space<vmem>>
      %dma_start3A_241 = arith.constant 0 : i32
      %dma_start3A_242 = arith.constant 0 : i32
      %dma_start3A_243 = tpu.memref_slice %arg14[%dma_start3A_241, %dma_start3A_242] : memref<10016x64xf32, #tpu.memory_space<vmem_shared>> -> memref<10016x64xf32, #tpu.memory_space<vmem_shared>>
      tpu.enqueue_indirect_dma source(%arg12 : memref<128x64xf32, #tpu.memory_space<vmem>>) target(%dma_start3A_243 : memref<10016x64xf32, #tpu.memory_space<vmem_shared>>) offsets(%dma_start3A_240 : memref<128xi32, #tpu.memory_space<vmem>>) semaphore(%arg21 : memref<!tpu.dma_semaphore, #tpu.memory_space<semaphore_mem>>) {add = true}
      %dma_wait3A_244 = arith.constant 0 : i32
      %dma_wait3A_245 = tpu.memref_slice %arg3[%add3A_44, %dma_wait3A_244] : memref<2560x128xi32, #tpu.memory_space<hbm>> -> memref<8x128xi32, #tpu.memory_space<hbm>>
      %dma_wait3A_246 = arith.constant 0 : i32
      %dma_wait3A_247 = tpu.memref_slice %arg3[%add3A_44, %dma_wait3A_246] : memref<2560x128xi32, #tpu.memory_space<hbm>> -> memref<8x128xi32, #tpu.memory_space<hbm>>
      tpu.wait_dma2 semaphore(%arg25 : memref<!tpu.dma_semaphore, #tpu.memory_space<semaphore_mem>>) src(%dma_wait3A_247 : memref<8x128xi32, #tpu.memory_space<hbm>>) dst(%arg7 : memref<8x128xi32, #tpu.memory_space<vmem>>)
      %dma_wait3A_248 = arith.constant 0 : i32
      %dma_wait3A_249 = tpu.memref_slice %arg4[%add3A_50, %dma_wait3A_248] : memref<2560x128xi32, #tpu.memory_space<hbm>> -> memref<8x128xi32, #tpu.memory_space<hbm>>
      %dma_wait3A_250 = arith.constant 0 : i32
      %dma_wait3A_251 = tpu.memref_slice %arg4[%add3A_50, %dma_wait3A_250] : memref<2560x128xi32, #tpu.memory_space<hbm>> -> memref<8x128xi32, #tpu.memory_space<hbm>>
      tpu.wait_dma2 semaphore(%arg26 : memref<!tpu.dma_semaphore, #tpu.memory_space<semaphore_mem>>) src(%dma_wait3A_251 : memref<8x128xi32, #tpu.memory_space<hbm>>) dst(%arg9 : memref<8x128xi32, #tpu.memory_space<vmem>>)
      %dma_wait3A_252 = arith.constant 4 : i32
      %dma_wait3A_253 = arith.constant 0 : i32
      %dma_wait3A_254 = tpu.memref_slice %arg8[%dma_wait3A_252, %dma_wait3A_253] : memref<8x128xi32, #tpu.memory_space<vmem>> -> memref<1x128xi32, #tpu.memory_space<vmem>>
      %dma_wait3A_255 = tpu.memref_squeeze %dma_wait3A_254 : memref<1x128xi32, #tpu.memory_space<vmem>> -> memref<128xi32, #tpu.memory_space<vmem>>
      %dma_wait3A_256 = arith.constant 0 : i32
      %dma_wait3A_257 = arith.constant 0 : i32
      %dma_wait3A_258 = tpu.memref_slice %arg14[%dma_wait3A_256, %dma_wait3A_257] : memref<10016x64xf32, #tpu.memory_space<vmem_shared>> -> memref<10016x64xf32, #tpu.memory_space<vmem_shared>>
      tpu.wait_indirect_dma semaphore(%arg19 : memref<!tpu.dma_semaphore, #tpu.memory_space<semaphore_mem>>) src(%arg10 : memref<128x64xf32, #tpu.memory_space<vmem>>) dst(%dma_wait3A_258 : memref<10016x64xf32, #tpu.memory_space<vmem_shared>>)
      %dma_start3A_259 = arith.constant 0 : i32
      %dma_start3A_260 = arith.constant 0 : i32
      %dma_start3A_261 = tpu.memref_slice %arg7[%dma_start3A_259, %dma_start3A_260] : memref<8x128xi32, #tpu.memory_space<vmem>> -> memref<1x128xi32, #tpu.memory_space<vmem>>
      %dma_start3A_262 = tpu.memref_squeeze %dma_start3A_261 : memref<1x128xi32, #tpu.memory_space<vmem>> -> memref<128xi32, #tpu.memory_space<vmem>>
      %dma_start3A_263 = arith.constant 0 : i32
      %dma_start3A_264 = arith.constant 0 : i32
      %dma_start3A_265 = tpu.memref_slice %arg2[%dma_start3A_263, %dma_start3A_264] : memref<10000x64xf32, #tpu.memory_space<hbm>> -> memref<10000x64xf32, #tpu.memory_space<hbm>>
      tpu.enqueue_indirect_dma source(%dma_start3A_265 : memref<10000x64xf32, #tpu.memory_space<hbm>>) target(%arg10 : memref<128x64xf32, #tpu.memory_space<vmem>>) offsets(%dma_start3A_262 : memref<128xi32, #tpu.memory_space<vmem>>) semaphore(%arg15 : memref<!tpu.dma_semaphore, #tpu.memory_space<semaphore_mem>>)
      %dma_wait3A_266 = arith.constant 7 : i32
      %dma_wait3A_267 = arith.constant 0 : i32
      %dma_wait3A_268 = tpu.memref_slice %arg6[%dma_wait3A_266, %dma_wait3A_267] : memref<8x128xi32, #tpu.memory_space<vmem>> -> memref<1x128xi32, #tpu.memory_space<vmem>>
      %dma_wait3A_269 = tpu.memref_squeeze %dma_wait3A_268 : memref<1x128xi32, #tpu.memory_space<vmem>> -> memref<128xi32, #tpu.memory_space<vmem>>
      %dma_wait3A_270 = arith.constant 0 : i32
      %dma_wait3A_271 = arith.constant 0 : i32
      %dma_wait3A_272 = tpu.memref_slice %arg2[%dma_wait3A_270, %dma_wait3A_271] : memref<10000x64xf32, #tpu.memory_space<hbm>> -> memref<10000x64xf32, #tpu.memory_space<hbm>>
      tpu.wait_indirect_dma semaphore(%arg18 : memref<!tpu.dma_semaphore, #tpu.memory_space<semaphore_mem>>) src(%dma_wait3A_272 : memref<10000x64xf32, #tpu.memory_space<hbm>>) dst(%arg13 : memref<128x64xf32, #tpu.memory_space<vmem>>)
      %dma_start3A_273 = arith.constant 7 : i32
      %dma_start3A_274 = arith.constant 0 : i32
      %dma_start3A_275 = tpu.memref_slice %arg8[%dma_start3A_273, %dma_start3A_274] : memref<8x128xi32, #tpu.memory_space<vmem>> -> memref<1x128xi32, #tpu.memory_space<vmem>>
      %dma_start3A_276 = tpu.memref_squeeze %dma_start3A_275 : memref<1x128xi32, #tpu.memory_space<vmem>> -> memref<128xi32, #tpu.memory_space<vmem>>
      %dma_start3A_277 = arith.constant 0 : i32
      %dma_start3A_278 = arith.constant 0 : i32
      %dma_start3A_279 = tpu.memref_slice %arg14[%dma_start3A_277, %dma_start3A_278] : memref<10016x64xf32, #tpu.memory_space<vmem_shared>> -> memref<10016x64xf32, #tpu.memory_space<vmem_shared>>
      tpu.enqueue_indirect_dma source(%arg13 : memref<128x64xf32, #tpu.memory_space<vmem>>) target(%dma_start3A_279 : memref<10016x64xf32, #tpu.memory_space<vmem_shared>>) offsets(%dma_start3A_276 : memref<128xi32, #tpu.memory_space<vmem>>) semaphore(%arg22 : memref<!tpu.dma_semaphore, #tpu.memory_space<semaphore_mem>>) {add = true}
      %dma_wait3A_280 = arith.constant 5 : i32
      %dma_wait3A_281 = arith.constant 0 : i32
      %dma_wait3A_282 = tpu.memref_slice %arg8[%dma_wait3A_280, %dma_wait3A_281] : memref<8x128xi32, #tpu.memory_space<vmem>> -> memref<1x128xi32, #tpu.memory_space<vmem>>
      %dma_wait3A_283 = tpu.memref_squeeze %dma_wait3A_282 : memref<1x128xi32, #tpu.memory_space<vmem>> -> memref<128xi32, #tpu.memory_space<vmem>>
      %dma_wait3A_284 = arith.constant 0 : i32
      %dma_wait3A_285 = arith.constant 0 : i32
      %dma_wait3A_286 = tpu.memref_slice %arg14[%dma_wait3A_284, %dma_wait3A_285] : memref<10016x64xf32, #tpu.memory_space<vmem_shared>> -> memref<10016x64xf32, #tpu.memory_space<vmem_shared>>
      tpu.wait_indirect_dma semaphore(%arg20 : memref<!tpu.dma_semaphore, #tpu.memory_space<semaphore_mem>>) src(%arg11 : memref<128x64xf32, #tpu.memory_space<vmem>>) dst(%dma_wait3A_286 : memref<10016x64xf32, #tpu.memory_space<vmem_shared>>)
      %dma_start3A_287 = arith.constant 1 : i32
      %dma_start3A_288 = arith.constant 0 : i32
      %dma_start3A_289 = tpu.memref_slice %arg7[%dma_start3A_287, %dma_start3A_288] : memref<8x128xi32, #tpu.memory_space<vmem>> -> memref<1x128xi32, #tpu.memory_space<vmem>>
      %dma_start3A_290 = tpu.memref_squeeze %dma_start3A_289 : memref<1x128xi32, #tpu.memory_space<vmem>> -> memref<128xi32, #tpu.memory_space<vmem>>
      %dma_start3A_291 = arith.constant 0 : i32
      %dma_start3A_292 = arith.constant 0 : i32
      %dma_start3A_293 = tpu.memref_slice %arg2[%dma_start3A_291, %dma_start3A_292] : memref<10000x64xf32, #tpu.memory_space<hbm>> -> memref<10000x64xf32, #tpu.memory_space<hbm>>
      tpu.enqueue_indirect_dma source(%dma_start3A_293 : memref<10000x64xf32, #tpu.memory_space<hbm>>) target(%arg11 : memref<128x64xf32, #tpu.memory_space<vmem>>) offsets(%dma_start3A_290 : memref<128xi32, #tpu.memory_space<vmem>>) semaphore(%arg16 : memref<!tpu.dma_semaphore, #tpu.memory_space<semaphore_mem>>)
      %dma_wait3A_294 = arith.constant 0 : i32
      %dma_wait3A_295 = arith.constant 0 : i32
      %dma_wait3A_296 = tpu.memref_slice %arg7[%dma_wait3A_294, %dma_wait3A_295] : memref<8x128xi32, #tpu.memory_space<vmem>> -> memref<1x128xi32, #tpu.memory_space<vmem>>
      %dma_wait3A_297 = tpu.memref_squeeze %dma_wait3A_296 : memref<1x128xi32, #tpu.memory_space<vmem>> -> memref<128xi32, #tpu.memory_space<vmem>>
      %dma_wait3A_298 = arith.constant 0 : i32
      %dma_wait3A_299 = arith.constant 0 : i32
      %dma_wait3A_300 = tpu.memref_slice %arg2[%dma_wait3A_298, %dma_wait3A_299] : memref<10000x64xf32, #tpu.memory_space<hbm>> -> memref<10000x64xf32, #tpu.memory_space<hbm>>
      tpu.wait_indirect_dma semaphore(%arg15 : memref<!tpu.dma_semaphore, #tpu.memory_space<semaphore_mem>>) src(%dma_wait3A_300 : memref<10000x64xf32, #tpu.memory_space<hbm>>) dst(%arg10 : memref<128x64xf32, #tpu.memory_space<vmem>>)
      %dma_start3A_301 = arith.constant 0 : i32
      %dma_start3A_302 = arith.constant 0 : i32
      %dma_start3A_303 = tpu.memref_slice %arg9[%dma_start3A_301, %dma_start3A_302] : memref<8x128xi32, #tpu.memory_space<vmem>> -> memref<1x128xi32, #tpu.memory_space<vmem>>
      %dma_start3A_304 = tpu.memref_squeeze %dma_start3A_303 : memref<1x128xi32, #tpu.memory_space<vmem>> -> memref<128xi32, #tpu.memory_space<vmem>>
      %dma_start3A_305 = arith.constant 0 : i32
      %dma_start3A_306 = arith.constant 0 : i32
      %dma_start3A_307 = tpu.memref_slice %arg14[%dma_start3A_305, %dma_start3A_306] : memref<10016x64xf32, #tpu.memory_space<vmem_shared>> -> memref<10016x64xf32, #tpu.memory_space<vmem_shared>>
      tpu.enqueue_indirect_dma source(%arg10 : memref<128x64xf32, #tpu.memory_space<vmem>>) target(%dma_start3A_307 : memref<10016x64xf32, #tpu.memory_space<vmem_shared>>) offsets(%dma_start3A_304 : memref<128xi32, #tpu.memory_space<vmem>>) semaphore(%arg19 : memref<!tpu.dma_semaphore, #tpu.memory_space<semaphore_mem>>) {add = true}
      %dma_wait3A_308 = arith.constant 6 : i32
      %dma_wait3A_309 = arith.constant 0 : i32
      %dma_wait3A_310 = tpu.memref_slice %arg8[%dma_wait3A_308, %dma_wait3A_309] : memref<8x128xi32, #tpu.memory_space<vmem>> -> memref<1x128xi32, #tpu.memory_space<vmem>>
      %dma_wait3A_311 = tpu.memref_squeeze %dma_wait3A_310 : memref<1x128xi32, #tpu.memory_space<vmem>> -> memref<128xi32, #tpu.memory_space<vmem>>
      %dma_wait3A_312 = arith.constant 0 : i32
      %dma_wait3A_313 = arith.constant 0 : i32
      %dma_wait3A_314 = tpu.memref_slice %arg14[%dma_wait3A_312, %dma_wait3A_313] : memref<10016x64xf32, #tpu.memory_space<vmem_shared>> -> memref<10016x64xf32, #tpu.memory_space<vmem_shared>>
      tpu.wait_indirect_dma semaphore(%arg21 : memref<!tpu.dma_semaphore, #tpu.memory_space<semaphore_mem>>) src(%arg12 : memref<128x64xf32, #tpu.memory_space<vmem>>) dst(%dma_wait3A_314 : memref<10016x64xf32, #tpu.memory_space<vmem_shared>>)
      %dma_start3A_315 = arith.constant 2 : i32
      %dma_start3A_316 = arith.constant 0 : i32
      %dma_start3A_317 = tpu.memref_slice %arg7[%dma_start3A_315, %dma_start3A_316] : memref<8x128xi32, #tpu.memory_space<vmem>> -> memref<1x128xi32, #tpu.memory_space<vmem>>
      %dma_start3A_318 = tpu.memref_squeeze %dma_start3A_317 : memref<1x128xi32, #tpu.memory_space<vmem>> -> memref<128xi32, #tpu.memory_space<vmem>>
      %dma_start3A_319 = arith.constant 0 : i32
      %dma_start3A_320 = arith.constant 0 : i32
      %dma_start3A_321 = tpu.memref_slice %arg2[%dma_start3A_319, %dma_start3A_320] : memref<10000x64xf32, #tpu.memory_space<hbm>> -> memref<10000x64xf32, #tpu.memory_space<hbm>>
      tpu.enqueue_indirect_dma source(%dma_start3A_321 : memref<10000x64xf32, #tpu.memory_space<hbm>>) target(%arg12 : memref<128x64xf32, #tpu.memory_space<vmem>>) offsets(%dma_start3A_318 : memref<128xi32, #tpu.memory_space<vmem>>) semaphore(%arg17 : memref<!tpu.dma_semaphore, #tpu.memory_space<semaphore_mem>>)
      %dma_wait3A_322 = arith.constant 1 : i32
      %dma_wait3A_323 = arith.constant 0 : i32
      %dma_wait3A_324 = tpu.memref_slice %arg7[%dma_wait3A_322, %dma_wait3A_323] : memref<8x128xi32, #tpu.memory_space<vmem>> -> memref<1x128xi32, #tpu.memory_space<vmem>>
      %dma_wait3A_325 = tpu.memref_squeeze %dma_wait3A_324 : memref<1x128xi32, #tpu.memory_space<vmem>> -> memref<128xi32, #tpu.memory_space<vmem>>
      %dma_wait3A_326 = arith.constant 0 : i32
      %dma_wait3A_327 = arith.constant 0 : i32
      %dma_wait3A_328 = tpu.memref_slice %arg2[%dma_wait3A_326, %dma_wait3A_327] : memref<10000x64xf32, #tpu.memory_space<hbm>> -> memref<10000x64xf32, #tpu.memory_space<hbm>>
      tpu.wait_indirect_dma semaphore(%arg16 : memref<!tpu.dma_semaphore, #tpu.memory_space<semaphore_mem>>) src(%dma_wait3A_328 : memref<10000x64xf32, #tpu.memory_space<hbm>>) dst(%arg11 : memref<128x64xf32, #tpu.memory_space<vmem>>)
      %dma_start3A_329 = arith.constant 1 : i32
      %dma_start3A_330 = arith.constant 0 : i32
      %dma_start3A_331 = tpu.memref_slice %arg9[%dma_start3A_329, %dma_start3A_330] : memref<8x128xi32, #tpu.memory_space<vmem>> -> memref<1x128xi32, #tpu.memory_space<vmem>>
      %dma_start3A_332 = tpu.memref_squeeze %dma_start3A_331 : memref<1x128xi32, #tpu.memory_space<vmem>> -> memref<128xi32, #tpu.memory_space<vmem>>
      %dma_start3A_333 = arith.constant 0 : i32
      %dma_start3A_334 = arith.constant 0 : i32
      %dma_start3A_335 = tpu.memref_slice %arg14[%dma_start3A_333, %dma_start3A_334] : memref<10016x64xf32, #tpu.memory_space<vmem_shared>> -> memref<10016x64xf32, #tpu.memory_space<vmem_shared>>
      tpu.enqueue_indirect_dma source(%arg11 : memref<128x64xf32, #tpu.memory_space<vmem>>) target(%dma_start3A_335 : memref<10016x64xf32, #tpu.memory_space<vmem_shared>>) offsets(%dma_start3A_332 : memref<128xi32, #tpu.memory_space<vmem>>) semaphore(%arg20 : memref<!tpu.dma_semaphore, #tpu.memory_space<semaphore_mem>>) {add = true}
      %dma_wait3A_336 = arith.constant 7 : i32
      %dma_wait3A_337 = arith.constant 0 : i32
      %dma_wait3A_338 = tpu.memref_slice %arg8[%dma_wait3A_336, %dma_wait3A_337] : memref<8x128xi32, #tpu.memory_space<vmem>> -> memref<1x128xi32, #tpu.memory_space<vmem>>
      %dma_wait3A_339 = tpu.memref_squeeze %dma_wait3A_338 : memref<1x128xi32, #tpu.memory_space<vmem>> -> memref<128xi32, #tpu.memory_space<vmem>>
      %dma_wait3A_340 = arith.constant 0 : i32
      %dma_wait3A_341 = arith.constant 0 : i32
      %dma_wait3A_342 = tpu.memref_slice %arg14[%dma_wait3A_340, %dma_wait3A_341] : memref<10016x64xf32, #tpu.memory_space<vmem_shared>> -> memref<10016x64xf32, #tpu.memory_space<vmem_shared>>
      tpu.wait_indirect_dma semaphore(%arg22 : memref<!tpu.dma_semaphore, #tpu.memory_space<semaphore_mem>>) src(%arg13 : memref<128x64xf32, #tpu.memory_space<vmem>>) dst(%dma_wait3A_342 : memref<10016x64xf32, #tpu.memory_space<vmem_shared>>)
      %dma_start3A_343 = arith.constant 3 : i32
      %dma_start3A_344 = arith.constant 0 : i32
      %dma_start3A_345 = tpu.memref_slice %arg7[%dma_start3A_343, %dma_start3A_344] : memref<8x128xi32, #tpu.memory_space<vmem>> -> memref<1x128xi32, #tpu.memory_space<vmem>>
      %dma_start3A_346 = tpu.memref_squeeze %dma_start3A_345 : memref<1x128xi32, #tpu.memory_space<vmem>> -> memref<128xi32, #tpu.memory_space<vmem>>
      %dma_start3A_347 = arith.constant 0 : i32
      %dma_start3A_348 = arith.constant 0 : i32
      %dma_start3A_349 = tpu.memref_slice %arg2[%dma_start3A_347, %dma_start3A_348] : memref<10000x64xf32, #tpu.memory_space<hbm>> -> memref<10000x64xf32, #tpu.memory_space<hbm>>
      tpu.enqueue_indirect_dma source(%dma_start3A_349 : memref<10000x64xf32, #tpu.memory_space<hbm>>) target(%arg13 : memref<128x64xf32, #tpu.memory_space<vmem>>) offsets(%dma_start3A_346 : memref<128xi32, #tpu.memory_space<vmem>>) semaphore(%arg18 : memref<!tpu.dma_semaphore, #tpu.memory_space<semaphore_mem>>)
      %dma_wait3A_350 = arith.constant 2 : i32
      %dma_wait3A_351 = arith.constant 0 : i32
      %dma_wait3A_352 = tpu.memref_slice %arg7[%dma_wait3A_350, %dma_wait3A_351] : memref<8x128xi32, #tpu.memory_space<vmem>> -> memref<1x128xi32, #tpu.memory_space<vmem>>
      %dma_wait3A_353 = tpu.memref_squeeze %dma_wait3A_352 : memref<1x128xi32, #tpu.memory_space<vmem>> -> memref<128xi32, #tpu.memory_space<vmem>>
      %dma_wait3A_354 = arith.constant 0 : i32
      %dma_wait3A_355 = arith.constant 0 : i32
      %dma_wait3A_356 = tpu.memref_slice %arg2[%dma_wait3A_354, %dma_wait3A_355] : memref<10000x64xf32, #tpu.memory_space<hbm>> -> memref<10000x64xf32, #tpu.memory_space<hbm>>
      tpu.wait_indirect_dma semaphore(%arg17 : memref<!tpu.dma_semaphore, #tpu.memory_space<semaphore_mem>>) src(%dma_wait3A_356 : memref<10000x64xf32, #tpu.memory_space<hbm>>) dst(%arg12 : memref<128x64xf32, #tpu.memory_space<vmem>>)
      %dma_start3A_357 = arith.constant 2 : i32
      %dma_start3A_358 = arith.constant 0 : i32
      %dma_start3A_359 = tpu.memref_slice %arg9[%dma_start3A_357, %dma_start3A_358] : memref<8x128xi32, #tpu.memory_space<vmem>> -> memref<1x128xi32, #tpu.memory_space<vmem>>
      %dma_start3A_360 = tpu.memref_squeeze %dma_start3A_359 : memref<1x128xi32, #tpu.memory_space<vmem>> -> memref<128xi32, #tpu.memory_space<vmem>>
      %dma_start3A_361 = arith.constant 0 : i32
      %dma_start3A_362 = arith.constant 0 : i32
      %dma_start3A_363 = tpu.memref_slice %arg14[%dma_start3A_361, %dma_start3A_362] : memref<10016x64xf32, #tpu.memory_space<vmem_shared>> -> memref<10016x64xf32, #tpu.memory_space<vmem_shared>>
      tpu.enqueue_indirect_dma source(%arg12 : memref<128x64xf32, #tpu.memory_space<vmem>>) target(%dma_start3A_363 : memref<10016x64xf32, #tpu.memory_space<vmem_shared>>) offsets(%dma_start3A_360 : memref<128xi32, #tpu.memory_space<vmem>>) semaphore(%arg21 : memref<!tpu.dma_semaphore, #tpu.memory_space<semaphore_mem>>) {add = true}
      %dma_wait3A_364 = arith.constant 0 : i32
      %dma_wait3A_365 = arith.constant 0 : i32
      %dma_wait3A_366 = tpu.memref_slice %arg9[%dma_wait3A_364, %dma_wait3A_365] : memref<8x128xi32, #tpu.memory_space<vmem>> -> memref<1x128xi32, #tpu.memory_space<vmem>>
      %dma_wait3A_367 = tpu.memref_squeeze %dma_wait3A_366 : memref<1x128xi32, #tpu.memory_space<vmem>> -> memref<128xi32, #tpu.memory_space<vmem>>
      %dma_wait3A_368 = arith.constant 0 : i32
      %dma_wait3A_369 = arith.constant 0 : i32
      %dma_wait3A_370 = tpu.memref_slice %arg14[%dma_wait3A_368, %dma_wait3A_369] : memref<10016x64xf32, #tpu.memory_space<vmem_shared>> -> memref<10016x64xf32, #tpu.memory_space<vmem_shared>>
      tpu.wait_indirect_dma semaphore(%arg19 : memref<!tpu.dma_semaphore, #tpu.memory_space<semaphore_mem>>) src(%arg10 : memref<128x64xf32, #tpu.memory_space<vmem>>) dst(%dma_wait3A_370 : memref<10016x64xf32, #tpu.memory_space<vmem_shared>>)
      %dma_start3A_371 = arith.constant 4 : i32
      %dma_start3A_372 = arith.constant 0 : i32
      %dma_start3A_373 = tpu.memref_slice %arg7[%dma_start3A_371, %dma_start3A_372] : memref<8x128xi32, #tpu.memory_space<vmem>> -> memref<1x128xi32, #tpu.memory_space<vmem>>
      %dma_start3A_374 = tpu.memref_squeeze %dma_start3A_373 : memref<1x128xi32, #tpu.memory_space<vmem>> -> memref<128xi32, #tpu.memory_space<vmem>>
      %dma_start3A_375 = arith.constant 0 : i32
      %dma_start3A_376 = arith.constant 0 : i32
      %dma_start3A_377 = tpu.memref_slice %arg2[%dma_start3A_375, %dma_start3A_376] : memref<10000x64xf32, #tpu.memory_space<hbm>> -> memref<10000x64xf32, #tpu.memory_space<hbm>>
      tpu.enqueue_indirect_dma source(%dma_start3A_377 : memref<10000x64xf32, #tpu.memory_space<hbm>>) target(%arg10 : memref<128x64xf32, #tpu.memory_space<vmem>>) offsets(%dma_start3A_374 : memref<128xi32, #tpu.memory_space<vmem>>) semaphore(%arg15 : memref<!tpu.dma_semaphore, #tpu.memory_space<semaphore_mem>>)
      %dma_wait3A_378 = arith.constant 3 : i32
      %dma_wait3A_379 = arith.constant 0 : i32
      %dma_wait3A_380 = tpu.memref_slice %arg7[%dma_wait3A_378, %dma_wait3A_379] : memref<8x128xi32, #tpu.memory_space<vmem>> -> memref<1x128xi32, #tpu.memory_space<vmem>>
      %dma_wait3A_381 = tpu.memref_squeeze %dma_wait3A_380 : memref<1x128xi32, #tpu.memory_space<vmem>> -> memref<128xi32, #tpu.memory_space<vmem>>
      %dma_wait3A_382 = arith.constant 0 : i32
      %dma_wait3A_383 = arith.constant 0 : i32
      %dma_wait3A_384 = tpu.memref_slice %arg2[%dma_wait3A_382, %dma_wait3A_383] : memref<10000x64xf32, #tpu.memory_space<hbm>> -> memref<10000x64xf32, #tpu.memory_space<hbm>>
      tpu.wait_indirect_dma semaphore(%arg18 : memref<!tpu.dma_semaphore, #tpu.memory_space<semaphore_mem>>) src(%dma_wait3A_384 : memref<10000x64xf32, #tpu.memory_space<hbm>>) dst(%arg13 : memref<128x64xf32, #tpu.memory_space<vmem>>)
      %dma_start3A_385 = arith.constant 3 : i32
      %dma_start3A_386 = arith.constant 0 : i32
      %dma_start3A_387 = tpu.memref_slice %arg9[%dma_start3A_385, %dma_start3A_386] : memref<8x128xi32, #tpu.memory_space<vmem>> -> memref<1x128xi32, #tpu.memory_space<vmem>>
      %dma_start3A_388 = tpu.memref_squeeze %dma_start3A_387 : memref<1x128xi32, #tpu.memory_space<vmem>> -> memref<128xi32, #tpu.memory_space<vmem>>
      %dma_start3A_389 = arith.constant 0 : i32
      %dma_start3A_390 = arith.constant 0 : i32
      %dma_start3A_391 = tpu.memref_slice %arg14[%dma_start3A_389, %dma_start3A_390] : memref<10016x64xf32, #tpu.memory_space<vmem_shared>> -> memref<10016x64xf32, #tpu.memory_space<vmem_shared>>
      tpu.enqueue_indirect_dma source(%arg13 : memref<128x64xf32, #tpu.memory_space<vmem>>) target(%dma_start3A_391 : memref<10016x64xf32, #tpu.memory_space<vmem_shared>>) offsets(%dma_start3A_388 : memref<128xi32, #tpu.memory_space<vmem>>) semaphore(%arg22 : memref<!tpu.dma_semaphore, #tpu.memory_space<semaphore_mem>>) {add = true}
      %dma_wait3A_392 = arith.constant 1 : i32
      %dma_wait3A_393 = arith.constant 0 : i32
      %dma_wait3A_394 = tpu.memref_slice %arg9[%dma_wait3A_392, %dma_wait3A_393] : memref<8x128xi32, #tpu.memory_space<vmem>> -> memref<1x128xi32, #tpu.memory_space<vmem>>
      %dma_wait3A_395 = tpu.memref_squeeze %dma_wait3A_394 : memref<1x128xi32, #tpu.memory_space<vmem>> -> memref<128xi32, #tpu.memory_space<vmem>>
      %dma_wait3A_396 = arith.constant 0 : i32
      %dma_wait3A_397 = arith.constant 0 : i32
      %dma_wait3A_398 = tpu.memref_slice %arg14[%dma_wait3A_396, %dma_wait3A_397] : memref<10016x64xf32, #tpu.memory_space<vmem_shared>> -> memref<10016x64xf32, #tpu.memory_space<vmem_shared>>
      tpu.wait_indirect_dma semaphore(%arg20 : memref<!tpu.dma_semaphore, #tpu.memory_space<semaphore_mem>>) src(%arg11 : memref<128x64xf32, #tpu.memory_space<vmem>>) dst(%dma_wait3A_398 : memref<10016x64xf32, #tpu.memory_space<vmem_shared>>)
      %dma_start3A_399 = arith.constant 5 : i32
      %dma_start3A_400 = arith.constant 0 : i32
      %dma_start3A_401 = tpu.memref_slice %arg7[%dma_start3A_399, %dma_start3A_400] : memref<8x128xi32, #tpu.memory_space<vmem>> -> memref<1x128xi32, #tpu.memory_space<vmem>>
      %dma_start3A_402 = tpu.memref_squeeze %dma_start3A_401 : memref<1x128xi32, #tpu.memory_space<vmem>> -> memref<128xi32, #tpu.memory_space<vmem>>
      %dma_start3A_403 = arith.constant 0 : i32
      %dma_start3A_404 = arith.constant 0 : i32
      %dma_start3A_405 = tpu.memref_slice %arg2[%dma_start3A_403, %dma_start3A_404] : memref<10000x64xf32, #tpu.memory_space<hbm>> -> memref<10000x64xf32, #tpu.memory_space<hbm>>
      tpu.enqueue_indirect_dma source(%dma_start3A_405 : memref<10000x64xf32, #tpu.memory_space<hbm>>) target(%arg11 : memref<128x64xf32, #tpu.memory_space<vmem>>) offsets(%dma_start3A_402 : memref<128xi32, #tpu.memory_space<vmem>>) semaphore(%arg16 : memref<!tpu.dma_semaphore, #tpu.memory_space<semaphore_mem>>)
      %dma_wait3A_406 = arith.constant 4 : i32
      %dma_wait3A_407 = arith.constant 0 : i32
      %dma_wait3A_408 = tpu.memref_slice %arg7[%dma_wait3A_406, %dma_wait3A_407] : memref<8x128xi32, #tpu.memory_space<vmem>> -> memref<1x128xi32, #tpu.memory_space<vmem>>
      %dma_wait3A_409 = tpu.memref_squeeze %dma_wait3A_408 : memref<1x128xi32, #tpu.memory_space<vmem>> -> memref<128xi32, #tpu.memory_space<vmem>>
      %dma_wait3A_410 = arith.constant 0 : i32
      %dma_wait3A_411 = arith.constant 0 : i32
      %dma_wait3A_412 = tpu.memref_slice %arg2[%dma_wait3A_410, %dma_wait3A_411] : memref<10000x64xf32, #tpu.memory_space<hbm>> -> memref<10000x64xf32, #tpu.memory_space<hbm>>
      tpu.wait_indirect_dma semaphore(%arg15 : memref<!tpu.dma_semaphore, #tpu.memory_space<semaphore_mem>>) src(%dma_wait3A_412 : memref<10000x64xf32, #tpu.memory_space<hbm>>) dst(%arg10 : memref<128x64xf32, #tpu.memory_space<vmem>>)
      %dma_start3A_413 = arith.constant 4 : i32
      %dma_start3A_414 = arith.constant 0 : i32
      %dma_start3A_415 = tpu.memref_slice %arg9[%dma_start3A_413, %dma_start3A_414] : memref<8x128xi32, #tpu.memory_space<vmem>> -> memref<1x128xi32, #tpu.memory_space<vmem>>
      %dma_start3A_416 = tpu.memref_squeeze %dma_start3A_415 : memref<1x128xi32, #tpu.memory_space<vmem>> -> memref<128xi32, #tpu.memory_space<vmem>>
      %dma_start3A_417 = arith.constant 0 : i32
      %dma_start3A_418 = arith.constant 0 : i32
      %dma_start3A_419 = tpu.memref_slice %arg14[%dma_start3A_417, %dma_start3A_418] : memref<10016x64xf32, #tpu.memory_space<vmem_shared>> -> memref<10016x64xf32, #tpu.memory_space<vmem_shared>>
      tpu.enqueue_indirect_dma source(%arg10 : memref<128x64xf32, #tpu.memory_space<vmem>>) target(%dma_start3A_419 : memref<10016x64xf32, #tpu.memory_space<vmem_shared>>) offsets(%dma_start3A_416 : memref<128xi32, #tpu.memory_space<vmem>>) semaphore(%arg19 : memref<!tpu.dma_semaphore, #tpu.memory_space<semaphore_mem>>) {add = true}
      %dma_wait3A_420 = arith.constant 2 : i32
      %dma_wait3A_421 = arith.constant 0 : i32
      %dma_wait3A_422 = tpu.memref_slice %arg9[%dma_wait3A_420, %dma_wait3A_421] : memref<8x128xi32, #tpu.memory_space<vmem>> -> memref<1x128xi32, #tpu.memory_space<vmem>>
      %dma_wait3A_423 = tpu.memref_squeeze %dma_wait3A_422 : memref<1x128xi32, #tpu.memory_space<vmem>> -> memref<128xi32, #tpu.memory_space<vmem>>
      %dma_wait3A_424 = arith.constant 0 : i32
      %dma_wait3A_425 = arith.constant 0 : i32
      %dma_wait3A_426 = tpu.memref_slice %arg14[%dma_wait3A_424, %dma_wait3A_425] : memref<10016x64xf32, #tpu.memory_space<vmem_shared>> -> memref<10016x64xf32, #tpu.memory_space<vmem_shared>>
      tpu.wait_indirect_dma semaphore(%arg21 : memref<!tpu.dma_semaphore, #tpu.memory_space<semaphore_mem>>) src(%arg12 : memref<128x64xf32, #tpu.memory_space<vmem>>) dst(%dma_wait3A_426 : memref<10016x64xf32, #tpu.memory_space<vmem_shared>>)
      %dma_start3A_427 = arith.constant 6 : i32
      %dma_start3A_428 = arith.constant 0 : i32
      %dma_start3A_429 = tpu.memref_slice %arg7[%dma_start3A_427, %dma_start3A_428] : memref<8x128xi32, #tpu.memory_space<vmem>> -> memref<1x128xi32, #tpu.memory_space<vmem>>
      %dma_start3A_430 = tpu.memref_squeeze %dma_start3A_429 : memref<1x128xi32, #tpu.memory_space<vmem>> -> memref<128xi32, #tpu.memory_space<vmem>>
      %dma_start3A_431 = arith.constant 0 : i32
      %dma_start3A_432 = arith.constant 0 : i32
      %dma_start3A_433 = tpu.memref_slice %arg2[%dma_start3A_431, %dma_start3A_432] : memref<10000x64xf32, #tpu.memory_space<hbm>> -> memref<10000x64xf32, #tpu.memory_space<hbm>>
      tpu.enqueue_indirect_dma source(%dma_start3A_433 : memref<10000x64xf32, #tpu.memory_space<hbm>>) target(%arg12 : memref<128x64xf32, #tpu.memory_space<vmem>>) offsets(%dma_start3A_430 : memref<128xi32, #tpu.memory_space<vmem>>) semaphore(%arg17 : memref<!tpu.dma_semaphore, #tpu.memory_space<semaphore_mem>>)
      %dma_wait3A_434 = arith.constant 5 : i32
      %dma_wait3A_435 = arith.constant 0 : i32
      %dma_wait3A_436 = tpu.memref_slice %arg7[%dma_wait3A_434, %dma_wait3A_435] : memref<8x128xi32, #tpu.memory_space<vmem>> -> memref<1x128xi32, #tpu.memory_space<vmem>>
      %dma_wait3A_437 = tpu.memref_squeeze %dma_wait3A_436 : memref<1x128xi32, #tpu.memory_space<vmem>> -> memref<128xi32, #tpu.memory_space<vmem>>
      %dma_wait3A_438 = arith.constant 0 : i32
      %dma_wait3A_439 = arith.constant 0 : i32
      %dma_wait3A_440 = tpu.memref_slice %arg2[%dma_wait3A_438, %dma_wait3A_439] : memref<10000x64xf32, #tpu.memory_space<hbm>> -> memref<10000x64xf32, #tpu.memory_space<hbm>>
      tpu.wait_indirect_dma semaphore(%arg16 : memref<!tpu.dma_semaphore, #tpu.memory_space<semaphore_mem>>) src(%dma_wait3A_440 : memref<10000x64xf32, #tpu.memory_space<hbm>>) dst(%arg11 : memref<128x64xf32, #tpu.memory_space<vmem>>)
      %dma_start3A_441 = arith.constant 5 : i32
      %dma_start3A_442 = arith.constant 0 : i32
      %dma_start3A_443 = tpu.memref_slice %arg9[%dma_start3A_441, %dma_start3A_442] : memref<8x128xi32, #tpu.memory_space<vmem>> -> memref<1x128xi32, #tpu.memory_space<vmem>>
      %dma_start3A_444 = tpu.memref_squeeze %dma_start3A_443 : memref<1x128xi32, #tpu.memory_space<vmem>> -> memref<128xi32, #tpu.memory_space<vmem>>
      %dma_start3A_445 = arith.constant 0 : i32
      %dma_start3A_446 = arith.constant 0 : i32
      %dma_start3A_447 = tpu.memref_slice %arg14[%dma_start3A_445, %dma_start3A_446] : memref<10016x64xf32, #tpu.memory_space<vmem_shared>> -> memref<10016x64xf32, #tpu.memory_space<vmem_shared>>
      tpu.enqueue_indirect_dma source(%arg11 : memref<128x64xf32, #tpu.memory_space<vmem>>) target(%dma_start3A_447 : memref<10016x64xf32, #tpu.memory_space<vmem_shared>>) offsets(%dma_start3A_444 : memref<128xi32, #tpu.memory_space<vmem>>) semaphore(%arg20 : memref<!tpu.dma_semaphore, #tpu.memory_space<semaphore_mem>>) {add = true}
      %dma_wait3A_448 = arith.constant 3 : i32
      %dma_wait3A_449 = arith.constant 0 : i32
      %dma_wait3A_450 = tpu.memref_slice %arg9[%dma_wait3A_448, %dma_wait3A_449] : memref<8x128xi32, #tpu.memory_space<vmem>> -> memref<1x128xi32, #tpu.memory_space<vmem>>
      %dma_wait3A_451 = tpu.memref_squeeze %dma_wait3A_450 : memref<1x128xi32, #tpu.memory_space<vmem>> -> memref<128xi32, #tpu.memory_space<vmem>>
      %dma_wait3A_452 = arith.constant 0 : i32
      %dma_wait3A_453 = arith.constant 0 : i32
      %dma_wait3A_454 = tpu.memref_slice %arg14[%dma_wait3A_452, %dma_wait3A_453] : memref<10016x64xf32, #tpu.memory_space<vmem_shared>> -> memref<10016x64xf32, #tpu.memory_space<vmem_shared>>
      tpu.wait_indirect_dma semaphore(%arg22 : memref<!tpu.dma_semaphore, #tpu.memory_space<semaphore_mem>>) src(%arg13 : memref<128x64xf32, #tpu.memory_space<vmem>>) dst(%dma_wait3A_454 : memref<10016x64xf32, #tpu.memory_space<vmem_shared>>)
      %dma_start3A_455 = arith.constant 7 : i32
      %dma_start3A_456 = arith.constant 0 : i32
      %dma_start3A_457 = tpu.memref_slice %arg7[%dma_start3A_455, %dma_start3A_456] : memref<8x128xi32, #tpu.memory_space<vmem>> -> memref<1x128xi32, #tpu.memory_space<vmem>>
      %dma_start3A_458 = tpu.memref_squeeze %dma_start3A_457 : memref<1x128xi32, #tpu.memory_space<vmem>> -> memref<128xi32, #tpu.memory_space<vmem>>
      %dma_start3A_459 = arith.constant 0 : i32
      %dma_start3A_460 = arith.constant 0 : i32
      %dma_start3A_461 = tpu.memref_slice %arg2[%dma_start3A_459, %dma_start3A_460] : memref<10000x64xf32, #tpu.memory_space<hbm>> -> memref<10000x64xf32, #tpu.memory_space<hbm>>
      tpu.enqueue_indirect_dma source(%dma_start3A_461 : memref<10000x64xf32, #tpu.memory_space<hbm>>) target(%arg13 : memref<128x64xf32, #tpu.memory_space<vmem>>) offsets(%dma_start3A_458 : memref<128xi32, #tpu.memory_space<vmem>>) semaphore(%arg18 : memref<!tpu.dma_semaphore, #tpu.memory_space<semaphore_mem>>)
      %dma_wait3A_462 = arith.constant 6 : i32
      %dma_wait3A_463 = arith.constant 0 : i32
      %dma_wait3A_464 = tpu.memref_slice %arg7[%dma_wait3A_462, %dma_wait3A_463] : memref<8x128xi32, #tpu.memory_space<vmem>> -> memref<1x128xi32, #tpu.memory_space<vmem>>
      %dma_wait3A_465 = tpu.memref_squeeze %dma_wait3A_464 : memref<1x128xi32, #tpu.memory_space<vmem>> -> memref<128xi32, #tpu.memory_space<vmem>>
      %dma_wait3A_466 = arith.constant 0 : i32
      %dma_wait3A_467 = arith.constant 0 : i32
      %dma_wait3A_468 = tpu.memref_slice %arg2[%dma_wait3A_466, %dma_wait3A_467] : memref<10000x64xf32, #tpu.memory_space<hbm>> -> memref<10000x64xf32, #tpu.memory_space<hbm>>
      tpu.wait_indirect_dma semaphore(%arg17 : memref<!tpu.dma_semaphore, #tpu.memory_space<semaphore_mem>>) src(%dma_wait3A_468 : memref<10000x64xf32, #tpu.memory_space<hbm>>) dst(%arg12 : memref<128x64xf32, #tpu.memory_space<vmem>>)
      %dma_start3A_469 = arith.constant 6 : i32
      %dma_start3A_470 = arith.constant 0 : i32
      %dma_start3A_471 = tpu.memref_slice %arg9[%dma_start3A_469, %dma_start3A_470] : memref<8x128xi32, #tpu.memory_space<vmem>> -> memref<1x128xi32, #tpu.memory_space<vmem>>
      %dma_start3A_472 = tpu.memref_squeeze %dma_start3A_471 : memref<1x128xi32, #tpu.memory_space<vmem>> -> memref<128xi32, #tpu.memory_space<vmem>>
      %dma_start3A_473 = arith.constant 0 : i32
      %dma_start3A_474 = arith.constant 0 : i32
      %dma_start3A_475 = tpu.memref_slice %arg14[%dma_start3A_473, %dma_start3A_474] : memref<10016x64xf32, #tpu.memory_space<vmem_shared>> -> memref<10016x64xf32, #tpu.memory_space<vmem_shared>>
      tpu.enqueue_indirect_dma source(%arg12 : memref<128x64xf32, #tpu.memory_space<vmem>>) target(%dma_start3A_475 : memref<10016x64xf32, #tpu.memory_space<vmem_shared>>) offsets(%dma_start3A_472 : memref<128xi32, #tpu.memory_space<vmem>>) semaphore(%arg21 : memref<!tpu.dma_semaphore, #tpu.memory_space<semaphore_mem>>) {add = true}
      %dma_wait3A_476 = arith.constant 7 : i32
      %dma_wait3A_477 = arith.constant 0 : i32
      %dma_wait3A_478 = tpu.memref_slice %arg7[%dma_wait3A_476, %dma_wait3A_477] : memref<8x128xi32, #tpu.memory_space<vmem>> -> memref<1x128xi32, #tpu.memory_space<vmem>>
      %dma_wait3A_479 = tpu.memref_squeeze %dma_wait3A_478 : memref<1x128xi32, #tpu.memory_space<vmem>> -> memref<128xi32, #tpu.memory_space<vmem>>
      %dma_wait3A_480 = arith.constant 0 : i32
      %dma_wait3A_481 = arith.constant 0 : i32
      %dma_wait3A_482 = tpu.memref_slice %arg2[%dma_wait3A_480, %dma_wait3A_481] : memref<10000x64xf32, #tpu.memory_space<hbm>> -> memref<10000x64xf32, #tpu.memory_space<hbm>>
      tpu.wait_indirect_dma semaphore(%arg18 : memref<!tpu.dma_semaphore, #tpu.memory_space<semaphore_mem>>) src(%dma_wait3A_482 : memref<10000x64xf32, #tpu.memory_space<hbm>>) dst(%arg13 : memref<128x64xf32, #tpu.memory_space<vmem>>)
      %dma_start3A_483 = arith.constant 7 : i32
      %dma_start3A_484 = arith.constant 0 : i32
      %dma_start3A_485 = tpu.memref_slice %arg9[%dma_start3A_483, %dma_start3A_484] : memref<8x128xi32, #tpu.memory_space<vmem>> -> memref<1x128xi32, #tpu.memory_space<vmem>>
      %dma_start3A_486 = tpu.memref_squeeze %dma_start3A_485 : memref<1x128xi32, #tpu.memory_space<vmem>> -> memref<128xi32, #tpu.memory_space<vmem>>
      %dma_start3A_487 = arith.constant 0 : i32
      %dma_start3A_488 = arith.constant 0 : i32
      %dma_start3A_489 = tpu.memref_slice %arg14[%dma_start3A_487, %dma_start3A_488] : memref<10016x64xf32, #tpu.memory_space<vmem_shared>> -> memref<10016x64xf32, #tpu.memory_space<vmem_shared>>
      tpu.enqueue_indirect_dma source(%arg13 : memref<128x64xf32, #tpu.memory_space<vmem>>) target(%dma_start3A_489 : memref<10016x64xf32, #tpu.memory_space<vmem_shared>>) offsets(%dma_start3A_486 : memref<128xi32, #tpu.memory_space<vmem>>) semaphore(%arg22 : memref<!tpu.dma_semaphore, #tpu.memory_space<semaphore_mem>>) {add = true}
      %dma_wait3A_490 = arith.constant 4 : i32
      %dma_wait3A_491 = arith.constant 0 : i32
      %dma_wait3A_492 = tpu.memref_slice %arg9[%dma_wait3A_490, %dma_wait3A_491] : memref<8x128xi32, #tpu.memory_space<vmem>> -> memref<1x128xi32, #tpu.memory_space<vmem>>
      %dma_wait3A_493 = tpu.memref_squeeze %dma_wait3A_492 : memref<1x128xi32, #tpu.memory_space<vmem>> -> memref<128xi32, #tpu.memory_space<vmem>>
      %dma_wait3A_494 = arith.constant 0 : i32
      %dma_wait3A_495 = arith.constant 0 : i32
      %dma_wait3A_496 = tpu.memref_slice %arg14[%dma_wait3A_494, %dma_wait3A_495] : memref<10016x64xf32, #tpu.memory_space<vmem_shared>> -> memref<10016x64xf32, #tpu.memory_space<vmem_shared>>
      tpu.wait_indirect_dma semaphore(%arg19 : memref<!tpu.dma_semaphore, #tpu.memory_space<semaphore_mem>>) src(%arg10 : memref<128x64xf32, #tpu.memory_space<vmem>>) dst(%dma_wait3A_496 : memref<10016x64xf32, #tpu.memory_space<vmem_shared>>)
      %dma_wait3A_497 = arith.constant 5 : i32
      %dma_wait3A_498 = arith.constant 0 : i32
      %dma_wait3A_499 = tpu.memref_slice %arg9[%dma_wait3A_497, %dma_wait3A_498] : memref<8x128xi32, #tpu.memory_space<vmem>> -> memref<1x128xi32, #tpu.memory_space<vmem>>
      %dma_wait3A_500 = tpu.memref_squeeze %dma_wait3A_499 : memref<1x128xi32, #tpu.memory_space<vmem>> -> memref<128xi32, #tpu.memory_space<vmem>>
      %dma_wait3A_501 = arith.constant 0 : i32
      %dma_wait3A_502 = arith.constant 0 : i32
      %dma_wait3A_503 = tpu.memref_slice %arg14[%dma_wait3A_501, %dma_wait3A_502] : memref<10016x64xf32, #tpu.memory_space<vmem_shared>> -> memref<10016x64xf32, #tpu.memory_space<vmem_shared>>
      tpu.wait_indirect_dma semaphore(%arg20 : memref<!tpu.dma_semaphore, #tpu.memory_space<semaphore_mem>>) src(%arg11 : memref<128x64xf32, #tpu.memory_space<vmem>>) dst(%dma_wait3A_503 : memref<10016x64xf32, #tpu.memory_space<vmem_shared>>)
      %dma_wait3A_504 = arith.constant 6 : i32
      %dma_wait3A_505 = arith.constant 0 : i32
      %dma_wait3A_506 = tpu.memref_slice %arg9[%dma_wait3A_504, %dma_wait3A_505] : memref<8x128xi32, #tpu.memory_space<vmem>> -> memref<1x128xi32, #tpu.memory_space<vmem>>
      %dma_wait3A_507 = tpu.memref_squeeze %dma_wait3A_506 : memref<1x128xi32, #tpu.memory_space<vmem>> -> memref<128xi32, #tpu.memory_space<vmem>>
      %dma_wait3A_508 = arith.constant 0 : i32
      %dma_wait3A_509 = arith.constant 0 : i32
      %dma_wait3A_510 = tpu.memref_slice %arg14[%dma_wait3A_508, %dma_wait3A_509] : memref<10016x64xf32, #tpu.memory_space<vmem_shared>> -> memref<10016x64xf32, #tpu.memory_space<vmem_shared>>
      tpu.wait_indirect_dma semaphore(%arg21 : memref<!tpu.dma_semaphore, #tpu.memory_space<semaphore_mem>>) src(%arg12 : memref<128x64xf32, #tpu.memory_space<vmem>>) dst(%dma_wait3A_510 : memref<10016x64xf32, #tpu.memory_space<vmem_shared>>)
      %dma_wait3A_511 = arith.constant 7 : i32
      %dma_wait3A_512 = arith.constant 0 : i32
      %dma_wait3A_513 = tpu.memref_slice %arg9[%dma_wait3A_511, %dma_wait3A_512] : memref<8x128xi32, #tpu.memory_space<vmem>> -> memref<1x128xi32, #tpu.memory_space<vmem>>
      %dma_wait3A_514 = tpu.memref_squeeze %dma_wait3A_513 : memref<1x128xi32, #tpu.memory_space<vmem>> -> memref<128xi32, #tpu.memory_space<vmem>>
      %dma_wait3A_515 = arith.constant 0 : i32
      %dma_wait3A_516 = arith.constant 0 : i32
      %dma_wait3A_517 = tpu.memref_slice %arg14[%dma_wait3A_515, %dma_wait3A_516] : memref<10016x64xf32, #tpu.memory_space<vmem_shared>> -> memref<10016x64xf32, #tpu.memory_space<vmem_shared>>
      tpu.wait_indirect_dma semaphore(%arg22 : memref<!tpu.dma_semaphore, #tpu.memory_space<semaphore_mem>>) src(%arg13 : memref<128x64xf32, #tpu.memory_space<vmem>>) dst(%dma_wait3A_517 : memref<10016x64xf32, #tpu.memory_space<vmem_shared>>)
    }
    %scan3A_28 = arith.constant 5 : i32
    %barrier3A_29 = arith.constant 0 : index
    tpu.barrier barrier_id(%barrier3A_29)
    "tpu.region"() ({
      %run_scoped3A = tpu.sem_alloc : memref<!tpu.dma_semaphore, #tpu.memory_space<semaphore_mem>>
      %dma_start3A = arith.constant 0 : i32
      %dma_start3A_30 = tpu.memref_slice %arg5[%arg0, %mul3A_2, %dma_start3A] : memref<2x10016x64xf32, #tpu.memory_space<hbm>> -> memref<1x626x64xf32, #tpu.memory_space<hbm>>
      %dma_start3A_31 = tpu.memref_squeeze %dma_start3A_30 : memref<1x626x64xf32, #tpu.memory_space<hbm>> -> memref<626x64xf32, #tpu.memory_space<hbm>>
      %dma_start3A_32 = arith.constant 0 : i32
      %dma_start3A_33 = tpu.memref_slice %arg14[%mul3A_2, %dma_start3A_32] : memref<10016x64xf32, #tpu.memory_space<vmem_shared>> -> memref<626x64xf32, #tpu.memory_space<vmem_shared>>
      tpu.enqueue_dma source(%dma_start3A_33 : memref<626x64xf32, #tpu.memory_space<vmem_shared>>) target(%dma_start3A_31 : memref<626x64xf32, #tpu.memory_space<hbm>>) target_semaphore(%run_scoped3A : memref<!tpu.dma_semaphore, #tpu.memory_space<semaphore_mem>>)
      %dma_wait3A = arith.constant 0 : i32
      %dma_wait3A_34 = tpu.memref_slice %arg5[%arg0, %mul3A_2, %dma_wait3A] : memref<2x10016x64xf32, #tpu.memory_space<hbm>> -> memref<1x626x64xf32, #tpu.memory_space<hbm>>
      %dma_wait3A_35 = tpu.memref_squeeze %dma_wait3A_34 : memref<1x626x64xf32, #tpu.memory_space<hbm>> -> memref<626x64xf32, #tpu.memory_space<hbm>>
      %dma_wait3A_36 = arith.constant 0 : i32
      %dma_wait3A_37 = tpu.memref_slice %arg14[%mul3A_2, %dma_wait3A_36] : memref<10016x64xf32, #tpu.memory_space<vmem_shared>> -> memref<626x64xf32, #tpu.memory_space<vmem_shared>>
      tpu.wait_dma2 semaphore(%run_scoped3A : memref<!tpu.dma_semaphore, #tpu.memory_space<semaphore_mem>>) src(%dma_wait3A_37 : memref<626x64xf32, #tpu.memory_space<vmem_shared>>) dst(%dma_wait3A_35 : memref<626x64xf32, #tpu.memory_space<hbm>>)
      tpu.yield
    }) : () -> ()
    return
  }
}

#map = affine_map<(d0, d1) -> (0, 0)>
#map1 = affine_map<(d0, d1) -> (0, 0, 0)>
module attributes {stable_mosaic.version = 14 : i64} {
  func.func @agg_kernel(%arg0: i32, %arg1: i32, %arg2: memref<10000x128xf32, #tpu.memory_space<hbm>>, %arg3: memref<2560x128xi32, #tpu.memory_space<hbm>>, %arg4: memref<2560x128xi32, #tpu.memory_space<hbm>>, %arg5: memref<2x10016x128xf32, #tpu.memory_space<hbm>>, %arg6: memref<8x128xi32, #tpu.memory_space<vmem>>, %arg7: memref<8x128xi32, #tpu.memory_space<vmem>>, %arg8: memref<8x128xi32, #tpu.memory_space<vmem>>, %arg9: memref<8x128xi32, #tpu.memory_space<vmem>>, %arg10: memref<128x128xf32, #tpu.memory_space<vmem>>, %arg11: memref<128x128xf32, #tpu.memory_space<vmem>>, %arg12: memref<10016x128xf32, #tpu.memory_space<vmem_shared>>, %arg13: memref<!tpu.dma_semaphore, #tpu.memory_space<semaphore_mem>>, %arg14: memref<!tpu.dma_semaphore, #tpu.memory_space<semaphore_mem>>, %arg15: memref<!tpu.dma_semaphore, #tpu.memory_space<semaphore_mem>>, %arg16: memref<!tpu.dma_semaphore, #tpu.memory_space<semaphore_mem>>, %arg17: memref<!tpu.dma_semaphore, #tpu.memory_space<semaphore_mem>>, %arg18: memref<!tpu.dma_semaphore, #tpu.memory_space<semaphore_mem>>, %arg19: memref<!tpu.dma_semaphore, #tpu.memory_space<semaphore_mem>>, %arg20: memref<!tpu.dma_semaphore, #tpu.memory_space<semaphore_mem>>) attributes {dimension_semantics = [#tpu.dimension_semantics<core_parallel>, #tpu.dimension_semantics<subcore_parallel>], iteration_bounds = array<i64: 2, 16>, scalar_prefetch = 0 : i64, scratch_operands = 15 : i64, tpu.core_type = #tpu.core_type<sc_vector_subcore>, window_params = [{transform_indices = #map}, {transform_indices = #map}, {transform_indices = #map}, {transform_indices = #map1}]} {
    %mul3A = arith.constant 2 : i32
    %mul3A_0 = arith.muli %arg1, %mul3A : i32
    %add3A = arith.addi %mul3A_0, %arg0 : i32
    %mul3A_1 = arith.constant 626 : i32
    %mul3A_2 = arith.muli %arg1, %mul3A_1 : i32
    %broadcast_in_dim3A = arith.constant 0.000000e+00 : f32
    %broadcast_in_dim3A_3 = vector.broadcast %broadcast_in_dim3A : f32 to vector<16xf32>
    %scan3A = arith.constant 0 : i32
    %scan3A_4 = arith.constant 0 : i32
    %scan3A_5 = arith.constant 128 : i32
    %scan3A_6 = arith.addi %scan3A_4, %scan3A_5 : i32
    %scan3A_7 = arith.constant 1 : i32
    scf.for %scan3A_30 = %scan3A_4 to %scan3A_6 step %scan3A_7  : i32 {
      %swap3A = arith.index_cast %scan3A_30 : i32 to index
      %swap3A_31 = arith.constant 0 : index
      %swap3A_32 = tpu.vector_load %arg10[%swap3A, %swap3A_31] {strides = array<i32>} : memref<128x128xf32, #tpu.memory_space<vmem>>, vector<1x16xf32>,
      %swap3A_33 = vector.shape_cast %swap3A_32 : vector<1x16xf32> to vector<16xf32>
      %swap3A_34 = vector.shape_cast %broadcast_in_dim3A_3 : vector<16xf32> to vector<1x16xf32>
      tpu.vector_store %arg10[%swap3A, %swap3A_31], %swap3A_34 {strides = array<i32>} : memref<128x128xf32, #tpu.memory_space<vmem>>, vector<1x16xf32>,
      %swap3A_35 = arith.index_cast %scan3A_30 : i32 to index
      %swap3A_36 = arith.constant 16 : index
      %swap3A_37 = tpu.vector_load %arg10[%swap3A_35, %swap3A_36] {strides = array<i32>} : memref<128x128xf32, #tpu.memory_space<vmem>>, vector<1x16xf32>,
      %swap3A_38 = vector.shape_cast %swap3A_37 : vector<1x16xf32> to vector<16xf32>
      %swap3A_39 = vector.shape_cast %broadcast_in_dim3A_3 : vector<16xf32> to vector<1x16xf32>
      tpu.vector_store %arg10[%swap3A_35, %swap3A_36], %swap3A_39 {strides = array<i32>} : memref<128x128xf32, #tpu.memory_space<vmem>>, vector<1x16xf32>,
      %swap3A_40 = arith.index_cast %scan3A_30 : i32 to index
      %swap3A_41 = arith.constant 32 : index
      %swap3A_42 = tpu.vector_load %arg10[%swap3A_40, %swap3A_41] {strides = array<i32>} : memref<128x128xf32, #tpu.memory_space<vmem>>, vector<1x16xf32>,
      %swap3A_43 = vector.shape_cast %swap3A_42 : vector<1x16xf32> to vector<16xf32>
      %swap3A_44 = vector.shape_cast %broadcast_in_dim3A_3 : vector<16xf32> to vector<1x16xf32>
      tpu.vector_store %arg10[%swap3A_40, %swap3A_41], %swap3A_44 {strides = array<i32>} : memref<128x128xf32, #tpu.memory_space<vmem>>, vector<1x16xf32>,
      %swap3A_45 = arith.index_cast %scan3A_30 : i32 to index
      %swap3A_46 = arith.constant 48 : index
      %swap3A_47 = tpu.vector_load %arg10[%swap3A_45, %swap3A_46] {strides = array<i32>} : memref<128x128xf32, #tpu.memory_space<vmem>>, vector<1x16xf32>,
      %swap3A_48 = vector.shape_cast %swap3A_47 : vector<1x16xf32> to vector<16xf32>
      %swap3A_49 = vector.shape_cast %broadcast_in_dim3A_3 : vector<16xf32> to vector<1x16xf32>
      tpu.vector_store %arg10[%swap3A_45, %swap3A_46], %swap3A_49 {strides = array<i32>} : memref<128x128xf32, #tpu.memory_space<vmem>>, vector<1x16xf32>,
      %swap3A_50 = arith.index_cast %scan3A_30 : i32 to index
      %swap3A_51 = arith.constant 64 : index
      %swap3A_52 = tpu.vector_load %arg10[%swap3A_50, %swap3A_51] {strides = array<i32>} : memref<128x128xf32, #tpu.memory_space<vmem>>, vector<1x16xf32>,
      %swap3A_53 = vector.shape_cast %swap3A_52 : vector<1x16xf32> to vector<16xf32>
      %swap3A_54 = vector.shape_cast %broadcast_in_dim3A_3 : vector<16xf32> to vector<1x16xf32>
      tpu.vector_store %arg10[%swap3A_50, %swap3A_51], %swap3A_54 {strides = array<i32>} : memref<128x128xf32, #tpu.memory_space<vmem>>, vector<1x16xf32>,
      %swap3A_55 = arith.index_cast %scan3A_30 : i32 to index
      %swap3A_56 = arith.constant 80 : index
      %swap3A_57 = tpu.vector_load %arg10[%swap3A_55, %swap3A_56] {strides = array<i32>} : memref<128x128xf32, #tpu.memory_space<vmem>>, vector<1x16xf32>,
      %swap3A_58 = vector.shape_cast %swap3A_57 : vector<1x16xf32> to vector<16xf32>
      %swap3A_59 = vector.shape_cast %broadcast_in_dim3A_3 : vector<16xf32> to vector<1x16xf32>
      tpu.vector_store %arg10[%swap3A_55, %swap3A_56], %swap3A_59 {strides = array<i32>} : memref<128x128xf32, #tpu.memory_space<vmem>>, vector<1x16xf32>,
      %swap3A_60 = arith.index_cast %scan3A_30 : i32 to index
      %swap3A_61 = arith.constant 96 : index
      %swap3A_62 = tpu.vector_load %arg10[%swap3A_60, %swap3A_61] {strides = array<i32>} : memref<128x128xf32, #tpu.memory_space<vmem>>, vector<1x16xf32>,
      %swap3A_63 = vector.shape_cast %swap3A_62 : vector<1x16xf32> to vector<16xf32>
      %swap3A_64 = vector.shape_cast %broadcast_in_dim3A_3 : vector<16xf32> to vector<1x16xf32>
      tpu.vector_store %arg10[%swap3A_60, %swap3A_61], %swap3A_64 {strides = array<i32>} : memref<128x128xf32, #tpu.memory_space<vmem>>, vector<1x16xf32>,
      %swap3A_65 = arith.index_cast %scan3A_30 : i32 to index
      %swap3A_66 = arith.constant 112 : index
      %swap3A_67 = tpu.vector_load %arg10[%swap3A_65, %swap3A_66] {strides = array<i32>} : memref<128x128xf32, #tpu.memory_space<vmem>>, vector<1x16xf32>,
      %swap3A_68 = vector.shape_cast %swap3A_67 : vector<1x16xf32> to vector<16xf32>
      %swap3A_69 = vector.shape_cast %broadcast_in_dim3A_3 : vector<16xf32> to vector<1x16xf32>
      tpu.vector_store %arg10[%swap3A_65, %swap3A_66], %swap3A_69 {strides = array<i32>} : memref<128x128xf32, #tpu.memory_space<vmem>>, vector<1x16xf32>,
    }
    %scan3A_8 = arith.constant 128 : i32
    %add3A_9 = arith.constant 0 : i32
    %add3A_10 = arith.addi %mul3A_2, %add3A_9 : i32
    "tpu.region"() ({
      %run_scoped3A = tpu.sem_alloc : memref<!tpu.dma_semaphore, #tpu.memory_space<semaphore_mem>>
      %dma_start3A = arith.constant 0 : i32
      %dma_start3A_30 = tpu.memref_slice %arg12[%add3A_10, %dma_start3A] : memref<10016x128xf32, #tpu.memory_space<vmem_shared>> -> memref<128x128xf32, #tpu.memory_space<vmem_shared>>
      %dma_start3A_31 = arith.constant 0 : i32
      %dma_start3A_32 = tpu.memref_slice %arg12[%add3A_10, %dma_start3A_31] : memref<10016x128xf32, #tpu.memory_space<vmem_shared>> -> memref<128x128xf32, #tpu.memory_space<vmem_shared>>
      tpu.enqueue_dma source(%arg10 : memref<128x128xf32, #tpu.memory_space<vmem>>) target(%dma_start3A_32 : memref<128x128xf32, #tpu.memory_space<vmem_shared>>) target_semaphore(%run_scoped3A : memref<!tpu.dma_semaphore, #tpu.memory_space<semaphore_mem>>)
      %dma_wait3A = arith.constant 0 : i32
      %dma_wait3A_33 = tpu.memref_slice %arg12[%add3A_10, %dma_wait3A] : memref<10016x128xf32, #tpu.memory_space<vmem_shared>> -> memref<128x128xf32, #tpu.memory_space<vmem_shared>>
      %dma_wait3A_34 = arith.constant 0 : i32
      %dma_wait3A_35 = tpu.memref_slice %arg12[%add3A_10, %dma_wait3A_34] : memref<10016x128xf32, #tpu.memory_space<vmem_shared>> -> memref<128x128xf32, #tpu.memory_space<vmem_shared>>
      tpu.wait_dma2 semaphore(%run_scoped3A : memref<!tpu.dma_semaphore, #tpu.memory_space<semaphore_mem>>) src(%arg10 : memref<128x128xf32, #tpu.memory_space<vmem>>) dst(%dma_wait3A_35 : memref<128x128xf32, #tpu.memory_space<vmem_shared>>)
      tpu.yield
    }) : () -> ()
    %add3A_11 = arith.constant 128 : i32
    %add3A_12 = arith.addi %mul3A_2, %add3A_11 : i32
    "tpu.region"() ({
      %run_scoped3A = tpu.sem_alloc : memref<!tpu.dma_semaphore, #tpu.memory_space<semaphore_mem>>
      %dma_start3A = arith.constant 0 : i32
      %dma_start3A_30 = tpu.memref_slice %arg12[%add3A_12, %dma_start3A] : memref<10016x128xf32, #tpu.memory_space<vmem_shared>> -> memref<128x128xf32, #tpu.memory_space<vmem_shared>>
      %dma_start3A_31 = arith.constant 0 : i32
      %dma_start3A_32 = tpu.memref_slice %arg12[%add3A_12, %dma_start3A_31] : memref<10016x128xf32, #tpu.memory_space<vmem_shared>> -> memref<128x128xf32, #tpu.memory_space<vmem_shared>>
      tpu.enqueue_dma source(%arg10 : memref<128x128xf32, #tpu.memory_space<vmem>>) target(%dma_start3A_32 : memref<128x128xf32, #tpu.memory_space<vmem_shared>>) target_semaphore(%run_scoped3A : memref<!tpu.dma_semaphore, #tpu.memory_space<semaphore_mem>>)
      %dma_wait3A = arith.constant 0 : i32
      %dma_wait3A_33 = tpu.memref_slice %arg12[%add3A_12, %dma_wait3A] : memref<10016x128xf32, #tpu.memory_space<vmem_shared>> -> memref<128x128xf32, #tpu.memory_space<vmem_shared>>
      %dma_wait3A_34 = arith.constant 0 : i32
      %dma_wait3A_35 = tpu.memref_slice %arg12[%add3A_12, %dma_wait3A_34] : memref<10016x128xf32, #tpu.memory_space<vmem_shared>> -> memref<128x128xf32, #tpu.memory_space<vmem_shared>>
      tpu.wait_dma2 semaphore(%run_scoped3A : memref<!tpu.dma_semaphore, #tpu.memory_space<semaphore_mem>>) src(%arg10 : memref<128x128xf32, #tpu.memory_space<vmem>>) dst(%dma_wait3A_35 : memref<128x128xf32, #tpu.memory_space<vmem_shared>>)
      tpu.yield
    }) : () -> ()
    %add3A_13 = arith.constant 256 : i32
    %add3A_14 = arith.addi %mul3A_2, %add3A_13 : i32
    "tpu.region"() ({
      %run_scoped3A = tpu.sem_alloc : memref<!tpu.dma_semaphore, #tpu.memory_space<semaphore_mem>>
      %dma_start3A = arith.constant 0 : i32
      %dma_start3A_30 = tpu.memref_slice %arg12[%add3A_14, %dma_start3A] : memref<10016x128xf32, #tpu.memory_space<vmem_shared>> -> memref<128x128xf32, #tpu.memory_space<vmem_shared>>
      %dma_start3A_31 = arith.constant 0 : i32
      %dma_start3A_32 = tpu.memref_slice %arg12[%add3A_14, %dma_start3A_31] : memref<10016x128xf32, #tpu.memory_space<vmem_shared>> -> memref<128x128xf32, #tpu.memory_space<vmem_shared>>
      tpu.enqueue_dma source(%arg10 : memref<128x128xf32, #tpu.memory_space<vmem>>) target(%dma_start3A_32 : memref<128x128xf32, #tpu.memory_space<vmem_shared>>) target_semaphore(%run_scoped3A : memref<!tpu.dma_semaphore, #tpu.memory_space<semaphore_mem>>)
      %dma_wait3A = arith.constant 0 : i32
      %dma_wait3A_33 = tpu.memref_slice %arg12[%add3A_14, %dma_wait3A] : memref<10016x128xf32, #tpu.memory_space<vmem_shared>> -> memref<128x128xf32, #tpu.memory_space<vmem_shared>>
      %dma_wait3A_34 = arith.constant 0 : i32
      %dma_wait3A_35 = tpu.memref_slice %arg12[%add3A_14, %dma_wait3A_34] : memref<10016x128xf32, #tpu.memory_space<vmem_shared>> -> memref<128x128xf32, #tpu.memory_space<vmem_shared>>
      tpu.wait_dma2 semaphore(%run_scoped3A : memref<!tpu.dma_semaphore, #tpu.memory_space<semaphore_mem>>) src(%arg10 : memref<128x128xf32, #tpu.memory_space<vmem>>) dst(%dma_wait3A_35 : memref<128x128xf32, #tpu.memory_space<vmem_shared>>)
      tpu.yield
    }) : () -> ()
    %add3A_15 = arith.constant 384 : i32
    %add3A_16 = arith.addi %mul3A_2, %add3A_15 : i32
    "tpu.region"() ({
      %run_scoped3A = tpu.sem_alloc : memref<!tpu.dma_semaphore, #tpu.memory_space<semaphore_mem>>
      %dma_start3A = arith.constant 0 : i32
      %dma_start3A_30 = tpu.memref_slice %arg12[%add3A_16, %dma_start3A] : memref<10016x128xf32, #tpu.memory_space<vmem_shared>> -> memref<128x128xf32, #tpu.memory_space<vmem_shared>>
      %dma_start3A_31 = arith.constant 0 : i32
      %dma_start3A_32 = tpu.memref_slice %arg12[%add3A_16, %dma_start3A_31] : memref<10016x128xf32, #tpu.memory_space<vmem_shared>> -> memref<128x128xf32, #tpu.memory_space<vmem_shared>>
      tpu.enqueue_dma source(%arg10 : memref<128x128xf32, #tpu.memory_space<vmem>>) target(%dma_start3A_32 : memref<128x128xf32, #tpu.memory_space<vmem_shared>>) target_semaphore(%run_scoped3A : memref<!tpu.dma_semaphore, #tpu.memory_space<semaphore_mem>>)
      %dma_wait3A = arith.constant 0 : i32
      %dma_wait3A_33 = tpu.memref_slice %arg12[%add3A_16, %dma_wait3A] : memref<10016x128xf32, #tpu.memory_space<vmem_shared>> -> memref<128x128xf32, #tpu.memory_space<vmem_shared>>
      %dma_wait3A_34 = arith.constant 0 : i32
      %dma_wait3A_35 = tpu.memref_slice %arg12[%add3A_16, %dma_wait3A_34] : memref<10016x128xf32, #tpu.memory_space<vmem_shared>> -> memref<128x128xf32, #tpu.memory_space<vmem_shared>>
      tpu.wait_dma2 semaphore(%run_scoped3A : memref<!tpu.dma_semaphore, #tpu.memory_space<semaphore_mem>>) src(%arg10 : memref<128x128xf32, #tpu.memory_space<vmem>>) dst(%dma_wait3A_35 : memref<128x128xf32, #tpu.memory_space<vmem_shared>>)
      tpu.yield
    }) : () -> ()
    %add3A_17 = arith.constant 512 : i32
    %add3A_18 = arith.addi %mul3A_2, %add3A_17 : i32
    "tpu.region"() ({
      %run_scoped3A = tpu.sem_alloc : memref<!tpu.dma_semaphore, #tpu.memory_space<semaphore_mem>>
      %dma_start3A = arith.constant 0 : i32
      %dma_start3A_30 = arith.constant 0 : i32
      %dma_start3A_31 = tpu.memref_slice %arg10[%dma_start3A, %dma_start3A_30] : memref<128x128xf32, #tpu.memory_space<vmem>> -> memref<114x128xf32, #tpu.memory_space<vmem>>
      %dma_start3A_32 = arith.constant 0 : i32
      %dma_start3A_33 = tpu.memref_slice %arg12[%add3A_18, %dma_start3A_32] : memref<10016x128xf32, #tpu.memory_space<vmem_shared>> -> memref<114x128xf32, #tpu.memory_space<vmem_shared>>
      %dma_start3A_34 = arith.constant 0 : i32
      %dma_start3A_35 = tpu.memref_slice %arg12[%add3A_18, %dma_start3A_34] : memref<10016x128xf32, #tpu.memory_space<vmem_shared>> -> memref<114x128xf32, #tpu.memory_space<vmem_shared>>
      %dma_start3A_36 = arith.constant 0 : i32
      %dma_start3A_37 = arith.constant 0 : i32
      %dma_start3A_38 = tpu.memref_slice %arg10[%dma_start3A_36, %dma_start3A_37] : memref<128x128xf32, #tpu.memory_space<vmem>> -> memref<114x128xf32, #tpu.memory_space<vmem>>
      tpu.enqueue_dma source(%dma_start3A_38 : memref<114x128xf32, #tpu.memory_space<vmem>>) target(%dma_start3A_35 : memref<114x128xf32, #tpu.memory_space<vmem_shared>>) target_semaphore(%run_scoped3A : memref<!tpu.dma_semaphore, #tpu.memory_space<semaphore_mem>>)
      %dma_wait3A = arith.constant 0 : i32
      %dma_wait3A_39 = arith.constant 0 : i32
      %dma_wait3A_40 = tpu.memref_slice %arg10[%dma_wait3A, %dma_wait3A_39] : memref<128x128xf32, #tpu.memory_space<vmem>> -> memref<114x128xf32, #tpu.memory_space<vmem>>
      %dma_wait3A_41 = arith.constant 0 : i32
      %dma_wait3A_42 = tpu.memref_slice %arg12[%add3A_18, %dma_wait3A_41] : memref<10016x128xf32, #tpu.memory_space<vmem_shared>> -> memref<114x128xf32, #tpu.memory_space<vmem_shared>>
      %dma_wait3A_43 = arith.constant 0 : i32
      %dma_wait3A_44 = tpu.memref_slice %arg12[%add3A_18, %dma_wait3A_43] : memref<10016x128xf32, #tpu.memory_space<vmem_shared>> -> memref<114x128xf32, #tpu.memory_space<vmem_shared>>
      %dma_wait3A_45 = arith.constant 0 : i32
      %dma_wait3A_46 = arith.constant 0 : i32
      %dma_wait3A_47 = tpu.memref_slice %arg10[%dma_wait3A_45, %dma_wait3A_46] : memref<128x128xf32, #tpu.memory_space<vmem>> -> memref<114x128xf32, #tpu.memory_space<vmem>>
      tpu.wait_dma2 semaphore(%run_scoped3A : memref<!tpu.dma_semaphore, #tpu.memory_space<semaphore_mem>>) src(%dma_wait3A_47 : memref<114x128xf32, #tpu.memory_space<vmem>>) dst(%dma_wait3A_44 : memref<114x128xf32, #tpu.memory_space<vmem_shared>>)
      tpu.yield
    }) : () -> ()
    %barrier3A = arith.constant 0 : index
    tpu.barrier barrier_id(%barrier3A)
    %mul3A_19 = arith.constant 10 : i32
    %mul3A_20 = arith.muli %add3A, %mul3A_19 : i32
    %mul3A_21 = arith.constant 8 : i32
    %mul3A_22 = arith.muli %mul3A_20, %mul3A_21 : i32
    %scan3A_23 = arith.constant 0 : i32
    %scan3A_24 = arith.constant 0 : i32
    %scan3A_25 = arith.constant 5 : i32
    %scan3A_26 = arith.addi %scan3A_24, %scan3A_25 : i32
    %scan3A_27 = arith.constant 1 : i32
    scf.for %scan3A_30 = %scan3A_24 to %scan3A_26 step %scan3A_27  : i32 {
      %mul3A_31 = arith.constant 2 : i32
      %mul3A_32 = arith.muli %mul3A_31, %scan3A_30 : i32
      %mul3A_33 = arith.constant 8 : i32
      %mul3A_34 = arith.muli %mul3A_32, %mul3A_33 : i32
      %add3A_35 = arith.addi %mul3A_22, %mul3A_34 : i32
      %dma_start3A = arith.constant 0 : i32
      %dma_start3A_36 = tpu.memref_slice %arg3[%add3A_35, %dma_start3A] : memref<2560x128xi32, #tpu.memory_space<hbm>> -> memref<8x128xi32, #tpu.memory_space<hbm>>
      %dma_start3A_37 = arith.constant 0 : i32
      %dma_start3A_38 = tpu.memref_slice %arg3[%add3A_35, %dma_start3A_37] : memref<2560x128xi32, #tpu.memory_space<hbm>> -> memref<8x128xi32, #tpu.memory_space<hbm>>
      tpu.enqueue_dma source(%dma_start3A_38 : memref<8x128xi32, #tpu.memory_space<hbm>>) target(%arg6 : memref<8x128xi32, #tpu.memory_space<vmem>>) target_semaphore(%arg17 : memref<!tpu.dma_semaphore, #tpu.memory_space<semaphore_mem>>)
      %dma_start3A_39 = arith.constant 0 : i32
      %dma_start3A_40 = tpu.memref_slice %arg4[%add3A_35, %dma_start3A_39] : memref<2560x128xi32, #tpu.memory_space<hbm>> -> memref<8x128xi32, #tpu.memory_space<hbm>>
      %dma_start3A_41 = arith.constant 0 : i32
      %dma_start3A_42 = tpu.memref_slice %arg4[%add3A_35, %dma_start3A_41] : memref<2560x128xi32, #tpu.memory_space<hbm>> -> memref<8x128xi32, #tpu.memory_space<hbm>>
      tpu.enqueue_dma source(%dma_start3A_42 : memref<8x128xi32, #tpu.memory_space<hbm>>) target(%arg8 : memref<8x128xi32, #tpu.memory_space<vmem>>) target_semaphore(%arg18 : memref<!tpu.dma_semaphore, #tpu.memory_space<semaphore_mem>>)
      %add3A_43 = arith.constant 8 : i32
      %add3A_44 = arith.addi %add3A_35, %add3A_43 : i32
      %dma_start3A_45 = arith.constant 0 : i32
      %dma_start3A_46 = tpu.memref_slice %arg3[%add3A_44, %dma_start3A_45] : memref<2560x128xi32, #tpu.memory_space<hbm>> -> memref<8x128xi32, #tpu.memory_space<hbm>>
      %dma_start3A_47 = arith.constant 0 : i32
      %dma_start3A_48 = tpu.memref_slice %arg3[%add3A_44, %dma_start3A_47] : memref<2560x128xi32, #tpu.memory_space<hbm>> -> memref<8x128xi32, #tpu.memory_space<hbm>>
      tpu.enqueue_dma source(%dma_start3A_48 : memref<8x128xi32, #tpu.memory_space<hbm>>) target(%arg7 : memref<8x128xi32, #tpu.memory_space<vmem>>) target_semaphore(%arg19 : memref<!tpu.dma_semaphore, #tpu.memory_space<semaphore_mem>>)
      %add3A_49 = arith.constant 8 : i32
      %add3A_50 = arith.addi %add3A_35, %add3A_49 : i32
      %dma_start3A_51 = arith.constant 0 : i32
      %dma_start3A_52 = tpu.memref_slice %arg4[%add3A_50, %dma_start3A_51] : memref<2560x128xi32, #tpu.memory_space<hbm>> -> memref<8x128xi32, #tpu.memory_space<hbm>>
      %dma_start3A_53 = arith.constant 0 : i32
      %dma_start3A_54 = tpu.memref_slice %arg4[%add3A_50, %dma_start3A_53] : memref<2560x128xi32, #tpu.memory_space<hbm>> -> memref<8x128xi32, #tpu.memory_space<hbm>>
      tpu.enqueue_dma source(%dma_start3A_54 : memref<8x128xi32, #tpu.memory_space<hbm>>) target(%arg9 : memref<8x128xi32, #tpu.memory_space<vmem>>) target_semaphore(%arg20 : memref<!tpu.dma_semaphore, #tpu.memory_space<semaphore_mem>>)
      %dma_wait3A = arith.constant 0 : i32
      %dma_wait3A_55 = tpu.memref_slice %arg3[%add3A_35, %dma_wait3A] : memref<2560x128xi32, #tpu.memory_space<hbm>> -> memref<8x128xi32, #tpu.memory_space<hbm>>
      %dma_wait3A_56 = arith.constant 0 : i32
      %dma_wait3A_57 = tpu.memref_slice %arg3[%add3A_35, %dma_wait3A_56] : memref<2560x128xi32, #tpu.memory_space<hbm>> -> memref<8x128xi32, #tpu.memory_space<hbm>>
      tpu.wait_dma2 semaphore(%arg17 : memref<!tpu.dma_semaphore, #tpu.memory_space<semaphore_mem>>) src(%dma_wait3A_57 : memref<8x128xi32, #tpu.memory_space<hbm>>) dst(%arg6 : memref<8x128xi32, #tpu.memory_space<vmem>>)
      %dma_wait3A_58 = arith.constant 0 : i32
      %dma_wait3A_59 = tpu.memref_slice %arg4[%add3A_35, %dma_wait3A_58] : memref<2560x128xi32, #tpu.memory_space<hbm>> -> memref<8x128xi32, #tpu.memory_space<hbm>>
      %dma_wait3A_60 = arith.constant 0 : i32
      %dma_wait3A_61 = tpu.memref_slice %arg4[%add3A_35, %dma_wait3A_60] : memref<2560x128xi32, #tpu.memory_space<hbm>> -> memref<8x128xi32, #tpu.memory_space<hbm>>
      tpu.wait_dma2 semaphore(%arg18 : memref<!tpu.dma_semaphore, #tpu.memory_space<semaphore_mem>>) src(%dma_wait3A_61 : memref<8x128xi32, #tpu.memory_space<hbm>>) dst(%arg8 : memref<8x128xi32, #tpu.memory_space<vmem>>)
      %dma_start3A_62 = arith.constant 0 : i32
      %dma_start3A_63 = arith.constant 0 : i32
      %dma_start3A_64 = tpu.memref_slice %arg6[%dma_start3A_62, %dma_start3A_63] : memref<8x128xi32, #tpu.memory_space<vmem>> -> memref<1x128xi32, #tpu.memory_space<vmem>>
      %dma_start3A_65 = tpu.memref_squeeze %dma_start3A_64 : memref<1x128xi32, #tpu.memory_space<vmem>> -> memref<128xi32, #tpu.memory_space<vmem>>
      %dma_start3A_66 = arith.constant 0 : i32
      %dma_start3A_67 = arith.constant 0 : i32
      %dma_start3A_68 = tpu.memref_slice %arg2[%dma_start3A_66, %dma_start3A_67] : memref<10000x128xf32, #tpu.memory_space<hbm>> -> memref<10000x128xf32, #tpu.memory_space<hbm>>
      tpu.enqueue_indirect_dma source(%dma_start3A_68 : memref<10000x128xf32, #tpu.memory_space<hbm>>) target(%arg10 : memref<128x128xf32, #tpu.memory_space<vmem>>) offsets(%dma_start3A_65 : memref<128xi32, #tpu.memory_space<vmem>>) semaphore(%arg13 : memref<!tpu.dma_semaphore, #tpu.memory_space<semaphore_mem>>)
      %dma_wait3A_69 = arith.constant 0 : i32
      %dma_wait3A_70 = arith.constant 0 : i32
      %dma_wait3A_71 = tpu.memref_slice %arg6[%dma_wait3A_69, %dma_wait3A_70] : memref<8x128xi32, #tpu.memory_space<vmem>> -> memref<1x128xi32, #tpu.memory_space<vmem>>
      %dma_wait3A_72 = tpu.memref_squeeze %dma_wait3A_71 : memref<1x128xi32, #tpu.memory_space<vmem>> -> memref<128xi32, #tpu.memory_space<vmem>>
      %dma_wait3A_73 = arith.constant 0 : i32
      %dma_wait3A_74 = arith.constant 0 : i32
      %dma_wait3A_75 = tpu.memref_slice %arg2[%dma_wait3A_73, %dma_wait3A_74] : memref<10000x128xf32, #tpu.memory_space<hbm>> -> memref<10000x128xf32, #tpu.memory_space<hbm>>
      tpu.wait_indirect_dma semaphore(%arg13 : memref<!tpu.dma_semaphore, #tpu.memory_space<semaphore_mem>>) src(%dma_wait3A_75 : memref<10000x128xf32, #tpu.memory_space<hbm>>) dst(%arg10 : memref<128x128xf32, #tpu.memory_space<vmem>>)
      %dma_start3A_76 = arith.constant 0 : i32
      %dma_start3A_77 = arith.constant 0 : i32
      %dma_start3A_78 = tpu.memref_slice %arg8[%dma_start3A_76, %dma_start3A_77] : memref<8x128xi32, #tpu.memory_space<vmem>> -> memref<1x128xi32, #tpu.memory_space<vmem>>
      %dma_start3A_79 = tpu.memref_squeeze %dma_start3A_78 : memref<1x128xi32, #tpu.memory_space<vmem>> -> memref<128xi32, #tpu.memory_space<vmem>>
      %dma_start3A_80 = arith.constant 0 : i32
      %dma_start3A_81 = arith.constant 0 : i32
      %dma_start3A_82 = tpu.memref_slice %arg12[%dma_start3A_80, %dma_start3A_81] : memref<10016x128xf32, #tpu.memory_space<vmem_shared>> -> memref<10016x128xf32, #tpu.memory_space<vmem_shared>>
      tpu.enqueue_indirect_dma source(%arg10 : memref<128x128xf32, #tpu.memory_space<vmem>>) target(%dma_start3A_82 : memref<10016x128xf32, #tpu.memory_space<vmem_shared>>) offsets(%dma_start3A_79 : memref<128xi32, #tpu.memory_space<vmem>>) semaphore(%arg15 : memref<!tpu.dma_semaphore, #tpu.memory_space<semaphore_mem>>) {add = true}
      %dma_start3A_83 = arith.constant 1 : i32
      %dma_start3A_84 = arith.constant 0 : i32
      %dma_start3A_85 = tpu.memref_slice %arg6[%dma_start3A_83, %dma_start3A_84] : memref<8x128xi32, #tpu.memory_space<vmem>> -> memref<1x128xi32, #tpu.memory_space<vmem>>
      %dma_start3A_86 = tpu.memref_squeeze %dma_start3A_85 : memref<1x128xi32, #tpu.memory_space<vmem>> -> memref<128xi32, #tpu.memory_space<vmem>>
      %dma_start3A_87 = arith.constant 0 : i32
      %dma_start3A_88 = arith.constant 0 : i32
      %dma_start3A_89 = tpu.memref_slice %arg2[%dma_start3A_87, %dma_start3A_88] : memref<10000x128xf32, #tpu.memory_space<hbm>> -> memref<10000x128xf32, #tpu.memory_space<hbm>>
      tpu.enqueue_indirect_dma source(%dma_start3A_89 : memref<10000x128xf32, #tpu.memory_space<hbm>>) target(%arg11 : memref<128x128xf32, #tpu.memory_space<vmem>>) offsets(%dma_start3A_86 : memref<128xi32, #tpu.memory_space<vmem>>) semaphore(%arg14 : memref<!tpu.dma_semaphore, #tpu.memory_space<semaphore_mem>>)
      %dma_wait3A_90 = arith.constant 1 : i32
      %dma_wait3A_91 = arith.constant 0 : i32
      %dma_wait3A_92 = tpu.memref_slice %arg6[%dma_wait3A_90, %dma_wait3A_91] : memref<8x128xi32, #tpu.memory_space<vmem>> -> memref<1x128xi32, #tpu.memory_space<vmem>>
      %dma_wait3A_93 = tpu.memref_squeeze %dma_wait3A_92 : memref<1x128xi32, #tpu.memory_space<vmem>> -> memref<128xi32, #tpu.memory_space<vmem>>
      %dma_wait3A_94 = arith.constant 0 : i32
      %dma_wait3A_95 = arith.constant 0 : i32
      %dma_wait3A_96 = tpu.memref_slice %arg2[%dma_wait3A_94, %dma_wait3A_95] : memref<10000x128xf32, #tpu.memory_space<hbm>> -> memref<10000x128xf32, #tpu.memory_space<hbm>>
      tpu.wait_indirect_dma semaphore(%arg14 : memref<!tpu.dma_semaphore, #tpu.memory_space<semaphore_mem>>) src(%dma_wait3A_96 : memref<10000x128xf32, #tpu.memory_space<hbm>>) dst(%arg11 : memref<128x128xf32, #tpu.memory_space<vmem>>)
      %dma_start3A_97 = arith.constant 1 : i32
      %dma_start3A_98 = arith.constant 0 : i32
      %dma_start3A_99 = tpu.memref_slice %arg8[%dma_start3A_97, %dma_start3A_98] : memref<8x128xi32, #tpu.memory_space<vmem>> -> memref<1x128xi32, #tpu.memory_space<vmem>>
      %dma_start3A_100 = tpu.memref_squeeze %dma_start3A_99 : memref<1x128xi32, #tpu.memory_space<vmem>> -> memref<128xi32, #tpu.memory_space<vmem>>
      %dma_start3A_101 = arith.constant 0 : i32
      %dma_start3A_102 = arith.constant 0 : i32
      %dma_start3A_103 = tpu.memref_slice %arg12[%dma_start3A_101, %dma_start3A_102] : memref<10016x128xf32, #tpu.memory_space<vmem_shared>> -> memref<10016x128xf32, #tpu.memory_space<vmem_shared>>
      tpu.enqueue_indirect_dma source(%arg11 : memref<128x128xf32, #tpu.memory_space<vmem>>) target(%dma_start3A_103 : memref<10016x128xf32, #tpu.memory_space<vmem_shared>>) offsets(%dma_start3A_100 : memref<128xi32, #tpu.memory_space<vmem>>) semaphore(%arg16 : memref<!tpu.dma_semaphore, #tpu.memory_space<semaphore_mem>>) {add = true}
      %dma_wait3A_104 = arith.constant 0 : i32
      %dma_wait3A_105 = arith.constant 0 : i32
      %dma_wait3A_106 = tpu.memref_slice %arg8[%dma_wait3A_104, %dma_wait3A_105] : memref<8x128xi32, #tpu.memory_space<vmem>> -> memref<1x128xi32, #tpu.memory_space<vmem>>
      %dma_wait3A_107 = tpu.memref_squeeze %dma_wait3A_106 : memref<1x128xi32, #tpu.memory_space<vmem>> -> memref<128xi32, #tpu.memory_space<vmem>>
      %dma_wait3A_108 = arith.constant 0 : i32
      %dma_wait3A_109 = arith.constant 0 : i32
      %dma_wait3A_110 = tpu.memref_slice %arg12[%dma_wait3A_108, %dma_wait3A_109] : memref<10016x128xf32, #tpu.memory_space<vmem_shared>> -> memref<10016x128xf32, #tpu.memory_space<vmem_shared>>
      tpu.wait_indirect_dma semaphore(%arg15 : memref<!tpu.dma_semaphore, #tpu.memory_space<semaphore_mem>>) src(%arg10 : memref<128x128xf32, #tpu.memory_space<vmem>>) dst(%dma_wait3A_110 : memref<10016x128xf32, #tpu.memory_space<vmem_shared>>)
      %dma_start3A_111 = arith.constant 2 : i32
      %dma_start3A_112 = arith.constant 0 : i32
      %dma_start3A_113 = tpu.memref_slice %arg6[%dma_start3A_111, %dma_start3A_112] : memref<8x128xi32, #tpu.memory_space<vmem>> -> memref<1x128xi32, #tpu.memory_space<vmem>>
      %dma_start3A_114 = tpu.memref_squeeze %dma_start3A_113 : memref<1x128xi32, #tpu.memory_space<vmem>> -> memref<128xi32, #tpu.memory_space<vmem>>
      %dma_start3A_115 = arith.constant 0 : i32
      %dma_start3A_116 = arith.constant 0 : i32
      %dma_start3A_117 = tpu.memref_slice %arg2[%dma_start3A_115, %dma_start3A_116] : memref<10000x128xf32, #tpu.memory_space<hbm>> -> memref<10000x128xf32, #tpu.memory_space<hbm>>
      tpu.enqueue_indirect_dma source(%dma_start3A_117 : memref<10000x128xf32, #tpu.memory_space<hbm>>) target(%arg10 : memref<128x128xf32, #tpu.memory_space<vmem>>) offsets(%dma_start3A_114 : memref<128xi32, #tpu.memory_space<vmem>>) semaphore(%arg13 : memref<!tpu.dma_semaphore, #tpu.memory_space<semaphore_mem>>)
      %dma_wait3A_118 = arith.constant 2 : i32
      %dma_wait3A_119 = arith.constant 0 : i32
      %dma_wait3A_120 = tpu.memref_slice %arg6[%dma_wait3A_118, %dma_wait3A_119] : memref<8x128xi32, #tpu.memory_space<vmem>> -> memref<1x128xi32, #tpu.memory_space<vmem>>
      %dma_wait3A_121 = tpu.memref_squeeze %dma_wait3A_120 : memref<1x128xi32, #tpu.memory_space<vmem>> -> memref<128xi32, #tpu.memory_space<vmem>>
      %dma_wait3A_122 = arith.constant 0 : i32
      %dma_wait3A_123 = arith.constant 0 : i32
      %dma_wait3A_124 = tpu.memref_slice %arg2[%dma_wait3A_122, %dma_wait3A_123] : memref<10000x128xf32, #tpu.memory_space<hbm>> -> memref<10000x128xf32, #tpu.memory_space<hbm>>
      tpu.wait_indirect_dma semaphore(%arg13 : memref<!tpu.dma_semaphore, #tpu.memory_space<semaphore_mem>>) src(%dma_wait3A_124 : memref<10000x128xf32, #tpu.memory_space<hbm>>) dst(%arg10 : memref<128x128xf32, #tpu.memory_space<vmem>>)
      %dma_start3A_125 = arith.constant 2 : i32
      %dma_start3A_126 = arith.constant 0 : i32
      %dma_start3A_127 = tpu.memref_slice %arg8[%dma_start3A_125, %dma_start3A_126] : memref<8x128xi32, #tpu.memory_space<vmem>> -> memref<1x128xi32, #tpu.memory_space<vmem>>
      %dma_start3A_128 = tpu.memref_squeeze %dma_start3A_127 : memref<1x128xi32, #tpu.memory_space<vmem>> -> memref<128xi32, #tpu.memory_space<vmem>>
      %dma_start3A_129 = arith.constant 0 : i32
      %dma_start3A_130 = arith.constant 0 : i32
      %dma_start3A_131 = tpu.memref_slice %arg12[%dma_start3A_129, %dma_start3A_130] : memref<10016x128xf32, #tpu.memory_space<vmem_shared>> -> memref<10016x128xf32, #tpu.memory_space<vmem_shared>>
      tpu.enqueue_indirect_dma source(%arg10 : memref<128x128xf32, #tpu.memory_space<vmem>>) target(%dma_start3A_131 : memref<10016x128xf32, #tpu.memory_space<vmem_shared>>) offsets(%dma_start3A_128 : memref<128xi32, #tpu.memory_space<vmem>>) semaphore(%arg15 : memref<!tpu.dma_semaphore, #tpu.memory_space<semaphore_mem>>) {add = true}
      %dma_wait3A_132 = arith.constant 1 : i32
      %dma_wait3A_133 = arith.constant 0 : i32
      %dma_wait3A_134 = tpu.memref_slice %arg8[%dma_wait3A_132, %dma_wait3A_133] : memref<8x128xi32, #tpu.memory_space<vmem>> -> memref<1x128xi32, #tpu.memory_space<vmem>>
      %dma_wait3A_135 = tpu.memref_squeeze %dma_wait3A_134 : memref<1x128xi32, #tpu.memory_space<vmem>> -> memref<128xi32, #tpu.memory_space<vmem>>
      %dma_wait3A_136 = arith.constant 0 : i32
      %dma_wait3A_137 = arith.constant 0 : i32
      %dma_wait3A_138 = tpu.memref_slice %arg12[%dma_wait3A_136, %dma_wait3A_137] : memref<10016x128xf32, #tpu.memory_space<vmem_shared>> -> memref<10016x128xf32, #tpu.memory_space<vmem_shared>>
      tpu.wait_indirect_dma semaphore(%arg16 : memref<!tpu.dma_semaphore, #tpu.memory_space<semaphore_mem>>) src(%arg11 : memref<128x128xf32, #tpu.memory_space<vmem>>) dst(%dma_wait3A_138 : memref<10016x128xf32, #tpu.memory_space<vmem_shared>>)
      %dma_start3A_139 = arith.constant 3 : i32
      %dma_start3A_140 = arith.constant 0 : i32
      %dma_start3A_141 = tpu.memref_slice %arg6[%dma_start3A_139, %dma_start3A_140] : memref<8x128xi32, #tpu.memory_space<vmem>> -> memref<1x128xi32, #tpu.memory_space<vmem>>
      %dma_start3A_142 = tpu.memref_squeeze %dma_start3A_141 : memref<1x128xi32, #tpu.memory_space<vmem>> -> memref<128xi32, #tpu.memory_space<vmem>>
      %dma_start3A_143 = arith.constant 0 : i32
      %dma_start3A_144 = arith.constant 0 : i32
      %dma_start3A_145 = tpu.memref_slice %arg2[%dma_start3A_143, %dma_start3A_144] : memref<10000x128xf32, #tpu.memory_space<hbm>> -> memref<10000x128xf32, #tpu.memory_space<hbm>>
      tpu.enqueue_indirect_dma source(%dma_start3A_145 : memref<10000x128xf32, #tpu.memory_space<hbm>>) target(%arg11 : memref<128x128xf32, #tpu.memory_space<vmem>>) offsets(%dma_start3A_142 : memref<128xi32, #tpu.memory_space<vmem>>) semaphore(%arg14 : memref<!tpu.dma_semaphore, #tpu.memory_space<semaphore_mem>>)
      %dma_wait3A_146 = arith.constant 3 : i32
      %dma_wait3A_147 = arith.constant 0 : i32
      %dma_wait3A_148 = tpu.memref_slice %arg6[%dma_wait3A_146, %dma_wait3A_147] : memref<8x128xi32, #tpu.memory_space<vmem>> -> memref<1x128xi32, #tpu.memory_space<vmem>>
      %dma_wait3A_149 = tpu.memref_squeeze %dma_wait3A_148 : memref<1x128xi32, #tpu.memory_space<vmem>> -> memref<128xi32, #tpu.memory_space<vmem>>
      %dma_wait3A_150 = arith.constant 0 : i32
      %dma_wait3A_151 = arith.constant 0 : i32
      %dma_wait3A_152 = tpu.memref_slice %arg2[%dma_wait3A_150, %dma_wait3A_151] : memref<10000x128xf32, #tpu.memory_space<hbm>> -> memref<10000x128xf32, #tpu.memory_space<hbm>>
      tpu.wait_indirect_dma semaphore(%arg14 : memref<!tpu.dma_semaphore, #tpu.memory_space<semaphore_mem>>) src(%dma_wait3A_152 : memref<10000x128xf32, #tpu.memory_space<hbm>>) dst(%arg11 : memref<128x128xf32, #tpu.memory_space<vmem>>)
      %dma_start3A_153 = arith.constant 3 : i32
      %dma_start3A_154 = arith.constant 0 : i32
      %dma_start3A_155 = tpu.memref_slice %arg8[%dma_start3A_153, %dma_start3A_154] : memref<8x128xi32, #tpu.memory_space<vmem>> -> memref<1x128xi32, #tpu.memory_space<vmem>>
      %dma_start3A_156 = tpu.memref_squeeze %dma_start3A_155 : memref<1x128xi32, #tpu.memory_space<vmem>> -> memref<128xi32, #tpu.memory_space<vmem>>
      %dma_start3A_157 = arith.constant 0 : i32
      %dma_start3A_158 = arith.constant 0 : i32
      %dma_start3A_159 = tpu.memref_slice %arg12[%dma_start3A_157, %dma_start3A_158] : memref<10016x128xf32, #tpu.memory_space<vmem_shared>> -> memref<10016x128xf32, #tpu.memory_space<vmem_shared>>
      tpu.enqueue_indirect_dma source(%arg11 : memref<128x128xf32, #tpu.memory_space<vmem>>) target(%dma_start3A_159 : memref<10016x128xf32, #tpu.memory_space<vmem_shared>>) offsets(%dma_start3A_156 : memref<128xi32, #tpu.memory_space<vmem>>) semaphore(%arg16 : memref<!tpu.dma_semaphore, #tpu.memory_space<semaphore_mem>>) {add = true}
      %dma_wait3A_160 = arith.constant 2 : i32
      %dma_wait3A_161 = arith.constant 0 : i32
      %dma_wait3A_162 = tpu.memref_slice %arg8[%dma_wait3A_160, %dma_wait3A_161] : memref<8x128xi32, #tpu.memory_space<vmem>> -> memref<1x128xi32, #tpu.memory_space<vmem>>
      %dma_wait3A_163 = tpu.memref_squeeze %dma_wait3A_162 : memref<1x128xi32, #tpu.memory_space<vmem>> -> memref<128xi32, #tpu.memory_space<vmem>>
      %dma_wait3A_164 = arith.constant 0 : i32
      %dma_wait3A_165 = arith.constant 0 : i32
      %dma_wait3A_166 = tpu.memref_slice %arg12[%dma_wait3A_164, %dma_wait3A_165] : memref<10016x128xf32, #tpu.memory_space<vmem_shared>> -> memref<10016x128xf32, #tpu.memory_space<vmem_shared>>
      tpu.wait_indirect_dma semaphore(%arg15 : memref<!tpu.dma_semaphore, #tpu.memory_space<semaphore_mem>>) src(%arg10 : memref<128x128xf32, #tpu.memory_space<vmem>>) dst(%dma_wait3A_166 : memref<10016x128xf32, #tpu.memory_space<vmem_shared>>)
      %dma_start3A_167 = arith.constant 4 : i32
      %dma_start3A_168 = arith.constant 0 : i32
      %dma_start3A_169 = tpu.memref_slice %arg6[%dma_start3A_167, %dma_start3A_168] : memref<8x128xi32, #tpu.memory_space<vmem>> -> memref<1x128xi32, #tpu.memory_space<vmem>>
      %dma_start3A_170 = tpu.memref_squeeze %dma_start3A_169 : memref<1x128xi32, #tpu.memory_space<vmem>> -> memref<128xi32, #tpu.memory_space<vmem>>
      %dma_start3A_171 = arith.constant 0 : i32
      %dma_start3A_172 = arith.constant 0 : i32
      %dma_start3A_173 = tpu.memref_slice %arg2[%dma_start3A_171, %dma_start3A_172] : memref<10000x128xf32, #tpu.memory_space<hbm>> -> memref<10000x128xf32, #tpu.memory_space<hbm>>
      tpu.enqueue_indirect_dma source(%dma_start3A_173 : memref<10000x128xf32, #tpu.memory_space<hbm>>) target(%arg10 : memref<128x128xf32, #tpu.memory_space<vmem>>) offsets(%dma_start3A_170 : memref<128xi32, #tpu.memory_space<vmem>>) semaphore(%arg13 : memref<!tpu.dma_semaphore, #tpu.memory_space<semaphore_mem>>)
      %dma_wait3A_174 = arith.constant 4 : i32
      %dma_wait3A_175 = arith.constant 0 : i32
      %dma_wait3A_176 = tpu.memref_slice %arg6[%dma_wait3A_174, %dma_wait3A_175] : memref<8x128xi32, #tpu.memory_space<vmem>> -> memref<1x128xi32, #tpu.memory_space<vmem>>
      %dma_wait3A_177 = tpu.memref_squeeze %dma_wait3A_176 : memref<1x128xi32, #tpu.memory_space<vmem>> -> memref<128xi32, #tpu.memory_space<vmem>>
      %dma_wait3A_178 = arith.constant 0 : i32
      %dma_wait3A_179 = arith.constant 0 : i32
      %dma_wait3A_180 = tpu.memref_slice %arg2[%dma_wait3A_178, %dma_wait3A_179] : memref<10000x128xf32, #tpu.memory_space<hbm>> -> memref<10000x128xf32, #tpu.memory_space<hbm>>
      tpu.wait_indirect_dma semaphore(%arg13 : memref<!tpu.dma_semaphore, #tpu.memory_space<semaphore_mem>>) src(%dma_wait3A_180 : memref<10000x128xf32, #tpu.memory_space<hbm>>) dst(%arg10 : memref<128x128xf32, #tpu.memory_space<vmem>>)
      %dma_start3A_181 = arith.constant 4 : i32
      %dma_start3A_182 = arith.constant 0 : i32
      %dma_start3A_183 = tpu.memref_slice %arg8[%dma_start3A_181, %dma_start3A_182] : memref<8x128xi32, #tpu.memory_space<vmem>> -> memref<1x128xi32, #tpu.memory_space<vmem>>
      %dma_start3A_184 = tpu.memref_squeeze %dma_start3A_183 : memref<1x128xi32, #tpu.memory_space<vmem>> -> memref<128xi32, #tpu.memory_space<vmem>>
      %dma_start3A_185 = arith.constant 0 : i32
      %dma_start3A_186 = arith.constant 0 : i32
      %dma_start3A_187 = tpu.memref_slice %arg12[%dma_start3A_185, %dma_start3A_186] : memref<10016x128xf32, #tpu.memory_space<vmem_shared>> -> memref<10016x128xf32, #tpu.memory_space<vmem_shared>>
      tpu.enqueue_indirect_dma source(%arg10 : memref<128x128xf32, #tpu.memory_space<vmem>>) target(%dma_start3A_187 : memref<10016x128xf32, #tpu.memory_space<vmem_shared>>) offsets(%dma_start3A_184 : memref<128xi32, #tpu.memory_space<vmem>>) semaphore(%arg15 : memref<!tpu.dma_semaphore, #tpu.memory_space<semaphore_mem>>) {add = true}
      %dma_wait3A_188 = arith.constant 3 : i32
      %dma_wait3A_189 = arith.constant 0 : i32
      %dma_wait3A_190 = tpu.memref_slice %arg8[%dma_wait3A_188, %dma_wait3A_189] : memref<8x128xi32, #tpu.memory_space<vmem>> -> memref<1x128xi32, #tpu.memory_space<vmem>>
      %dma_wait3A_191 = tpu.memref_squeeze %dma_wait3A_190 : memref<1x128xi32, #tpu.memory_space<vmem>> -> memref<128xi32, #tpu.memory_space<vmem>>
      %dma_wait3A_192 = arith.constant 0 : i32
      %dma_wait3A_193 = arith.constant 0 : i32
      %dma_wait3A_194 = tpu.memref_slice %arg12[%dma_wait3A_192, %dma_wait3A_193] : memref<10016x128xf32, #tpu.memory_space<vmem_shared>> -> memref<10016x128xf32, #tpu.memory_space<vmem_shared>>
      tpu.wait_indirect_dma semaphore(%arg16 : memref<!tpu.dma_semaphore, #tpu.memory_space<semaphore_mem>>) src(%arg11 : memref<128x128xf32, #tpu.memory_space<vmem>>) dst(%dma_wait3A_194 : memref<10016x128xf32, #tpu.memory_space<vmem_shared>>)
      %dma_start3A_195 = arith.constant 5 : i32
      %dma_start3A_196 = arith.constant 0 : i32
      %dma_start3A_197 = tpu.memref_slice %arg6[%dma_start3A_195, %dma_start3A_196] : memref<8x128xi32, #tpu.memory_space<vmem>> -> memref<1x128xi32, #tpu.memory_space<vmem>>
      %dma_start3A_198 = tpu.memref_squeeze %dma_start3A_197 : memref<1x128xi32, #tpu.memory_space<vmem>> -> memref<128xi32, #tpu.memory_space<vmem>>
      %dma_start3A_199 = arith.constant 0 : i32
      %dma_start3A_200 = arith.constant 0 : i32
      %dma_start3A_201 = tpu.memref_slice %arg2[%dma_start3A_199, %dma_start3A_200] : memref<10000x128xf32, #tpu.memory_space<hbm>> -> memref<10000x128xf32, #tpu.memory_space<hbm>>
      tpu.enqueue_indirect_dma source(%dma_start3A_201 : memref<10000x128xf32, #tpu.memory_space<hbm>>) target(%arg11 : memref<128x128xf32, #tpu.memory_space<vmem>>) offsets(%dma_start3A_198 : memref<128xi32, #tpu.memory_space<vmem>>) semaphore(%arg14 : memref<!tpu.dma_semaphore, #tpu.memory_space<semaphore_mem>>)
      %dma_wait3A_202 = arith.constant 5 : i32
      %dma_wait3A_203 = arith.constant 0 : i32
      %dma_wait3A_204 = tpu.memref_slice %arg6[%dma_wait3A_202, %dma_wait3A_203] : memref<8x128xi32, #tpu.memory_space<vmem>> -> memref<1x128xi32, #tpu.memory_space<vmem>>
      %dma_wait3A_205 = tpu.memref_squeeze %dma_wait3A_204 : memref<1x128xi32, #tpu.memory_space<vmem>> -> memref<128xi32, #tpu.memory_space<vmem>>
      %dma_wait3A_206 = arith.constant 0 : i32
      %dma_wait3A_207 = arith.constant 0 : i32
      %dma_wait3A_208 = tpu.memref_slice %arg2[%dma_wait3A_206, %dma_wait3A_207] : memref<10000x128xf32, #tpu.memory_space<hbm>> -> memref<10000x128xf32, #tpu.memory_space<hbm>>
      tpu.wait_indirect_dma semaphore(%arg14 : memref<!tpu.dma_semaphore, #tpu.memory_space<semaphore_mem>>) src(%dma_wait3A_208 : memref<10000x128xf32, #tpu.memory_space<hbm>>) dst(%arg11 : memref<128x128xf32, #tpu.memory_space<vmem>>)
      %dma_start3A_209 = arith.constant 5 : i32
      %dma_start3A_210 = arith.constant 0 : i32
      %dma_start3A_211 = tpu.memref_slice %arg8[%dma_start3A_209, %dma_start3A_210] : memref<8x128xi32, #tpu.memory_space<vmem>> -> memref<1x128xi32, #tpu.memory_space<vmem>>
      %dma_start3A_212 = tpu.memref_squeeze %dma_start3A_211 : memref<1x128xi32, #tpu.memory_space<vmem>> -> memref<128xi32, #tpu.memory_space<vmem>>
      %dma_start3A_213 = arith.constant 0 : i32
      %dma_start3A_214 = arith.constant 0 : i32
      %dma_start3A_215 = tpu.memref_slice %arg12[%dma_start3A_213, %dma_start3A_214] : memref<10016x128xf32, #tpu.memory_space<vmem_shared>> -> memref<10016x128xf32, #tpu.memory_space<vmem_shared>>
      tpu.enqueue_indirect_dma source(%arg11 : memref<128x128xf32, #tpu.memory_space<vmem>>) target(%dma_start3A_215 : memref<10016x128xf32, #tpu.memory_space<vmem_shared>>) offsets(%dma_start3A_212 : memref<128xi32, #tpu.memory_space<vmem>>) semaphore(%arg16 : memref<!tpu.dma_semaphore, #tpu.memory_space<semaphore_mem>>) {add = true}
      %dma_wait3A_216 = arith.constant 4 : i32
      %dma_wait3A_217 = arith.constant 0 : i32
      %dma_wait3A_218 = tpu.memref_slice %arg8[%dma_wait3A_216, %dma_wait3A_217] : memref<8x128xi32, #tpu.memory_space<vmem>> -> memref<1x128xi32, #tpu.memory_space<vmem>>
      %dma_wait3A_219 = tpu.memref_squeeze %dma_wait3A_218 : memref<1x128xi32, #tpu.memory_space<vmem>> -> memref<128xi32, #tpu.memory_space<vmem>>
      %dma_wait3A_220 = arith.constant 0 : i32
      %dma_wait3A_221 = arith.constant 0 : i32
      %dma_wait3A_222 = tpu.memref_slice %arg12[%dma_wait3A_220, %dma_wait3A_221] : memref<10016x128xf32, #tpu.memory_space<vmem_shared>> -> memref<10016x128xf32, #tpu.memory_space<vmem_shared>>
      tpu.wait_indirect_dma semaphore(%arg15 : memref<!tpu.dma_semaphore, #tpu.memory_space<semaphore_mem>>) src(%arg10 : memref<128x128xf32, #tpu.memory_space<vmem>>) dst(%dma_wait3A_222 : memref<10016x128xf32, #tpu.memory_space<vmem_shared>>)
      %dma_start3A_223 = arith.constant 6 : i32
      %dma_start3A_224 = arith.constant 0 : i32
      %dma_start3A_225 = tpu.memref_slice %arg6[%dma_start3A_223, %dma_start3A_224] : memref<8x128xi32, #tpu.memory_space<vmem>> -> memref<1x128xi32, #tpu.memory_space<vmem>>
      %dma_start3A_226 = tpu.memref_squeeze %dma_start3A_225 : memref<1x128xi32, #tpu.memory_space<vmem>> -> memref<128xi32, #tpu.memory_space<vmem>>
      %dma_start3A_227 = arith.constant 0 : i32
      %dma_start3A_228 = arith.constant 0 : i32
      %dma_start3A_229 = tpu.memref_slice %arg2[%dma_start3A_227, %dma_start3A_228] : memref<10000x128xf32, #tpu.memory_space<hbm>> -> memref<10000x128xf32, #tpu.memory_space<hbm>>
      tpu.enqueue_indirect_dma source(%dma_start3A_229 : memref<10000x128xf32, #tpu.memory_space<hbm>>) target(%arg10 : memref<128x128xf32, #tpu.memory_space<vmem>>) offsets(%dma_start3A_226 : memref<128xi32, #tpu.memory_space<vmem>>) semaphore(%arg13 : memref<!tpu.dma_semaphore, #tpu.memory_space<semaphore_mem>>)
      %dma_wait3A_230 = arith.constant 6 : i32
      %dma_wait3A_231 = arith.constant 0 : i32
      %dma_wait3A_232 = tpu.memref_slice %arg6[%dma_wait3A_230, %dma_wait3A_231] : memref<8x128xi32, #tpu.memory_space<vmem>> -> memref<1x128xi32, #tpu.memory_space<vmem>>
      %dma_wait3A_233 = tpu.memref_squeeze %dma_wait3A_232 : memref<1x128xi32, #tpu.memory_space<vmem>> -> memref<128xi32, #tpu.memory_space<vmem>>
      %dma_wait3A_234 = arith.constant 0 : i32
      %dma_wait3A_235 = arith.constant 0 : i32
      %dma_wait3A_236 = tpu.memref_slice %arg2[%dma_wait3A_234, %dma_wait3A_235] : memref<10000x128xf32, #tpu.memory_space<hbm>> -> memref<10000x128xf32, #tpu.memory_space<hbm>>
      tpu.wait_indirect_dma semaphore(%arg13 : memref<!tpu.dma_semaphore, #tpu.memory_space<semaphore_mem>>) src(%dma_wait3A_236 : memref<10000x128xf32, #tpu.memory_space<hbm>>) dst(%arg10 : memref<128x128xf32, #tpu.memory_space<vmem>>)
      %dma_start3A_237 = arith.constant 6 : i32
      %dma_start3A_238 = arith.constant 0 : i32
      %dma_start3A_239 = tpu.memref_slice %arg8[%dma_start3A_237, %dma_start3A_238] : memref<8x128xi32, #tpu.memory_space<vmem>> -> memref<1x128xi32, #tpu.memory_space<vmem>>
      %dma_start3A_240 = tpu.memref_squeeze %dma_start3A_239 : memref<1x128xi32, #tpu.memory_space<vmem>> -> memref<128xi32, #tpu.memory_space<vmem>>
      %dma_start3A_241 = arith.constant 0 : i32
      %dma_start3A_242 = arith.constant 0 : i32
      %dma_start3A_243 = tpu.memref_slice %arg12[%dma_start3A_241, %dma_start3A_242] : memref<10016x128xf32, #tpu.memory_space<vmem_shared>> -> memref<10016x128xf32, #tpu.memory_space<vmem_shared>>
      tpu.enqueue_indirect_dma source(%arg10 : memref<128x128xf32, #tpu.memory_space<vmem>>) target(%dma_start3A_243 : memref<10016x128xf32, #tpu.memory_space<vmem_shared>>) offsets(%dma_start3A_240 : memref<128xi32, #tpu.memory_space<vmem>>) semaphore(%arg15 : memref<!tpu.dma_semaphore, #tpu.memory_space<semaphore_mem>>) {add = true}
      %dma_wait3A_244 = arith.constant 5 : i32
      %dma_wait3A_245 = arith.constant 0 : i32
      %dma_wait3A_246 = tpu.memref_slice %arg8[%dma_wait3A_244, %dma_wait3A_245] : memref<8x128xi32, #tpu.memory_space<vmem>> -> memref<1x128xi32, #tpu.memory_space<vmem>>
      %dma_wait3A_247 = tpu.memref_squeeze %dma_wait3A_246 : memref<1x128xi32, #tpu.memory_space<vmem>> -> memref<128xi32, #tpu.memory_space<vmem>>
      %dma_wait3A_248 = arith.constant 0 : i32
      %dma_wait3A_249 = arith.constant 0 : i32
      %dma_wait3A_250 = tpu.memref_slice %arg12[%dma_wait3A_248, %dma_wait3A_249] : memref<10016x128xf32, #tpu.memory_space<vmem_shared>> -> memref<10016x128xf32, #tpu.memory_space<vmem_shared>>
      tpu.wait_indirect_dma semaphore(%arg16 : memref<!tpu.dma_semaphore, #tpu.memory_space<semaphore_mem>>) src(%arg11 : memref<128x128xf32, #tpu.memory_space<vmem>>) dst(%dma_wait3A_250 : memref<10016x128xf32, #tpu.memory_space<vmem_shared>>)
      %dma_start3A_251 = arith.constant 7 : i32
      %dma_start3A_252 = arith.constant 0 : i32
      %dma_start3A_253 = tpu.memref_slice %arg6[%dma_start3A_251, %dma_start3A_252] : memref<8x128xi32, #tpu.memory_space<vmem>> -> memref<1x128xi32, #tpu.memory_space<vmem>>
      %dma_start3A_254 = tpu.memref_squeeze %dma_start3A_253 : memref<1x128xi32, #tpu.memory_space<vmem>> -> memref<128xi32, #tpu.memory_space<vmem>>
      %dma_start3A_255 = arith.constant 0 : i32
      %dma_start3A_256 = arith.constant 0 : i32
      %dma_start3A_257 = tpu.memref_slice %arg2[%dma_start3A_255, %dma_start3A_256] : memref<10000x128xf32, #tpu.memory_space<hbm>> -> memref<10000x128xf32, #tpu.memory_space<hbm>>
      tpu.enqueue_indirect_dma source(%dma_start3A_257 : memref<10000x128xf32, #tpu.memory_space<hbm>>) target(%arg11 : memref<128x128xf32, #tpu.memory_space<vmem>>) offsets(%dma_start3A_254 : memref<128xi32, #tpu.memory_space<vmem>>) semaphore(%arg14 : memref<!tpu.dma_semaphore, #tpu.memory_space<semaphore_mem>>)
      %dma_wait3A_258 = arith.constant 7 : i32
      %dma_wait3A_259 = arith.constant 0 : i32
      %dma_wait3A_260 = tpu.memref_slice %arg6[%dma_wait3A_258, %dma_wait3A_259] : memref<8x128xi32, #tpu.memory_space<vmem>> -> memref<1x128xi32, #tpu.memory_space<vmem>>
      %dma_wait3A_261 = tpu.memref_squeeze %dma_wait3A_260 : memref<1x128xi32, #tpu.memory_space<vmem>> -> memref<128xi32, #tpu.memory_space<vmem>>
      %dma_wait3A_262 = arith.constant 0 : i32
      %dma_wait3A_263 = arith.constant 0 : i32
      %dma_wait3A_264 = tpu.memref_slice %arg2[%dma_wait3A_262, %dma_wait3A_263] : memref<10000x128xf32, #tpu.memory_space<hbm>> -> memref<10000x128xf32, #tpu.memory_space<hbm>>
      tpu.wait_indirect_dma semaphore(%arg14 : memref<!tpu.dma_semaphore, #tpu.memory_space<semaphore_mem>>) src(%dma_wait3A_264 : memref<10000x128xf32, #tpu.memory_space<hbm>>) dst(%arg11 : memref<128x128xf32, #tpu.memory_space<vmem>>)
      %dma_start3A_265 = arith.constant 7 : i32
      %dma_start3A_266 = arith.constant 0 : i32
      %dma_start3A_267 = tpu.memref_slice %arg8[%dma_start3A_265, %dma_start3A_266] : memref<8x128xi32, #tpu.memory_space<vmem>> -> memref<1x128xi32, #tpu.memory_space<vmem>>
      %dma_start3A_268 = tpu.memref_squeeze %dma_start3A_267 : memref<1x128xi32, #tpu.memory_space<vmem>> -> memref<128xi32, #tpu.memory_space<vmem>>
      %dma_start3A_269 = arith.constant 0 : i32
      %dma_start3A_270 = arith.constant 0 : i32
      %dma_start3A_271 = tpu.memref_slice %arg12[%dma_start3A_269, %dma_start3A_270] : memref<10016x128xf32, #tpu.memory_space<vmem_shared>> -> memref<10016x128xf32, #tpu.memory_space<vmem_shared>>
      tpu.enqueue_indirect_dma source(%arg11 : memref<128x128xf32, #tpu.memory_space<vmem>>) target(%dma_start3A_271 : memref<10016x128xf32, #tpu.memory_space<vmem_shared>>) offsets(%dma_start3A_268 : memref<128xi32, #tpu.memory_space<vmem>>) semaphore(%arg16 : memref<!tpu.dma_semaphore, #tpu.memory_space<semaphore_mem>>) {add = true}
      %dma_wait3A_272 = arith.constant 0 : i32
      %dma_wait3A_273 = tpu.memref_slice %arg3[%add3A_44, %dma_wait3A_272] : memref<2560x128xi32, #tpu.memory_space<hbm>> -> memref<8x128xi32, #tpu.memory_space<hbm>>
      %dma_wait3A_274 = arith.constant 0 : i32
      %dma_wait3A_275 = tpu.memref_slice %arg3[%add3A_44, %dma_wait3A_274] : memref<2560x128xi32, #tpu.memory_space<hbm>> -> memref<8x128xi32, #tpu.memory_space<hbm>>
      tpu.wait_dma2 semaphore(%arg19 : memref<!tpu.dma_semaphore, #tpu.memory_space<semaphore_mem>>) src(%dma_wait3A_275 : memref<8x128xi32, #tpu.memory_space<hbm>>) dst(%arg7 : memref<8x128xi32, #tpu.memory_space<vmem>>)
      %dma_wait3A_276 = arith.constant 0 : i32
      %dma_wait3A_277 = tpu.memref_slice %arg4[%add3A_50, %dma_wait3A_276] : memref<2560x128xi32, #tpu.memory_space<hbm>> -> memref<8x128xi32, #tpu.memory_space<hbm>>
      %dma_wait3A_278 = arith.constant 0 : i32
      %dma_wait3A_279 = tpu.memref_slice %arg4[%add3A_50, %dma_wait3A_278] : memref<2560x128xi32, #tpu.memory_space<hbm>> -> memref<8x128xi32, #tpu.memory_space<hbm>>
      tpu.wait_dma2 semaphore(%arg20 : memref<!tpu.dma_semaphore, #tpu.memory_space<semaphore_mem>>) src(%dma_wait3A_279 : memref<8x128xi32, #tpu.memory_space<hbm>>) dst(%arg9 : memref<8x128xi32, #tpu.memory_space<vmem>>)
      %dma_wait3A_280 = arith.constant 6 : i32
      %dma_wait3A_281 = arith.constant 0 : i32
      %dma_wait3A_282 = tpu.memref_slice %arg8[%dma_wait3A_280, %dma_wait3A_281] : memref<8x128xi32, #tpu.memory_space<vmem>> -> memref<1x128xi32, #tpu.memory_space<vmem>>
      %dma_wait3A_283 = tpu.memref_squeeze %dma_wait3A_282 : memref<1x128xi32, #tpu.memory_space<vmem>> -> memref<128xi32, #tpu.memory_space<vmem>>
      %dma_wait3A_284 = arith.constant 0 : i32
      %dma_wait3A_285 = arith.constant 0 : i32
      %dma_wait3A_286 = tpu.memref_slice %arg12[%dma_wait3A_284, %dma_wait3A_285] : memref<10016x128xf32, #tpu.memory_space<vmem_shared>> -> memref<10016x128xf32, #tpu.memory_space<vmem_shared>>
      tpu.wait_indirect_dma semaphore(%arg15 : memref<!tpu.dma_semaphore, #tpu.memory_space<semaphore_mem>>) src(%arg10 : memref<128x128xf32, #tpu.memory_space<vmem>>) dst(%dma_wait3A_286 : memref<10016x128xf32, #tpu.memory_space<vmem_shared>>)
      %dma_start3A_287 = arith.constant 0 : i32
      %dma_start3A_288 = arith.constant 0 : i32
      %dma_start3A_289 = tpu.memref_slice %arg7[%dma_start3A_287, %dma_start3A_288] : memref<8x128xi32, #tpu.memory_space<vmem>> -> memref<1x128xi32, #tpu.memory_space<vmem>>
      %dma_start3A_290 = tpu.memref_squeeze %dma_start3A_289 : memref<1x128xi32, #tpu.memory_space<vmem>> -> memref<128xi32, #tpu.memory_space<vmem>>
      %dma_start3A_291 = arith.constant 0 : i32
      %dma_start3A_292 = arith.constant 0 : i32
      %dma_start3A_293 = tpu.memref_slice %arg2[%dma_start3A_291, %dma_start3A_292] : memref<10000x128xf32, #tpu.memory_space<hbm>> -> memref<10000x128xf32, #tpu.memory_space<hbm>>
      tpu.enqueue_indirect_dma source(%dma_start3A_293 : memref<10000x128xf32, #tpu.memory_space<hbm>>) target(%arg10 : memref<128x128xf32, #tpu.memory_space<vmem>>) offsets(%dma_start3A_290 : memref<128xi32, #tpu.memory_space<vmem>>) semaphore(%arg13 : memref<!tpu.dma_semaphore, #tpu.memory_space<semaphore_mem>>)
      %dma_wait3A_294 = arith.constant 0 : i32
      %dma_wait3A_295 = arith.constant 0 : i32
      %dma_wait3A_296 = tpu.memref_slice %arg7[%dma_wait3A_294, %dma_wait3A_295] : memref<8x128xi32, #tpu.memory_space<vmem>> -> memref<1x128xi32, #tpu.memory_space<vmem>>
      %dma_wait3A_297 = tpu.memref_squeeze %dma_wait3A_296 : memref<1x128xi32, #tpu.memory_space<vmem>> -> memref<128xi32, #tpu.memory_space<vmem>>
      %dma_wait3A_298 = arith.constant 0 : i32
      %dma_wait3A_299 = arith.constant 0 : i32
      %dma_wait3A_300 = tpu.memref_slice %arg2[%dma_wait3A_298, %dma_wait3A_299] : memref<10000x128xf32, #tpu.memory_space<hbm>> -> memref<10000x128xf32, #tpu.memory_space<hbm>>
      tpu.wait_indirect_dma semaphore(%arg13 : memref<!tpu.dma_semaphore, #tpu.memory_space<semaphore_mem>>) src(%dma_wait3A_300 : memref<10000x128xf32, #tpu.memory_space<hbm>>) dst(%arg10 : memref<128x128xf32, #tpu.memory_space<vmem>>)
      %dma_start3A_301 = arith.constant 0 : i32
      %dma_start3A_302 = arith.constant 0 : i32
      %dma_start3A_303 = tpu.memref_slice %arg9[%dma_start3A_301, %dma_start3A_302] : memref<8x128xi32, #tpu.memory_space<vmem>> -> memref<1x128xi32, #tpu.memory_space<vmem>>
      %dma_start3A_304 = tpu.memref_squeeze %dma_start3A_303 : memref<1x128xi32, #tpu.memory_space<vmem>> -> memref<128xi32, #tpu.memory_space<vmem>>
      %dma_start3A_305 = arith.constant 0 : i32
      %dma_start3A_306 = arith.constant 0 : i32
      %dma_start3A_307 = tpu.memref_slice %arg12[%dma_start3A_305, %dma_start3A_306] : memref<10016x128xf32, #tpu.memory_space<vmem_shared>> -> memref<10016x128xf32, #tpu.memory_space<vmem_shared>>
      tpu.enqueue_indirect_dma source(%arg10 : memref<128x128xf32, #tpu.memory_space<vmem>>) target(%dma_start3A_307 : memref<10016x128xf32, #tpu.memory_space<vmem_shared>>) offsets(%dma_start3A_304 : memref<128xi32, #tpu.memory_space<vmem>>) semaphore(%arg15 : memref<!tpu.dma_semaphore, #tpu.memory_space<semaphore_mem>>) {add = true}
      %dma_wait3A_308 = arith.constant 7 : i32
      %dma_wait3A_309 = arith.constant 0 : i32
      %dma_wait3A_310 = tpu.memref_slice %arg8[%dma_wait3A_308, %dma_wait3A_309] : memref<8x128xi32, #tpu.memory_space<vmem>> -> memref<1x128xi32, #tpu.memory_space<vmem>>
      %dma_wait3A_311 = tpu.memref_squeeze %dma_wait3A_310 : memref<1x128xi32, #tpu.memory_space<vmem>> -> memref<128xi32, #tpu.memory_space<vmem>>
      %dma_wait3A_312 = arith.constant 0 : i32
      %dma_wait3A_313 = arith.constant 0 : i32
      %dma_wait3A_314 = tpu.memref_slice %arg12[%dma_wait3A_312, %dma_wait3A_313] : memref<10016x128xf32, #tpu.memory_space<vmem_shared>> -> memref<10016x128xf32, #tpu.memory_space<vmem_shared>>
      tpu.wait_indirect_dma semaphore(%arg16 : memref<!tpu.dma_semaphore, #tpu.memory_space<semaphore_mem>>) src(%arg11 : memref<128x128xf32, #tpu.memory_space<vmem>>) dst(%dma_wait3A_314 : memref<10016x128xf32, #tpu.memory_space<vmem_shared>>)
      %dma_start3A_315 = arith.constant 1 : i32
      %dma_start3A_316 = arith.constant 0 : i32
      %dma_start3A_317 = tpu.memref_slice %arg7[%dma_start3A_315, %dma_start3A_316] : memref<8x128xi32, #tpu.memory_space<vmem>> -> memref<1x128xi32, #tpu.memory_space<vmem>>
      %dma_start3A_318 = tpu.memref_squeeze %dma_start3A_317 : memref<1x128xi32, #tpu.memory_space<vmem>> -> memref<128xi32, #tpu.memory_space<vmem>>
      %dma_start3A_319 = arith.constant 0 : i32
      %dma_start3A_320 = arith.constant 0 : i32
      %dma_start3A_321 = tpu.memref_slice %arg2[%dma_start3A_319, %dma_start3A_320] : memref<10000x128xf32, #tpu.memory_space<hbm>> -> memref<10000x128xf32, #tpu.memory_space<hbm>>
      tpu.enqueue_indirect_dma source(%dma_start3A_321 : memref<10000x128xf32, #tpu.memory_space<hbm>>) target(%arg11 : memref<128x128xf32, #tpu.memory_space<vmem>>) offsets(%dma_start3A_318 : memref<128xi32, #tpu.memory_space<vmem>>) semaphore(%arg14 : memref<!tpu.dma_semaphore, #tpu.memory_space<semaphore_mem>>)
      %dma_wait3A_322 = arith.constant 1 : i32
      %dma_wait3A_323 = arith.constant 0 : i32
      %dma_wait3A_324 = tpu.memref_slice %arg7[%dma_wait3A_322, %dma_wait3A_323] : memref<8x128xi32, #tpu.memory_space<vmem>> -> memref<1x128xi32, #tpu.memory_space<vmem>>
      %dma_wait3A_325 = tpu.memref_squeeze %dma_wait3A_324 : memref<1x128xi32, #tpu.memory_space<vmem>> -> memref<128xi32, #tpu.memory_space<vmem>>
      %dma_wait3A_326 = arith.constant 0 : i32
      %dma_wait3A_327 = arith.constant 0 : i32
      %dma_wait3A_328 = tpu.memref_slice %arg2[%dma_wait3A_326, %dma_wait3A_327] : memref<10000x128xf32, #tpu.memory_space<hbm>> -> memref<10000x128xf32, #tpu.memory_space<hbm>>
      tpu.wait_indirect_dma semaphore(%arg14 : memref<!tpu.dma_semaphore, #tpu.memory_space<semaphore_mem>>) src(%dma_wait3A_328 : memref<10000x128xf32, #tpu.memory_space<hbm>>) dst(%arg11 : memref<128x128xf32, #tpu.memory_space<vmem>>)
      %dma_start3A_329 = arith.constant 1 : i32
      %dma_start3A_330 = arith.constant 0 : i32
      %dma_start3A_331 = tpu.memref_slice %arg9[%dma_start3A_329, %dma_start3A_330] : memref<8x128xi32, #tpu.memory_space<vmem>> -> memref<1x128xi32, #tpu.memory_space<vmem>>
      %dma_start3A_332 = tpu.memref_squeeze %dma_start3A_331 : memref<1x128xi32, #tpu.memory_space<vmem>> -> memref<128xi32, #tpu.memory_space<vmem>>
      %dma_start3A_333 = arith.constant 0 : i32
      %dma_start3A_334 = arith.constant 0 : i32
      %dma_start3A_335 = tpu.memref_slice %arg12[%dma_start3A_333, %dma_start3A_334] : memref<10016x128xf32, #tpu.memory_space<vmem_shared>> -> memref<10016x128xf32, #tpu.memory_space<vmem_shared>>
      tpu.enqueue_indirect_dma source(%arg11 : memref<128x128xf32, #tpu.memory_space<vmem>>) target(%dma_start3A_335 : memref<10016x128xf32, #tpu.memory_space<vmem_shared>>) offsets(%dma_start3A_332 : memref<128xi32, #tpu.memory_space<vmem>>) semaphore(%arg16 : memref<!tpu.dma_semaphore, #tpu.memory_space<semaphore_mem>>) {add = true}
      %dma_wait3A_336 = arith.constant 0 : i32
      %dma_wait3A_337 = arith.constant 0 : i32
      %dma_wait3A_338 = tpu.memref_slice %arg9[%dma_wait3A_336, %dma_wait3A_337] : memref<8x128xi32, #tpu.memory_space<vmem>> -> memref<1x128xi32, #tpu.memory_space<vmem>>
      %dma_wait3A_339 = tpu.memref_squeeze %dma_wait3A_338 : memref<1x128xi32, #tpu.memory_space<vmem>> -> memref<128xi32, #tpu.memory_space<vmem>>
      %dma_wait3A_340 = arith.constant 0 : i32
      %dma_wait3A_341 = arith.constant 0 : i32
      %dma_wait3A_342 = tpu.memref_slice %arg12[%dma_wait3A_340, %dma_wait3A_341] : memref<10016x128xf32, #tpu.memory_space<vmem_shared>> -> memref<10016x128xf32, #tpu.memory_space<vmem_shared>>
      tpu.wait_indirect_dma semaphore(%arg15 : memref<!tpu.dma_semaphore, #tpu.memory_space<semaphore_mem>>) src(%arg10 : memref<128x128xf32, #tpu.memory_space<vmem>>) dst(%dma_wait3A_342 : memref<10016x128xf32, #tpu.memory_space<vmem_shared>>)
      %dma_start3A_343 = arith.constant 2 : i32
      %dma_start3A_344 = arith.constant 0 : i32
      %dma_start3A_345 = tpu.memref_slice %arg7[%dma_start3A_343, %dma_start3A_344] : memref<8x128xi32, #tpu.memory_space<vmem>> -> memref<1x128xi32, #tpu.memory_space<vmem>>
      %dma_start3A_346 = tpu.memref_squeeze %dma_start3A_345 : memref<1x128xi32, #tpu.memory_space<vmem>> -> memref<128xi32, #tpu.memory_space<vmem>>
      %dma_start3A_347 = arith.constant 0 : i32
      %dma_start3A_348 = arith.constant 0 : i32
      %dma_start3A_349 = tpu.memref_slice %arg2[%dma_start3A_347, %dma_start3A_348] : memref<10000x128xf32, #tpu.memory_space<hbm>> -> memref<10000x128xf32, #tpu.memory_space<hbm>>
      tpu.enqueue_indirect_dma source(%dma_start3A_349 : memref<10000x128xf32, #tpu.memory_space<hbm>>) target(%arg10 : memref<128x128xf32, #tpu.memory_space<vmem>>) offsets(%dma_start3A_346 : memref<128xi32, #tpu.memory_space<vmem>>) semaphore(%arg13 : memref<!tpu.dma_semaphore, #tpu.memory_space<semaphore_mem>>)
      %dma_wait3A_350 = arith.constant 2 : i32
      %dma_wait3A_351 = arith.constant 0 : i32
      %dma_wait3A_352 = tpu.memref_slice %arg7[%dma_wait3A_350, %dma_wait3A_351] : memref<8x128xi32, #tpu.memory_space<vmem>> -> memref<1x128xi32, #tpu.memory_space<vmem>>
      %dma_wait3A_353 = tpu.memref_squeeze %dma_wait3A_352 : memref<1x128xi32, #tpu.memory_space<vmem>> -> memref<128xi32, #tpu.memory_space<vmem>>
      %dma_wait3A_354 = arith.constant 0 : i32
      %dma_wait3A_355 = arith.constant 0 : i32
      %dma_wait3A_356 = tpu.memref_slice %arg2[%dma_wait3A_354, %dma_wait3A_355] : memref<10000x128xf32, #tpu.memory_space<hbm>> -> memref<10000x128xf32, #tpu.memory_space<hbm>>
      tpu.wait_indirect_dma semaphore(%arg13 : memref<!tpu.dma_semaphore, #tpu.memory_space<semaphore_mem>>) src(%dma_wait3A_356 : memref<10000x128xf32, #tpu.memory_space<hbm>>) dst(%arg10 : memref<128x128xf32, #tpu.memory_space<vmem>>)
      %dma_start3A_357 = arith.constant 2 : i32
      %dma_start3A_358 = arith.constant 0 : i32
      %dma_start3A_359 = tpu.memref_slice %arg9[%dma_start3A_357, %dma_start3A_358] : memref<8x128xi32, #tpu.memory_space<vmem>> -> memref<1x128xi32, #tpu.memory_space<vmem>>
      %dma_start3A_360 = tpu.memref_squeeze %dma_start3A_359 : memref<1x128xi32, #tpu.memory_space<vmem>> -> memref<128xi32, #tpu.memory_space<vmem>>
      %dma_start3A_361 = arith.constant 0 : i32
      %dma_start3A_362 = arith.constant 0 : i32
      %dma_start3A_363 = tpu.memref_slice %arg12[%dma_start3A_361, %dma_start3A_362] : memref<10016x128xf32, #tpu.memory_space<vmem_shared>> -> memref<10016x128xf32, #tpu.memory_space<vmem_shared>>
      tpu.enqueue_indirect_dma source(%arg10 : memref<128x128xf32, #tpu.memory_space<vmem>>) target(%dma_start3A_363 : memref<10016x128xf32, #tpu.memory_space<vmem_shared>>) offsets(%dma_start3A_360 : memref<128xi32, #tpu.memory_space<vmem>>) semaphore(%arg15 : memref<!tpu.dma_semaphore, #tpu.memory_space<semaphore_mem>>) {add = true}
      %dma_wait3A_364 = arith.constant 1 : i32
      %dma_wait3A_365 = arith.constant 0 : i32
      %dma_wait3A_366 = tpu.memref_slice %arg9[%dma_wait3A_364, %dma_wait3A_365] : memref<8x128xi32, #tpu.memory_space<vmem>> -> memref<1x128xi32, #tpu.memory_space<vmem>>
      %dma_wait3A_367 = tpu.memref_squeeze %dma_wait3A_366 : memref<1x128xi32, #tpu.memory_space<vmem>> -> memref<128xi32, #tpu.memory_space<vmem>>
      %dma_wait3A_368 = arith.constant 0 : i32
      %dma_wait3A_369 = arith.constant 0 : i32
      %dma_wait3A_370 = tpu.memref_slice %arg12[%dma_wait3A_368, %dma_wait3A_369] : memref<10016x128xf32, #tpu.memory_space<vmem_shared>> -> memref<10016x128xf32, #tpu.memory_space<vmem_shared>>
      tpu.wait_indirect_dma semaphore(%arg16 : memref<!tpu.dma_semaphore, #tpu.memory_space<semaphore_mem>>) src(%arg11 : memref<128x128xf32, #tpu.memory_space<vmem>>) dst(%dma_wait3A_370 : memref<10016x128xf32, #tpu.memory_space<vmem_shared>>)
      %dma_start3A_371 = arith.constant 3 : i32
      %dma_start3A_372 = arith.constant 0 : i32
      %dma_start3A_373 = tpu.memref_slice %arg7[%dma_start3A_371, %dma_start3A_372] : memref<8x128xi32, #tpu.memory_space<vmem>> -> memref<1x128xi32, #tpu.memory_space<vmem>>
      %dma_start3A_374 = tpu.memref_squeeze %dma_start3A_373 : memref<1x128xi32, #tpu.memory_space<vmem>> -> memref<128xi32, #tpu.memory_space<vmem>>
      %dma_start3A_375 = arith.constant 0 : i32
      %dma_start3A_376 = arith.constant 0 : i32
      %dma_start3A_377 = tpu.memref_slice %arg2[%dma_start3A_375, %dma_start3A_376] : memref<10000x128xf32, #tpu.memory_space<hbm>> -> memref<10000x128xf32, #tpu.memory_space<hbm>>
      tpu.enqueue_indirect_dma source(%dma_start3A_377 : memref<10000x128xf32, #tpu.memory_space<hbm>>) target(%arg11 : memref<128x128xf32, #tpu.memory_space<vmem>>) offsets(%dma_start3A_374 : memref<128xi32, #tpu.memory_space<vmem>>) semaphore(%arg14 : memref<!tpu.dma_semaphore, #tpu.memory_space<semaphore_mem>>)
      %dma_wait3A_378 = arith.constant 3 : i32
      %dma_wait3A_379 = arith.constant 0 : i32
      %dma_wait3A_380 = tpu.memref_slice %arg7[%dma_wait3A_378, %dma_wait3A_379] : memref<8x128xi32, #tpu.memory_space<vmem>> -> memref<1x128xi32, #tpu.memory_space<vmem>>
      %dma_wait3A_381 = tpu.memref_squeeze %dma_wait3A_380 : memref<1x128xi32, #tpu.memory_space<vmem>> -> memref<128xi32, #tpu.memory_space<vmem>>
      %dma_wait3A_382 = arith.constant 0 : i32
      %dma_wait3A_383 = arith.constant 0 : i32
      %dma_wait3A_384 = tpu.memref_slice %arg2[%dma_wait3A_382, %dma_wait3A_383] : memref<10000x128xf32, #tpu.memory_space<hbm>> -> memref<10000x128xf32, #tpu.memory_space<hbm>>
      tpu.wait_indirect_dma semaphore(%arg14 : memref<!tpu.dma_semaphore, #tpu.memory_space<semaphore_mem>>) src(%dma_wait3A_384 : memref<10000x128xf32, #tpu.memory_space<hbm>>) dst(%arg11 : memref<128x128xf32, #tpu.memory_space<vmem>>)
      %dma_start3A_385 = arith.constant 3 : i32
      %dma_start3A_386 = arith.constant 0 : i32
      %dma_start3A_387 = tpu.memref_slice %arg9[%dma_start3A_385, %dma_start3A_386] : memref<8x128xi32, #tpu.memory_space<vmem>> -> memref<1x128xi32, #tpu.memory_space<vmem>>
      %dma_start3A_388 = tpu.memref_squeeze %dma_start3A_387 : memref<1x128xi32, #tpu.memory_space<vmem>> -> memref<128xi32, #tpu.memory_space<vmem>>
      %dma_start3A_389 = arith.constant 0 : i32
      %dma_start3A_390 = arith.constant 0 : i32
      %dma_start3A_391 = tpu.memref_slice %arg12[%dma_start3A_389, %dma_start3A_390] : memref<10016x128xf32, #tpu.memory_space<vmem_shared>> -> memref<10016x128xf32, #tpu.memory_space<vmem_shared>>
      tpu.enqueue_indirect_dma source(%arg11 : memref<128x128xf32, #tpu.memory_space<vmem>>) target(%dma_start3A_391 : memref<10016x128xf32, #tpu.memory_space<vmem_shared>>) offsets(%dma_start3A_388 : memref<128xi32, #tpu.memory_space<vmem>>) semaphore(%arg16 : memref<!tpu.dma_semaphore, #tpu.memory_space<semaphore_mem>>) {add = true}
      %dma_wait3A_392 = arith.constant 2 : i32
      %dma_wait3A_393 = arith.constant 0 : i32
      %dma_wait3A_394 = tpu.memref_slice %arg9[%dma_wait3A_392, %dma_wait3A_393] : memref<8x128xi32, #tpu.memory_space<vmem>> -> memref<1x128xi32, #tpu.memory_space<vmem>>
      %dma_wait3A_395 = tpu.memref_squeeze %dma_wait3A_394 : memref<1x128xi32, #tpu.memory_space<vmem>> -> memref<128xi32, #tpu.memory_space<vmem>>
      %dma_wait3A_396 = arith.constant 0 : i32
      %dma_wait3A_397 = arith.constant 0 : i32
      %dma_wait3A_398 = tpu.memref_slice %arg12[%dma_wait3A_396, %dma_wait3A_397] : memref<10016x128xf32, #tpu.memory_space<vmem_shared>> -> memref<10016x128xf32, #tpu.memory_space<vmem_shared>>
      tpu.wait_indirect_dma semaphore(%arg15 : memref<!tpu.dma_semaphore, #tpu.memory_space<semaphore_mem>>) src(%arg10 : memref<128x128xf32, #tpu.memory_space<vmem>>) dst(%dma_wait3A_398 : memref<10016x128xf32, #tpu.memory_space<vmem_shared>>)
      %dma_start3A_399 = arith.constant 4 : i32
      %dma_start3A_400 = arith.constant 0 : i32
      %dma_start3A_401 = tpu.memref_slice %arg7[%dma_start3A_399, %dma_start3A_400] : memref<8x128xi32, #tpu.memory_space<vmem>> -> memref<1x128xi32, #tpu.memory_space<vmem>>
      %dma_start3A_402 = tpu.memref_squeeze %dma_start3A_401 : memref<1x128xi32, #tpu.memory_space<vmem>> -> memref<128xi32, #tpu.memory_space<vmem>>
      %dma_start3A_403 = arith.constant 0 : i32
      %dma_start3A_404 = arith.constant 0 : i32
      %dma_start3A_405 = tpu.memref_slice %arg2[%dma_start3A_403, %dma_start3A_404] : memref<10000x128xf32, #tpu.memory_space<hbm>> -> memref<10000x128xf32, #tpu.memory_space<hbm>>
      tpu.enqueue_indirect_dma source(%dma_start3A_405 : memref<10000x128xf32, #tpu.memory_space<hbm>>) target(%arg10 : memref<128x128xf32, #tpu.memory_space<vmem>>) offsets(%dma_start3A_402 : memref<128xi32, #tpu.memory_space<vmem>>) semaphore(%arg13 : memref<!tpu.dma_semaphore, #tpu.memory_space<semaphore_mem>>)
      %dma_wait3A_406 = arith.constant 4 : i32
      %dma_wait3A_407 = arith.constant 0 : i32
      %dma_wait3A_408 = tpu.memref_slice %arg7[%dma_wait3A_406, %dma_wait3A_407] : memref<8x128xi32, #tpu.memory_space<vmem>> -> memref<1x128xi32, #tpu.memory_space<vmem>>
      %dma_wait3A_409 = tpu.memref_squeeze %dma_wait3A_408 : memref<1x128xi32, #tpu.memory_space<vmem>> -> memref<128xi32, #tpu.memory_space<vmem>>
      %dma_wait3A_410 = arith.constant 0 : i32
      %dma_wait3A_411 = arith.constant 0 : i32
      %dma_wait3A_412 = tpu.memref_slice %arg2[%dma_wait3A_410, %dma_wait3A_411] : memref<10000x128xf32, #tpu.memory_space<hbm>> -> memref<10000x128xf32, #tpu.memory_space<hbm>>
      tpu.wait_indirect_dma semaphore(%arg13 : memref<!tpu.dma_semaphore, #tpu.memory_space<semaphore_mem>>) src(%dma_wait3A_412 : memref<10000x128xf32, #tpu.memory_space<hbm>>) dst(%arg10 : memref<128x128xf32, #tpu.memory_space<vmem>>)
      %dma_start3A_413 = arith.constant 4 : i32
      %dma_start3A_414 = arith.constant 0 : i32
      %dma_start3A_415 = tpu.memref_slice %arg9[%dma_start3A_413, %dma_start3A_414] : memref<8x128xi32, #tpu.memory_space<vmem>> -> memref<1x128xi32, #tpu.memory_space<vmem>>
      %dma_start3A_416 = tpu.memref_squeeze %dma_start3A_415 : memref<1x128xi32, #tpu.memory_space<vmem>> -> memref<128xi32, #tpu.memory_space<vmem>>
      %dma_start3A_417 = arith.constant 0 : i32
      %dma_start3A_418 = arith.constant 0 : i32
      %dma_start3A_419 = tpu.memref_slice %arg12[%dma_start3A_417, %dma_start3A_418] : memref<10016x128xf32, #tpu.memory_space<vmem_shared>> -> memref<10016x128xf32, #tpu.memory_space<vmem_shared>>
      tpu.enqueue_indirect_dma source(%arg10 : memref<128x128xf32, #tpu.memory_space<vmem>>) target(%dma_start3A_419 : memref<10016x128xf32, #tpu.memory_space<vmem_shared>>) offsets(%dma_start3A_416 : memref<128xi32, #tpu.memory_space<vmem>>) semaphore(%arg15 : memref<!tpu.dma_semaphore, #tpu.memory_space<semaphore_mem>>) {add = true}
      %dma_wait3A_420 = arith.constant 3 : i32
      %dma_wait3A_421 = arith.constant 0 : i32
      %dma_wait3A_422 = tpu.memref_slice %arg9[%dma_wait3A_420, %dma_wait3A_421] : memref<8x128xi32, #tpu.memory_space<vmem>> -> memref<1x128xi32, #tpu.memory_space<vmem>>
      %dma_wait3A_423 = tpu.memref_squeeze %dma_wait3A_422 : memref<1x128xi32, #tpu.memory_space<vmem>> -> memref<128xi32, #tpu.memory_space<vmem>>
      %dma_wait3A_424 = arith.constant 0 : i32
      %dma_wait3A_425 = arith.constant 0 : i32
      %dma_wait3A_426 = tpu.memref_slice %arg12[%dma_wait3A_424, %dma_wait3A_425] : memref<10016x128xf32, #tpu.memory_space<vmem_shared>> -> memref<10016x128xf32, #tpu.memory_space<vmem_shared>>
      tpu.wait_indirect_dma semaphore(%arg16 : memref<!tpu.dma_semaphore, #tpu.memory_space<semaphore_mem>>) src(%arg11 : memref<128x128xf32, #tpu.memory_space<vmem>>) dst(%dma_wait3A_426 : memref<10016x128xf32, #tpu.memory_space<vmem_shared>>)
      %dma_start3A_427 = arith.constant 5 : i32
      %dma_start3A_428 = arith.constant 0 : i32
      %dma_start3A_429 = tpu.memref_slice %arg7[%dma_start3A_427, %dma_start3A_428] : memref<8x128xi32, #tpu.memory_space<vmem>> -> memref<1x128xi32, #tpu.memory_space<vmem>>
      %dma_start3A_430 = tpu.memref_squeeze %dma_start3A_429 : memref<1x128xi32, #tpu.memory_space<vmem>> -> memref<128xi32, #tpu.memory_space<vmem>>
      %dma_start3A_431 = arith.constant 0 : i32
      %dma_start3A_432 = arith.constant 0 : i32
      %dma_start3A_433 = tpu.memref_slice %arg2[%dma_start3A_431, %dma_start3A_432] : memref<10000x128xf32, #tpu.memory_space<hbm>> -> memref<10000x128xf32, #tpu.memory_space<hbm>>
      tpu.enqueue_indirect_dma source(%dma_start3A_433 : memref<10000x128xf32, #tpu.memory_space<hbm>>) target(%arg11 : memref<128x128xf32, #tpu.memory_space<vmem>>) offsets(%dma_start3A_430 : memref<128xi32, #tpu.memory_space<vmem>>) semaphore(%arg14 : memref<!tpu.dma_semaphore, #tpu.memory_space<semaphore_mem>>)
      %dma_wait3A_434 = arith.constant 5 : i32
      %dma_wait3A_435 = arith.constant 0 : i32
      %dma_wait3A_436 = tpu.memref_slice %arg7[%dma_wait3A_434, %dma_wait3A_435] : memref<8x128xi32, #tpu.memory_space<vmem>> -> memref<1x128xi32, #tpu.memory_space<vmem>>
      %dma_wait3A_437 = tpu.memref_squeeze %dma_wait3A_436 : memref<1x128xi32, #tpu.memory_space<vmem>> -> memref<128xi32, #tpu.memory_space<vmem>>
      %dma_wait3A_438 = arith.constant 0 : i32
      %dma_wait3A_439 = arith.constant 0 : i32
      %dma_wait3A_440 = tpu.memref_slice %arg2[%dma_wait3A_438, %dma_wait3A_439] : memref<10000x128xf32, #tpu.memory_space<hbm>> -> memref<10000x128xf32, #tpu.memory_space<hbm>>
      tpu.wait_indirect_dma semaphore(%arg14 : memref<!tpu.dma_semaphore, #tpu.memory_space<semaphore_mem>>) src(%dma_wait3A_440 : memref<10000x128xf32, #tpu.memory_space<hbm>>) dst(%arg11 : memref<128x128xf32, #tpu.memory_space<vmem>>)
      %dma_start3A_441 = arith.constant 5 : i32
      %dma_start3A_442 = arith.constant 0 : i32
      %dma_start3A_443 = tpu.memref_slice %arg9[%dma_start3A_441, %dma_start3A_442] : memref<8x128xi32, #tpu.memory_space<vmem>> -> memref<1x128xi32, #tpu.memory_space<vmem>>
      %dma_start3A_444 = tpu.memref_squeeze %dma_start3A_443 : memref<1x128xi32, #tpu.memory_space<vmem>> -> memref<128xi32, #tpu.memory_space<vmem>>
      %dma_start3A_445 = arith.constant 0 : i32
      %dma_start3A_446 = arith.constant 0 : i32
      %dma_start3A_447 = tpu.memref_slice %arg12[%dma_start3A_445, %dma_start3A_446] : memref<10016x128xf32, #tpu.memory_space<vmem_shared>> -> memref<10016x128xf32, #tpu.memory_space<vmem_shared>>
      tpu.enqueue_indirect_dma source(%arg11 : memref<128x128xf32, #tpu.memory_space<vmem>>) target(%dma_start3A_447 : memref<10016x128xf32, #tpu.memory_space<vmem_shared>>) offsets(%dma_start3A_444 : memref<128xi32, #tpu.memory_space<vmem>>) semaphore(%arg16 : memref<!tpu.dma_semaphore, #tpu.memory_space<semaphore_mem>>) {add = true}
      %dma_wait3A_448 = arith.constant 4 : i32
      %dma_wait3A_449 = arith.constant 0 : i32
      %dma_wait3A_450 = tpu.memref_slice %arg9[%dma_wait3A_448, %dma_wait3A_449] : memref<8x128xi32, #tpu.memory_space<vmem>> -> memref<1x128xi32, #tpu.memory_space<vmem>>
      %dma_wait3A_451 = tpu.memref_squeeze %dma_wait3A_450 : memref<1x128xi32, #tpu.memory_space<vmem>> -> memref<128xi32, #tpu.memory_space<vmem>>
      %dma_wait3A_452 = arith.constant 0 : i32
      %dma_wait3A_453 = arith.constant 0 : i32
      %dma_wait3A_454 = tpu.memref_slice %arg12[%dma_wait3A_452, %dma_wait3A_453] : memref<10016x128xf32, #tpu.memory_space<vmem_shared>> -> memref<10016x128xf32, #tpu.memory_space<vmem_shared>>
      tpu.wait_indirect_dma semaphore(%arg15 : memref<!tpu.dma_semaphore, #tpu.memory_space<semaphore_mem>>) src(%arg10 : memref<128x128xf32, #tpu.memory_space<vmem>>) dst(%dma_wait3A_454 : memref<10016x128xf32, #tpu.memory_space<vmem_shared>>)
      %dma_start3A_455 = arith.constant 6 : i32
      %dma_start3A_456 = arith.constant 0 : i32
      %dma_start3A_457 = tpu.memref_slice %arg7[%dma_start3A_455, %dma_start3A_456] : memref<8x128xi32, #tpu.memory_space<vmem>> -> memref<1x128xi32, #tpu.memory_space<vmem>>
      %dma_start3A_458 = tpu.memref_squeeze %dma_start3A_457 : memref<1x128xi32, #tpu.memory_space<vmem>> -> memref<128xi32, #tpu.memory_space<vmem>>
      %dma_start3A_459 = arith.constant 0 : i32
      %dma_start3A_460 = arith.constant 0 : i32
      %dma_start3A_461 = tpu.memref_slice %arg2[%dma_start3A_459, %dma_start3A_460] : memref<10000x128xf32, #tpu.memory_space<hbm>> -> memref<10000x128xf32, #tpu.memory_space<hbm>>
      tpu.enqueue_indirect_dma source(%dma_start3A_461 : memref<10000x128xf32, #tpu.memory_space<hbm>>) target(%arg10 : memref<128x128xf32, #tpu.memory_space<vmem>>) offsets(%dma_start3A_458 : memref<128xi32, #tpu.memory_space<vmem>>) semaphore(%arg13 : memref<!tpu.dma_semaphore, #tpu.memory_space<semaphore_mem>>)
      %dma_wait3A_462 = arith.constant 6 : i32
      %dma_wait3A_463 = arith.constant 0 : i32
      %dma_wait3A_464 = tpu.memref_slice %arg7[%dma_wait3A_462, %dma_wait3A_463] : memref<8x128xi32, #tpu.memory_space<vmem>> -> memref<1x128xi32, #tpu.memory_space<vmem>>
      %dma_wait3A_465 = tpu.memref_squeeze %dma_wait3A_464 : memref<1x128xi32, #tpu.memory_space<vmem>> -> memref<128xi32, #tpu.memory_space<vmem>>
      %dma_wait3A_466 = arith.constant 0 : i32
      %dma_wait3A_467 = arith.constant 0 : i32
      %dma_wait3A_468 = tpu.memref_slice %arg2[%dma_wait3A_466, %dma_wait3A_467] : memref<10000x128xf32, #tpu.memory_space<hbm>> -> memref<10000x128xf32, #tpu.memory_space<hbm>>
      tpu.wait_indirect_dma semaphore(%arg13 : memref<!tpu.dma_semaphore, #tpu.memory_space<semaphore_mem>>) src(%dma_wait3A_468 : memref<10000x128xf32, #tpu.memory_space<hbm>>) dst(%arg10 : memref<128x128xf32, #tpu.memory_space<vmem>>)
      %dma_start3A_469 = arith.constant 6 : i32
      %dma_start3A_470 = arith.constant 0 : i32
      %dma_start3A_471 = tpu.memref_slice %arg9[%dma_start3A_469, %dma_start3A_470] : memref<8x128xi32, #tpu.memory_space<vmem>> -> memref<1x128xi32, #tpu.memory_space<vmem>>
      %dma_start3A_472 = tpu.memref_squeeze %dma_start3A_471 : memref<1x128xi32, #tpu.memory_space<vmem>> -> memref<128xi32, #tpu.memory_space<vmem>>
      %dma_start3A_473 = arith.constant 0 : i32
      %dma_start3A_474 = arith.constant 0 : i32
      %dma_start3A_475 = tpu.memref_slice %arg12[%dma_start3A_473, %dma_start3A_474] : memref<10016x128xf32, #tpu.memory_space<vmem_shared>> -> memref<10016x128xf32, #tpu.memory_space<vmem_shared>>
      tpu.enqueue_indirect_dma source(%arg10 : memref<128x128xf32, #tpu.memory_space<vmem>>) target(%dma_start3A_475 : memref<10016x128xf32, #tpu.memory_space<vmem_shared>>) offsets(%dma_start3A_472 : memref<128xi32, #tpu.memory_space<vmem>>) semaphore(%arg15 : memref<!tpu.dma_semaphore, #tpu.memory_space<semaphore_mem>>) {add = true}
      %dma_wait3A_476 = arith.constant 5 : i32
      %dma_wait3A_477 = arith.constant 0 : i32
      %dma_wait3A_478 = tpu.memref_slice %arg9[%dma_wait3A_476, %dma_wait3A_477] : memref<8x128xi32, #tpu.memory_space<vmem>> -> memref<1x128xi32, #tpu.memory_space<vmem>>
      %dma_wait3A_479 = tpu.memref_squeeze %dma_wait3A_478 : memref<1x128xi32, #tpu.memory_space<vmem>> -> memref<128xi32, #tpu.memory_space<vmem>>
      %dma_wait3A_480 = arith.constant 0 : i32
      %dma_wait3A_481 = arith.constant 0 : i32
      %dma_wait3A_482 = tpu.memref_slice %arg12[%dma_wait3A_480, %dma_wait3A_481] : memref<10016x128xf32, #tpu.memory_space<vmem_shared>> -> memref<10016x128xf32, #tpu.memory_space<vmem_shared>>
      tpu.wait_indirect_dma semaphore(%arg16 : memref<!tpu.dma_semaphore, #tpu.memory_space<semaphore_mem>>) src(%arg11 : memref<128x128xf32, #tpu.memory_space<vmem>>) dst(%dma_wait3A_482 : memref<10016x128xf32, #tpu.memory_space<vmem_shared>>)
      %dma_start3A_483 = arith.constant 7 : i32
      %dma_start3A_484 = arith.constant 0 : i32
      %dma_start3A_485 = tpu.memref_slice %arg7[%dma_start3A_483, %dma_start3A_484] : memref<8x128xi32, #tpu.memory_space<vmem>> -> memref<1x128xi32, #tpu.memory_space<vmem>>
      %dma_start3A_486 = tpu.memref_squeeze %dma_start3A_485 : memref<1x128xi32, #tpu.memory_space<vmem>> -> memref<128xi32, #tpu.memory_space<vmem>>
      %dma_start3A_487 = arith.constant 0 : i32
      %dma_start3A_488 = arith.constant 0 : i32
      %dma_start3A_489 = tpu.memref_slice %arg2[%dma_start3A_487, %dma_start3A_488] : memref<10000x128xf32, #tpu.memory_space<hbm>> -> memref<10000x128xf32, #tpu.memory_space<hbm>>
      tpu.enqueue_indirect_dma source(%dma_start3A_489 : memref<10000x128xf32, #tpu.memory_space<hbm>>) target(%arg11 : memref<128x128xf32, #tpu.memory_space<vmem>>) offsets(%dma_start3A_486 : memref<128xi32, #tpu.memory_space<vmem>>) semaphore(%arg14 : memref<!tpu.dma_semaphore, #tpu.memory_space<semaphore_mem>>)
      %dma_wait3A_490 = arith.constant 7 : i32
      %dma_wait3A_491 = arith.constant 0 : i32
      %dma_wait3A_492 = tpu.memref_slice %arg7[%dma_wait3A_490, %dma_wait3A_491] : memref<8x128xi32, #tpu.memory_space<vmem>> -> memref<1x128xi32, #tpu.memory_space<vmem>>
      %dma_wait3A_493 = tpu.memref_squeeze %dma_wait3A_492 : memref<1x128xi32, #tpu.memory_space<vmem>> -> memref<128xi32, #tpu.memory_space<vmem>>
      %dma_wait3A_494 = arith.constant 0 : i32
      %dma_wait3A_495 = arith.constant 0 : i32
      %dma_wait3A_496 = tpu.memref_slice %arg2[%dma_wait3A_494, %dma_wait3A_495] : memref<10000x128xf32, #tpu.memory_space<hbm>> -> memref<10000x128xf32, #tpu.memory_space<hbm>>
      tpu.wait_indirect_dma semaphore(%arg14 : memref<!tpu.dma_semaphore, #tpu.memory_space<semaphore_mem>>) src(%dma_wait3A_496 : memref<10000x128xf32, #tpu.memory_space<hbm>>) dst(%arg11 : memref<128x128xf32, #tpu.memory_space<vmem>>)
      %dma_start3A_497 = arith.constant 7 : i32
      %dma_start3A_498 = arith.constant 0 : i32
      %dma_start3A_499 = tpu.memref_slice %arg9[%dma_start3A_497, %dma_start3A_498] : memref<8x128xi32, #tpu.memory_space<vmem>> -> memref<1x128xi32, #tpu.memory_space<vmem>>
      %dma_start3A_500 = tpu.memref_squeeze %dma_start3A_499 : memref<1x128xi32, #tpu.memory_space<vmem>> -> memref<128xi32, #tpu.memory_space<vmem>>
      %dma_start3A_501 = arith.constant 0 : i32
      %dma_start3A_502 = arith.constant 0 : i32
      %dma_start3A_503 = tpu.memref_slice %arg12[%dma_start3A_501, %dma_start3A_502] : memref<10016x128xf32, #tpu.memory_space<vmem_shared>> -> memref<10016x128xf32, #tpu.memory_space<vmem_shared>>
      tpu.enqueue_indirect_dma source(%arg11 : memref<128x128xf32, #tpu.memory_space<vmem>>) target(%dma_start3A_503 : memref<10016x128xf32, #tpu.memory_space<vmem_shared>>) offsets(%dma_start3A_500 : memref<128xi32, #tpu.memory_space<vmem>>) semaphore(%arg16 : memref<!tpu.dma_semaphore, #tpu.memory_space<semaphore_mem>>) {add = true}
      %dma_wait3A_504 = arith.constant 6 : i32
      %dma_wait3A_505 = arith.constant 0 : i32
      %dma_wait3A_506 = tpu.memref_slice %arg9[%dma_wait3A_504, %dma_wait3A_505] : memref<8x128xi32, #tpu.memory_space<vmem>> -> memref<1x128xi32, #tpu.memory_space<vmem>>
      %dma_wait3A_507 = tpu.memref_squeeze %dma_wait3A_506 : memref<1x128xi32, #tpu.memory_space<vmem>> -> memref<128xi32, #tpu.memory_space<vmem>>
      %dma_wait3A_508 = arith.constant 0 : i32
      %dma_wait3A_509 = arith.constant 0 : i32
      %dma_wait3A_510 = tpu.memref_slice %arg12[%dma_wait3A_508, %dma_wait3A_509] : memref<10016x128xf32, #tpu.memory_space<vmem_shared>> -> memref<10016x128xf32, #tpu.memory_space<vmem_shared>>
      tpu.wait_indirect_dma semaphore(%arg15 : memref<!tpu.dma_semaphore, #tpu.memory_space<semaphore_mem>>) src(%arg10 : memref<128x128xf32, #tpu.memory_space<vmem>>) dst(%dma_wait3A_510 : memref<10016x128xf32, #tpu.memory_space<vmem_shared>>)
      %dma_wait3A_511 = arith.constant 7 : i32
      %dma_wait3A_512 = arith.constant 0 : i32
      %dma_wait3A_513 = tpu.memref_slice %arg9[%dma_wait3A_511, %dma_wait3A_512] : memref<8x128xi32, #tpu.memory_space<vmem>> -> memref<1x128xi32, #tpu.memory_space<vmem>>
      %dma_wait3A_514 = tpu.memref_squeeze %dma_wait3A_513 : memref<1x128xi32, #tpu.memory_space<vmem>> -> memref<128xi32, #tpu.memory_space<vmem>>
      %dma_wait3A_515 = arith.constant 0 : i32
      %dma_wait3A_516 = arith.constant 0 : i32
      %dma_wait3A_517 = tpu.memref_slice %arg12[%dma_wait3A_515, %dma_wait3A_516] : memref<10016x128xf32, #tpu.memory_space<vmem_shared>> -> memref<10016x128xf32, #tpu.memory_space<vmem_shared>>
      tpu.wait_indirect_dma semaphore(%arg16 : memref<!tpu.dma_semaphore, #tpu.memory_space<semaphore_mem>>) src(%arg11 : memref<128x128xf32, #tpu.memory_space<vmem>>) dst(%dma_wait3A_517 : memref<10016x128xf32, #tpu.memory_space<vmem_shared>>)
    }
    %scan3A_28 = arith.constant 5 : i32
    %barrier3A_29 = arith.constant 0 : index
    tpu.barrier barrier_id(%barrier3A_29)
    "tpu.region"() ({
      %run_scoped3A = tpu.sem_alloc : memref<!tpu.dma_semaphore, #tpu.memory_space<semaphore_mem>>
      %dma_start3A = arith.constant 0 : i32
      %dma_start3A_30 = tpu.memref_slice %arg5[%arg0, %mul3A_2, %dma_start3A] : memref<2x10016x128xf32, #tpu.memory_space<hbm>> -> memref<1x626x128xf32, #tpu.memory_space<hbm>>
      %dma_start3A_31 = tpu.memref_squeeze %dma_start3A_30 : memref<1x626x128xf32, #tpu.memory_space<hbm>> -> memref<626x128xf32, #tpu.memory_space<hbm>>
      %dma_start3A_32 = arith.constant 0 : i32
      %dma_start3A_33 = tpu.memref_slice %arg12[%mul3A_2, %dma_start3A_32] : memref<10016x128xf32, #tpu.memory_space<vmem_shared>> -> memref<626x128xf32, #tpu.memory_space<vmem_shared>>
      tpu.enqueue_dma source(%dma_start3A_33 : memref<626x128xf32, #tpu.memory_space<vmem_shared>>) target(%dma_start3A_31 : memref<626x128xf32, #tpu.memory_space<hbm>>) target_semaphore(%run_scoped3A : memref<!tpu.dma_semaphore, #tpu.memory_space<semaphore_mem>>)
      %dma_wait3A = arith.constant 0 : i32
      %dma_wait3A_34 = tpu.memref_slice %arg5[%arg0, %mul3A_2, %dma_wait3A] : memref<2x10016x128xf32, #tpu.memory_space<hbm>> -> memref<1x626x128xf32, #tpu.memory_space<hbm>>
      %dma_wait3A_35 = tpu.memref_squeeze %dma_wait3A_34 : memref<1x626x128xf32, #tpu.memory_space<hbm>> -> memref<626x128xf32, #tpu.memory_space<hbm>>
      %dma_wait3A_36 = arith.constant 0 : i32
      %dma_wait3A_37 = tpu.memref_slice %arg12[%mul3A_2, %dma_wait3A_36] : memref<10016x128xf32, #tpu.memory_space<vmem_shared>> -> memref<626x128xf32, #tpu.memory_space<vmem_shared>>
      tpu.wait_dma2 semaphore(%run_scoped3A : memref<!tpu.dma_semaphore, #tpu.memory_space<semaphore_mem>>) src(%dma_wait3A_37 : memref<626x128xf32, #tpu.memory_space<vmem_shared>>) dst(%dma_wait3A_35 : memref<626x128xf32, #tpu.memory_space<hbm>>)
      tpu.yield
    }) : () -> ()
    return
  }
}

module attributes {stable_mosaic.version = 14 : i64} {
  func.func @body(%arg0: i32, %arg1: memref<2000x128xf32, #tpu.memory_space<vmem>>, %arg2: memref<128x128xf32, #tpu.memory_space<vmem>>, %arg3: memref<2000x128xf32, #tpu.memory_space<vmem>>) attributes {dimension_semantics = [#tpu.dimension_semantics<arbitrary>], iteration_bounds = array<i64: 5>, scalar_prefetch = 0 : i64, scratch_operands = 0 : i64, tpu.core_type = #tpu.core_type<tc>, window_params = [{transform_indices = @transform_0, window_bounds = array<i64: 2000, 128>}, {pipeline_mode = #tpu.pipeline_mode<synchronous>, transform_indices = @transform_1, window_bounds = array<i64: 128, 128>}, {transform_indices = @transform_2, window_bounds = array<i64: 2000, 128>}]} {
    %get3A = arith.constant 0 : index
    %get3A_0 = arith.constant 0 : index
    %get3A_1 = vector.load %arg1[%get3A, %get3A_0] : memref<2000x128xf32, #tpu.memory_space<vmem>>, vector<2000x128xf32>
    %get3A_2 = arith.constant 0 : index
    %get3A_3 = arith.constant 0 : index
    %get3A_4 = vector.load %arg2[%get3A_2, %get3A_3] : memref<128x128xf32, #tpu.memory_space<vmem>>, vector<128x128xf32>
    %dot_general3A = arith.constant dense<0.000000e+00> : vector<2000x128xf32>
    %dot_general3A_5 = tpu.matmul %get3A_1, %get3A_4, %dot_general3A {dimension_numbers = #tpu.dot_dimension_numbers<[1], [0], [0], [1], [0, 0, 1, 1], [], []>, transpose_lhs_hint = false} : vector<2000x128xf32>, vector<128x128xf32>, vector<2000x128xf32> -> vector<2000x128xf32>
    %swap3A = arith.constant 0 : index
    %swap3A_6 = arith.constant 0 : index
    %swap3A_7 = vector.load %arg3[%swap3A, %swap3A_6] : memref<2000x128xf32, #tpu.memory_space<vmem>>, vector<2000x128xf32>
    tpu.vector_store %arg3[%swap3A, %swap3A_6], %dot_general3A_5 {strides = array<i32>} : memref<2000x128xf32, #tpu.memory_space<vmem>>, vector<2000x128xf32>,
    return
  }
  func.func @transform_0(%arg0: i32) -> (i32, i32) {
    %c0_i32 = arith.constant 0 : i32
    %c0_i32_0 = arith.constant 0 : i32
    return %arg0, %c0_i32 : i32, i32
  }
  func.func @transform_1(%arg0: i32) -> (i32, i32) {
    %c0_i32 = arith.constant 0 : i32
    %c0_i32_0 = arith.constant 0 : i32
    %c0_i32_1 = arith.constant 0 : i32
    return %c0_i32, %c0_i32_0 : i32, i32
  }
  func.func @transform_2(%arg0: i32) -> (i32, i32) {
    %c0_i32 = arith.constant 0 : i32
    %c0_i32_0 = arith.constant 0 : i32
    return %arg0, %c0_i32 : i32, i32
  }
}

module attributes {stable_mosaic.version = 14 : i64} {
  func.func @body(%arg0: i32, %arg1: memref<2000x128xf32, #tpu.memory_space<vmem>>, %arg2: memref<2x2000x16xf32, #tpu.memory_space<vmem>>, %arg3: memref<2000x128xf32, #tpu.memory_space<vmem>>, %arg4: memref<2000x1xf32, #tpu.memory_space<vmem>>) attributes {dimension_semantics = [#tpu.dimension_semantics<arbitrary>], iteration_bounds = array<i64: 5>, scalar_prefetch = 0 : i64, scratch_operands = 0 : i64, tpu.core_type = #tpu.core_type<tc>, window_params = [{transform_indices = @transform_0, window_bounds = array<i64: 2000, 128>}, {transform_indices = @transform_1, window_bounds = array<i64: 2, 2000, 16>}, {transform_indices = @transform_2, window_bounds = array<i64: 2000, 128>}, {transform_indices = @transform_3, window_bounds = array<i64: 2000, 1>}]} {
    %get3A = arith.constant 0 : index
    %get3A_0 = arith.constant 0 : index
    %get3A_1 = arith.constant 0 : index
    %get3A_2 = vector.load %arg2[%get3A, %get3A_0, %get3A_1] : memref<2x2000x16xf32, #tpu.memory_space<vmem>>, vector<1x2000x16xf32>
    %get3A_3 = vector.shape_cast %get3A_2 : vector<1x2000x16xf32> to vector<2000x16xf32>
    %slice3A = vector.extract_strided_slice %get3A_3 {offsets = [0, 0], sizes = [2000, 1], strides = [1, 1]} : vector<2000x16xf32> to vector<2000x1xf32>
    %get3A_4 = arith.constant 1 : index
    %get3A_5 = arith.constant 0 : index
    %get3A_6 = arith.constant 0 : index
    %get3A_7 = vector.load %arg2[%get3A_4, %get3A_5, %get3A_6] : memref<2x2000x16xf32, #tpu.memory_space<vmem>>, vector<1x2000x16xf32>
    %get3A_8 = vector.shape_cast %get3A_7 : vector<1x2000x16xf32> to vector<2000x16xf32>
    %slice3A_9 = vector.extract_strided_slice %get3A_8 {offsets = [0, 0], sizes = [2000, 1], strides = [1, 1]} : vector<2000x16xf32> to vector<2000x1xf32>
    %add3A = arith.addf %slice3A, %slice3A_9 : vector<2000x1xf32>
    %add3A_10 = arith.constant 1.000000e+00 : f32
    %add3A_11 = vector.broadcast %add3A_10 : f32 to vector<2000x1xf32>
    %add3A_12 = arith.addf %add3A, %add3A_11 : vector<2000x1xf32>
    %rsqrt3A = math.rsqrt %add3A_12 : vector<2000x1xf32>
    %get3A_13 = arith.constant 0 : index
    %get3A_14 = arith.constant 0 : index
    %get3A_15 = vector.load %arg1[%get3A_13, %get3A_14] : memref<2000x128xf32, #tpu.memory_space<vmem>>, vector<2000x128xf32>
    %mul3A = vector.broadcast %rsqrt3A : vector<2000x1xf32> to vector<2000x128xf32>
    %mul3A_16 = arith.mulf %get3A_15, %mul3A : vector<2000x128xf32>
    %swap3A = arith.constant 0 : index
    %swap3A_17 = arith.constant 0 : index
    %swap3A_18 = vector.load %arg3[%swap3A, %swap3A_17] : memref<2000x128xf32, #tpu.memory_space<vmem>>, vector<2000x128xf32>
    tpu.vector_store %arg3[%swap3A, %swap3A_17], %mul3A_16 {strides = array<i32>} : memref<2000x128xf32, #tpu.memory_space<vmem>>, vector<2000x128xf32>,
    %swap3A_19 = arith.constant 0 : index
    %swap3A_20 = arith.constant 0 : index
    %swap3A_21 = vector.load %arg4[%swap3A_19, %swap3A_20] : memref<2000x1xf32, #tpu.memory_space<vmem>>, vector<2000x1xf32>
    tpu.vector_store %arg4[%swap3A_19, %swap3A_20], %rsqrt3A {strides = array<i32>} : memref<2000x1xf32, #tpu.memory_space<vmem>>, vector<2000x1xf32>,
    return
  }
  func.func @transform_0(%arg0: i32) -> (i32, i32) {
    %c0_i32 = arith.constant 0 : i32
    %c0_i32_0 = arith.constant 0 : i32
    return %arg0, %c0_i32 : i32, i32
  }
  func.func @transform_1(%arg0: i32) -> (i32, i32, i32) {
    %c0_i32 = arith.constant 0 : i32
    %c0_i32_0 = arith.constant 0 : i32
    %c0_i32_1 = arith.constant 0 : i32
    return %c0_i32, %arg0, %c0_i32_0 : i32, i32, i32
  }
  func.func @transform_2(%arg0: i32) -> (i32, i32) {
    %c0_i32 = arith.constant 0 : i32
    %c0_i32_0 = arith.constant 0 : i32
    return %arg0, %c0_i32 : i32, i32
  }
  func.func @transform_3(%arg0: i32) -> (i32, i32) {
    %c0_i32 = arith.constant 0 : i32
    %c0_i32_0 = arith.constant 0 : i32
    return %arg0, %c0_i32 : i32, i32
  }
}

module attributes {stable_mosaic.version = 14 : i64} {
  func.func @body(%arg0: i32, %arg1: memref<2x2000x128xf32, #tpu.memory_space<vmem>>, %arg2: memref<2000x128xf32, #tpu.memory_space<vmem>>, %arg3: memref<2000x1xf32, #tpu.memory_space<vmem>>, %arg4: memref<1x128xf32, #tpu.memory_space<vmem>>, %arg5: memref<128x64xf32, #tpu.memory_space<vmem>>, %arg6: memref<2000x64xf32, #tpu.memory_space<vmem>>) attributes {dimension_semantics = [#tpu.dimension_semantics<arbitrary>], iteration_bounds = array<i64: 5>, scalar_prefetch = 0 : i64, scratch_operands = 0 : i64, tpu.core_type = #tpu.core_type<tc>, window_params = [{transform_indices = @transform_0, window_bounds = array<i64: 2, 2000, 128>}, {transform_indices = @transform_1, window_bounds = array<i64: 2000, 128>}, {transform_indices = @transform_2, window_bounds = array<i64: 2000, 1>}, {pipeline_mode = #tpu.pipeline_mode<synchronous>, transform_indices = @transform_3, window_bounds = array<i64: 1, 128>}, {pipeline_mode = #tpu.pipeline_mode<synchronous>, transform_indices = @transform_4, window_bounds = array<i64: 128, 64>}, {transform_indices = @transform_5, window_bounds = array<i64: 2000, 64>}]} {
    %get3A = arith.constant 0 : index
    %get3A_0 = arith.constant 0 : index
    %get3A_1 = vector.load %arg3[%get3A, %get3A_0] : memref<2000x1xf32, #tpu.memory_space<vmem>>, vector<2000x1xf32>
    %get3A_2 = arith.constant 0 : index
    %get3A_3 = arith.constant 0 : index
    %get3A_4 = arith.constant 0 : index
    %get3A_5 = vector.load %arg1[%get3A_2, %get3A_3, %get3A_4] : memref<2x2000x128xf32, #tpu.memory_space<vmem>>, vector<1x2000x128xf32>
    %get3A_6 = vector.shape_cast %get3A_5 : vector<1x2000x128xf32> to vector<2000x128xf32>
    %get3A_7 = arith.constant 1 : index
    %get3A_8 = arith.constant 0 : index
    %get3A_9 = arith.constant 0 : index
    %get3A_10 = vector.load %arg1[%get3A_7, %get3A_8, %get3A_9] : memref<2x2000x128xf32, #tpu.memory_space<vmem>>, vector<1x2000x128xf32>
    %get3A_11 = vector.shape_cast %get3A_10 : vector<1x2000x128xf32> to vector<2000x128xf32>
    %add3A = arith.addf %get3A_6, %get3A_11 : vector<2000x128xf32>
    %get3A_12 = arith.constant 0 : index
    %get3A_13 = arith.constant 0 : index
    %get3A_14 = vector.load %arg2[%get3A_12, %get3A_13] : memref<2000x128xf32, #tpu.memory_space<vmem>>, vector<2000x128xf32>
    %add3A_15 = arith.addf %add3A, %get3A_14 : vector<2000x128xf32>
    %mul3A = vector.broadcast %get3A_1 : vector<2000x1xf32> to vector<2000x128xf32>
    %mul3A_16 = arith.mulf %mul3A, %add3A_15 : vector<2000x128xf32>
    %get3A_17 = arith.constant 0 : index
    %get3A_18 = arith.constant 0 : index
    %get3A_19 = vector.load %arg4[%get3A_17, %get3A_18] : memref<1x128xf32, #tpu.memory_space<vmem>>, vector<1x128xf32>
    %add3A_20 = vector.broadcast %get3A_19 : vector<1x128xf32> to vector<2000x128xf32>
    %add3A_21 = arith.addf %mul3A_16, %add3A_20 : vector<2000x128xf32>
    %max3A = arith.constant 0.000000e+00 : f32
    %max3A_22 = vector.broadcast %max3A : f32 to vector<2000x128xf32>
    %max3A_23 = arith.maximumf %add3A_21, %max3A_22 : vector<2000x128xf32>
    %get3A_24 = arith.constant 0 : index
    %get3A_25 = arith.constant 0 : index
    %get3A_26 = vector.load %arg5[%get3A_24, %get3A_25] : memref<128x64xf32, #tpu.memory_space<vmem>>, vector<128x64xf32>
    %dot_general3A = arith.constant dense<0.000000e+00> : vector<2000x64xf32>
    %dot_general3A_27 = tpu.matmul %max3A_23, %get3A_26, %dot_general3A {dimension_numbers = #tpu.dot_dimension_numbers<[1], [0], [0], [1], [0, 0, 1, 1], [], []>, transpose_lhs_hint = false} : vector<2000x128xf32>, vector<128x64xf32>, vector<2000x64xf32> -> vector<2000x64xf32>
    %mul3A_28 = vector.broadcast %get3A_1 : vector<2000x1xf32> to vector<2000x64xf32>
    %mul3A_29 = arith.mulf %dot_general3A_27, %mul3A_28 : vector<2000x64xf32>
    %swap3A = arith.constant 0 : index
    %swap3A_30 = arith.constant 0 : index
    %swap3A_31 = vector.load %arg6[%swap3A, %swap3A_30] : memref<2000x64xf32, #tpu.memory_space<vmem>>, vector<2000x64xf32>
    tpu.vector_store %arg6[%swap3A, %swap3A_30], %mul3A_29 {strides = array<i32>} : memref<2000x64xf32, #tpu.memory_space<vmem>>, vector<2000x64xf32>,
    return
  }
  func.func @transform_0(%arg0: i32) -> (i32, i32, i32) {
    %c0_i32 = arith.constant 0 : i32
    %c0_i32_0 = arith.constant 0 : i32
    %c0_i32_1 = arith.constant 0 : i32
    return %c0_i32, %arg0, %c0_i32_0 : i32, i32, i32
  }
  func.func @transform_1(%arg0: i32) -> (i32, i32) {
    %c0_i32 = arith.constant 0 : i32
    %c0_i32_0 = arith.constant 0 : i32
    return %arg0, %c0_i32 : i32, i32
  }
  func.func @transform_2(%arg0: i32) -> (i32, i32) {
    %c0_i32 = arith.constant 0 : i32
    %c0_i32_0 = arith.constant 0 : i32
    return %arg0, %c0_i32 : i32, i32
  }
  func.func @transform_3(%arg0: i32) -> (i32, i32) {
    %c0_i32 = arith.constant 0 : i32
    %c0_i32_0 = arith.constant 0 : i32
    %c0_i32_1 = arith.constant 0 : i32
    return %c0_i32, %c0_i32_0 : i32, i32
  }
  func.func @transform_4(%arg0: i32) -> (i32, i32) {
    %c0_i32 = arith.constant 0 : i32
    %c0_i32_0 = arith.constant 0 : i32
    %c0_i32_1 = arith.constant 0 : i32
    return %c0_i32, %c0_i32_0 : i32, i32
  }
  func.func @transform_5(%arg0: i32) -> (i32, i32) {
    %c0_i32 = arith.constant 0 : i32
    %c0_i32_0 = arith.constant 0 : i32
    return %arg0, %c0_i32 : i32, i32
  }
}

module attributes {stable_mosaic.version = 14 : i64} {
  func.func @body(%arg0: i32, %arg1: memref<2x2000x64xf32, #tpu.memory_space<vmem>>, %arg2: memref<2000x64xf32, #tpu.memory_space<vmem>>, %arg3: memref<2000x1xf32, #tpu.memory_space<vmem>>, %arg4: memref<1x64xf32, #tpu.memory_space<vmem>>, %arg5: memref<2000x64xf32, #tpu.memory_space<vmem>>) attributes {dimension_semantics = [#tpu.dimension_semantics<arbitrary>], iteration_bounds = array<i64: 5>, scalar_prefetch = 0 : i64, scratch_operands = 0 : i64, tpu.core_type = #tpu.core_type<tc>, window_params = [{transform_indices = @transform_0, window_bounds = array<i64: 2, 2000, 64>}, {transform_indices = @transform_1, window_bounds = array<i64: 2000, 64>}, {transform_indices = @transform_2, window_bounds = array<i64: 2000, 1>}, {pipeline_mode = #tpu.pipeline_mode<synchronous>, transform_indices = @transform_3, window_bounds = array<i64: 1, 64>}, {transform_indices = @transform_4, window_bounds = array<i64: 2000, 64>}]} {
    %get3A = arith.constant 0 : index
    %get3A_0 = arith.constant 0 : index
    %get3A_1 = vector.load %arg3[%get3A, %get3A_0] : memref<2000x1xf32, #tpu.memory_space<vmem>>, vector<2000x1xf32>
    %get3A_2 = arith.constant 0 : index
    %get3A_3 = arith.constant 0 : index
    %get3A_4 = arith.constant 0 : index
    %get3A_5 = vector.load %arg1[%get3A_2, %get3A_3, %get3A_4] : memref<2x2000x64xf32, #tpu.memory_space<vmem>>, vector<1x2000x64xf32>
    %get3A_6 = vector.shape_cast %get3A_5 : vector<1x2000x64xf32> to vector<2000x64xf32>
    %get3A_7 = arith.constant 1 : index
    %get3A_8 = arith.constant 0 : index
    %get3A_9 = arith.constant 0 : index
    %get3A_10 = vector.load %arg1[%get3A_7, %get3A_8, %get3A_9] : memref<2x2000x64xf32, #tpu.memory_space<vmem>>, vector<1x2000x64xf32>
    %get3A_11 = vector.shape_cast %get3A_10 : vector<1x2000x64xf32> to vector<2000x64xf32>
    %add3A = arith.addf %get3A_6, %get3A_11 : vector<2000x64xf32>
    %get3A_12 = arith.constant 0 : index
    %get3A_13 = arith.constant 0 : index
    %get3A_14 = vector.load %arg2[%get3A_12, %get3A_13] : memref<2000x64xf32, #tpu.memory_space<vmem>>, vector<2000x64xf32>
    %add3A_15 = arith.addf %add3A, %get3A_14 : vector<2000x64xf32>
    %mul3A = vector.broadcast %get3A_1 : vector<2000x1xf32> to vector<2000x64xf32>
    %mul3A_16 = arith.mulf %mul3A, %add3A_15 : vector<2000x64xf32>
    %get3A_17 = arith.constant 0 : index
    %get3A_18 = arith.constant 0 : index
    %get3A_19 = vector.load %arg4[%get3A_17, %get3A_18] : memref<1x64xf32, #tpu.memory_space<vmem>>, vector<1x64xf32>
    %add3A_20 = vector.broadcast %get3A_19 : vector<1x64xf32> to vector<2000x64xf32>
    %add3A_21 = arith.addf %mul3A_16, %add3A_20 : vector<2000x64xf32>
    %reduce_max3A = arith.constant dense<0xFF800000> : vector<2000xf32>
    %reduce_max3A_22 = vector.multi_reduction <maximumf>, %add3A_21, %reduce_max3A [1] : vector<2000x64xf32> to vector<2000xf32>
    %broadcast_in_dim3A = vector.shape_cast %reduce_max3A_22 : vector<2000xf32> to vector<2000x1xf32>
    %sub3A = vector.broadcast %broadcast_in_dim3A : vector<2000x1xf32> to vector<2000x64xf32>
    %sub3A_23 = arith.subf %add3A_21, %sub3A : vector<2000x64xf32>
    %exp3A = math.exp %sub3A_23 : vector<2000x64xf32>
    %reduce_sum3A = arith.constant dense<0.000000e+00> : vector<2000xf32>
    %reduce_sum3A_24 = vector.multi_reduction <add>, %exp3A, %reduce_sum3A [1] : vector<2000x64xf32> to vector<2000xf32>
    %broadcast_in_dim3A_25 = vector.shape_cast %reduce_sum3A_24 : vector<2000xf32> to vector<2000x1xf32>
    %sub3A_26 = vector.broadcast %broadcast_in_dim3A : vector<2000x1xf32> to vector<2000x64xf32>
    %sub3A_27 = arith.subf %add3A_21, %sub3A_26 : vector<2000x64xf32>
    %log3A = math.log %broadcast_in_dim3A_25 : vector<2000x1xf32>
    %sub3A_28 = vector.broadcast %log3A : vector<2000x1xf32> to vector<2000x64xf32>
    %sub3A_29 = arith.subf %sub3A_27, %sub3A_28 : vector<2000x64xf32>
    %swap3A = arith.constant 0 : index
    %swap3A_30 = arith.constant 0 : index
    %swap3A_31 = vector.load %arg5[%swap3A, %swap3A_30] : memref<2000x64xf32, #tpu.memory_space<vmem>>, vector<2000x64xf32>
    tpu.vector_store %arg5[%swap3A, %swap3A_30], %sub3A_29 {strides = array<i32>} : memref<2000x64xf32, #tpu.memory_space<vmem>>, vector<2000x64xf32>,
    return
  }
  func.func @transform_0(%arg0: i32) -> (i32, i32, i32) {
    %c0_i32 = arith.constant 0 : i32
    %c0_i32_0 = arith.constant 0 : i32
    %c0_i32_1 = arith.constant 0 : i32
    return %c0_i32, %arg0, %c0_i32_0 : i32, i32, i32
  }
  func.func @transform_1(%arg0: i32) -> (i32, i32) {
    %c0_i32 = arith.constant 0 : i32
    %c0_i32_0 = arith.constant 0 : i32
    return %arg0, %c0_i32 : i32, i32
  }
  func.func @transform_2(%arg0: i32) -> (i32, i32) {
    %c0_i32 = arith.constant 0 : i32
    %c0_i32_0 = arith.constant 0 : i32
    return %arg0, %c0_i32 : i32, i32
  }
  func.func @transform_3(%arg0: i32) -> (i32, i32) {
    %c0_i32 = arith.constant 0 : i32
    %c0_i32_0 = arith.constant 0 : i32
    %c0_i32_1 = arith.constant 0 : i32
    return %c0_i32, %c0_i32_0 : i32, i32
  }
  func.func @transform_4(%arg0: i32) -> (i32, i32) {
    %c0_i32 = arith.constant 0 : i32
    %c0_i32_0 = arith.constant 0 : i32
    return %arg0, %c0_i32 : i32, i32
  }
}

</mosaic_0001>

<sc_bundles>
// kernel: kernel.12.cloned.1.call-start
scs
__scs_entry_jumppad:
0x0: {  	(pc) =	sbr.rel $0x88, $3  }
0x1: {  	(tag) =	ssettag $0x0;
	lr =	simm.s32 $0x1  }
0x2: {  	[smem:$0x3F9B] =	sst lr;
	_ =	strace $0xD0000000  }
0x3: {  	_ = 	snop  }
0x4: {  	_ = 	snop  }
0x5: {  	_ = 	snop  }
0x6: {  	_ = 	snop  }
0x7: {  	_ = 	snop  }
__scs_overlays_trampoline_lowered:
0x8: {  	[smem:$0x3FAA] =	sst s0  }
0x9: {  	[smem:$0x3FAB] =	sst s1  }
0xa: {  	[smem:$0x3FAC] =	sst s2  }
0xb: {  	[smem:$0x3FAD] =	sst s3  }
0xc: {  	[smem:$0x3FAE] =	sst s4  }
0xd: {  	[smem:$0x3FAF] =	sst s5  }
0xe: {  	[smem:$0x3FB0] =	sst s6  }
0xf: {  	[smem:$0x3FB1] =	sst s7  }
0x10: {  	[smem:$0x3FB2] =	sst s8  }
0x11: {  	[smem:$0x3FB3] =	sst s9;
	s0 =	simm.s32 @!p0 $0x0  }
0x12: {  	s1 =	sld [smem:$0x3F99];
	s0 =	simm.s32 @p0 $0x1  }
0x13: {  	[smem:$0x3FB4] =	sst s0;
	s0 =	simm.s32 @!p1 $0x0  }
0x14: {  	s2 =	sld [smem:$0x3F98];
	s0 =	simm.s32 @p1 $0x1  }
0x15: {  	[smem:$0x3FB5] =	sst s0;
	s0 =	simm.s32 @!p2 $0x0  }
0x16: {  	s3 =	sld [smem:$0x3FDB];
	s0 =	simm.s32 @p2 $0x1  }
0x17: {  	s4 =	simm.s32 $0x1BF5;
	[smem:$0x3FB7] =	sst s0  }
0x18: {  	s0 =	sld [smem:$0x3F9A];
	_ =	swait.ge [sflag:s4], $0x0  }
0x19: {  	s7 =	sld [smem:$0x3F9B]  }
0x1a: {  	s8 =	sadd.s32 $0xFFFFE003, lr  }
0x1b: {  	s9 =	sadd.s32 $0xFFFFFEF7, lr;
	s5 =	simm.s32 $0xFFFFFFFF;
	p2 =	slt.u32 s8, $0xFFFFF086  }
0x1c: {  	p1 =	slt.u32 s9, $0xF7A;
	s5 =	simm.s32 @!p2 $0x0  }
0x1d: {  	s5 =	simm.s32 @p1 $0x1;
	p0 =	seq.s32 s7, s2  }
0x1e: {  	s7 =	smul.u32 @!p0 $0xF7A, s2;
	p2 =	seq.s32 @!p0 s5, $0x0  }
0x1f: {  	s9 =	smul.u32 $0xF7A, s1;
	s8 =	simm.s32 @!p0 $0x1BF5;
	p2 =	por !p2, p0  }
0x20: {  	[sflag:s8] =	ssyncset.s32 @!p0 $0xFFFFF086;
	s6 =	sadd.s32 @!p0 s3, s7;
	s7 =	simm.s32 @!p0 $0x108  }
0x21: {  	s3 =	sadd.s32 s3, s9;
	s6 =	sadd.s32 @!p0 $0x88, s6;
	s7 =	simm.s32 @p2 $0x1082  }
0x22: {  	[simem:s7], [sflag:s8] =	dma.local @!p0 [hbm:s6], $0xF7A  }
0x23: {  	s9 =	sor.u32 $0xD0000000, s2;
	s6 =	simm.s32 $0x108;
	_ =	swait.ge @!p0 [sflag:s8], $0x0  }
0x24: {  	s3 =	sadd.s32 $0x88, s3;
	s6 =	simm.s32 @!p1 $0x1082;
	[sflag:s4] =	ssyncset.s32 $0xFFFFF086  }
0x25: {  	[simem:s6], [sflag:s4] =	dma.local [hbm:s3], $0xF7A  }
0x26: {  	[smem:$0x3F9B] =	sst s1;
	(tag) =	ssettag s2;
	_ =	strace s9  }
0x27: {  	s1 =	sld [smem:$0x3FAB]  }
0x28: {  	s2 =	sld [smem:$0x3FAC]  }
0x29: {  	s4 =	sld [smem:$0x3FAE]  }
0x2a: {  	p0 =	seq.s32 s5, $0x0;
	s5 =	sld [smem:$0x3FAF]  }
0x2b: {  	s6 =	sld [smem:$0x3FB0]  }
0x2c: {  	s7 =	sld [smem:$0x3FB1]  }
0x2d: {  	s3 =	simm.s32 $0x108;
	s8 =	sld [smem:$0x3FB2]  }
0x2e: {  	s3 =	simm.s32 @!p0 $0x1082;
	s9 =	sld [smem:$0x3FB3]  }
0x2f: {  	lr =	sadd.s32 s0, s3;
	s0 =	sld [smem:$0x3FAA]  }
0x30: {  	s3 =	sld [smem:$0x3FAD]  }
0x31: {  	[smem:$0x3FB6] =	sst s10  }
0x32: {  	s10 =	sld [smem:$0x3FB4];
	_ =	sdelay $0x3  }
0x33: {  	p0 =	seq.s32 s10, $0x1;
	s10 =	sld [smem:$0x3FB6];
	_ =	sdelay $0x3  }
0x34: {  	[smem:$0x3FB6] =	sst s10  }
0x35: {  	s10 =	sld [smem:$0x3FB5];
	_ =	sdelay $0x3  }
0x36: {  	p1 =	seq.s32 s10, $0x1;
	s10 =	sld [smem:$0x3FB6];
	_ =	sdelay $0x3  }
0x37: {  	[smem:$0x3FB6] =	sst s10  }
0x38: {  	s10 =	sld [smem:$0x3FB7]  }
0x39: {  	_ = 	snop;
	(pc) =	sbr.ind lr, $3  }
0x3a: {  	_ = 	snop  }
0x3b: {  	_ = 	snop  }
0x3c: {  	p2 =	seq.s32 s10, $0x1;
	s10 =	sld [smem:$0x3FB6]  }
0x3d: {  	_ =	shalt  }
0x3e: {  	_ =	shalt  }
0x3f: {  	_ =	shalt  }
0x40: {  	_ =	shalt  }
0x41: {  	_ =	shalt  }
0x42: {  	_ =	shalt  }
0x43: {  	_ =	shalt  }
0x44: {  	_ =	shalt  }
0x45: {  	_ =	shalt  }
0x46: {  	_ =	shalt  }
0x47: {  	_ =	shalt  }
0x48: {  	_ =	shalt  }
0x49: {  	_ =	shalt  }
0x4a: {  	_ =	shalt  }
0x4b: {  	_ =	shalt  }
0x4c: {  	_ =	shalt  }
0x4d: {  	_ =	shalt  }
0x4e: {  	_ =	shalt  }
0x4f: {  	_ =	shalt  }
0x50: {  	_ =	shalt  }
0x51: {  	_ =	shalt  }
0x52: {  	_ =	shalt  }
0x53: {  	_ =	shalt  }
0x54: {  	_ =	shalt  }
0x55: {  	_ =	shalt  }
0x56: {  	_ =	shalt  }
0x57: {  	_ =	shalt  }
0x58: {  	_ =	shalt  }
0x59: {  	_ =	shalt  }
0x5a: {  	_ =	shalt  }
0x5b: {  	_ =	shalt  }
0x5c: {  	_ =	shalt  }
0x5d: {  	_ =	shalt  }
0x5e: {  	_ =	shalt  }
0x5f: {  	_ =	shalt  }
0x60: {  	_ =	shalt  }
0x61: {  	_ =	shalt  }
0x62: {  	_ =	shalt  }
0x63: {  	_ =	shalt  }
0x64: {  	_ =	shalt  }
0x65: {  	_ =	shalt  }
0x66: {  	_ =	shalt  }
0x67: {  	_ =	shalt  }
0x68: {  	_ =	shalt  }
0x69: {  	_ =	shalt  }
0x6a: {  	_ =	shalt  }
0x6b: {  	_ =	shalt  }
0x6c: {  	_ =	shalt  }
0x6d: {  	_ =	shalt  }
0x6e: {  	_ =	shalt  }
0x6f: {  	_ =	shalt  }
0x70: {  	_ =	shalt  }
0x71: {  	_ =	shalt  }
0x72: {  	_ =	shalt  }
0x73: {  	_ =	shalt  }
0x74: {  	_ =	shalt  }
0x75: {  	_ =	shalt  }
0x76: {  	_ =	shalt  }
0x77: {  	_ =	shalt  }
0x78: {  	_ =	shalt  }
0x79: {  	_ =	shalt  }
0x7a: {  	_ =	shalt  }
0x7b: {  	_ =	shalt  }
0x7c: {  	_ =	shalt  }
0x7d: {  	_ =	shalt  }
0x7e: {  	_ =	shalt  }
0x7f: {  	_ =	shalt  }
0x80: {  	_ =	shalt  }
0x81: {  	_ =	shalt  }
0x82: {  	_ =	shalt  }
0x83: {  	_ =	shalt  }
0x84: {  	_ =	shalt  }
0x85: {  	_ =	shalt  }
0x86: {  	_ =	shalt  }
0x87: {  	_ =	shalt  }
.Lfunc_end0:
.L_simem_size_0:
called_computation.1_lowered:
.L_overlay_start_0:
0x88: {  	s2 =	sld [smem:$0x3FD9]  }
0x89: {  	s3 =	sld [smem:$0x3FFE];
	_ =	sdelay $0x1  }
0x8a: {  	s1 =	srdreg.scid  }
0x8b: {  	s0 =	sand.u32 $0x1, s1  }
0x8c: {  	s16 =	sshll.u32 s0, $0xA;
	s2 =	sadd.s32 s3, s2  }
0x8d: {  	s2 =	sadd.s32 s2, s16  }
0x8e: {  	[smem:$0x3FC2] =	sst s2  }
0x8f: {  	_ = 	snop  }
0x90: {  	(tm) =	ssettm $0x1  }
0x91: {  	s17 =	sld [smem:$0x3FFB];
	_ =	sdelay $0x3  }
0x92: {  	_ =	strace s17  }
0x93: {  	s2 =	sld [smem:$0x3FFC];
	_ =	sdelay $0x3  }
0x94: {  	_ =	strace s2  }
0x95: {  	s2 =	sld [smem:$0x3FFD];
	_ =	sdelay $0x3  }
0x96: {  	_ =	strace s2  }
0x97: {  	_ =	strace $0x8FFFFFFF  }
0x98: {  	s18 =	sld [smem:$0x3FDB];
	_ =	sdelay $0x1  }
0x99: {  	s19 =	simm.s32 $_scs_section_size  }
0x9a: {  	s4 =	simm.s32 $_size__tile_overlayer_lowered;
	s5 =	simm.s32 $_tile_overlayer_lowered  }
0x9b: {  	s22 =	simm.s32 $0x1BFF;
	s21 =	sshll.u32 s5, $0x1;
	s2 =	sadd.s32 s19, s18  }
0x9c: {  	s6 =	simm.s32 $0x0;
	s20 =	sshll.u32 s4, $0x1;
	s4 =	sadd.s32 s21, s2  }
0x9d: {  	[timem:s6], [sflag:s22] =	dma.local [hbm:s4], s20  }
0x9e: {  	_ =	swait.ge [sflag:s22], s20  }
0x9f: {  	s3 =	ssub.s32 $0x0, s20;
	[sflag:s22] =	ssyncset.done $0x0  }
0xa0: {  	[sflag:s22] =	ssyncadd.s32 s3;
	_ =	sdelay $0x1  }
0xa1: {  	s23 =	simm.s32 $0x1B8B  }
0xa2: {  	_ =	swait.ge [sflag:s23], $0x1  }
0xa3: {  	[sflag:s23] =	ssyncset.done $0x0  }
0xa4: {  	s25 =	simm.s32 $0x1B8E;
	s24 =	sld [smem:$0x3FFE];
	[sflag:s23] =	ssyncadd.s32 $0xFFFFFFFF  }
0xa5: {  	s26 =	simm.s32 $execute0_lowered;
	[smem:$0x3FD2] =	sst s25  }
0xa6: {  	s4 =	sshll.u32 s26, $0x1;
	_ =	strace $0x80000049;
	[dreg:$0x1] =	wrdreg $0xFFFFFFFF  }
0xa7: {  	s28 =	simm.s32 $_size_execute0_lowered;
	s2 =	sadd.s32 s2, s4;
	[dreg:$0x0] =	wrdreg $0x0  }
0xa8: {  	s4 =	sshll.u32 s28, $0x1;
	[dreg:$0x2] =	wrdreg s2  }
0xa9: {  	[dreg:$0x3] =	wrdreg s4  }
0xaa: {  	[dreg:$0x4] =	wrdreg $0xC0  }
0xab: {  	_ =	task [dreg:s6], $0x5FFFF  }
0xac: {  	[dreg:$0x1] =	wrdreg $0xFFFFFFFF  }
0xad: {  	[dreg:$0x0] =	wrdreg $0x60  }
0xae: {  	[dreg:$0x2] =	wrdreg s24  }
0xaf: {  	[dreg:$0x3] =	wrdreg $0x90000  }
0xb0: {  	[dreg:$0x4] =	wrdreg $0x9  }
0xb1: {  	_ =	task.clear_ibuf [dreg:s6], $0x5FFFF;
	_ =	strace $0x90000049  }
0xb2: {  	s29 =	simm.s32 $0x9;
	_ =	strace $0x8000004B  }
0xb3: {  	_ =	swait.ge [sflag:s29], $0x1  }
0xb4: {  	[sflag:s29] =	ssyncadd.s32 $0xFFFFFFFF  }
0xb5: {  	_ =	strace $0x9000004B  }
0xb6: {  	_ =	sfence  }
0xb7: {  	s30 =	sld [smem:$0x0];
	_ =	sdelay $0x2  }
0xb8: {  	s31 =	sshll.u32 s1, $0xD;
	s1 =	sshrl.u32 s1, $0x2  }
0xb9: {  	s3 =	sand.u32 $0x4000, s31;
	s1 =	sadd.s32 s1, s30  }
0xba: {  	s0 =	sor.u32 s3, s0;
	s1 =	sshll.u32 s1, $0x11  }
0xbb: {  	s0 =	sor.u32 s1, s0  }
0xbc: {  	s0 =	sadd.s32 $0x8F2B, s0  }
0xbd: {  	[sflag:s0] =	ssyncadd.remote.s32 $0x1  }
0xbe: {  	_ =	sfence.sel $0xFFFF  }
0xbf: {  	[dreg:$0x0] =	wrdreg $0xFFFFFFFF;
	(pc) =	sbr.abs _section_cstart, $3  }
0xc0: {  	[dreg:$0x1] =	wrdreg $0xFFFFFFFF  }
0xc1: {  	_ =	task.clear_ibuf [dreg:s6], $0x2FFFF;
	_ =	strace $0x9FFFFFFF  }
0xc2: {  	(tm) =	ssettm $0x7FFFFFFF  }
0xc3: {  	_ =	shalt  }
tec
execute0_lowered:
.L_overlay_start_1:
0x0: {  	(tag) =	ssettag $0x1  }
0x1: {  	s0 =	rddreg [dreg:$0x0]  }
0x2: {  	s2 =	rddreg [dreg:$0x1]  }
0x3: {  	s10 =	stileid.u32;
	s4 =	srdreg.scid;
	s3 =	simm.s32 $0x0  }
0x4: {  	s22 =	simm.s32 $0x880;
	s24 =	simm.s32 $0x100;
	s26 =	simm.s32 $0x900  }
0x5: {  	s13 =	simm.s32 $0x200;
	s14 =	simm.s32 $0xA00;
	s15 =	simm.s32 $0x280  }
0x6: {  	s16 =	simm.s32 $0xA80;
	s17 =	simm.s32 $0x300;
	s28 =	simm.s32 $0x600  }
0x7: {  	s29 =	simm.s32 $0xE00;
	s30 =	simm.s32 $0x680;
	[smem:$0x7FF] =	sst s3  }
0x8: {  	s1 =	smul.u32 $0xA00, s10;
	_ =	strace $0x8000004A;
	[dreg:$0x5] =	wrdreg s22  }
0x9: {  	s31 =	simm.s32 $0xE80;
	s6 =	smul.u32 $0x13900, s10;
	[dreg:$0x6] =	wrdreg s24  }
0xa: {  	s5 =	sand.u32 $0x1, s4;
	s10 =	smul.u32 $0x4E400, s10;
	[dreg:$0x7] =	wrdreg s26  }
0xb: {  	s4 =	sadd.s32 $0x16200, s0;
	s7 =	smul.u32 $0x139000, s5;
	[dreg:$0xa] =	wrdreg s13  }
0xc: {  	s8 =	ssub.s32 $0x2, s5;
	s5 =	smul.u32 $0x500, s5;
	[dreg:$0xb] =	wrdreg s14  }
0xd: {  	s13 =	simm.s32 $0x9;
	s14 =	simm.s32 $0x800;
	[dreg:$0xc] =	wrdreg s15  }
0xe: {  	s15 =	simm.s32 $0x400;
	[dreg:$0xd] =	wrdreg s16;
	s16 =	simm.s32 $0xC00  }
0xf: {  	[dreg:$0xe] =	wrdreg s17;
	s22 =	simm.s32 $0xC80;
	s24 =	simm.s32 $0xD00  }
0x10: {  	s26 =	simm.s32 $0xD80;
	s1 =	sadd.s32 s1, s0;
	[dreg:$0x13] =	wrdreg s22  }
0x11: {  	s9 =	sshrl.u32 s8, $0x1;
	s11 =	sadd.s32 s6, s2;
	[dreg:$0x15] =	wrdreg s24  }
0x12: {  	s19 =	sshrl.u32 s10, $0x2;
	s10 =	simm.s32 $0x980;
	[dreg:$0x17] =	wrdreg s26  }
0x13: {  	s7 =	sadd.s32 s6, s7;
	s18 =	ssub.s32 s8, s9;
	[dreg:$0x9] =	wrdreg s10  }
0x14: {  	s1 =	sadd.s32 s5, s1;
	s9 =	simm.s32 $0x180;
	[dreg:$0x18] =	wrdreg s11  }
0x15: {  	s6 =	sadd.s32 s19, s2;
	s19 =	simm.s32 $0x380;
	[dreg:$0x8] =	wrdreg s9  }
0x16: {  	s17 =	simm.s32 $0x5;
	s20 =	sadd.s32 $0x2200, s1;
	[dreg:$0x10] =	wrdreg s19  }
0x17: {  	s22 =	simm.s32 $0x2;
	s21 =	sadd.s32 $0x4000, s6;
	[dreg:$0x3] =	wrdreg s20  }
0x18: {  	s24 =	simm.s32 $0x4;
	s1 =	sadd.s32 $0xC200, s1;
	[dreg:$0x19] =	wrdreg s21  }
0x19: {  	s26 =	simm.s32 $0x8;
	s23 =	sadd.s32 $0x8000, s6;
	[dreg:$0x4] =	wrdreg s1  }
0x1a: {  	s7 =	sshrl.u32 s7, $0x3;
	s25 =	sadd.s32 $0xC000, s6;
	[dreg:$0x1a] =	wrdreg s23  }
0x1b: {  	s8 =	sadd.s32 $0x10000, s6;
	s12 =	smax.u32 s18, $0x1;
	[dreg:$0x1b] =	wrdreg s25  }
0x1c: {  	s18 =	simm.s32 $0xB00;
	s19 =	simm.s32 $0x80;
	[dreg:$0x1c] =	wrdreg s8  }
0x1d: {  	s6 =	simm.s32 $0x780;
	s0 =	sadd.s32 s7, s0;
	[dreg:$0x1e] =	wrdreg s12  }
0x1e: {  	s12 =	simm.s32 $0x1000;
	[dreg:$0xf] =	wrdreg s18;
	s18 =	simm.s32 $0x6  }
0x1f: {  	s20 =	simm.s32 $0xB80;
	s21 =	simm.s32 $0x480;
	s23 =	simm.s32 $0x500  }
0x20: {  	s25 =	simm.s32 $0x580;
	s1 =	simm.s32 $0xF00;
	[dreg:$0x11] =	wrdreg s20  }
0x21: {  	s7 =	simm.s32 $0xF80;
	s8 =	simm.s32 $0x0;
	[dreg:$0x12] =	wrdreg s21  }
0x22: {  	s0 =	sadd.s32 $0x3D400, s0;
	s20 =	simm.s32 $0x1;
	[dreg:$0x14] =	wrdreg s23  }
0x23: {  	s21 =	simm.s32 $0x5000;
	s23 =	simm.s32 $0x3;
	[dreg:$0x16] =	wrdreg s25  }
0x24: {  	v0 =	vimm.f32 $0.0e+00;
	s25 =	simm.s32 $0x7;
	[dreg:$0x1d] =	wrdreg s0;
	s0 =	simm.s32 $0x700  }
.LBB2_1:
0x25: {  	s9 =	simm.s32 $0x0;
	s10 =	simm.s32 $0x200  }
.LBB2_2:
0x26: {  	p0 =	sne.s32 s10, $0xFE00;
	[tilespmem:s9+$0x1070] =	vst v0  }
0x27: {  	[tilespmem:s9+$0x1000] =	vst v0  }
0x28: {  	[tilespmem:s9+$0x1010] =	vst v0  }
.Ltmp0:
0x29: {  	[tilespmem:s9+$0x1020] =	vst v0;
	(pc) =	sbr.rel @p0 .LBB2_2-.Ltmp0, $4  }
0x2a: {  	[tilespmem:s9+$0x1030] =	vst v0  }
0x2b: {  	[tilespmem:s9+$0x1040] =	vst v0  }
0x2c: {  	[tilespmem:s9+$0x1050] =	vst v0  }
0x2d: {  	[tilespmem:s9+$0x1060] =	vst v0;
	s9 =	sshra.s32 s10, $0x2;
	s10 =	sadd.s32 $0x200, s10  }
0x2e: {  	[tilespmem:s9+$0x1070] =	vst v0  }
0x2f: {  	[tilespmem:s9+$0x1000] =	vst v0  }
0x30: {  	[tilespmem:s9+$0x1010] =	vst v0  }
0x31: {  	[tilespmem:s9+$0x1020] =	vst v0  }
0x32: {  	[tilespmem:s9+$0x1030] =	vst v0  }
0x33: {  	[tilespmem:s9+$0x1040] =	vst v0  }
0x34: {  	[tilespmem:s9+$0x1050] =	vst v0  }
0x35: {  	[dreg:$0x1f] =	wrdreg s8;
	[tilespmem:s9+$0x1060] =	vst v0  }
0x36: {  	[spmem:s11] =	stream.linear.scatter [tilespmem:s12], [sflag:$0x9], $0x4000, $0x38;
	[tilespmem:$0x1C900] =	vst v63  }
0x37: {  	_ =	swait.ge [sflag:s13], $0x4000  }
0x38: {  	[sflag:s13] =	ssyncset.done $0x0  }
0x39: {  	s5 =	rddreg [dreg:$0x19];
	[sflag:s13] =	ssyncadd.s32 $0xFFFFC000  }
0x3a: {  	[spmem:s5] =	stream.linear.scatter [tilespmem:s12], [sflag:$0x9], $0x4000, $0x38;
	[tilespmem:$0x1C900] =	vst v63  }
0x3b: {  	_ =	swait.ge [sflag:s13], $0x4000  }
0x3c: {  	[sflag:s13] =	ssyncset.done $0x0  }
0x3d: {  	s8 =	rddreg [dreg:$0x1a];
	[sflag:s13] =	ssyncadd.s32 $0xFFFFC000  }
0x3e: {  	[spmem:s8] =	stream.linear.scatter [tilespmem:s12], [sflag:$0x9], $0x4000, $0x38;
	[tilespmem:$0x1C900] =	vst v63  }
0x3f: {  	_ =	swait.ge [sflag:s13], $0x4000  }
0x40: {  	[sflag:s13] =	ssyncset.done $0x0  }
0x41: {  	s9 =	rddreg [dreg:$0x1b];
	[sflag:s13] =	ssyncadd.s32 $0xFFFFC000  }
0x42: {  	[spmem:s9] =	stream.linear.scatter [tilespmem:s12], [sflag:$0x9], $0x4000, $0x38;
	[tilespmem:$0x1C900] =	vst v63  }
0x43: {  	_ =	swait.ge [sflag:s13], $0x4000  }
0x44: {  	[sflag:s13] =	ssyncset.done $0x0  }
0x45: {  	s10 =	rddreg [dreg:$0x1c];
	[sflag:s13] =	ssyncadd.s32 $0xFFFFC000  }
0x46: {  	[spmem:s10] =	stream.linear.scatter [tilespmem:s12], [sflag:$0x9], $0x3900, $0x38;
	[tilespmem:$0x1C900] =	vst v63  }
0x47: {  	_ =	swait.ge [sflag:s13], $0x3900  }
0x48: {  	[sflag:s13] =	ssyncset.done $0x0  }
0x49: {  	[sflag:s13] =	ssyncadd.s32 $0xFFFFC700  }
0x4a: {  	[bflag:$0x0] =	sbarrier.arrive $0xFFFF  }
0x4b: {  	s11 =	rddreg [dreg:$0x4]  }
0x4c: {  	s10 =	rddreg [dreg:$0x3];
	s9 =	sadd.s32 $0x0, s11  }
0x4d: {  	[tilespmem:s3], [sflag:$0x5] =	stream.linear.gather [hbm4b:s9+s3], $0x400, $0x38;
	[tilespmem:$0x1C900] =	vst v63  }
0x4e: {  	s10 =	sadd.s32 $0x0, s10  }
0x4f: {  	[tilespmem:s14], [sflag:$0x6] =	stream.linear.gather [hbm4b:s10+s3], $0x400, $0x38;
	[tilespmem:$0x1C900] =	vst v63  }
0x50: {  	s9 =	sadd.s32 $0x80, s9  }
0x51: {  	[tilespmem:s15], [sflag:$0x7] =	stream.linear.gather [hbm4b:s9+s3], $0x400, $0x38;
	[tilespmem:$0x1C900] =	vst v63  }
0x52: {  	s5 =	sadd.s32 $0x80, s10  }
0x53: {  	[tilespmem:s16], [sflag:$0x8] =	stream.linear.gather [hbm4b:s5+s3], $0x400, $0x38;
	[tilespmem:$0x1C900] =	vst v63  }
0x54: {  	_ =	swait.ge [sflag:s17], $0x400  }
0x55: {  	[sflag:s17] =	ssyncset.done $0x0  }
0x56: {  	[sflag:s17] =	ssyncadd.s32 $0xFFFFFC00  }
0x57: {  	_ =	swait.ge [sflag:s18], $0x400  }
0x58: {  	[sflag:s18] =	ssyncset.done $0x0  }
0x59: {  	[sflag:s18] =	ssyncadd.s32 $0xFFFFFC00  }
0x5a: {  	[tilespmem:s12], [sflag:$0x1] =	stream.indirect.gather [hbm4b:s4+s19], $0x80, s3, s19, $0xb8;
	[tilespmem:$0x1C900] =	vst v63  }
0x5b: {  	_ =	swait.ge [sflag:s20], $0x4000  }
0x5c: {  	[sflag:s20] =	ssyncset.done $0x0  }
0x5d: {  	[sflag:s20] =	ssyncadd.s32 $0xFFFFC000  }
0x5e: {  	[spmem:s2] =	stream.indirect.scatter.add.f32 [tilespmem:s12], [sflag:$0x3], $0x80, s14, s19, $0xb8;
	[tilespmem:$0x1C900] =	vst v63  }
0x5f: {  	_ = 	snop  }
0x60: {  	[tilespmem:s21], [sflag:$0x2] =	stream.indirect.gather [hbm4b:s4+s19], $0x80, s19, s19, $0xb8;
	[tilespmem:$0x1C900] =	vst v63  }
0x61: {  	_ =	swait.ge [sflag:s22], $0x4000  }
0x62: {  	[sflag:s22] =	ssyncset.done $0x0  }
0x63: {  	s8 =	rddreg [dreg:$0x5];
	[sflag:s22] =	ssyncadd.s32 $0xFFFFC000  }
0x64: {  	[spmem:s2] =	stream.indirect.scatter.add.f32 [tilespmem:s21], [sflag:$0x4], $0x80, s8, s19, $0xb8;
	[tilespmem:$0x1C900] =	vst v63  }
0x65: {  	_ =	swait.ge [sflag:s23], $0x4000  }
0x66: {  	[sflag:s23] =	ssyncset.done $0x0  }
0x67: {  	s10 =	rddreg [dreg:$0x6];
	[sflag:s23] =	ssyncadd.s32 $0xFFFFC000  }
0x68: {  	[tilespmem:s12], [sflag:$0x1] =	stream.indirect.gather [hbm4b:s4+s19], $0x80, s10, s19, $0xb8;
	[tilespmem:$0x1C900] =	vst v63  }
0x69: {  	_ =	swait.ge [sflag:s20], $0x4000  }
0x6a: {  	[sflag:s20] =	ssyncset.done $0x0  }
0x6b: {  	s11 =	rddreg [dreg:$0x7];
	[sflag:s20] =	ssyncadd.s32 $0xFFFFC000  }
0x6c: {  	[spmem:s2] =	stream.indirect.scatter.add.f32 [tilespmem:s12], [sflag:$0x3], $0x80, s11, s19, $0xb8;
	[tilespmem:$0x1C900] =	vst v63  }
0x6d: {  	_ =	swait.ge [sflag:s24], $0x4000  }
0x6e: {  	[sflag:s24] =	ssyncset.done $0x0  }
0x6f: {  	s5 =	rddreg [dreg:$0x8];
	[sflag:s24] =	ssyncadd.s32 $0xFFFFC000  }
0x70: {  	[tilespmem:s21], [sflag:$0x2] =	stream.indirect.gather [hbm4b:s4+s19], $0x80, s5, s19, $0xb8;
	[tilespmem:$0x1C900] =	vst v63  }
0x71: {  	_ =	swait.ge [sflag:s22], $0x4000  }
0x72: {  	[sflag:s22] =	ssyncset.done $0x0  }
0x73: {  	s8 =	rddreg [dreg:$0x9];
	[sflag:s22] =	ssyncadd.s32 $0xFFFFC000  }
0x74: {  	[spmem:s2] =	stream.indirect.scatter.add.f32 [tilespmem:s21], [sflag:$0x4], $0x80, s8, s19, $0xb8;
	[tilespmem:$0x1C900] =	vst v63  }
0x75: {  	_ =	swait.ge [sflag:s23], $0x4000  }
0x76: {  	[sflag:s23] =	ssyncset.done $0x0  }
0x77: {  	s10 =	rddreg [dreg:$0xa];
	[sflag:s23] =	ssyncadd.s32 $0xFFFFC000  }
0x78: {  	[tilespmem:s12], [sflag:$0x1] =	stream.indirect.gather [hbm4b:s4+s19], $0x80, s10, s19, $0xb8;
	[tilespmem:$0x1C900] =	vst v63  }
0x79: {  	_ =	swait.ge [sflag:s20], $0x4000  }
0x7a: {  	[sflag:s20] =	ssyncset.done $0x0  }
0x7b: {  	s11 =	rddreg [dreg:$0xb];
	[sflag:s20] =	ssyncadd.s32 $0xFFFFC000  }
0x7c: {  	[spmem:s2] =	stream.indirect.scatter.add.f32 [tilespmem:s12], [sflag:$0x3], $0x80, s11, s19, $0xb8;
	[tilespmem:$0x1C900] =	vst v63  }
0x7d: {  	_ =	swait.ge [sflag:s24], $0x4000  }
0x7e: {  	[sflag:s24] =	ssyncset.done $0x0  }
0x7f: {  	s5 =	rddreg [dreg:$0xc];
	[sflag:s24] =	ssyncadd.s32 $0xFFFFC000  }
0x80: {  	[tilespmem:s21], [sflag:$0x2] =	stream.indirect.gather [hbm4b:s4+s19], $0x80, s5, s19, $0xb8;
	[tilespmem:$0x1C900] =	vst v63  }
0x81: {  	_ =	swait.ge [sflag:s22], $0x4000  }
0x82: {  	[sflag:s22] =	ssyncset.done $0x0  }
0x83: {  	s8 =	rddreg [dreg:$0xd];
	[sflag:s22] =	ssyncadd.s32 $0xFFFFC000  }
0x84: {  	[spmem:s2] =	stream.indirect.scatter.add.f32 [tilespmem:s21], [sflag:$0x4], $0x80, s8, s19, $0xb8;
	[tilespmem:$0x1C900] =	vst v63  }
0x85: {  	_ =	swait.ge [sflag:s23], $0x4000  }
0x86: {  	[sflag:s23] =	ssyncset.done $0x0  }
0x87: {  	s10 =	rddreg [dreg:$0xe];
	[sflag:s23] =	ssyncadd.s32 $0xFFFFC000  }
0x88: {  	[tilespmem:s12], [sflag:$0x1] =	stream.indirect.gather [hbm4b:s4+s19], $0x80, s10, s19, $0xb8;
	[tilespmem:$0x1C900] =	vst v63  }
0x89: {  	_ =	swait.ge [sflag:s20], $0x4000  }
0x8a: {  	[sflag:s20] =	ssyncset.done $0x0  }
0x8b: {  	s11 =	rddreg [dreg:$0xf];
	[sflag:s20] =	ssyncadd.s32 $0xFFFFC000  }
0x8c: {  	[spmem:s2] =	stream.indirect.scatter.add.f32 [tilespmem:s12], [sflag:$0x3], $0x80, s11, s19, $0xb8;
	[tilespmem:$0x1C900] =	vst v63  }
0x8d: {  	_ =	swait.ge [sflag:s24], $0x4000  }
0x8e: {  	[sflag:s24] =	ssyncset.done $0x0  }
0x8f: {  	s5 =	rddreg [dreg:$0x10];
	[sflag:s24] =	ssyncadd.s32 $0xFFFFC000  }
0x90: {  	[tilespmem:s21], [sflag:$0x2] =	stream.indirect.gather [hbm4b:s4+s19], $0x80, s5, s19, $0xb8;
	[tilespmem:$0x1C900] =	vst v63  }
0x91: {  	_ =	swait.ge [sflag:s22], $0x4000  }
0x92: {  	[sflag:s22] =	ssyncset.done $0x0  }
0x93: {  	s8 =	rddreg [dreg:$0x11];
	[sflag:s22] =	ssyncadd.s32 $0xFFFFC000  }
0x94: {  	[spmem:s2] =	stream.indirect.scatter.add.f32 [tilespmem:s21], [sflag:$0x4], $0x80, s8, s19, $0xb8;
	[tilespmem:$0x1C900] =	vst v63  }
0x95: {  	_ =	swait.ge [sflag:s25], $0x400  }
0x96: {  	[sflag:s25] =	ssyncset.done $0x0  }
0x97: {  	[sflag:s25] =	ssyncadd.s32 $0xFFFFFC00  }
0x98: {  	_ =	swait.ge [sflag:s26], $0x400  }
0x99: {  	[sflag:s26] =	ssyncset.done $0x0  }
0x9a: {  	[sflag:s26] =	ssyncadd.s32 $0xFFFFFC00  }
0x9b: {  	_ =	swait.ge [sflag:s23], $0x4000  }
0x9c: {  	[sflag:s23] =	ssyncset.done $0x0  }
0x9d: {  	[sflag:s23] =	ssyncadd.s32 $0xFFFFC000  }
0x9e: {  	[tilespmem:s12], [sflag:$0x1] =	stream.indirect.gather [hbm4b:s4+s19], $0x80, s15, s19, $0xb8;
	[tilespmem:$0x1C900] =	vst v63  }
0x9f: {  	_ =	swait.ge [sflag:s20], $0x4000  }
0xa0: {  	[sflag:s20] =	ssyncset.done $0x0  }
0xa1: {  	[sflag:s20] =	ssyncadd.s32 $0xFFFFC000  }
0xa2: {  	[spmem:s2] =	stream.indirect.scatter.add.f32 [tilespmem:s12], [sflag:$0x3], $0x80, s16, s19, $0xb8;
	[tilespmem:$0x1C900] =	vst v63  }
0xa3: {  	_ =	swait.ge [sflag:s24], $0x4000  }
0xa4: {  	[sflag:s24] =	ssyncset.done $0x0  }
0xa5: {  	s10 =	rddreg [dreg:$0x12];
	[sflag:s24] =	ssyncadd.s32 $0xFFFFC000  }
0xa6: {  	[tilespmem:s21], [sflag:$0x2] =	stream.indirect.gather [hbm4b:s4+s19], $0x80, s10, s19, $0xb8;
	[tilespmem:$0x1C900] =	vst v63  }
0xa7: {  	_ =	swait.ge [sflag:s22], $0x4000  }
0xa8: {  	[sflag:s22] =	ssyncset.done $0x0  }
0xa9: {  	s11 =	rddreg [dreg:$0x13];
	[sflag:s22] =	ssyncadd.s32 $0xFFFFC000  }
0xaa: {  	[spmem:s2] =	stream.indirect.scatter.add.f32 [tilespmem:s21], [sflag:$0x4], $0x80, s11, s19, $0xb8;
	[tilespmem:$0x1C900] =	vst v63  }
0xab: {  	_ =	swait.ge [sflag:s23], $0x4000  }
0xac: {  	[sflag:s23] =	ssyncset.done $0x0  }
0xad: {  	s5 =	rddreg [dreg:$0x14];
	[sflag:s23] =	ssyncadd.s32 $0xFFFFC000  }
0xae: {  	[tilespmem:s12], [sflag:$0x1] =	stream.indirect.gather [hbm4b:s4+s19], $0x80, s5, s19, $0xb8;
	[tilespmem:$0x1C900] =	vst v63  }
0xaf: {  	_ =	swait.ge [sflag:s20], $0x4000  }
0xb0: {  	[sflag:s20] =	ssyncset.done $0x0  }
0xb1: {  	s8 =	rddreg [dreg:$0x15];
	[sflag:s20] =	ssyncadd.s32 $0xFFFFC000  }
0xb2: {  	[spmem:s2] =	stream.indirect.scatter.add.f32 [tilespmem:s12], [sflag:$0x3], $0x80, s8, s19, $0xb8;
	[tilespmem:$0x1C900] =	vst v63  }
0xb3: {  	_ =	swait.ge [sflag:s24], $0x4000  }
0xb4: {  	[sflag:s24] =	ssyncset.done $0x0  }
0xb5: {  	s10 =	rddreg [dreg:$0x16];
	[sflag:s24] =	ssyncadd.s32 $0xFFFFC000  }
0xb6: {  	[tilespmem:s21], [sflag:$0x2] =	stream.indirect.gather [hbm4b:s4+s19], $0x80, s10, s19, $0xb8;
	[tilespmem:$0x1C900] =	vst v63  }
0xb7: {  	_ =	swait.ge [sflag:s22], $0x4000  }
0xb8: {  	[sflag:s22] =	ssyncset.done $0x0  }
0xb9: {  	s11 =	rddreg [dreg:$0x17];
	[sflag:s22] =	ssyncadd.s32 $0xFFFFC000  }
0xba: {  	[spmem:s2] =	stream.indirect.scatter.add.f32 [tilespmem:s21], [sflag:$0x4], $0x80, s11, s19, $0xb8;
	[tilespmem:$0x1C900] =	vst v63  }
0xbb: {  	_ =	swait.ge [sflag:s23], $0x4000  }
0xbc: {  	[sflag:s23] =	ssyncset.done $0x0  }
0xbd: {  	[sflag:s23] =	ssyncadd.s32 $0xFFFFC000  }
0xbe: {  	[tilespmem:s12], [sflag:$0x1] =	stream.indirect.gather [hbm4b:s4+s19], $0x80, s28, s19, $0xb8;
	[tilespmem:$0x1C900] =	vst v63  }
0xbf: {  	_ =	swait.ge [sflag:s20], $0x4000  }
0xc0: {  	[sflag:s20] =	ssyncset.done $0x0  }
0xc1: {  	[sflag:s20] =	ssyncadd.s32 $0xFFFFC000  }
0xc2: {  	[spmem:s2] =	stream.indirect.scatter.add.f32 [tilespmem:s12], [sflag:$0x3], $0x80, s29, s19, $0xb8;
	[tilespmem:$0x1C900] =	vst v63  }
0xc3: {  	_ =	swait.ge [sflag:s24], $0x4000  }
0xc4: {  	[sflag:s24] =	ssyncset.done $0x0  }
0xc5: {  	[sflag:s24] =	ssyncadd.s32 $0xFFFFC000  }
0xc6: {  	[tilespmem:s21], [sflag:$0x2] =	stream.indirect.gather [hbm4b:s4+s19], $0x80, s30, s19, $0xb8;
	[tilespmem:$0x1C900] =	vst v63  }
0xc7: {  	_ =	swait.ge [sflag:s22], $0x4000  }
0xc8: {  	[sflag:s22] =	ssyncset.done $0x0  }
0xc9: {  	[sflag:s22] =	ssyncadd.s32 $0xFFFFC000  }
0xca: {  	[spmem:s2] =	stream.indirect.scatter.add.f32 [tilespmem:s21], [sflag:$0x4], $0x80, s31, s19, $0xb8;
	[tilespmem:$0x1C900] =	vst v63  }
0xcb: {  	_ =	swait.ge [sflag:s23], $0x4000  }
0xcc: {  	[sflag:s23] =	ssyncset.done $0x0  }
0xcd: {  	[sflag:s23] =	ssyncadd.s32 $0xFFFFC000  }
0xce: {  	[tilespmem:s12], [sflag:$0x1] =	stream.indirect.gather [hbm4b:s4+s19], $0x80, s0, s19, $0xb8;
	[tilespmem:$0x1C900] =	vst v63  }
0xcf: {  	_ =	swait.ge [sflag:s20], $0x4000  }
0xd0: {  	[sflag:s20] =	ssyncset.done $0x0  }
0xd1: {  	[sflag:s20] =	ssyncadd.s32 $0xFFFFC000  }
0xd2: {  	[spmem:s2] =	stream.indirect.scatter.add.f32 [tilespmem:s12], [sflag:$0x3], $0x80, s1, s19, $0xb8;
	[tilespmem:$0x1C900] =	vst v63  }
0xd3: {  	_ =	swait.ge [sflag:s24], $0x4000  }
0xd4: {  	[sflag:s24] =	ssyncset.done $0x0  }
0xd5: {  	[sflag:s24] =	ssyncadd.s32 $0xFFFFC000  }
0xd6: {  	[tilespmem:s21], [sflag:$0x2] =	stream.indirect.gather [hbm4b:s4+s19], $0x80, s6, s19, $0xb8;
	[tilespmem:$0x1C900] =	vst v63  }
0xd7: {  	_ =	swait.ge [sflag:s22], $0x4000  }
0xd8: {  	[sflag:s22] =	ssyncset.done $0x0  }
0xd9: {  	[sflag:s22] =	ssyncadd.s32 $0xFFFFC000  }
0xda: {  	[spmem:s2] =	stream.indirect.scatter.add.f32 [tilespmem:s21], [sflag:$0x4], $0x80, s7, s19, $0xb8;
	[tilespmem:$0x1C900] =	vst v63  }
0xdb: {  	_ =	swait.ge [sflag:s23], $0x4000  }
0xdc: {  	[sflag:s23] =	ssyncset.done $0x0  }
0xdd: {  	[sflag:s23] =	ssyncadd.s32 $0xFFFFC000  }
0xde: {  	s9 =	simm.s32 $0x100;
	_ =	swait.ge [sflag:s24], $0x4000  }
0xdf: {  	s10 =	simm.s32 $0x200;
	s11 =	rddreg [dreg:$0x4];
	[sflag:s24] =	ssyncset.done $0x0  }
.LBB2_4:
0xe0: {  	[sflag:s24] =	ssyncadd.s32 $0xFFFFC000;
	s8 =	rddreg [dreg:$0x3];
	s11 =	sadd.s32 s9, s11  }
0xe1: {  	[tilespmem:s3], [sflag:$0x5] =	stream.linear.gather [hbm4b:s11+s3], $0x400, $0x38;
	[tilespmem:$0x1C900] =	vst v63  }
0xe2: {  	s8 =	sadd.s32 s9, s8  }
0xe3: {  	[tilespmem:s14], [sflag:$0x6] =	stream.linear.gather [hbm4b:s8+s3], $0x400, $0x38;
	[tilespmem:$0x1C900] =	vst v63  }
0xe4: {  	s11 =	sadd.s32 $0x80, s11  }
0xe5: {  	[tilespmem:s15], [sflag:$0x7] =	stream.linear.gather [hbm4b:s11+s3], $0x400, $0x38;
	[tilespmem:$0x1C900] =	vst v63  }
0xe6: {  	s8 =	sadd.s32 $0x80, s8  }
0xe7: {  	[tilespmem:s16], [sflag:$0x8] =	stream.linear.gather [hbm4b:s8+s3], $0x400, $0x38;
	[tilespmem:$0x1C900] =	vst v63  }
0xe8: {  	_ =	swait.ge [sflag:s17], $0x400  }
0xe9: {  	[sflag:s17] =	ssyncset.done $0x0  }
0xea: {  	[sflag:s17] =	ssyncadd.s32 $0xFFFFFC00  }
0xeb: {  	_ =	swait.ge [sflag:s18], $0x400  }
0xec: {  	[sflag:s18] =	ssyncset.done $0x0  }
0xed: {  	[sflag:s18] =	ssyncadd.s32 $0xFFFFFC00  }
0xee: {  	[tilespmem:s12], [sflag:$0x1] =	stream.indirect.gather [hbm4b:s4+s19], $0x80, s3, s19, $0xb8;
	[tilespmem:$0x1C900] =	vst v63  }
0xef: {  	_ =	swait.ge [sflag:s20], $0x4000  }
0xf0: {  	[sflag:s20] =	ssyncset.done $0x0  }
0xf1: {  	[sflag:s20] =	ssyncadd.s32 $0xFFFFC000  }
0xf2: {  	[spmem:s2] =	stream.indirect.scatter.add.f32 [tilespmem:s12], [sflag:$0x3], $0x80, s14, s19, $0xb8;
	[tilespmem:$0x1C900] =	vst v63  }
0xf3: {  	_ = 	snop  }
0xf4: {  	[tilespmem:s21], [sflag:$0x2] =	stream.indirect.gather [hbm4b:s4+s19], $0x80, s19, s19, $0xb8;
	[tilespmem:$0x1C900] =	vst v63  }
0xf5: {  	_ =	swait.ge [sflag:s22], $0x4000  }
0xf6: {  	[sflag:s22] =	ssyncset.done $0x0  }
0xf7: {  	s11 =	rddreg [dreg:$0x5];
	[sflag:s22] =	ssyncadd.s32 $0xFFFFC000  }
0xf8: {  	[spmem:s2] =	stream.indirect.scatter.add.f32 [tilespmem:s21], [sflag:$0x4], $0x80, s11, s19, $0xb8;
	[tilespmem:$0x1C900] =	vst v63  }
0xf9: {  	_ =	swait.ge [sflag:s23], $0x4000  }
0xfa: {  	[sflag:s23] =	ssyncset.done $0x0  }
0xfb: {  	s8 =	rddreg [dreg:$0x6];
	[sflag:s23] =	ssyncadd.s32 $0xFFFFC000  }
0xfc: {  	[tilespmem:s12], [sflag:$0x1] =	stream.indirect.gather [hbm4b:s4+s19], $0x80, s8, s19, $0xb8;
	[tilespmem:$0x1C900] =	vst v63  }
0xfd: {  	_ =	swait.ge [sflag:s20], $0x4000  }
0xfe: {  	[sflag:s20] =	ssyncset.done $0x0  }
0xff: {  	s11 =	rddreg [dreg:$0x7];
	[sflag:s20] =	ssyncadd.s32 $0xFFFFC000  }
0x100: {  	[spmem:s2] =	stream.indirect.scatter.add.f32 [tilespmem:s12], [sflag:$0x3], $0x80, s11, s19, $0xb8;
	[tilespmem:$0x1C900] =	vst v63  }
0x101: {  	_ =	swait.ge [sflag:s24], $0x4000  }
0x102: {  	[sflag:s24] =	ssyncset.done $0x0  }
0x103: {  	s8 =	rddreg [dreg:$0x8];
	[sflag:s24] =	ssyncadd.s32 $0xFFFFC000  }
0x104: {  	[tilespmem:s21], [sflag:$0x2] =	stream.indirect.gather [hbm4b:s4+s19], $0x80, s8, s19, $0xb8;
	[tilespmem:$0x1C900] =	vst v63  }
0x105: {  	_ =	swait.ge [sflag:s22], $0x4000  }
0x106: {  	[sflag:s22] =	ssyncset.done $0x0  }
0x107: {  	s11 =	rddreg [dreg:$0x9];
	[sflag:s22] =	ssyncadd.s32 $0xFFFFC000  }
0x108: {  	[spmem:s2] =	stream.indirect.scatter.add.f32 [tilespmem:s21], [sflag:$0x4], $0x80, s11, s19, $0xb8;
	[tilespmem:$0x1C900] =	vst v63  }
0x109: {  	_ =	swait.ge [sflag:s23], $0x4000  }
0x10a: {  	[sflag:s23] =	ssyncset.done $0x0  }
0x10b: {  	s8 =	rddreg [dreg:$0xa];
	[sflag:s23] =	ssyncadd.s32 $0xFFFFC000  }
0x10c: {  	[tilespmem:s12], [sflag:$0x1] =	stream.indirect.gather [hbm4b:s4+s19], $0x80, s8, s19, $0xb8;
	[tilespmem:$0x1C900] =	vst v63  }
0x10d: {  	_ =	swait.ge [sflag:s20], $0x4000  }
0x10e: {  	[sflag:s20] =	ssyncset.done $0x0  }
0x10f: {  	s11 =	rddreg [dreg:$0xb];
	[sflag:s20] =	ssyncadd.s32 $0xFFFFC000  }
0x110: {  	[spmem:s2] =	stream.indirect.scatter.add.f32 [tilespmem:s12], [sflag:$0x3], $0x80, s11, s19, $0xb8;
	[tilespmem:$0x1C900] =	vst v63  }
0x111: {  	_ =	swait.ge [sflag:s24], $0x4000  }
0x112: {  	[sflag:s24] =	ssyncset.done $0x0  }
0x113: {  	s8 =	rddreg [dreg:$0xc];
	[sflag:s24] =	ssyncadd.s32 $0xFFFFC000  }
0x114: {  	[tilespmem:s21], [sflag:$0x2] =	stream.indirect.gather [hbm4b:s4+s19], $0x80, s8, s19, $0xb8;
	[tilespmem:$0x1C900] =	vst v63  }
0x115: {  	_ =	swait.ge [sflag:s22], $0x4000  }
0x116: {  	[sflag:s22] =	ssyncset.done $0x0  }
0x117: {  	s11 =	rddreg [dreg:$0xd];
	[sflag:s22] =	ssyncadd.s32 $0xFFFFC000  }
0x118: {  	[spmem:s2] =	stream.indirect.scatter.add.f32 [tilespmem:s21], [sflag:$0x4], $0x80, s11, s19, $0xb8;
	[tilespmem:$0x1C900] =	vst v63  }
0x119: {  	_ =	swait.ge [sflag:s23], $0x4000  }
0x11a: {  	[sflag:s23] =	ssyncset.done $0x0  }
0x11b: {  	s8 =	rddreg [dreg:$0xe];
	[sflag:s23] =	ssyncadd.s32 $0xFFFFC000  }
0x11c: {  	[tilespmem:s12], [sflag:$0x1] =	stream.indirect.gather [hbm4b:s4+s19], $0x80, s8, s19, $0xb8;
	[tilespmem:$0x1C900] =	vst v63  }
0x11d: {  	_ =	swait.ge [sflag:s20], $0x4000  }
0x11e: {  	[sflag:s20] =	ssyncset.done $0x0  }
0x11f: {  	s11 =	rddreg [dreg:$0xf];
	[sflag:s20] =	ssyncadd.s32 $0xFFFFC000  }
0x120: {  	[spmem:s2] =	stream.indirect.scatter.add.f32 [tilespmem:s12], [sflag:$0x3], $0x80, s11, s19, $0xb8;
	[tilespmem:$0x1C900] =	vst v63  }
0x121: {  	_ =	swait.ge [sflag:s24], $0x4000  }
0x122: {  	[sflag:s24] =	ssyncset.done $0x0  }
0x123: {  	s8 =	rddreg [dreg:$0x10];
	[sflag:s24] =	ssyncadd.s32 $0xFFFFC000  }
0x124: {  	[tilespmem:s21], [sflag:$0x2] =	stream.indirect.gather [hbm4b:s4+s19], $0x80, s8, s19, $0xb8;
	[tilespmem:$0x1C900] =	vst v63  }
0x125: {  	_ =	swait.ge [sflag:s22], $0x4000  }
0x126: {  	[sflag:s22] =	ssyncset.done $0x0  }
0x127: {  	s11 =	rddreg [dreg:$0x11];
	[sflag:s22] =	ssyncadd.s32 $0xFFFFC000  }
0x128: {  	[spmem:s2] =	stream.indirect.scatter.add.f32 [tilespmem:s21], [sflag:$0x4], $0x80, s11, s19, $0xb8;
	[tilespmem:$0x1C900] =	vst v63  }
0x129: {  	_ =	swait.ge [sflag:s25], $0x400  }
0x12a: {  	[sflag:s25] =	ssyncset.done $0x0  }
0x12b: {  	[sflag:s25] =	ssyncadd.s32 $0xFFFFFC00  }
0x12c: {  	_ =	swait.ge [sflag:s26], $0x400  }
0x12d: {  	[sflag:s26] =	ssyncset.done $0x0  }
0x12e: {  	[sflag:s26] =	ssyncadd.s32 $0xFFFFFC00  }
0x12f: {  	_ =	swait.ge [sflag:s23], $0x4000  }
0x130: {  	[sflag:s23] =	ssyncset.done $0x0  }
0x131: {  	[sflag:s23] =	ssyncadd.s32 $0xFFFFC000  }
0x132: {  	[tilespmem:s12], [sflag:$0x1] =	stream.indirect.gather [hbm4b:s4+s19], $0x80, s15, s19, $0xb8;
	[tilespmem:$0x1C900] =	vst v63  }
0x133: {  	_ =	swait.ge [sflag:s20], $0x4000  }
0x134: {  	[sflag:s20] =	ssyncset.done $0x0  }
0x135: {  	[sflag:s20] =	ssyncadd.s32 $0xFFFFC000  }
0x136: {  	[spmem:s2] =	stream.indirect.scatter.add.f32 [tilespmem:s12], [sflag:$0x3], $0x80, s16, s19, $0xb8;
	[tilespmem:$0x1C900] =	vst v63  }
0x137: {  	_ =	swait.ge [sflag:s24], $0x4000  }
0x138: {  	[sflag:s24] =	ssyncset.done $0x0  }
0x139: {  	s8 =	rddreg [dreg:$0x12];
	[sflag:s24] =	ssyncadd.s32 $0xFFFFC000  }
0x13a: {  	[tilespmem:s21], [sflag:$0x2] =	stream.indirect.gather [hbm4b:s4+s19], $0x80, s8, s19, $0xb8;
	[tilespmem:$0x1C900] =	vst v63  }
0x13b: {  	_ =	swait.ge [sflag:s22], $0x4000  }
0x13c: {  	[sflag:s22] =	ssyncset.done $0x0  }
0x13d: {  	s11 =	rddreg [dreg:$0x13];
	[sflag:s22] =	ssyncadd.s32 $0xFFFFC000  }
0x13e: {  	[spmem:s2] =	stream.indirect.scatter.add.f32 [tilespmem:s21], [sflag:$0x4], $0x80, s11, s19, $0xb8;
	[tilespmem:$0x1C900] =	vst v63  }
0x13f: {  	_ =	swait.ge [sflag:s23], $0x4000  }
0x140: {  	[sflag:s23] =	ssyncset.done $0x0  }
0x141: {  	s8 =	rddreg [dreg:$0x14];
	[sflag:s23] =	ssyncadd.s32 $0xFFFFC000  }
0x142: {  	[tilespmem:s12], [sflag:$0x1] =	stream.indirect.gather [hbm4b:s4+s19], $0x80, s8, s19, $0xb8;
	[tilespmem:$0x1C900] =	vst v63  }
0x143: {  	_ =	swait.ge [sflag:s20], $0x4000  }
0x144: {  	[sflag:s20] =	ssyncset.done $0x0  }
0x145: {  	s11 =	rddreg [dreg:$0x15];
	[sflag:s20] =	ssyncadd.s32 $0xFFFFC000  }
0x146: {  	[spmem:s2] =	stream.indirect.scatter.add.f32 [tilespmem:s12], [sflag:$0x3], $0x80, s11, s19, $0xb8;
	[tilespmem:$0x1C900] =	vst v63  }
0x147: {  	_ =	swait.ge [sflag:s24], $0x4000  }
0x148: {  	[sflag:s24] =	ssyncset.done $0x0  }
0x149: {  	s8 =	rddreg [dreg:$0x16];
	[sflag:s24] =	ssyncadd.s32 $0xFFFFC000  }
0x14a: {  	[tilespmem:s21], [sflag:$0x2] =	stream.indirect.gather [hbm4b:s4+s19], $0x80, s8, s19, $0xb8;
	[tilespmem:$0x1C900] =	vst v63  }
0x14b: {  	_ =	swait.ge [sflag:s22], $0x4000  }
0x14c: {  	[sflag:s22] =	ssyncset.done $0x0  }
0x14d: {  	s11 =	rddreg [dreg:$0x17];
	[sflag:s22] =	ssyncadd.s32 $0xFFFFC000  }
0x14e: {  	[spmem:s2] =	stream.indirect.scatter.add.f32 [tilespmem:s21], [sflag:$0x4], $0x80, s11, s19, $0xb8;
	[tilespmem:$0x1C900] =	vst v63  }
0x14f: {  	_ =	swait.ge [sflag:s23], $0x4000  }
0x150: {  	[sflag:s23] =	ssyncset.done $0x0  }
0x151: {  	[sflag:s23] =	ssyncadd.s32 $0xFFFFC000  }
0x152: {  	[tilespmem:s12], [sflag:$0x1] =	stream.indirect.gather [hbm4b:s4+s19], $0x80, s28, s19, $0xb8;
	[tilespmem:$0x1C900] =	vst v63  }
0x153: {  	_ =	swait.ge [sflag:s20], $0x4000  }
0x154: {  	[sflag:s20] =	ssyncset.done $0x0  }
0x155: {  	[sflag:s20] =	ssyncadd.s32 $0xFFFFC000  }
0x156: {  	[spmem:s2] =	stream.indirect.scatter.add.f32 [tilespmem:s12], [sflag:$0x3], $0x80, s29, s19, $0xb8;
	[tilespmem:$0x1C900] =	vst v63  }
0x157: {  	_ =	swait.ge [sflag:s24], $0x4000  }
0x158: {  	[sflag:s24] =	ssyncset.done $0x0  }
0x159: {  	[sflag:s24] =	ssyncadd.s32 $0xFFFFC000  }
0x15a: {  	[tilespmem:s21], [sflag:$0x2] =	stream.indirect.gather [hbm4b:s4+s19], $0x80, s30, s19, $0xb8;
	[tilespmem:$0x1C900] =	vst v63  }
0x15b: {  	_ =	swait.ge [sflag:s22], $0x4000  }
0x15c: {  	[sflag:s22] =	ssyncset.done $0x0  }
0x15d: {  	[sflag:s22] =	ssyncadd.s32 $0xFFFFC000  }
0x15e: {  	[spmem:s2] =	stream.indirect.scatter.add.f32 [tilespmem:s21], [sflag:$0x4], $0x80, s31, s19, $0xb8;
	[tilespmem:$0x1C900] =	vst v63  }
0x15f: {  	_ =	swait.ge [sflag:s23], $0x4000  }
0x160: {  	[sflag:s23] =	ssyncset.done $0x0  }
0x161: {  	[sflag:s23] =	ssyncadd.s32 $0xFFFFC000  }
0x162: {  	[tilespmem:s12], [sflag:$0x1] =	stream.indirect.gather [hbm4b:s4+s19], $0x80, s0, s19, $0xb8;
	[tilespmem:$0x1C900] =	vst v63  }
0x163: {  	_ =	swait.ge [sflag:s20], $0x4000  }
0x164: {  	[sflag:s20] =	ssyncset.done $0x0  }
0x165: {  	[sflag:s20] =	ssyncadd.s32 $0xFFFFC000  }
0x166: {  	[spmem:s2] =	stream.indirect.scatter.add.f32 [tilespmem:s12], [sflag:$0x3], $0x80, s1, s19, $0xb8;
	[tilespmem:$0x1C900] =	vst v63  }
0x167: {  	_ =	swait.ge [sflag:s24], $0x4000  }
0x168: {  	[sflag:s24] =	ssyncset.done $0x0  }
0x169: {  	[sflag:s24] =	ssyncadd.s32 $0xFFFFC000  }
0x16a: {  	[tilespmem:s21], [sflag:$0x2] =	stream.indirect.gather [hbm4b:s4+s19], $0x80, s6, s19, $0xb8;
	[tilespmem:$0x1C900] =	vst v63  }
0x16b: {  	_ =	swait.ge [sflag:s22], $0x4000  }
0x16c: {  	[sflag:s22] =	ssyncset.done $0x0  }
0x16d: {  	p0 =	sne.s32 s10, $0x400;
	[sflag:s22] =	ssyncadd.s32 $0xFFFFC000  }
0x16e: {  	[spmem:s2] =	stream.indirect.scatter.add.f32 [tilespmem:s21], [sflag:$0x4], $0x80, s7, s19, $0xb8;
	[tilespmem:$0x1C900] =	vst v63  }
.Ltmp1:
0x16f: {  	_ =	swait.ge [sflag:s23], $0x4000;
	(pc) =	sbr.rel @p0 .LBB2_4-.Ltmp1, $4  }
0x170: {  	[sflag:s23] =	ssyncset.done $0x0  }
0x171: {  	[sflag:s23] =	ssyncadd.s32 $0xFFFFC000  }
0x172: {  	s5 =	smov.u32 s10;
	s10 =	sadd.s32 $0x100, s10;
	_ =	swait.ge [sflag:s24], $0x4000  }
0x173: {  	s9 =	smov.u32 s5;
	s11 =	rddreg [dreg:$0x4];
	[sflag:s24] =	ssyncset.done $0x0  }
0x174: {  	s5 =	rddreg [dreg:$0x3];
	[sflag:s24] =	ssyncadd.s32 $0xFFFFC000;
	s8 =	sadd.s32 s9, s11  }
0x175: {  	[tilespmem:s3], [sflag:$0x5] =	stream.linear.gather [hbm4b:s8+s3], $0x400, $0x38;
	[tilespmem:$0x1C900] =	vst v63  }
0x176: {  	s5 =	sadd.s32 s9, s5  }
0x177: {  	[tilespmem:s14], [sflag:$0x6] =	stream.linear.gather [hbm4b:s5+s3], $0x400, $0x38;
	[tilespmem:$0x1C900] =	vst v63  }
0x178: {  	s8 =	sadd.s32 $0x80, s8  }
0x179: {  	[tilespmem:s15], [sflag:$0x7] =	stream.linear.gather [hbm4b:s8+s3], $0x400, $0x38;
	[tilespmem:$0x1C900] =	vst v63  }
0x17a: {  	s5 =	sadd.s32 $0x80, s5  }
0x17b: {  	[tilespmem:s16], [sflag:$0x8] =	stream.linear.gather [hbm4b:s5+s3], $0x400, $0x38;
	[tilespmem:$0x1C900] =	vst v63  }
0x17c: {  	_ =	swait.ge [sflag:s17], $0x400  }
0x17d: {  	[sflag:s17] =	ssyncset.done $0x0  }
0x17e: {  	[sflag:s17] =	ssyncadd.s32 $0xFFFFFC00  }
0x17f: {  	_ =	swait.ge [sflag:s18], $0x400  }
0x180: {  	[sflag:s18] =	ssyncset.done $0x0  }
0x181: {  	[sflag:s18] =	ssyncadd.s32 $0xFFFFFC00  }
0x182: {  	[tilespmem:s12], [sflag:$0x1] =	stream.indirect.gather [hbm4b:s4+s19], $0x80, s3, s19, $0xb8;
	[tilespmem:$0x1C900] =	vst v63  }
0x183: {  	_ =	swait.ge [sflag:s20], $0x4000  }
0x184: {  	[sflag:s20] =	ssyncset.done $0x0  }
0x185: {  	[sflag:s20] =	ssyncadd.s32 $0xFFFFC000  }
0x186: {  	[spmem:s2] =	stream.indirect.scatter.add.f32 [tilespmem:s12], [sflag:$0x3], $0x80, s14, s19, $0xb8;
	[tilespmem:$0x1C900] =	vst v63  }
0x187: {  	_ = 	snop  }
0x188: {  	[tilespmem:s21], [sflag:$0x2] =	stream.indirect.gather [hbm4b:s4+s19], $0x80, s19, s19, $0xb8;
	[tilespmem:$0x1C900] =	vst v63  }
0x189: {  	_ =	swait.ge [sflag:s22], $0x4000  }
0x18a: {  	[sflag:s22] =	ssyncset.done $0x0  }
0x18b: {  	s9 =	rddreg [dreg:$0x5];
	[sflag:s22] =	ssyncadd.s32 $0xFFFFC000  }
0x18c: {  	[spmem:s2] =	stream.indirect.scatter.add.f32 [tilespmem:s21], [sflag:$0x4], $0x80, s9, s19, $0xb8;
	[tilespmem:$0x1C900] =	vst v63  }
0x18d: {  	_ =	swait.ge [sflag:s23], $0x4000  }
0x18e: {  	[sflag:s23] =	ssyncset.done $0x0  }
0x18f: {  	s10 =	rddreg [dreg:$0x6];
	[sflag:s23] =	ssyncadd.s32 $0xFFFFC000  }
0x190: {  	[tilespmem:s12], [sflag:$0x1] =	stream.indirect.gather [hbm4b:s4+s19], $0x80, s10, s19, $0xb8;
	[tilespmem:$0x1C900] =	vst v63  }
0x191: {  	_ =	swait.ge [sflag:s20], $0x4000  }
0x192: {  	[sflag:s20] =	ssyncset.done $0x0  }
0x193: {  	s11 =	rddreg [dreg:$0x7];
	[sflag:s20] =	ssyncadd.s32 $0xFFFFC000  }
0x194: {  	[spmem:s2] =	stream.indirect.scatter.add.f32 [tilespmem:s12], [sflag:$0x3], $0x80, s11, s19, $0xb8;
	[tilespmem:$0x1C900] =	vst v63  }
0x195: {  	_ =	swait.ge [sflag:s24], $0x4000  }
0x196: {  	[sflag:s24] =	ssyncset.done $0x0  }
0x197: {  	s8 =	rddreg [dreg:$0x8];
	[sflag:s24] =	ssyncadd.s32 $0xFFFFC000  }
0x198: {  	[tilespmem:s21], [sflag:$0x2] =	stream.indirect.gather [hbm4b:s4+s19], $0x80, s8, s19, $0xb8;
	[tilespmem:$0x1C900] =	vst v63  }
0x199: {  	_ =	swait.ge [sflag:s22], $0x4000  }
0x19a: {  	[sflag:s22] =	ssyncset.done $0x0  }
0x19b: {  	s9 =	rddreg [dreg:$0x9];
	[sflag:s22] =	ssyncadd.s32 $0xFFFFC000  }
0x19c: {  	[spmem:s2] =	stream.indirect.scatter.add.f32 [tilespmem:s21], [sflag:$0x4], $0x80, s9, s19, $0xb8;
	[tilespmem:$0x1C900] =	vst v63  }
0x19d: {  	_ =	swait.ge [sflag:s23], $0x4000  }
0x19e: {  	[sflag:s23] =	ssyncset.done $0x0  }
0x19f: {  	s10 =	rddreg [dreg:$0xa];
	[sflag:s23] =	ssyncadd.s32 $0xFFFFC000  }
0x1a0: {  	[tilespmem:s12], [sflag:$0x1] =	stream.indirect.gather [hbm4b:s4+s19], $0x80, s10, s19, $0xb8;
	[tilespmem:$0x1C900] =	vst v63  }
0x1a1: {  	_ =	swait.ge [sflag:s20], $0x4000  }
0x1a2: {  	[sflag:s20] =	ssyncset.done $0x0  }
0x1a3: {  	s11 =	rddreg [dreg:$0xb];
	[sflag:s20] =	ssyncadd.s32 $0xFFFFC000  }
0x1a4: {  	[spmem:s2] =	stream.indirect.scatter.add.f32 [tilespmem:s12], [sflag:$0x3], $0x80, s11, s19, $0xb8;
	[tilespmem:$0x1C900] =	vst v63  }
0x1a5: {  	_ =	swait.ge [sflag:s24], $0x4000  }
0x1a6: {  	[sflag:s24] =	ssyncset.done $0x0  }
0x1a7: {  	s8 =	rddreg [dreg:$0xc];
	[sflag:s24] =	ssyncadd.s32 $0xFFFFC000  }
0x1a8: {  	[tilespmem:s21], [sflag:$0x2] =	stream.indirect.gather [hbm4b:s4+s19], $0x80, s8, s19, $0xb8;
	[tilespmem:$0x1C900] =	vst v63  }
0x1a9: {  	_ =	swait.ge [sflag:s22], $0x4000  }
0x1aa: {  	[sflag:s22] =	ssyncset.done $0x0  }
0x1ab: {  	s9 =	rddreg [dreg:$0xd];
	[sflag:s22] =	ssyncadd.s32 $0xFFFFC000  }
0x1ac: {  	[spmem:s2] =	stream.indirect.scatter.add.f32 [tilespmem:s21], [sflag:$0x4], $0x80, s9, s19, $0xb8;
	[tilespmem:$0x1C900] =	vst v63  }
0x1ad: {  	_ =	swait.ge [sflag:s23], $0x4000  }
0x1ae: {  	[sflag:s23] =	ssyncset.done $0x0  }
0x1af: {  	s10 =	rddreg [dreg:$0xe];
	[sflag:s23] =	ssyncadd.s32 $0xFFFFC000  }
0x1b0: {  	[tilespmem:s12], [sflag:$0x1] =	stream.indirect.gather [hbm4b:s4+s19], $0x80, s10, s19, $0xb8;
	[tilespmem:$0x1C900] =	vst v63  }
0x1b1: {  	_ =	swait.ge [sflag:s20], $0x4000  }
0x1b2: {  	[sflag:s20] =	ssyncset.done $0x0  }
0x1b3: {  	s11 =	rddreg [dreg:$0xf];
	[sflag:s20] =	ssyncadd.s32 $0xFFFFC000  }
0x1b4: {  	[spmem:s2] =	stream.indirect.scatter.add.f32 [tilespmem:s12], [sflag:$0x3], $0x80, s11, s19, $0xb8;
	[tilespmem:$0x1C900] =	vst v63  }
0x1b5: {  	_ =	swait.ge [sflag:s24], $0x4000  }
0x1b6: {  	[sflag:s24] =	ssyncset.done $0x0  }
0x1b7: {  	s8 =	rddreg [dreg:$0x10];
	[sflag:s24] =	ssyncadd.s32 $0xFFFFC000  }
0x1b8: {  	[tilespmem:s21], [sflag:$0x2] =	stream.indirect.gather [hbm4b:s4+s19], $0x80, s8, s19, $0xb8;
	[tilespmem:$0x1C900] =	vst v63  }
0x1b9: {  	_ =	swait.ge [sflag:s22], $0x4000  }
0x1ba: {  	[sflag:s22] =	ssyncset.done $0x0  }
0x1bb: {  	s9 =	rddreg [dreg:$0x11];
	[sflag:s22] =	ssyncadd.s32 $0xFFFFC000  }
0x1bc: {  	[spmem:s2] =	stream.indirect.scatter.add.f32 [tilespmem:s21], [sflag:$0x4], $0x80, s9, s19, $0xb8;
	[tilespmem:$0x1C900] =	vst v63  }
0x1bd: {  	_ =	swait.ge [sflag:s25], $0x400  }
0x1be: {  	[sflag:s25] =	ssyncset.done $0x0  }
0x1bf: {  	[sflag:s25] =	ssyncadd.s32 $0xFFFFFC00  }
0x1c0: {  	_ =	swait.ge [sflag:s26], $0x400  }
0x1c1: {  	[sflag:s26] =	ssyncset.done $0x0  }
0x1c2: {  	[sflag:s26] =	ssyncadd.s32 $0xFFFFFC00  }
0x1c3: {  	_ =	swait.ge [sflag:s23], $0x4000  }
0x1c4: {  	[sflag:s23] =	ssyncset.done $0x0  }
0x1c5: {  	[sflag:s23] =	ssyncadd.s32 $0xFFFFC000  }
0x1c6: {  	[tilespmem:s12], [sflag:$0x1] =	stream.indirect.gather [hbm4b:s4+s19], $0x80, s15, s19, $0xb8;
	[tilespmem:$0x1C900] =	vst v63  }
0x1c7: {  	_ =	swait.ge [sflag:s20], $0x4000  }
0x1c8: {  	[sflag:s20] =	ssyncset.done $0x0  }
0x1c9: {  	[sflag:s20] =	ssyncadd.s32 $0xFFFFC000  }
0x1ca: {  	[spmem:s2] =	stream.indirect.scatter.add.f32 [tilespmem:s12], [sflag:$0x3], $0x80, s16, s19, $0xb8;
	[tilespmem:$0x1C900] =	vst v63  }
0x1cb: {  	_ =	swait.ge [sflag:s24], $0x4000  }
0x1cc: {  	[sflag:s24] =	ssyncset.done $0x0  }
0x1cd: {  	s10 =	rddreg [dreg:$0x12];
	[sflag:s24] =	ssyncadd.s32 $0xFFFFC000  }
0x1ce: {  	[tilespmem:s21], [sflag:$0x2] =	stream.indirect.gather [hbm4b:s4+s19], $0x80, s10, s19, $0xb8;
	[tilespmem:$0x1C900] =	vst v63  }
0x1cf: {  	_ =	swait.ge [sflag:s22], $0x4000  }
0x1d0: {  	[sflag:s22] =	ssyncset.done $0x0  }
0x1d1: {  	s11 =	rddreg [dreg:$0x13];
	[sflag:s22] =	ssyncadd.s32 $0xFFFFC000  }
0x1d2: {  	[spmem:s2] =	stream.indirect.scatter.add.f32 [tilespmem:s21], [sflag:$0x4], $0x80, s11, s19, $0xb8;
	[tilespmem:$0x1C900] =	vst v63  }
0x1d3: {  	_ =	swait.ge [sflag:s23], $0x4000  }
0x1d4: {  	[sflag:s23] =	ssyncset.done $0x0  }
0x1d5: {  	s8 =	rddreg [dreg:$0x14];
	[sflag:s23] =	ssyncadd.s32 $0xFFFFC000  }
0x1d6: {  	[tilespmem:s12], [sflag:$0x1] =	stream.indirect.gather [hbm4b:s4+s19], $0x80, s8, s19, $0xb8;
	[tilespmem:$0x1C900] =	vst v63  }
0x1d7: {  	_ =	swait.ge [sflag:s20], $0x4000  }
0x1d8: {  	[sflag:s20] =	ssyncset.done $0x0  }
0x1d9: {  	s9 =	rddreg [dreg:$0x15];
	[sflag:s20] =	ssyncadd.s32 $0xFFFFC000  }
0x1da: {  	[spmem:s2] =	stream.indirect.scatter.add.f32 [tilespmem:s12], [sflag:$0x3], $0x80, s9, s19, $0xb8;
	[tilespmem:$0x1C900] =	vst v63  }
0x1db: {  	_ =	swait.ge [sflag:s24], $0x4000  }
0x1dc: {  	[sflag:s24] =	ssyncset.done $0x0  }
0x1dd: {  	s10 =	rddreg [dreg:$0x16];
	[sflag:s24] =	ssyncadd.s32 $0xFFFFC000  }
0x1de: {  	[tilespmem:s21], [sflag:$0x2] =	stream.indirect.gather [hbm4b:s4+s19], $0x80, s10, s19, $0xb8;
	[tilespmem:$0x1C900] =	vst v63  }
0x1df: {  	_ =	swait.ge [sflag:s22], $0x4000  }
0x1e0: {  	[sflag:s22] =	ssyncset.done $0x0  }
0x1e1: {  	s11 =	rddreg [dreg:$0x17];
	[sflag:s22] =	ssyncadd.s32 $0xFFFFC000  }
0x1e2: {  	[spmem:s2] =	stream.indirect.scatter.add.f32 [tilespmem:s21], [sflag:$0x4], $0x80, s11, s19, $0xb8;
	[tilespmem:$0x1C900] =	vst v63  }
0x1e3: {  	_ =	swait.ge [sflag:s23], $0x4000  }
0x1e4: {  	[sflag:s23] =	ssyncset.done $0x0  }
0x1e5: {  	[sflag:s23] =	ssyncadd.s32 $0xFFFFC000  }
0x1e6: {  	[tilespmem:s12], [sflag:$0x1] =	stream.indirect.gather [hbm4b:s4+s19], $0x80, s28, s19, $0xb8;
	[tilespmem:$0x1C900] =	vst v63  }
0x1e7: {  	_ =	swait.ge [sflag:s20], $0x4000  }
0x1e8: {  	[sflag:s20] =	ssyncset.done $0x0  }
0x1e9: {  	[sflag:s20] =	ssyncadd.s32 $0xFFFFC000  }
0x1ea: {  	[spmem:s2] =	stream.indirect.scatter.add.f32 [tilespmem:s12], [sflag:$0x3], $0x80, s29, s19, $0xb8;
	[tilespmem:$0x1C900] =	vst v63  }
0x1eb: {  	_ =	swait.ge [sflag:s24], $0x4000  }
0x1ec: {  	[sflag:s24] =	ssyncset.done $0x0  }
0x1ed: {  	[sflag:s24] =	ssyncadd.s32 $0xFFFFC000  }
0x1ee: {  	[tilespmem:s21], [sflag:$0x2] =	stream.indirect.gather [hbm4b:s4+s19], $0x80, s30, s19, $0xb8;
	[tilespmem:$0x1C900] =	vst v63  }
0x1ef: {  	_ =	swait.ge [sflag:s22], $0x4000  }
0x1f0: {  	[sflag:s22] =	ssyncset.done $0x0  }
0x1f1: {  	[sflag:s22] =	ssyncadd.s32 $0xFFFFC000  }
0x1f2: {  	[spmem:s2] =	stream.indirect.scatter.add.f32 [tilespmem:s21], [sflag:$0x4], $0x80, s31, s19, $0xb8;
	[tilespmem:$0x1C900] =	vst v63  }
0x1f3: {  	_ =	swait.ge [sflag:s23], $0x4000  }
0x1f4: {  	[sflag:s23] =	ssyncset.done $0x0  }
0x1f5: {  	[sflag:s23] =	ssyncadd.s32 $0xFFFFC000  }
0x1f6: {  	[tilespmem:s12], [sflag:$0x1] =	stream.indirect.gather [hbm4b:s4+s19], $0x80, s0, s19, $0xb8;
	[tilespmem:$0x1C900] =	vst v63  }
0x1f7: {  	_ =	swait.ge [sflag:s20], $0x4000  }
0x1f8: {  	[sflag:s20] =	ssyncset.done $0x0  }
0x1f9: {  	[sflag:s20] =	ssyncadd.s32 $0xFFFFC000  }
0x1fa: {  	[spmem:s2] =	stream.indirect.scatter.add.f32 [tilespmem:s12], [sflag:$0x3], $0x80, s1, s19, $0xb8;
	[tilespmem:$0x1C900] =	vst v63  }
0x1fb: {  	_ =	swait.ge [sflag:s24], $0x4000  }
0x1fc: {  	[sflag:s24] =	ssyncset.done $0x0  }
0x1fd: {  	[sflag:s24] =	ssyncadd.s32 $0xFFFFC000  }
0x1fe: {  	[tilespmem:s21], [sflag:$0x2] =	stream.indirect.gather [hbm4b:s4+s19], $0x80, s6, s19, $0xb8;
	[tilespmem:$0x1C900] =	vst v63  }
0x1ff: {  	_ =	swait.ge [sflag:s22], $0x4000  }
0x200: {  	[sflag:s22] =	ssyncset.done $0x0  }
0x201: {  	[sflag:s22] =	ssyncadd.s32 $0xFFFFC000  }
0x202: {  	[spmem:s2] =	stream.indirect.scatter.add.f32 [tilespmem:s21], [sflag:$0x4], $0x80, s7, s19, $0xb8;
	[tilespmem:$0x1C900] =	vst v63  }
0x203: {  	_ =	swait.ge [sflag:s23], $0x4000  }
0x204: {  	[sflag:s23] =	ssyncset.done $0x0  }
0x205: {  	[sflag:s23] =	ssyncadd.s32 $0xFFFFC000  }
0x206: {  	_ =	swait.ge [sflag:s24], $0x4000  }
0x207: {  	[sflag:s24] =	ssyncset.done $0x0  }
0x208: {  	[sflag:s24] =	ssyncadd.s32 $0xFFFFC000  }
0x209: {  	s8 =	stileid.u32;
	[bflag:$0x0] =	sbarrier.arrive $0xFFFF  }
0x20a: {  	s5 =	sshll.u32 s8, $0x6;
	s11 =	rddreg [dreg:$0x18]  }
0x20b: {  	s5 =	sor.u32 $0x1C09, s5;
	s10 =	rddreg [dreg:$0x1d];
	s9 =	sshrl.u32 s11, $0x3  }
0x20c: {  	[hbm:s10], [sflag:s5] =	dma.local [spmem:s9], $0x2720  }
0x20d: {  	_ =	swait.ge [sflag:s13], $0x2720  }
0x20e: {  	s9 =	rddreg [dreg:$0x1f]  }
0x20f: {  	s10 =	rddreg [dreg:$0x1e];
	s8 =	sadd.s32 $0x1, s9  }
0x210: {  	p0 =	sne.s32 s8, s10  }
.Ltmp2:
0x211: {  	_ = 	snop;
	(pc) =	sbr.rel @p0 .LBB2_1-.Ltmp2, $3  }
0x212: {  	_ =	sdelay $0x1  }
0x213: {  	[sflag:s13] =	ssyncset.done $0x0  }
0x214: {  	[sflag:s13] =	ssyncadd.s32 $0xFFFFD8E0  }
0x215: {  	_ =	sfence.sel $0x180000  }
0x216: {  	[bflag:$0x0] =	sbarrier.arrive $0xFFFF  }
0x217: {  	_ =	strace $0x9000004A  }
0x218: {  	s0 =	stileid.u32;
	[bflag:$0x2] =	sbarrier.arrive $0xFFFF  }
0x219: {  	p0 =	sne.s32 s0, $0x0;
	s0 =	rddreg [dreg:$0x2]  }
0x21a: {  	s0 =	sadd.s32 @!p0 $0x100000, s0  }
0x21b: {  	[sflag:s0] =	ssyncadd.tile.s32 @!p0 $0x1;
	_ =	shalt  }
.Lfunc_end2:
_tile_overlayer_lowered:
.L_overlay_start_2:
0x21c: {  	(tag) =	ssettag $0x2  }
0x21d: {  	s0 =	rddreg [dreg:$0x0];
	s2 =	stileid.u32  }
0x21e: {  	s1 =	rddreg [dreg:$0x1];
	p0 =	sne.s32 s2, $0x0  }
0x21f: {  	s3 =	rddreg [dreg:$0x2];
	[bflag:$0x3] =	sbarrier.arrive $0xFFFF;
	s2 =	simm.s32 @!p0 $0x1C09  }
0x220: {  	[timem:s3], [sflag:s2] =	dma.local @!p0 [hbm:s0], s1  }
0x221: {  	s0 =	simm.s32 @!p0 $0x9  }
0x222: {  	_ =	swait.ge @!p0 [sflag:s0], s1  }
0x223: {  	s1 =	ssub.s32 @!p0 $0x0, s1;
	[sflag:s0] =	ssyncset.done @!p0 $0x0  }
0x224: {  	[sflag:s0] =	ssyncadd.s32 @!p0 s1  }
0x225: {  	[bflag:$0x3] =	sbarrier.arrive $0xFFFF  }
0x226: {  	_ =	shalt  }

// kernel: kernel.15.cloned.1.call-start
scs
__scs_entry_jumppad:
0x0: {  	(pc) =	sbr.rel $0x88, $3  }
0x1: {  	(tag) =	ssettag $0x0;
	lr =	simm.s32 $0x1  }
0x2: {  	[smem:$0x3F9B] =	sst lr;
	_ =	strace $0xD0000000  }
0x3: {  	_ = 	snop  }
0x4: {  	_ = 	snop  }
0x5: {  	_ = 	snop  }
0x6: {  	_ = 	snop  }
0x7: {  	_ = 	snop  }
__scs_overlays_trampoline_lowered:
0x8: {  	[smem:$0x3FAA] =	sst s0  }
0x9: {  	[smem:$0x3FAB] =	sst s1  }
0xa: {  	[smem:$0x3FAC] =	sst s2  }
0xb: {  	[smem:$0x3FAD] =	sst s3  }
0xc: {  	[smem:$0x3FAE] =	sst s4  }
0xd: {  	[smem:$0x3FAF] =	sst s5  }
0xe: {  	[smem:$0x3FB0] =	sst s6  }
0xf: {  	[smem:$0x3FB1] =	sst s7  }
0x10: {  	[smem:$0x3FB2] =	sst s8  }
0x11: {  	[smem:$0x3FB3] =	sst s9;
	s0 =	simm.s32 @!p0 $0x0  }
0x12: {  	s1 =	sld [smem:$0x3F99];
	s0 =	simm.s32 @p0 $0x1  }
0x13: {  	[smem:$0x3FB4] =	sst s0;
	s0 =	simm.s32 @!p1 $0x0  }
0x14: {  	s2 =	sld [smem:$0x3F98];
	s0 =	simm.s32 @p1 $0x1  }
0x15: {  	[smem:$0x3FB5] =	sst s0;
	s0 =	simm.s32 @!p2 $0x0  }
0x16: {  	s3 =	sld [smem:$0x3FDB];
	s0 =	simm.s32 @p2 $0x1  }
0x17: {  	s4 =	simm.s32 $0x1BF5;
	[smem:$0x3FB7] =	sst s0  }
0x18: {  	s0 =	sld [smem:$0x3F9A];
	_ =	swait.ge [sflag:s4], $0x0  }
0x19: {  	s7 =	sld [smem:$0x3F9B]  }
0x1a: {  	s8 =	sadd.s32 $0xFFFFE003, lr  }
0x1b: {  	s9 =	sadd.s32 $0xFFFFFEF7, lr;
	s5 =	simm.s32 $0xFFFFFFFF;
	p2 =	slt.u32 s8, $0xFFFFF086  }
0x1c: {  	p1 =	slt.u32 s9, $0xF7A;
	s5 =	simm.s32 @!p2 $0x0  }
0x1d: {  	s5 =	simm.s32 @p1 $0x1;
	p0 =	seq.s32 s7, s2  }
0x1e: {  	s7 =	smul.u32 @!p0 $0xF7A, s2;
	p2 =	seq.s32 @!p0 s5, $0x0  }
0x1f: {  	s9 =	smul.u32 $0xF7A, s1;
	s8 =	simm.s32 @!p0 $0x1BF5;
	p2 =	por !p2, p0  }
0x20: {  	[sflag:s8] =	ssyncset.s32 @!p0 $0xFFFFF086;
	s6 =	sadd.s32 @!p0 s3, s7;
	s7 =	simm.s32 @!p0 $0x108  }
0x21: {  	s3 =	sadd.s32 s3, s9;
	s6 =	sadd.s32 @!p0 $0x88, s6;
	s7 =	simm.s32 @p2 $0x1082  }
0x22: {  	[simem:s7], [sflag:s8] =	dma.local @!p0 [hbm:s6], $0xF7A  }
0x23: {  	s9 =	sor.u32 $0xD0000000, s2;
	s6 =	simm.s32 $0x108;
	_ =	swait.ge @!p0 [sflag:s8], $0x0  }
0x24: {  	s3 =	sadd.s32 $0x88, s3;
	s6 =	simm.s32 @!p1 $0x1082;
	[sflag:s4] =	ssyncset.s32 $0xFFFFF086  }
0x25: {  	[simem:s6], [sflag:s4] =	dma.local [hbm:s3], $0xF7A  }
0x26: {  	[smem:$0x3F9B] =	sst s1;
	(tag) =	ssettag s2;
	_ =	strace s9  }
0x27: {  	s1 =	sld [smem:$0x3FAB]  }
0x28: {  	s2 =	sld [smem:$0x3FAC]  }
0x29: {  	s4 =	sld [smem:$0x3FAE]  }
0x2a: {  	p0 =	seq.s32 s5, $0x0;
	s5 =	sld [smem:$0x3FAF]  }
0x2b: {  	s6 =	sld [smem:$0x3FB0]  }
0x2c: {  	s7 =	sld [smem:$0x3FB1]  }
0x2d: {  	s3 =	simm.s32 $0x108;
	s8 =	sld [smem:$0x3FB2]  }
0x2e: {  	s3 =	simm.s32 @!p0 $0x1082;
	s9 =	sld [smem:$0x3FB3]  }
0x2f: {  	lr =	sadd.s32 s0, s3;
	s0 =	sld [smem:$0x3FAA]  }
0x30: {  	s3 =	sld [smem:$0x3FAD]  }
0x31: {  	[smem:$0x3FB6] =	sst s10  }
0x32: {  	s10 =	sld [smem:$0x3FB4];
	_ =	sdelay $0x3  }
0x33: {  	p0 =	seq.s32 s10, $0x1;
	s10 =	sld [smem:$0x3FB6];
	_ =	sdelay $0x3  }
0x34: {  	[smem:$0x3FB6] =	sst s10  }
0x35: {  	s10 =	sld [smem:$0x3FB5];
	_ =	sdelay $0x3  }
0x36: {  	p1 =	seq.s32 s10, $0x1;
	s10 =	sld [smem:$0x3FB6];
	_ =	sdelay $0x3  }
0x37: {  	[smem:$0x3FB6] =	sst s10  }
0x38: {  	s10 =	sld [smem:$0x3FB7]  }
0x39: {  	_ = 	snop;
	(pc) =	sbr.ind lr, $3  }
0x3a: {  	_ = 	snop  }
0x3b: {  	_ = 	snop  }
0x3c: {  	p2 =	seq.s32 s10, $0x1;
	s10 =	sld [smem:$0x3FB6]  }
0x3d: {  	_ =	shalt  }
0x3e: {  	_ =	shalt  }
0x3f: {  	_ =	shalt  }
0x40: {  	_ =	shalt  }
0x41: {  	_ =	shalt  }
0x42: {  	_ =	shalt  }
0x43: {  	_ =	shalt  }
0x44: {  	_ =	shalt  }
0x45: {  	_ =	shalt  }
0x46: {  	_ =	shalt  }
0x47: {  	_ =	shalt  }
0x48: {  	_ =	shalt  }
0x49: {  	_ =	shalt  }
0x4a: {  	_ =	shalt  }
0x4b: {  	_ =	shalt  }
0x4c: {  	_ =	shalt  }
0x4d: {  	_ =	shalt  }
0x4e: {  	_ =	shalt  }
0x4f: {  	_ =	shalt  }
0x50: {  	_ =	shalt  }
0x51: {  	_ =	shalt  }
0x52: {  	_ =	shalt  }
0x53: {  	_ =	shalt  }
0x54: {  	_ =	shalt  }
0x55: {  	_ =	shalt  }
0x56: {  	_ =	shalt  }
0x57: {  	_ =	shalt  }
0x58: {  	_ =	shalt  }
0x59: {  	_ =	shalt  }
0x5a: {  	_ =	shalt  }
0x5b: {  	_ =	shalt  }
0x5c: {  	_ =	shalt  }
0x5d: {  	_ =	shalt  }
0x5e: {  	_ =	shalt  }
0x5f: {  	_ =	shalt  }
0x60: {  	_ =	shalt  }
0x61: {  	_ =	shalt  }
0x62: {  	_ =	shalt  }
0x63: {  	_ =	shalt  }
0x64: {  	_ =	shalt  }
0x65: {  	_ =	shalt  }
0x66: {  	_ =	shalt  }
0x67: {  	_ =	shalt  }
0x68: {  	_ =	shalt  }
0x69: {  	_ =	shalt  }
0x6a: {  	_ =	shalt  }
0x6b: {  	_ =	shalt  }
0x6c: {  	_ =	shalt  }
0x6d: {  	_ =	shalt  }
0x6e: {  	_ =	shalt  }
0x6f: {  	_ =	shalt  }
0x70: {  	_ =	shalt  }
0x71: {  	_ =	shalt  }
0x72: {  	_ =	shalt  }
0x73: {  	_ =	shalt  }
0x74: {  	_ =	shalt  }
0x75: {  	_ =	shalt  }
0x76: {  	_ =	shalt  }
0x77: {  	_ =	shalt  }
0x78: {  	_ =	shalt  }
0x79: {  	_ =	shalt  }
0x7a: {  	_ =	shalt  }
0x7b: {  	_ =	shalt  }
0x7c: {  	_ =	shalt  }
0x7d: {  	_ =	shalt  }
0x7e: {  	_ =	shalt  }
0x7f: {  	_ =	shalt  }
0x80: {  	_ =	shalt  }
0x81: {  	_ =	shalt  }
0x82: {  	_ =	shalt  }
0x83: {  	_ =	shalt  }
0x84: {  	_ =	shalt  }
0x85: {  	_ =	shalt  }
0x86: {  	_ =	shalt  }
0x87: {  	_ =	shalt  }
.Lfunc_end0:
.L_simem_size_0:
called_computation.2_lowered:
.L_overlay_start_0:
0x88: {  	s2 =	sld [smem:$0x3FD9]  }
0x89: {  	s3 =	sld [smem:$0x3FFE];
	_ =	sdelay $0x1  }
0x8a: {  	s1 =	srdreg.scid  }
0x8b: {  	s0 =	sand.u32 $0x1, s1  }
0x8c: {  	s17 =	sshll.u32 s0, $0xA;
	s2 =	sadd.s32 s3, s2  }
0x8d: {  	s2 =	sadd.s32 s2, s17  }
0x8e: {  	[smem:$0x3FC2] =	sst s2  }
0x8f: {  	_ = 	snop  }
0x90: {  	s2 =	sld [smem:$0x3FD0];
	(tm) =	ssettm $0x1  }
0x91: {  	s18 =	sld [smem:$0x3FFB];
	_ =	sdelay $0x3  }
0x92: {  	_ =	strace s18  }
0x93: {  	s3 =	sld [smem:$0x3FFC];
	_ =	sdelay $0x3  }
0x94: {  	_ =	strace s3  }
0x95: {  	s3 =	sld [smem:$0x3FFD];
	_ =	sdelay $0x3  }
0x96: {  	_ =	strace s3  }
0x97: {  	_ =	strace $0x8FFFFFFF  }
0x98: {  	s19 =	sld [smem:$0x3FDB];
	_ =	sdelay $0x1  }
0x99: {  	s4 =	simm.s32 $_scs_section_size  }
0x9a: {  	s5 =	simm.s32 $_size__tile_overlayer_lowered;
	s6 =	simm.s32 $_tile_overlayer_lowered  }
0x9b: {  	s22 =	simm.s32 $0x1BFF;
	s21 =	sshll.u32 s6, $0x1;
	s3 =	sadd.s32 s4, s19  }
0x9c: {  	s7 =	simm.s32 $0x0;
	s20 =	sshll.u32 s5, $0x1;
	s5 =	sadd.s32 s21, s3  }
0x9d: {  	[timem:s7], [sflag:s22] =	dma.local [hbm:s5], s20  }
0x9e: {  	_ =	swait.ge [sflag:s22], s20  }
0x9f: {  	s4 =	ssub.s32 $0x0, s20;
	[sflag:s22] =	ssyncset.done $0x0  }
0xa0: {  	[sflag:s22] =	ssyncadd.s32 s4;
	_ =	sdelay $0x1  }
0xa1: {  	s23 =	simm.s32 $0x1B8B  }
0xa2: {  	_ =	swait.ge [sflag:s23], $0x1  }
0xa3: {  	[sflag:s23] =	ssyncset.done $0x0  }
0xa4: {  	s25 =	simm.s32 $0x1B8E;
	s24 =	sld [smem:$0x3FFE];
	[sflag:s23] =	ssyncadd.s32 $0xFFFFFFFF  }
0xa5: {  	s26 =	simm.s32 $execute0_lowered;
	[smem:$0x3FD2] =	sst s25  }
0xa6: {  	s5 =	sshll.u32 s26, $0x1;
	_ =	strace $0x8000004C;
	[dreg:$0x1] =	wrdreg $0xFFFFFFFF  }
0xa7: {  	s28 =	simm.s32 $_size_execute0_lowered;
	s3 =	sadd.s32 s3, s5;
	[dreg:$0x0] =	wrdreg $0x0  }
0xa8: {  	s5 =	sshll.u32 s28, $0x1;
	[dreg:$0x2] =	wrdreg s3  }
0xa9: {  	[dreg:$0x3] =	wrdreg s5  }
0xaa: {  	[dreg:$0x4] =	wrdreg $0xC0  }
0xab: {  	_ =	task [dreg:s7], $0x5FFFF  }
0xac: {  	[dreg:$0x1] =	wrdreg $0xFFFFFFFF  }
0xad: {  	[dreg:$0x0] =	wrdreg $0x60  }
0xae: {  	[dreg:$0x2] =	wrdreg s2  }
0xaf: {  	[dreg:$0x3] =	wrdreg s24  }
0xb0: {  	[dreg:$0x4] =	wrdreg $0x90000  }
0xb1: {  	[dreg:$0x5] =	wrdreg $0x9  }
0xb2: {  	_ =	task.clear_ibuf [dreg:s7], $0x6FFFF;
	_ =	strace $0x9000004C  }
0xb3: {  	s29 =	simm.s32 $0x9;
	_ =	strace $0x8000004E  }
0xb4: {  	_ =	swait.ge [sflag:s29], $0x1  }
0xb5: {  	[sflag:s29] =	ssyncadd.s32 $0xFFFFFFFF  }
0xb6: {  	_ =	strace $0x9000004E  }
0xb7: {  	_ =	sfence  }
0xb8: {  	s30 =	sld [smem:$0x0];
	_ =	sdelay $0x2  }
0xb9: {  	s31 =	sshll.u32 s1, $0xD;
	s1 =	sshrl.u32 s1, $0x2  }
0xba: {  	s3 =	sand.u32 $0x4000, s31;
	s1 =	sadd.s32 s1, s30  }
0xbb: {  	s0 =	sor.u32 s3, s0;
	s1 =	sshll.u32 s1, $0x11  }
0xbc: {  	s0 =	sor.u32 s1, s0  }
0xbd: {  	s0 =	sadd.s32 $0x8F2B, s0  }
0xbe: {  	[sflag:s0] =	ssyncadd.remote.s32 $0x1  }
0xbf: {  	_ =	sfence.sel $0xFFFF  }
0xc0: {  	[dreg:$0x0] =	wrdreg $0xFFFFFFFF;
	(pc) =	sbr.abs _section_cstart, $3  }
0xc1: {  	[dreg:$0x1] =	wrdreg $0xFFFFFFFF  }
0xc2: {  	_ =	task.clear_ibuf [dreg:s7], $0x2FFFF;
	_ =	strace $0x9FFFFFFF  }
0xc3: {  	(tm) =	ssettm $0x7FFFFFFF  }
tec
execute0_lowered:
.L_overlay_start_1:
0x0: {  	(tag) =	ssettag $0x1  }
0x1: {  	s1 =	rddreg [dreg:$0x0]  }
0x2: {  	s9 =	stileid.u32;
	s5 =	rddreg [dreg:$0x1]  }
0x3: {  	s2 =	srdreg.scid;
	s3 =	rddreg [dreg:$0x2]  }
0x4: {  	s4 =	simm.s32 $0x0;
	s13 =	simm.s32 $0x100;
	s14 =	simm.s32 $0x880  }
0x5: {  	s16 =	simm.s32 $0x180;
	s18 =	simm.s32 $0x900;
	[smem:$0x7FF] =	sst s4  }
0x6: {  	s20 =	simm.s32 $0x200;
	_ =	strace $0x8000004D;
	[dreg:$0x6] =	wrdreg s13  }
0x7: {  	s21 =	simm.s32 $0x980;
	s23 =	simm.s32 $0x280;
	[dreg:$0x7] =	wrdreg s14  }
0x8: {  	s25 =	simm.s32 $0xA00;
	s10 =	simm.s32 $0xA80;
	[dreg:$0x8] =	wrdreg s16  }
0x9: {  	s28 =	simm.s32 $0x4;
	s0 =	smul.u32 $0xA00, s9;
	[dreg:$0x9] =	wrdreg s18  }
0xa: {  	s29 =	simm.s32 $0x6;
	s6 =	smul.u32 $0x9C80, s9;
	[dreg:$0xa] =	wrdreg s20  }
0xb: {  	s2 =	sand.u32 $0x1, s2;
	s15 =	smul.u32 $0x27200, s9;
	[dreg:$0xb] =	wrdreg s21  }
0xc: {  	s30 =	simm.s32 $0x7;
	s7 =	smul.u32 $0x9C800, s2;
	[dreg:$0xc] =	wrdreg s23  }
0xd: {  	s31 =	simm.s32 $0x8;
	s8 =	smul.u32 $0x500, s2;
	[dreg:$0xd] =	wrdreg s25  }
0xe: {  	s2 =	ssub.s32 $0x2, s2;
	[dreg:$0xf] =	wrdreg s10;
	s13 =	simm.s32 $0xB00  }
0xf: {  	s14 =	simm.s32 $0xB80;
	s16 =	simm.s32 $0x500;
	s18 =	simm.s32 $0x580  }
0x10: {  	s20 =	simm.s32 $0x600;
	s21 =	simm.s32 $0xD80;
	[dreg:$0x11] =	wrdreg s13  }
0x11: {  	s23 =	simm.s32 $0xE00;
	s25 =	simm.s32 $0xE80;
	[dreg:$0x12] =	wrdreg s14  }
0x12: {  	s0 =	sadd.s32 s0, s5;
	s12 =	sshrl.u32 s2, $0x1;
	[dreg:$0x14] =	wrdreg s16  }
0x13: {  	s17 =	sadd.s32 s6, s3;
	s19 =	sshrl.u32 s15, $0x2;
	[dreg:$0x16] =	wrdreg s18  }
0x14: {  	s13 =	simm.s32 $0xD;
	s15 =	simm.s32 $0x480;
	[dreg:$0x18] =	wrdreg s20  }
0x15: {  	s14 =	simm.s32 $0x800;
	s16 =	simm.s32 $0xC00;
	[dreg:$0x19] =	wrdreg s21  }
0x16: {  	s18 =	simm.s32 $0xA;
	s20 =	simm.s32 $0x3000;
	[dreg:$0x1b] =	wrdreg s23  }
0x17: {  	s21 =	simm.s32 $0x1;
	s23 =	simm.s32 $0x2;
	[dreg:$0x1d] =	wrdreg s25  }
0x18: {  	s25 =	simm.s32 $0x3;
	s7 =	sadd.s32 s6, s7;
	[dreg:$0x1f] =	wrdreg s17  }
0x19: {  	s0 =	sadd.s32 s8, s0;
	s8 =	simm.s32 $0x300;
	[dreg:$0x13] =	wrdreg s15  }
0x1a: {  	s2 =	ssub.s32 s2, s12;
	s12 =	simm.s32 $0x380;
	[dreg:$0xe] =	wrdreg s8  }
0x1b: {  	s6 =	sadd.s32 s19, s3;
	s17 =	simm.s32 $0xC80;
	[dreg:$0x10] =	wrdreg s12  }
0x1c: {  	s15 =	simm.s32 $0x400;
	s19 =	simm.s32 $0xD00;
	[dreg:$0x15] =	wrdreg s17  }
0x1d: {  	s7 =	sshrl.u32 s7, $0x3;
	s11 =	sadd.s32 $0x2200, s0;
	[dreg:$0x17] =	wrdreg s19  }
0x1e: {  	s0 =	sadd.s32 $0xC200, s0;
	s22 =	sadd.s32 $0x2000, s6;
	[dreg:$0x4] =	wrdreg s11  }
0x1f: {  	s24 =	sadd.s32 $0x4000, s6;
	s26 =	sadd.s32 $0x6000, s6;
	[dreg:$0x5] =	wrdreg s0  }
0x20: {  	s9 =	sadd.s32 $0x8000, s6;
	s2 =	smax.u32 s2, $0x1;
	[smem:$0x7F8] =	sst s22  }
0x21: {  	s12 =	simm.s32 $0x1000;
	s17 =	simm.s32 $0x9;
	[smem:$0x7F9] =	sst s24  }
0x22: {  	s19 =	simm.s32 $0x80;
	s6 =	simm.s32 $0xF00;
	[smem:$0x7FA] =	sst s26  }
0x23: {  	s8 =	simm.s32 $0x0;
	s7 =	sadd.s32 s7, s5;
	[smem:$0x7FB] =	sst s9  }
0x24: {  	[smem:$0x7FD] =	sst s2;
	s22 =	simm.s32 $0x680;
	s24 =	simm.s32 $0x700  }
0x25: {  	s26 =	simm.s32 $0x780;
	s2 =	simm.s32 $0xB;
	[dreg:$0x1a] =	wrdreg s22  }
0x26: {  	s0 =	simm.s32 $0xC;
	s11 =	sadd.s32 $0x16200, s7;
	[dreg:$0x1c] =	wrdreg s24  }
0x27: {  	s22 =	simm.s32 $0x5000;
	s24 =	simm.s32 $0x7000;
	[dreg:$0x1e] =	wrdreg s26  }
0x28: {  	v0 =	vimm.f32 $0.0e+00;
	s26 =	simm.s32 $0x5;
	s7 =	simm.s32 $0xF80;
	[smem:$0x7FC] =	sst s11  }
.LBB2_1:
0x29: {  	s10 =	simm.s32 $0x100;
	s9 =	simm.s32 $0x0  }
.LBB2_2:
0x2a: {  	p0 =	sne.s32 s10, $0x7F00;
	[tilespmem:s9+$0x1030] =	vst v0;
	s11 =	smov.u32 s10;
	s10 =	sadd.s32 $0x100, s10  }
.Ltmp0:
0x2b: {  	[tilespmem:s9+$0x1020] =	vst v0;
	(pc) =	sbr.rel @p0 .LBB2_2-.Ltmp0, $3  }
0x2c: {  	[tilespmem:s9+$0x1000] =	vst v0  }
0x2d: {  	[tilespmem:s9+$0x1010] =	vst v0;
	_ =	sdelay $0x1  }
0x2e: {  	s9 =	sshra.s32 s11, $0x2  }
0x2f: {  	[tilespmem:s9+$0x1030] =	vst v0  }
0x30: {  	[tilespmem:s9+$0x1020] =	vst v0  }
0x31: {  	[smem:$0x7F7] =	sst s8;
	[tilespmem:s9+$0x1000] =	vst v0  }
0x32: {  	[tilespmem:s9+$0x1010] =	vst v0;
	s5 =	rddreg [dreg:$0x1f]  }
0x33: {  	[spmem:s5] =	stream.linear.scatter [tilespmem:s12], [sflag:$0xD], $0x2000, $0x38;
	[tilespmem:$0x12C80] =	vst v63  }
0x34: {  	_ =	swait.ge [sflag:s13], $0x2000  }
0x35: {  	s8 =	sld [smem:$0x7F8]  }
0x36: {  	[sflag:s13] =	ssyncset.done $0x0  }
0x37: {  	[sflag:s13] =	ssyncadd.s32 $0xFFFFE000  }
0x38: {  	[spmem:s8] =	stream.linear.scatter [tilespmem:s12], [sflag:$0xD], $0x2000, $0x38;
	[tilespmem:$0x12C80] =	vst v63  }
0x39: {  	_ =	swait.ge [sflag:s13], $0x2000  }
0x3a: {  	s9 =	sld [smem:$0x7F9]  }
0x3b: {  	[sflag:s13] =	ssyncset.done $0x0  }
0x3c: {  	[sflag:s13] =	ssyncadd.s32 $0xFFFFE000  }
0x3d: {  	[spmem:s9] =	stream.linear.scatter [tilespmem:s12], [sflag:$0xD], $0x2000, $0x38;
	[tilespmem:$0x12C80] =	vst v63  }
0x3e: {  	_ =	swait.ge [sflag:s13], $0x2000  }
0x3f: {  	s10 =	sld [smem:$0x7FA]  }
0x40: {  	[sflag:s13] =	ssyncset.done $0x0  }
0x41: {  	[sflag:s13] =	ssyncadd.s32 $0xFFFFE000  }
0x42: {  	[spmem:s10] =	stream.linear.scatter [tilespmem:s12], [sflag:$0xD], $0x2000, $0x38;
	[tilespmem:$0x12C80] =	vst v63  }
0x43: {  	_ =	swait.ge [sflag:s13], $0x2000  }
0x44: {  	s11 =	sld [smem:$0x7FB]  }
0x45: {  	[sflag:s13] =	ssyncset.done $0x0  }
0x46: {  	[sflag:s13] =	ssyncadd.s32 $0xFFFFE000  }
0x47: {  	[spmem:s11] =	stream.linear.scatter [tilespmem:s12], [sflag:$0xD], $0x1C80, $0x38;
	[tilespmem:$0x12C80] =	vst v63  }
0x48: {  	_ =	swait.ge [sflag:s13], $0x1C80  }
0x49: {  	[sflag:s13] =	ssyncset.done $0x0  }
0x4a: {  	[sflag:s13] =	ssyncadd.s32 $0xFFFFE380  }
0x4b: {  	[bflag:$0x0] =	sbarrier.arrive $0xFFFF  }
0x4c: {  	s8 =	rddreg [dreg:$0x5]  }
0x4d: {  	s10 =	rddreg [dreg:$0x4];
	s9 =	sadd.s32 $0x0, s8  }
0x4e: {  	[tilespmem:s4], [sflag:$0x9] =	stream.linear.gather [hbm4b:s9+s4], $0x400, $0x38;
	[tilespmem:$0x12C80] =	vst v63  }
0x4f: {  	s10 =	sadd.s32 $0x0, s10  }
0x50: {  	[tilespmem:s14], [sflag:$0xA] =	stream.linear.gather [hbm4b:s10+s4], $0x400, $0x38;
	[tilespmem:$0x12C80] =	vst v63  }
0x51: {  	s9 =	sadd.s32 $0x80, s9  }
0x52: {  	[tilespmem:s15], [sflag:$0xB] =	stream.linear.gather [hbm4b:s9+s4], $0x400, $0x38;
	[tilespmem:$0x12C80] =	vst v63  }
0x53: {  	s10 =	sadd.s32 $0x80, s10  }
0x54: {  	[tilespmem:s16], [sflag:$0xC] =	stream.linear.gather [hbm4b:s10+s4], $0x400, $0x38;
	[tilespmem:$0x12C80] =	vst v63  }
0x55: {  	_ =	swait.ge [sflag:s17], $0x400  }
0x56: {  	[sflag:s17] =	ssyncset.done $0x0  }
0x57: {  	[sflag:s17] =	ssyncadd.s32 $0xFFFFFC00  }
0x58: {  	_ =	swait.ge [sflag:s18], $0x400  }
0x59: {  	[sflag:s18] =	ssyncset.done $0x0  }
0x5a: {  	[sflag:s18] =	ssyncadd.s32 $0xFFFFFC00  }
0x5b: {  	[tilespmem:s12], [sflag:$0x1] =	stream.indirect.gather [hbm4b:s1+s19], $0x40, s4, s19, $0xb8;
	[tilespmem:$0x12C80] =	vst v63  }
0x5c: {  	_ = 	snop  }
0x5d: {  	[tilespmem:s20], [sflag:$0x2] =	stream.indirect.gather [hbm4b:s1+s19], $0x40, s19, s19, $0xb8;
	[tilespmem:$0x12C80] =	vst v63  }
0x5e: {  	_ =	swait.ge [sflag:s21], $0x2000  }
0x5f: {  	[sflag:s21] =	ssyncset.done $0x0  }
0x60: {  	[sflag:s21] =	ssyncadd.s32 $0xFFFFE000  }
0x61: {  	[spmem:s3] =	stream.indirect.scatter.add.f32 [tilespmem:s12], [sflag:$0x5], $0x40, s14, s19, $0xb8;
	[tilespmem:$0x12C80] =	vst v63  }
0x62: {  	s11 =	rddreg [dreg:$0x6]  }
0x63: {  	[tilespmem:s22], [sflag:$0x3] =	stream.indirect.gather [hbm4b:s1+s19], $0x40, s11, s19, $0xb8;
	[tilespmem:$0x12C80] =	vst v63  }
0x64: {  	_ =	swait.ge [sflag:s23], $0x2000  }
0x65: {  	[sflag:s23] =	ssyncset.done $0x0  }
0x66: {  	s5 =	rddreg [dreg:$0x7];
	[sflag:s23] =	ssyncadd.s32 $0xFFFFE000  }
0x67: {  	[spmem:s3] =	stream.indirect.scatter.add.f32 [tilespmem:s20], [sflag:$0x6], $0x40, s5, s19, $0xb8;
	[tilespmem:$0x12C80] =	vst v63  }
0x68: {  	s8 =	rddreg [dreg:$0x8]  }
0x69: {  	[tilespmem:s24], [sflag:$0x4] =	stream.indirect.gather [hbm4b:s1+s19], $0x40, s8, s19, $0xb8;
	[tilespmem:$0x12C80] =	vst v63  }
0x6a: {  	_ =	swait.ge [sflag:s25], $0x2000  }
0x6b: {  	[sflag:s25] =	ssyncset.done $0x0  }
0x6c: {  	s10 =	rddreg [dreg:$0x9];
	[sflag:s25] =	ssyncadd.s32 $0xFFFFE000  }
0x6d: {  	[spmem:s3] =	stream.indirect.scatter.add.f32 [tilespmem:s22], [sflag:$0x7], $0x40, s10, s19, $0xb8;
	[tilespmem:$0x12C80] =	vst v63  }
0x6e: {  	_ =	swait.ge [sflag:s26], $0x2000  }
0x6f: {  	[sflag:s26] =	ssyncset.done $0x0  }
0x70: {  	s11 =	rddreg [dreg:$0xa];
	[sflag:s26] =	ssyncadd.s32 $0xFFFFE000  }
0x71: {  	[tilespmem:s12], [sflag:$0x1] =	stream.indirect.gather [hbm4b:s1+s19], $0x40, s11, s19, $0xb8;
	[tilespmem:$0x12C80] =	vst v63  }
0x72: {  	_ =	swait.ge [sflag:s28], $0x2000  }
0x73: {  	[sflag:s28] =	ssyncset.done $0x0  }
0x74: {  	s5 =	rddreg [dreg:$0xb];
	[sflag:s28] =	ssyncadd.s32 $0xFFFFE000  }
0x75: {  	[spmem:s3] =	stream.indirect.scatter.add.f32 [tilespmem:s24], [sflag:$0x8], $0x40, s5, s19, $0xb8;
	[tilespmem:$0x12C80] =	vst v63  }
0x76: {  	_ =	swait.ge [sflag:s29], $0x2000  }
0x77: {  	[sflag:s29] =	ssyncset.done $0x0  }
0x78: {  	s8 =	rddreg [dreg:$0xc];
	[sflag:s29] =	ssyncadd.s32 $0xFFFFE000  }
0x79: {  	[tilespmem:s20], [sflag:$0x2] =	stream.indirect.gather [hbm4b:s1+s19], $0x40, s8, s19, $0xb8;
	[tilespmem:$0x12C80] =	vst v63  }
0x7a: {  	_ =	swait.ge [sflag:s21], $0x2000  }
0x7b: {  	[sflag:s21] =	ssyncset.done $0x0  }
0x7c: {  	s10 =	rddreg [dreg:$0xd];
	[sflag:s21] =	ssyncadd.s32 $0xFFFFE000  }
0x7d: {  	[spmem:s3] =	stream.indirect.scatter.add.f32 [tilespmem:s12], [sflag:$0x5], $0x40, s10, s19, $0xb8;
	[tilespmem:$0x12C80] =	vst v63  }
0x7e: {  	_ =	swait.ge [sflag:s30], $0x2000  }
0x7f: {  	[sflag:s30] =	ssyncset.done $0x0  }
0x80: {  	s11 =	rddreg [dreg:$0xe];
	[sflag:s30] =	ssyncadd.s32 $0xFFFFE000  }
0x81: {  	[tilespmem:s22], [sflag:$0x3] =	stream.indirect.gather [hbm4b:s1+s19], $0x40, s11, s19, $0xb8;
	[tilespmem:$0x12C80] =	vst v63  }
0x82: {  	_ =	swait.ge [sflag:s23], $0x2000  }
0x83: {  	[sflag:s23] =	ssyncset.done $0x0  }
0x84: {  	s5 =	rddreg [dreg:$0xf];
	[sflag:s23] =	ssyncadd.s32 $0xFFFFE000  }
0x85: {  	[spmem:s3] =	stream.indirect.scatter.add.f32 [tilespmem:s20], [sflag:$0x6], $0x40, s5, s19, $0xb8;
	[tilespmem:$0x12C80] =	vst v63  }
0x86: {  	_ =	swait.ge [sflag:s31], $0x2000  }
0x87: {  	[sflag:s31] =	ssyncset.done $0x0  }
0x88: {  	s8 =	rddreg [dreg:$0x10];
	[sflag:s31] =	ssyncadd.s32 $0xFFFFE000  }
0x89: {  	[tilespmem:s24], [sflag:$0x4] =	stream.indirect.gather [hbm4b:s1+s19], $0x40, s8, s19, $0xb8;
	[tilespmem:$0x12C80] =	vst v63  }
0x8a: {  	_ =	swait.ge [sflag:s25], $0x2000  }
0x8b: {  	[sflag:s25] =	ssyncset.done $0x0  }
0x8c: {  	s10 =	rddreg [dreg:$0x11];
	[sflag:s25] =	ssyncadd.s32 $0xFFFFE000  }
0x8d: {  	[spmem:s3] =	stream.indirect.scatter.add.f32 [tilespmem:s22], [sflag:$0x7], $0x40, s10, s19, $0xb8;
	[tilespmem:$0x12C80] =	vst v63  }
0x8e: {  	_ =	swait.ge [sflag:s2], $0x400  }
0x8f: {  	[sflag:s2] =	ssyncset.done $0x0  }
0x90: {  	[sflag:s2] =	ssyncadd.s32 $0xFFFFFC00  }
0x91: {  	_ =	swait.ge [sflag:s0], $0x400  }
0x92: {  	[sflag:s0] =	ssyncset.done $0x0  }
0x93: {  	[sflag:s0] =	ssyncadd.s32 $0xFFFFFC00  }
0x94: {  	_ =	swait.ge [sflag:s26], $0x2000  }
0x95: {  	[sflag:s26] =	ssyncset.done $0x0  }
0x96: {  	[sflag:s26] =	ssyncadd.s32 $0xFFFFE000  }
0x97: {  	[tilespmem:s12], [sflag:$0x1] =	stream.indirect.gather [hbm4b:s1+s19], $0x40, s15, s19, $0xb8;
	[tilespmem:$0x12C80] =	vst v63  }
0x98: {  	_ =	swait.ge [sflag:s28], $0x2000  }
0x99: {  	[sflag:s28] =	ssyncset.done $0x0  }
0x9a: {  	s11 =	rddreg [dreg:$0x12];
	[sflag:s28] =	ssyncadd.s32 $0xFFFFE000  }
0x9b: {  	[spmem:s3] =	stream.indirect.scatter.add.f32 [tilespmem:s24], [sflag:$0x8], $0x40, s11, s19, $0xb8;
	[tilespmem:$0x12C80] =	vst v63  }
0x9c: {  	_ =	swait.ge [sflag:s29], $0x2000  }
0x9d: {  	[sflag:s29] =	ssyncset.done $0x0  }
0x9e: {  	s5 =	rddreg [dreg:$0x13];
	[sflag:s29] =	ssyncadd.s32 $0xFFFFE000  }
0x9f: {  	[tilespmem:s20], [sflag:$0x2] =	stream.indirect.gather [hbm4b:s1+s19], $0x40, s5, s19, $0xb8;
	[tilespmem:$0x12C80] =	vst v63  }
0xa0: {  	_ =	swait.ge [sflag:s21], $0x2000  }
0xa1: {  	[sflag:s21] =	ssyncset.done $0x0  }
0xa2: {  	[sflag:s21] =	ssyncadd.s32 $0xFFFFE000  }
0xa3: {  	[spmem:s3] =	stream.indirect.scatter.add.f32 [tilespmem:s12], [sflag:$0x5], $0x40, s16, s19, $0xb8;
	[tilespmem:$0x12C80] =	vst v63  }
0xa4: {  	_ =	swait.ge [sflag:s30], $0x2000  }
0xa5: {  	[sflag:s30] =	ssyncset.done $0x0  }
0xa6: {  	s8 =	rddreg [dreg:$0x14];
	[sflag:s30] =	ssyncadd.s32 $0xFFFFE000  }
0xa7: {  	[tilespmem:s22], [sflag:$0x3] =	stream.indirect.gather [hbm4b:s1+s19], $0x40, s8, s19, $0xb8;
	[tilespmem:$0x12C80] =	vst v63  }
0xa8: {  	_ =	swait.ge [sflag:s23], $0x2000  }
0xa9: {  	[sflag:s23] =	ssyncset.done $0x0  }
0xaa: {  	s10 =	rddreg [dreg:$0x15];
	[sflag:s23] =	ssyncadd.s32 $0xFFFFE000  }
0xab: {  	[spmem:s3] =	stream.indirect.scatter.add.f32 [tilespmem:s20], [sflag:$0x6], $0x40, s10, s19, $0xb8;
	[tilespmem:$0x12C80] =	vst v63  }
0xac: {  	_ =	swait.ge [sflag:s31], $0x2000  }
0xad: {  	[sflag:s31] =	ssyncset.done $0x0  }
0xae: {  	s11 =	rddreg [dreg:$0x16];
	[sflag:s31] =	ssyncadd.s32 $0xFFFFE000  }
0xaf: {  	[tilespmem:s24], [sflag:$0x4] =	stream.indirect.gather [hbm4b:s1+s19], $0x40, s11, s19, $0xb8;
	[tilespmem:$0x12C80] =	vst v63  }
0xb0: {  	_ =	swait.ge [sflag:s25], $0x2000  }
0xb1: {  	[sflag:s25] =	ssyncset.done $0x0  }
0xb2: {  	s5 =	rddreg [dreg:$0x17];
	[sflag:s25] =	ssyncadd.s32 $0xFFFFE000  }
0xb3: {  	[spmem:s3] =	stream.indirect.scatter.add.f32 [tilespmem:s22], [sflag:$0x7], $0x40, s5, s19, $0xb8;
	[tilespmem:$0x12C80] =	vst v63  }
0xb4: {  	_ =	swait.ge [sflag:s26], $0x2000  }
0xb5: {  	[sflag:s26] =	ssyncset.done $0x0  }
0xb6: {  	s8 =	rddreg [dreg:$0x18];
	[sflag:s26] =	ssyncadd.s32 $0xFFFFE000  }
0xb7: {  	[tilespmem:s12], [sflag:$0x1] =	stream.indirect.gather [hbm4b:s1+s19], $0x40, s8, s19, $0xb8;
	[tilespmem:$0x12C80] =	vst v63  }
0xb8: {  	_ =	swait.ge [sflag:s28], $0x2000  }
0xb9: {  	[sflag:s28] =	ssyncset.done $0x0  }
0xba: {  	s10 =	rddreg [dreg:$0x19];
	[sflag:s28] =	ssyncadd.s32 $0xFFFFE000  }
0xbb: {  	[spmem:s3] =	stream.indirect.scatter.add.f32 [tilespmem:s24], [sflag:$0x8], $0x40, s10, s19, $0xb8;
	[tilespmem:$0x12C80] =	vst v63  }
0xbc: {  	_ =	swait.ge [sflag:s29], $0x2000  }
0xbd: {  	[sflag:s29] =	ssyncset.done $0x0  }
0xbe: {  	s11 =	rddreg [dreg:$0x1a];
	[sflag:s29] =	ssyncadd.s32 $0xFFFFE000  }
0xbf: {  	[tilespmem:s20], [sflag:$0x2] =	stream.indirect.gather [hbm4b:s1+s19], $0x40, s11, s19, $0xb8;
	[tilespmem:$0x12C80] =	vst v63  }
0xc0: {  	_ =	swait.ge [sflag:s21], $0x2000  }
0xc1: {  	[sflag:s21] =	ssyncset.done $0x0  }
0xc2: {  	s5 =	rddreg [dreg:$0x1b];
	[sflag:s21] =	ssyncadd.s32 $0xFFFFE000  }
0xc3: {  	[spmem:s3] =	stream.indirect.scatter.add.f32 [tilespmem:s12], [sflag:$0x5], $0x40, s5, s19, $0xb8;
	[tilespmem:$0x12C80] =	vst v63  }
0xc4: {  	_ =	swait.ge [sflag:s30], $0x2000  }
0xc5: {  	[sflag:s30] =	ssyncset.done $0x0  }
0xc6: {  	s8 =	rddreg [dreg:$0x1c];
	[sflag:s30] =	ssyncadd.s32 $0xFFFFE000  }
0xc7: {  	[tilespmem:s22], [sflag:$0x3] =	stream.indirect.gather [hbm4b:s1+s19], $0x40, s8, s19, $0xb8;
	[tilespmem:$0x12C80] =	vst v63  }
0xc8: {  	_ =	swait.ge [sflag:s23], $0x2000  }
0xc9: {  	[sflag:s23] =	ssyncset.done $0x0  }
0xca: {  	s10 =	rddreg [dreg:$0x1d];
	[sflag:s23] =	ssyncadd.s32 $0xFFFFE000  }
0xcb: {  	[spmem:s3] =	stream.indirect.scatter.add.f32 [tilespmem:s20], [sflag:$0x6], $0x40, s10, s19, $0xb8;
	[tilespmem:$0x12C80] =	vst v63  }
0xcc: {  	_ =	swait.ge [sflag:s31], $0x2000  }
0xcd: {  	[sflag:s31] =	ssyncset.done $0x0  }
0xce: {  	s11 =	rddreg [dreg:$0x1e];
	[sflag:s31] =	ssyncadd.s32 $0xFFFFE000  }
0xcf: {  	[tilespmem:s24], [sflag:$0x4] =	stream.indirect.gather [hbm4b:s1+s19], $0x40, s11, s19, $0xb8;
	[tilespmem:$0x12C80] =	vst v63  }
0xd0: {  	_ =	swait.ge [sflag:s25], $0x2000  }
0xd1: {  	[sflag:s25] =	ssyncset.done $0x0  }
0xd2: {  	[sflag:s25] =	ssyncadd.s32 $0xFFFFE000  }
0xd3: {  	[spmem:s3] =	stream.indirect.scatter.add.f32 [tilespmem:s22], [sflag:$0x7], $0x40, s6, s19, $0xb8;
	[tilespmem:$0x12C80] =	vst v63  }
0xd4: {  	_ =	swait.ge [sflag:s28], $0x2000  }
0xd5: {  	[sflag:s28] =	ssyncset.done $0x0  }
0xd6: {  	[sflag:s28] =	ssyncadd.s32 $0xFFFFE000  }
0xd7: {  	[spmem:s3] =	stream.indirect.scatter.add.f32 [tilespmem:s24], [sflag:$0x8], $0x40, s7, s19, $0xb8;
	[tilespmem:$0x12C80] =	vst v63  }
0xd8: {  	_ =	swait.ge [sflag:s26], $0x2000  }
0xd9: {  	[sflag:s26] =	ssyncset.done $0x0  }
0xda: {  	[sflag:s26] =	ssyncadd.s32 $0xFFFFE000  }
0xdb: {  	_ =	swait.ge [sflag:s29], $0x2000  }
0xdc: {  	[sflag:s29] =	ssyncset.done $0x0  }
0xdd: {  	[sflag:s29] =	ssyncadd.s32 $0xFFFFE000  }
0xde: {  	_ =	swait.ge [sflag:s30], $0x2000  }
0xdf: {  	[sflag:s30] =	ssyncset.done $0x0  }
0xe0: {  	[sflag:s30] =	ssyncadd.s32 $0xFFFFE000  }
0xe1: {  	s9 =	simm.s32 $0x100;
	_ =	swait.ge [sflag:s31], $0x2000  }
0xe2: {  	s10 =	simm.s32 $0x200;
	s11 =	rddreg [dreg:$0x5];
	[sflag:s31] =	ssyncset.done $0x0  }
.LBB2_4:
0xe3: {  	[sflag:s31] =	ssyncadd.s32 $0xFFFFE000;
	s8 =	rddreg [dreg:$0x4];
	s11 =	sadd.s32 s9, s11  }
0xe4: {  	[tilespmem:s4], [sflag:$0x9] =	stream.linear.gather [hbm4b:s11+s4], $0x400, $0x38;
	[tilespmem:$0x12C80] =	vst v63  }
0xe5: {  	s8 =	sadd.s32 s9, s8  }
0xe6: {  	[tilespmem:s14], [sflag:$0xA] =	stream.linear.gather [hbm4b:s8+s4], $0x400, $0x38;
	[tilespmem:$0x12C80] =	vst v63  }
0xe7: {  	s11 =	sadd.s32 $0x80, s11  }
0xe8: {  	[tilespmem:s15], [sflag:$0xB] =	stream.linear.gather [hbm4b:s11+s4], $0x400, $0x38;
	[tilespmem:$0x12C80] =	vst v63  }
0xe9: {  	s8 =	sadd.s32 $0x80, s8  }
0xea: {  	[tilespmem:s16], [sflag:$0xC] =	stream.linear.gather [hbm4b:s8+s4], $0x400, $0x38;
	[tilespmem:$0x12C80] =	vst v63  }
0xeb: {  	_ =	swait.ge [sflag:s17], $0x400  }
0xec: {  	[sflag:s17] =	ssyncset.done $0x0  }
0xed: {  	[sflag:s17] =	ssyncadd.s32 $0xFFFFFC00  }
0xee: {  	_ =	swait.ge [sflag:s18], $0x400  }
0xef: {  	[sflag:s18] =	ssyncset.done $0x0  }
0xf0: {  	[sflag:s18] =	ssyncadd.s32 $0xFFFFFC00  }
0xf1: {  	[tilespmem:s12], [sflag:$0x1] =	stream.indirect.gather [hbm4b:s1+s19], $0x40, s4, s19, $0xb8;
	[tilespmem:$0x12C80] =	vst v63  }
0xf2: {  	_ = 	snop  }
0xf3: {  	[tilespmem:s20], [sflag:$0x2] =	stream.indirect.gather [hbm4b:s1+s19], $0x40, s19, s19, $0xb8;
	[tilespmem:$0x12C80] =	vst v63  }
0xf4: {  	_ =	swait.ge [sflag:s21], $0x2000  }
0xf5: {  	[sflag:s21] =	ssyncset.done $0x0  }
0xf6: {  	[sflag:s21] =	ssyncadd.s32 $0xFFFFE000  }
0xf7: {  	[spmem:s3] =	stream.indirect.scatter.add.f32 [tilespmem:s12], [sflag:$0x5], $0x40, s14, s19, $0xb8;
	[tilespmem:$0x12C80] =	vst v63  }
0xf8: {  	s11 =	rddreg [dreg:$0x6]  }
0xf9: {  	[tilespmem:s22], [sflag:$0x3] =	stream.indirect.gather [hbm4b:s1+s19], $0x40, s11, s19, $0xb8;
	[tilespmem:$0x12C80] =	vst v63  }
0xfa: {  	_ =	swait.ge [sflag:s23], $0x2000  }
0xfb: {  	[sflag:s23] =	ssyncset.done $0x0  }
0xfc: {  	s8 =	rddreg [dreg:$0x7];
	[sflag:s23] =	ssyncadd.s32 $0xFFFFE000  }
0xfd: {  	[spmem:s3] =	stream.indirect.scatter.add.f32 [tilespmem:s20], [sflag:$0x6], $0x40, s8, s19, $0xb8;
	[tilespmem:$0x12C80] =	vst v63  }
0xfe: {  	s11 =	rddreg [dreg:$0x8]  }
0xff: {  	[tilespmem:s24], [sflag:$0x4] =	stream.indirect.gather [hbm4b:s1+s19], $0x40, s11, s19, $0xb8;
	[tilespmem:$0x12C80] =	vst v63  }
0x100: {  	_ =	swait.ge [sflag:s25], $0x2000  }
0x101: {  	[sflag:s25] =	ssyncset.done $0x0  }
0x102: {  	s8 =	rddreg [dreg:$0x9];
	[sflag:s25] =	ssyncadd.s32 $0xFFFFE000  }
0x103: {  	[spmem:s3] =	stream.indirect.scatter.add.f32 [tilespmem:s22], [sflag:$0x7], $0x40, s8, s19, $0xb8;
	[tilespmem:$0x12C80] =	vst v63  }
0x104: {  	_ =	swait.ge [sflag:s26], $0x2000  }
0x105: {  	[sflag:s26] =	ssyncset.done $0x0  }
0x106: {  	s11 =	rddreg [dreg:$0xa];
	[sflag:s26] =	ssyncadd.s32 $0xFFFFE000  }
0x107: {  	[tilespmem:s12], [sflag:$0x1] =	stream.indirect.gather [hbm4b:s1+s19], $0x40, s11, s19, $0xb8;
	[tilespmem:$0x12C80] =	vst v63  }
0x108: {  	_ =	swait.ge [sflag:s28], $0x2000  }
0x109: {  	[sflag:s28] =	ssyncset.done $0x0  }
0x10a: {  	s8 =	rddreg [dreg:$0xb];
	[sflag:s28] =	ssyncadd.s32 $0xFFFFE000  }
0x10b: {  	[spmem:s3] =	stream.indirect.scatter.add.f32 [tilespmem:s24], [sflag:$0x8], $0x40, s8, s19, $0xb8;
	[tilespmem:$0x12C80] =	vst v63  }
0x10c: {  	_ =	swait.ge [sflag:s29], $0x2000  }
0x10d: {  	[sflag:s29] =	ssyncset.done $0x0  }
0x10e: {  	s11 =	rddreg [dreg:$0xc];
	[sflag:s29] =	ssyncadd.s32 $0xFFFFE000  }
0x10f: {  	[tilespmem:s20], [sflag:$0x2] =	stream.indirect.gather [hbm4b:s1+s19], $0x40, s11, s19, $0xb8;
	[tilespmem:$0x12C80] =	vst v63  }
0x110: {  	_ =	swait.ge [sflag:s21], $0x2000  }
0x111: {  	[sflag:s21] =	ssyncset.done $0x0  }
0x112: {  	s8 =	rddreg [dreg:$0xd];
	[sflag:s21] =	ssyncadd.s32 $0xFFFFE000  }
0x113: {  	[spmem:s3] =	stream.indirect.scatter.add.f32 [tilespmem:s12], [sflag:$0x5], $0x40, s8, s19, $0xb8;
	[tilespmem:$0x12C80] =	vst v63  }
0x114: {  	_ =	swait.ge [sflag:s30], $0x2000  }
0x115: {  	[sflag:s30] =	ssyncset.done $0x0  }
0x116: {  	s11 =	rddreg [dreg:$0xe];
	[sflag:s30] =	ssyncadd.s32 $0xFFFFE000  }
0x117: {  	[tilespmem:s22], [sflag:$0x3] =	stream.indirect.gather [hbm4b:s1+s19], $0x40, s11, s19, $0xb8;
	[tilespmem:$0x12C80] =	vst v63  }
0x118: {  	_ =	swait.ge [sflag:s23], $0x2000  }
0x119: {  	[sflag:s23] =	ssyncset.done $0x0  }
0x11a: {  	s8 =	rddreg [dreg:$0xf];
	[sflag:s23] =	ssyncadd.s32 $0xFFFFE000  }
0x11b: {  	[spmem:s3] =	stream.indirect.scatter.add.f32 [tilespmem:s20], [sflag:$0x6], $0x40, s8, s19, $0xb8;
	[tilespmem:$0x12C80] =	vst v63  }
0x11c: {  	_ =	swait.ge [sflag:s31], $0x2000  }
0x11d: {  	[sflag:s31] =	ssyncset.done $0x0  }
0x11e: {  	s11 =	rddreg [dreg:$0x10];
	[sflag:s31] =	ssyncadd.s32 $0xFFFFE000  }
0x11f: {  	[tilespmem:s24], [sflag:$0x4] =	stream.indirect.gather [hbm4b:s1+s19], $0x40, s11, s19, $0xb8;
	[tilespmem:$0x12C80] =	vst v63  }
0x120: {  	_ =	swait.ge [sflag:s25], $0x2000  }
0x121: {  	[sflag:s25] =	ssyncset.done $0x0  }
0x122: {  	s8 =	rddreg [dreg:$0x11];
	[sflag:s25] =	ssyncadd.s32 $0xFFFFE000  }
0x123: {  	[spmem:s3] =	stream.indirect.scatter.add.f32 [tilespmem:s22], [sflag:$0x7], $0x40, s8, s19, $0xb8;
	[tilespmem:$0x12C80] =	vst v63  }
0x124: {  	_ =	swait.ge [sflag:s2], $0x400  }
0x125: {  	[sflag:s2] =	ssyncset.done $0x0  }
0x126: {  	[sflag:s2] =	ssyncadd.s32 $0xFFFFFC00  }
0x127: {  	_ =	swait.ge [sflag:s0], $0x400  }
0x128: {  	[sflag:s0] =	ssyncset.done $0x0  }
0x129: {  	[sflag:s0] =	ssyncadd.s32 $0xFFFFFC00  }
0x12a: {  	_ =	swait.ge [sflag:s26], $0x2000  }
0x12b: {  	[sflag:s26] =	ssyncset.done $0x0  }
0x12c: {  	[sflag:s26] =	ssyncadd.s32 $0xFFFFE000  }
0x12d: {  	[tilespmem:s12], [sflag:$0x1] =	stream.indirect.gather [hbm4b:s1+s19], $0x40, s15, s19, $0xb8;
	[tilespmem:$0x12C80] =	vst v63  }
0x12e: {  	_ =	swait.ge [sflag:s28], $0x2000  }
0x12f: {  	[sflag:s28] =	ssyncset.done $0x0  }
0x130: {  	s11 =	rddreg [dreg:$0x12];
	[sflag:s28] =	ssyncadd.s32 $0xFFFFE000  }
0x131: {  	[spmem:s3] =	stream.indirect.scatter.add.f32 [tilespmem:s24], [sflag:$0x8], $0x40, s11, s19, $0xb8;
	[tilespmem:$0x12C80] =	vst v63  }
0x132: {  	_ =	swait.ge [sflag:s29], $0x2000  }
0x133: {  	[sflag:s29] =	ssyncset.done $0x0  }
0x134: {  	s8 =	rddreg [dreg:$0x13];
	[sflag:s29] =	ssyncadd.s32 $0xFFFFE000  }
0x135: {  	[tilespmem:s20], [sflag:$0x2] =	stream.indirect.gather [hbm4b:s1+s19], $0x40, s8, s19, $0xb8;
	[tilespmem:$0x12C80] =	vst v63  }
0x136: {  	_ =	swait.ge [sflag:s21], $0x2000  }
0x137: {  	[sflag:s21] =	ssyncset.done $0x0  }
0x138: {  	[sflag:s21] =	ssyncadd.s32 $0xFFFFE000  }
0x139: {  	[spmem:s3] =	stream.indirect.scatter.add.f32 [tilespmem:s12], [sflag:$0x5], $0x40, s16, s19, $0xb8;
	[tilespmem:$0x12C80] =	vst v63  }
0x13a: {  	_ =	swait.ge [sflag:s30], $0x2000  }
0x13b: {  	[sflag:s30] =	ssyncset.done $0x0  }
0x13c: {  	s11 =	rddreg [dreg:$0x14];
	[sflag:s30] =	ssyncadd.s32 $0xFFFFE000  }
0x13d: {  	[tilespmem:s22], [sflag:$0x3] =	stream.indirect.gather [hbm4b:s1+s19], $0x40, s11, s19, $0xb8;
	[tilespmem:$0x12C80] =	vst v63  }
0x13e: {  	_ =	swait.ge [sflag:s23], $0x2000  }
0x13f: {  	[sflag:s23] =	ssyncset.done $0x0  }
0x140: {  	s8 =	rddreg [dreg:$0x15];
	[sflag:s23] =	ssyncadd.s32 $0xFFFFE000  }
0x141: {  	[spmem:s3] =	stream.indirect.scatter.add.f32 [tilespmem:s20], [sflag:$0x6], $0x40, s8, s19, $0xb8;
	[tilespmem:$0x12C80] =	vst v63  }
0x142: {  	_ =	swait.ge [sflag:s31], $0x2000  }
0x143: {  	[sflag:s31] =	ssyncset.done $0x0  }
0x144: {  	s11 =	rddreg [dreg:$0x16];
	[sflag:s31] =	ssyncadd.s32 $0xFFFFE000  }
0x145: {  	[tilespmem:s24], [sflag:$0x4] =	stream.indirect.gather [hbm4b:s1+s19], $0x40, s11, s19, $0xb8;
	[tilespmem:$0x12C80] =	vst v63  }
0x146: {  	_ =	swait.ge [sflag:s25], $0x2000  }
0x147: {  	[sflag:s25] =	ssyncset.done $0x0  }
0x148: {  	s8 =	rddreg [dreg:$0x17];
	[sflag:s25] =	ssyncadd.s32 $0xFFFFE000  }
0x149: {  	[spmem:s3] =	stream.indirect.scatter.add.f32 [tilespmem:s22], [sflag:$0x7], $0x40, s8, s19, $0xb8;
	[tilespmem:$0x12C80] =	vst v63  }
0x14a: {  	_ =	swait.ge [sflag:s26], $0x2000  }
0x14b: {  	[sflag:s26] =	ssyncset.done $0x0  }
0x14c: {  	s11 =	rddreg [dreg:$0x18];
	[sflag:s26] =	ssyncadd.s32 $0xFFFFE000  }
0x14d: {  	[tilespmem:s12], [sflag:$0x1] =	stream.indirect.gather [hbm4b:s1+s19], $0x40, s11, s19, $0xb8;
	[tilespmem:$0x12C80] =	vst v63  }
0x14e: {  	_ =	swait.ge [sflag:s28], $0x2000  }
0x14f: {  	[sflag:s28] =	ssyncset.done $0x0  }
0x150: {  	s8 =	rddreg [dreg:$0x19];
	[sflag:s28] =	ssyncadd.s32 $0xFFFFE000  }
0x151: {  	[spmem:s3] =	stream.indirect.scatter.add.f32 [tilespmem:s24], [sflag:$0x8], $0x40, s8, s19, $0xb8;
	[tilespmem:$0x12C80] =	vst v63  }
0x152: {  	_ =	swait.ge [sflag:s29], $0x2000  }
0x153: {  	[sflag:s29] =	ssyncset.done $0x0  }
0x154: {  	s11 =	rddreg [dreg:$0x1a];
	[sflag:s29] =	ssyncadd.s32 $0xFFFFE000  }
0x155: {  	[tilespmem:s20], [sflag:$0x2] =	stream.indirect.gather [hbm4b:s1+s19], $0x40, s11, s19, $0xb8;
	[tilespmem:$0x12C80] =	vst v63  }
0x156: {  	_ =	swait.ge [sflag:s21], $0x2000  }
0x157: {  	[sflag:s21] =	ssyncset.done $0x0  }
0x158: {  	s8 =	rddreg [dreg:$0x1b];
	[sflag:s21] =	ssyncadd.s32 $0xFFFFE000  }
0x159: {  	[spmem:s3] =	stream.indirect.scatter.add.f32 [tilespmem:s12], [sflag:$0x5], $0x40, s8, s19, $0xb8;
	[tilespmem:$0x12C80] =	vst v63  }
0x15a: {  	_ =	swait.ge [sflag:s30], $0x2000  }
0x15b: {  	[sflag:s30] =	ssyncset.done $0x0  }
0x15c: {  	s11 =	rddreg [dreg:$0x1c];
	[sflag:s30] =	ssyncadd.s32 $0xFFFFE000  }
0x15d: {  	[tilespmem:s22], [sflag:$0x3] =	stream.indirect.gather [hbm4b:s1+s19], $0x40, s11, s19, $0xb8;
	[tilespmem:$0x12C80] =	vst v63  }
0x15e: {  	_ =	swait.ge [sflag:s23], $0x2000  }
0x15f: {  	[sflag:s23] =	ssyncset.done $0x0  }
0x160: {  	s8 =	rddreg [dreg:$0x1d];
	[sflag:s23] =	ssyncadd.s32 $0xFFFFE000  }
0x161: {  	[spmem:s3] =	stream.indirect.scatter.add.f32 [tilespmem:s20], [sflag:$0x6], $0x40, s8, s19, $0xb8;
	[tilespmem:$0x12C80] =	vst v63  }
0x162: {  	_ =	swait.ge [sflag:s31], $0x2000  }
0x163: {  	[sflag:s31] =	ssyncset.done $0x0  }
0x164: {  	s11 =	rddreg [dreg:$0x1e];
	[sflag:s31] =	ssyncadd.s32 $0xFFFFE000  }
0x165: {  	[tilespmem:s24], [sflag:$0x4] =	stream.indirect.gather [hbm4b:s1+s19], $0x40, s11, s19, $0xb8;
	[tilespmem:$0x12C80] =	vst v63  }
0x166: {  	_ =	swait.ge [sflag:s25], $0x2000  }
0x167: {  	[sflag:s25] =	ssyncset.done $0x0  }
0x168: {  	[sflag:s25] =	ssyncadd.s32 $0xFFFFE000  }
0x169: {  	[spmem:s3] =	stream.indirect.scatter.add.f32 [tilespmem:s22], [sflag:$0x7], $0x40, s6, s19, $0xb8;
	[tilespmem:$0x12C80] =	vst v63  }
0x16a: {  	_ =	swait.ge [sflag:s28], $0x2000  }
0x16b: {  	[sflag:s28] =	ssyncset.done $0x0  }
0x16c: {  	[sflag:s28] =	ssyncadd.s32 $0xFFFFE000  }
0x16d: {  	[spmem:s3] =	stream.indirect.scatter.add.f32 [tilespmem:s24], [sflag:$0x8], $0x40, s7, s19, $0xb8;
	[tilespmem:$0x12C80] =	vst v63  }
0x16e: {  	_ =	swait.ge [sflag:s26], $0x2000  }
0x16f: {  	[sflag:s26] =	ssyncset.done $0x0  }
0x170: {  	[sflag:s26] =	ssyncadd.s32 $0xFFFFE000  }
0x171: {  	_ =	swait.ge [sflag:s29], $0x2000  }
0x172: {  	[sflag:s29] =	ssyncset.done $0x0  }
0x173: {  	p0 =	sne.s32 s10, $0x400;
	[sflag:s29] =	ssyncadd.s32 $0xFFFFE000  }
.Ltmp1:
0x174: {  	_ =	swait.ge [sflag:s30], $0x2000;
	(pc) =	sbr.rel @p0 .LBB2_4-.Ltmp1, $4  }
0x175: {  	[sflag:s30] =	ssyncset.done $0x0  }
0x176: {  	[sflag:s30] =	ssyncadd.s32 $0xFFFFE000  }
0x177: {  	s5 =	smov.u32 s10;
	s10 =	sadd.s32 $0x100, s10;
	_ =	swait.ge [sflag:s31], $0x2000  }
0x178: {  	s9 =	smov.u32 s5;
	s11 =	rddreg [dreg:$0x5];
	[sflag:s31] =	ssyncset.done $0x0  }
0x179: {  	s5 =	rddreg [dreg:$0x4];
	[sflag:s31] =	ssyncadd.s32 $0xFFFFE000;
	s8 =	sadd.s32 s9, s11  }
0x17a: {  	[tilespmem:s4], [sflag:$0x9] =	stream.linear.gather [hbm4b:s8+s4], $0x400, $0x38;
	[tilespmem:$0x12C80] =	vst v63  }
0x17b: {  	s5 =	sadd.s32 s9, s5  }
0x17c: {  	[tilespmem:s14], [sflag:$0xA] =	stream.linear.gather [hbm4b:s5+s4], $0x400, $0x38;
	[tilespmem:$0x12C80] =	vst v63  }
0x17d: {  	s8 =	sadd.s32 $0x80, s8  }
0x17e: {  	[tilespmem:s15], [sflag:$0xB] =	stream.linear.gather [hbm4b:s8+s4], $0x400, $0x38;
	[tilespmem:$0x12C80] =	vst v63  }
0x17f: {  	s5 =	sadd.s32 $0x80, s5  }
0x180: {  	[tilespmem:s16], [sflag:$0xC] =	stream.linear.gather [hbm4b:s5+s4], $0x400, $0x38;
	[tilespmem:$0x12C80] =	vst v63  }
0x181: {  	_ =	swait.ge [sflag:s17], $0x400  }
0x182: {  	[sflag:s17] =	ssyncset.done $0x0  }
0x183: {  	[sflag:s17] =	ssyncadd.s32 $0xFFFFFC00  }
0x184: {  	_ =	swait.ge [sflag:s18], $0x400  }
0x185: {  	[sflag:s18] =	ssyncset.done $0x0  }
0x186: {  	[sflag:s18] =	ssyncadd.s32 $0xFFFFFC00  }
0x187: {  	[tilespmem:s12], [sflag:$0x1] =	stream.indirect.gather [hbm4b:s1+s19], $0x40, s4, s19, $0xb8;
	[tilespmem:$0x12C80] =	vst v63  }
0x188: {  	_ = 	snop  }
0x189: {  	[tilespmem:s20], [sflag:$0x2] =	stream.indirect.gather [hbm4b:s1+s19], $0x40, s19, s19, $0xb8;
	[tilespmem:$0x12C80] =	vst v63  }
0x18a: {  	_ =	swait.ge [sflag:s21], $0x2000  }
0x18b: {  	[sflag:s21] =	ssyncset.done $0x0  }
0x18c: {  	[sflag:s21] =	ssyncadd.s32 $0xFFFFE000  }
0x18d: {  	[spmem:s3] =	stream.indirect.scatter.add.f32 [tilespmem:s12], [sflag:$0x5], $0x40, s14, s19, $0xb8;
	[tilespmem:$0x12C80] =	vst v63  }
0x18e: {  	s8 =	rddreg [dreg:$0x6]  }
0x18f: {  	[tilespmem:s22], [sflag:$0x3] =	stream.indirect.gather [hbm4b:s1+s19], $0x40, s8, s19, $0xb8;
	[tilespmem:$0x12C80] =	vst v63  }
0x190: {  	_ =	swait.ge [sflag:s23], $0x2000  }
0x191: {  	[sflag:s23] =	ssyncset.done $0x0  }
0x192: {  	s9 =	rddreg [dreg:$0x7];
	[sflag:s23] =	ssyncadd.s32 $0xFFFFE000  }
0x193: {  	[spmem:s3] =	stream.indirect.scatter.add.f32 [tilespmem:s20], [sflag:$0x6], $0x40, s9, s19, $0xb8;
	[tilespmem:$0x12C80] =	vst v63  }
0x194: {  	s10 =	rddreg [dreg:$0x8]  }
0x195: {  	[tilespmem:s24], [sflag:$0x4] =	stream.indirect.gather [hbm4b:s1+s19], $0x40, s10, s19, $0xb8;
	[tilespmem:$0x12C80] =	vst v63  }
0x196: {  	_ =	swait.ge [sflag:s25], $0x2000  }
0x197: {  	[sflag:s25] =	ssyncset.done $0x0  }
0x198: {  	s11 =	rddreg [dreg:$0x9];
	[sflag:s25] =	ssyncadd.s32 $0xFFFFE000  }
0x199: {  	[spmem:s3] =	stream.indirect.scatter.add.f32 [tilespmem:s22], [sflag:$0x7], $0x40, s11, s19, $0xb8;
	[tilespmem:$0x12C80] =	vst v63  }
0x19a: {  	_ =	swait.ge [sflag:s26], $0x2000  }
0x19b: {  	[sflag:s26] =	ssyncset.done $0x0  }
0x19c: {  	s8 =	rddreg [dreg:$0xa];
	[sflag:s26] =	ssyncadd.s32 $0xFFFFE000  }
0x19d: {  	[tilespmem:s12], [sflag:$0x1] =	stream.indirect.gather [hbm4b:s1+s19], $0x40, s8, s19, $0xb8;
	[tilespmem:$0x12C80] =	vst v63  }
0x19e: {  	_ =	swait.ge [sflag:s28], $0x2000  }
0x19f: {  	[sflag:s28] =	ssyncset.done $0x0  }
0x1a0: {  	s9 =	rddreg [dreg:$0xb];
	[sflag:s28] =	ssyncadd.s32 $0xFFFFE000  }
0x1a1: {  	[spmem:s3] =	stream.indirect.scatter.add.f32 [tilespmem:s24], [sflag:$0x8], $0x40, s9, s19, $0xb8;
	[tilespmem:$0x12C80] =	vst v63  }
0x1a2: {  	_ =	swait.ge [sflag:s29], $0x2000  }
0x1a3: {  	[sflag:s29] =	ssyncset.done $0x0  }
0x1a4: {  	s10 =	rddreg [dreg:$0xc];
	[sflag:s29] =	ssyncadd.s32 $0xFFFFE000  }
0x1a5: {  	[tilespmem:s20], [sflag:$0x2] =	stream.indirect.gather [hbm4b:s1+s19], $0x40, s10, s19, $0xb8;
	[tilespmem:$0x12C80] =	vst v63  }
0x1a6: {  	_ =	swait.ge [sflag:s21], $0x2000  }
0x1a7: {  	[sflag:s21] =	ssyncset.done $0x0  }
0x1a8: {  	s11 =	rddreg [dreg:$0xd];
	[sflag:s21] =	ssyncadd.s32 $0xFFFFE000  }
0x1a9: {  	[spmem:s3] =	stream.indirect.scatter.add.f32 [tilespmem:s12], [sflag:$0x5], $0x40, s11, s19, $0xb8;
	[tilespmem:$0x12C80] =	vst v63  }
0x1aa: {  	_ =	swait.ge [sflag:s30], $0x2000  }
0x1ab: {  	[sflag:s30] =	ssyncset.done $0x0  }
0x1ac: {  	s8 =	rddreg [dreg:$0xe];
	[sflag:s30] =	ssyncadd.s32 $0xFFFFE000  }
0x1ad: {  	[tilespmem:s22], [sflag:$0x3] =	stream.indirect.gather [hbm4b:s1+s19], $0x40, s8, s19, $0xb8;
	[tilespmem:$0x12C80] =	vst v63  }
0x1ae: {  	_ =	swait.ge [sflag:s23], $0x2000  }
0x1af: {  	[sflag:s23] =	ssyncset.done $0x0  }
0x1b0: {  	s9 =	rddreg [dreg:$0xf];
	[sflag:s23] =	ssyncadd.s32 $0xFFFFE000  }
0x1b1: {  	[spmem:s3] =	stream.indirect.scatter.add.f32 [tilespmem:s20], [sflag:$0x6], $0x40, s9, s19, $0xb8;
	[tilespmem:$0x12C80] =	vst v63  }
0x1b2: {  	_ =	swait.ge [sflag:s31], $0x2000  }
0x1b3: {  	[sflag:s31] =	ssyncset.done $0x0  }
0x1b4: {  	s10 =	rddreg [dreg:$0x10];
	[sflag:s31] =	ssyncadd.s32 $0xFFFFE000  }
0x1b5: {  	[tilespmem:s24], [sflag:$0x4] =	stream.indirect.gather [hbm4b:s1+s19], $0x40, s10, s19, $0xb8;
	[tilespmem:$0x12C80] =	vst v63  }
0x1b6: {  	_ =	swait.ge [sflag:s25], $0x2000  }
0x1b7: {  	[sflag:s25] =	ssyncset.done $0x0  }
0x1b8: {  	s11 =	rddreg [dreg:$0x11];
	[sflag:s25] =	ssyncadd.s32 $0xFFFFE000  }
0x1b9: {  	[spmem:s3] =	stream.indirect.scatter.add.f32 [tilespmem:s22], [sflag:$0x7], $0x40, s11, s19, $0xb8;
	[tilespmem:$0x12C80] =	vst v63  }
0x1ba: {  	_ =	swait.ge [sflag:s2], $0x400  }
0x1bb: {  	[sflag:s2] =	ssyncset.done $0x0  }
0x1bc: {  	[sflag:s2] =	ssyncadd.s32 $0xFFFFFC00  }
0x1bd: {  	_ =	swait.ge [sflag:s0], $0x400  }
0x1be: {  	[sflag:s0] =	ssyncset.done $0x0  }
0x1bf: {  	[sflag:s0] =	ssyncadd.s32 $0xFFFFFC00  }
0x1c0: {  	_ =	swait.ge [sflag:s26], $0x2000  }
0x1c1: {  	[sflag:s26] =	ssyncset.done $0x0  }
0x1c2: {  	[sflag:s26] =	ssyncadd.s32 $0xFFFFE000  }
0x1c3: {  	[tilespmem:s12], [sflag:$0x1] =	stream.indirect.gather [hbm4b:s1+s19], $0x40, s15, s19, $0xb8;
	[tilespmem:$0x12C80] =	vst v63  }
0x1c4: {  	_ =	swait.ge [sflag:s28], $0x2000  }
0x1c5: {  	[sflag:s28] =	ssyncset.done $0x0  }
0x1c6: {  	s8 =	rddreg [dreg:$0x12];
	[sflag:s28] =	ssyncadd.s32 $0xFFFFE000  }
0x1c7: {  	[spmem:s3] =	stream.indirect.scatter.add.f32 [tilespmem:s24], [sflag:$0x8], $0x40, s8, s19, $0xb8;
	[tilespmem:$0x12C80] =	vst v63  }
0x1c8: {  	_ =	swait.ge [sflag:s29], $0x2000  }
0x1c9: {  	[sflag:s29] =	ssyncset.done $0x0  }
0x1ca: {  	s9 =	rddreg [dreg:$0x13];
	[sflag:s29] =	ssyncadd.s32 $0xFFFFE000  }
0x1cb: {  	[tilespmem:s20], [sflag:$0x2] =	stream.indirect.gather [hbm4b:s1+s19], $0x40, s9, s19, $0xb8;
	[tilespmem:$0x12C80] =	vst v63  }
0x1cc: {  	_ =	swait.ge [sflag:s21], $0x2000  }
0x1cd: {  	[sflag:s21] =	ssyncset.done $0x0  }
0x1ce: {  	[sflag:s21] =	ssyncadd.s32 $0xFFFFE000  }
0x1cf: {  	[spmem:s3] =	stream.indirect.scatter.add.f32 [tilespmem:s12], [sflag:$0x5], $0x40, s16, s19, $0xb8;
	[tilespmem:$0x12C80] =	vst v63  }
0x1d0: {  	_ =	swait.ge [sflag:s30], $0x2000  }
0x1d1: {  	[sflag:s30] =	ssyncset.done $0x0  }
0x1d2: {  	s10 =	rddreg [dreg:$0x14];
	[sflag:s30] =	ssyncadd.s32 $0xFFFFE000  }
0x1d3: {  	[tilespmem:s22], [sflag:$0x3] =	stream.indirect.gather [hbm4b:s1+s19], $0x40, s10, s19, $0xb8;
	[tilespmem:$0x12C80] =	vst v63  }
0x1d4: {  	_ =	swait.ge [sflag:s23], $0x2000  }
0x1d5: {  	[sflag:s23] =	ssyncset.done $0x0  }
0x1d6: {  	s11 =	rddreg [dreg:$0x15];
	[sflag:s23] =	ssyncadd.s32 $0xFFFFE000  }
0x1d7: {  	[spmem:s3] =	stream.indirect.scatter.add.f32 [tilespmem:s20], [sflag:$0x6], $0x40, s11, s19, $0xb8;
	[tilespmem:$0x12C80] =	vst v63  }
0x1d8: {  	_ =	swait.ge [sflag:s31], $0x2000  }
0x1d9: {  	[sflag:s31] =	ssyncset.done $0x0  }
0x1da: {  	s8 =	rddreg [dreg:$0x16];
	[sflag:s31] =	ssyncadd.s32 $0xFFFFE000  }
0x1db: {  	[tilespmem:s24], [sflag:$0x4] =	stream.indirect.gather [hbm4b:s1+s19], $0x40, s8, s19, $0xb8;
	[tilespmem:$0x12C80] =	vst v63  }
0x1dc: {  	_ =	swait.ge [sflag:s25], $0x2000  }
0x1dd: {  	[sflag:s25] =	ssyncset.done $0x0  }
0x1de: {  	s9 =	rddreg [dreg:$0x17];
	[sflag:s25] =	ssyncadd.s32 $0xFFFFE000  }
0x1df: {  	[spmem:s3] =	stream.indirect.scatter.add.f32 [tilespmem:s22], [sflag:$0x7], $0x40, s9, s19, $0xb8;
	[tilespmem:$0x12C80] =	vst v63  }
0x1e0: {  	_ =	swait.ge [sflag:s26], $0x2000  }
0x1e1: {  	[sflag:s26] =	ssyncset.done $0x0  }
0x1e2: {  	s10 =	rddreg [dreg:$0x18];
	[sflag:s26] =	ssyncadd.s32 $0xFFFFE000  }
0x1e3: {  	[tilespmem:s12], [sflag:$0x1] =	stream.indirect.gather [hbm4b:s1+s19], $0x40, s10, s19, $0xb8;
	[tilespmem:$0x12C80] =	vst v63  }
0x1e4: {  	_ =	swait.ge [sflag:s28], $0x2000  }
0x1e5: {  	[sflag:s28] =	ssyncset.done $0x0  }
0x1e6: {  	s11 =	rddreg [dreg:$0x19];
	[sflag:s28] =	ssyncadd.s32 $0xFFFFE000  }
0x1e7: {  	[spmem:s3] =	stream.indirect.scatter.add.f32 [tilespmem:s24], [sflag:$0x8], $0x40, s11, s19, $0xb8;
	[tilespmem:$0x12C80] =	vst v63  }
0x1e8: {  	_ =	swait.ge [sflag:s29], $0x2000  }
0x1e9: {  	[sflag:s29] =	ssyncset.done $0x0  }
0x1ea: {  	s8 =	rddreg [dreg:$0x1a];
	[sflag:s29] =	ssyncadd.s32 $0xFFFFE000  }
0x1eb: {  	[tilespmem:s20], [sflag:$0x2] =	stream.indirect.gather [hbm4b:s1+s19], $0x40, s8, s19, $0xb8;
	[tilespmem:$0x12C80] =	vst v63  }
0x1ec: {  	_ =	swait.ge [sflag:s21], $0x2000  }
0x1ed: {  	[sflag:s21] =	ssyncset.done $0x0  }
0x1ee: {  	s9 =	rddreg [dreg:$0x1b];
	[sflag:s21] =	ssyncadd.s32 $0xFFFFE000  }
0x1ef: {  	[spmem:s3] =	stream.indirect.scatter.add.f32 [tilespmem:s12], [sflag:$0x5], $0x40, s9, s19, $0xb8;
	[tilespmem:$0x12C80] =	vst v63  }
0x1f0: {  	_ =	swait.ge [sflag:s30], $0x2000  }
0x1f1: {  	[sflag:s30] =	ssyncset.done $0x0  }
0x1f2: {  	s10 =	rddreg [dreg:$0x1c];
	[sflag:s30] =	ssyncadd.s32 $0xFFFFE000  }
0x1f3: {  	[tilespmem:s22], [sflag:$0x3] =	stream.indirect.gather [hbm4b:s1+s19], $0x40, s10, s19, $0xb8;
	[tilespmem:$0x12C80] =	vst v63  }
0x1f4: {  	_ =	swait.ge [sflag:s23], $0x2000  }
0x1f5: {  	[sflag:s23] =	ssyncset.done $0x0  }
0x1f6: {  	s11 =	rddreg [dreg:$0x1d];
	[sflag:s23] =	ssyncadd.s32 $0xFFFFE000  }
0x1f7: {  	[spmem:s3] =	stream.indirect.scatter.add.f32 [tilespmem:s20], [sflag:$0x6], $0x40, s11, s19, $0xb8;
	[tilespmem:$0x12C80] =	vst v63  }
0x1f8: {  	_ =	swait.ge [sflag:s31], $0x2000  }
0x1f9: {  	[sflag:s31] =	ssyncset.done $0x0  }
0x1fa: {  	s8 =	rddreg [dreg:$0x1e];
	[sflag:s31] =	ssyncadd.s32 $0xFFFFE000  }
0x1fb: {  	[tilespmem:s24], [sflag:$0x4] =	stream.indirect.gather [hbm4b:s1+s19], $0x40, s8, s19, $0xb8;
	[tilespmem:$0x12C80] =	vst v63  }
0x1fc: {  	_ =	swait.ge [sflag:s25], $0x2000  }
0x1fd: {  	[sflag:s25] =	ssyncset.done $0x0  }
0x1fe: {  	[sflag:s25] =	ssyncadd.s32 $0xFFFFE000  }
0x1ff: {  	[spmem:s3] =	stream.indirect.scatter.add.f32 [tilespmem:s22], [sflag:$0x7], $0x40, s6, s19, $0xb8;
	[tilespmem:$0x12C80] =	vst v63  }
0x200: {  	_ =	swait.ge [sflag:s28], $0x2000  }
0x201: {  	[sflag:s28] =	ssyncset.done $0x0  }
0x202: {  	[sflag:s28] =	ssyncadd.s32 $0xFFFFE000  }
0x203: {  	[spmem:s3] =	stream.indirect.scatter.add.f32 [tilespmem:s24], [sflag:$0x8], $0x40, s7, s19, $0xb8;
	[tilespmem:$0x12C80] =	vst v63  }
0x204: {  	_ =	swait.ge [sflag:s26], $0x2000  }
0x205: {  	[sflag:s26] =	ssyncset.done $0x0  }
0x206: {  	[sflag:s26] =	ssyncadd.s32 $0xFFFFE000  }
0x207: {  	_ =	swait.ge [sflag:s29], $0x2000  }
0x208: {  	[sflag:s29] =	ssyncset.done $0x0  }
0x209: {  	[sflag:s29] =	ssyncadd.s32 $0xFFFFE000  }
0x20a: {  	_ =	swait.ge [sflag:s30], $0x2000  }
0x20b: {  	[sflag:s30] =	ssyncset.done $0x0  }
0x20c: {  	[sflag:s30] =	ssyncadd.s32 $0xFFFFE000  }
0x20d: {  	_ =	swait.ge [sflag:s31], $0x2000  }
0x20e: {  	[sflag:s31] =	ssyncset.done $0x0  }
0x20f: {  	[sflag:s31] =	ssyncadd.s32 $0xFFFFE000  }
0x210: {  	[bflag:$0x0] =	sbarrier.arrive $0xFFFF  }
0x211: {  	s9 =	stileid.u32;
	s11 =	sld [smem:$0x7FC]  }
0x212: {  	s5 =	sshll.u32 s9, $0x6;
	s10 =	rddreg [dreg:$0x1f]  }
0x213: {  	s5 =	sor.u32 $0x1C0D, s5;
	s8 =	sshrl.u32 s10, $0x3  }
0x214: {  	[hbm:s11], [sflag:s5] =	dma.local [spmem:s8], $0x1390  }
0x215: {  	_ =	swait.ge [sflag:s13], $0x1390  }
0x216: {  	s10 =	sld [smem:$0x7F7]  }
0x217: {  	s11 =	sld [smem:$0x7FD];
	_ =	sdelay $0x1  }
0x218: {  	s8 =	sadd.s32 $0x1, s10  }
0x219: {  	p0 =	sne.s32 s8, s11  }
.Ltmp2:
0x21a: {  	_ = 	snop;
	(pc) =	sbr.rel @p0 .LBB2_1-.Ltmp2, $3  }
0x21b: {  	_ =	sdelay $0x1  }
0x21c: {  	[sflag:s13] =	ssyncset.done $0x0  }
0x21d: {  	[sflag:s13] =	ssyncadd.s32 $0xFFFFEC70  }
0x21e: {  	_ =	sfence.sel $0x180000  }
0x21f: {  	[bflag:$0x0] =	sbarrier.arrive $0xFFFF  }
0x220: {  	_ =	strace $0x9000004D  }
0x221: {  	s0 =	stileid.u32;
	[bflag:$0x2] =	sbarrier.arrive $0xFFFF  }
0x222: {  	p0 =	sne.s32 s0, $0x0;
	s0 =	rddreg [dreg:$0x3]  }
0x223: {  	s0 =	sadd.s32 @!p0 $0x100000, s0  }
0x224: {  	[sflag:s0] =	ssyncadd.tile.s32 @!p0 $0x1;
	_ =	shalt  }
.Lfunc_end2:
_tile_overlayer_lowered:
.L_overlay_start_2:
0x225: {  	(tag) =	ssettag $0x2  }
0x226: {  	s0 =	rddreg [dreg:$0x0];
	s2 =	stileid.u32  }
0x227: {  	s1 =	rddreg [dreg:$0x1];
	p0 =	sne.s32 s2, $0x0  }
0x228: {  	s3 =	rddreg [dreg:$0x2];
	[bflag:$0x3] =	sbarrier.arrive $0xFFFF;
	s2 =	simm.s32 @!p0 $0x1C0D  }
0x229: {  	[timem:s3], [sflag:s2] =	dma.local @!p0 [hbm:s0], s1  }
0x22a: {  	s0 =	simm.s32 @!p0 $0xD  }
0x22b: {  	_ =	swait.ge @!p0 [sflag:s0], s1  }
0x22c: {  	s1 =	ssub.s32 @!p0 $0x0, s1;
	[sflag:s0] =	ssyncset.done @!p0 $0x0  }
0x22d: {  	[sflag:s0] =	ssyncadd.s32 @!p0 s1  }
0x22e: {  	[bflag:$0x3] =	sbarrier.arrive $0xFFFF  }
0x22f: {  	_ =	shalt  }

// kernel: kernel.9.cloned.1.call-start
scs
__scs_entry_jumppad:
0x0: {  	(pc) =	sbr.rel $0x88, $3  }
0x1: {  	(tag) =	ssettag $0x0;
	lr =	simm.s32 $0x1  }
0x2: {  	[smem:$0x3F9B] =	sst lr;
	_ =	strace $0xD0000000  }
0x3: {  	_ = 	snop  }
0x4: {  	_ = 	snop  }
0x5: {  	_ = 	snop  }
0x6: {  	_ = 	snop  }
0x7: {  	_ = 	snop  }
__scs_overlays_trampoline_lowered:
0x8: {  	[smem:$0x3FAA] =	sst s0  }
0x9: {  	[smem:$0x3FAB] =	sst s1  }
0xa: {  	[smem:$0x3FAC] =	sst s2  }
0xb: {  	[smem:$0x3FAD] =	sst s3  }
0xc: {  	[smem:$0x3FAE] =	sst s4  }
0xd: {  	[smem:$0x3FAF] =	sst s5  }
0xe: {  	[smem:$0x3FB0] =	sst s6  }
0xf: {  	[smem:$0x3FB1] =	sst s7  }
0x10: {  	[smem:$0x3FB2] =	sst s8  }
0x11: {  	[smem:$0x3FB3] =	sst s9;
	s0 =	simm.s32 @!p0 $0x0  }
0x12: {  	s1 =	sld [smem:$0x3F99];
	s0 =	simm.s32 @p0 $0x1  }
0x13: {  	[smem:$0x3FB4] =	sst s0;
	s0 =	simm.s32 @!p1 $0x0  }
0x14: {  	s2 =	sld [smem:$0x3F98];
	s0 =	simm.s32 @p1 $0x1  }
0x15: {  	[smem:$0x3FB5] =	sst s0;
	s0 =	simm.s32 @!p2 $0x0  }
0x16: {  	s3 =	sld [smem:$0x3FDB];
	s0 =	simm.s32 @p2 $0x1  }
0x17: {  	s4 =	simm.s32 $0x1BF5;
	[smem:$0x3FB7] =	sst s0  }
0x18: {  	s0 =	sld [smem:$0x3F9A];
	_ =	swait.ge [sflag:s4], $0x0  }
0x19: {  	s7 =	sld [smem:$0x3F9B]  }
0x1a: {  	s8 =	sadd.s32 $0xFFFFE003, lr  }
0x1b: {  	s9 =	sadd.s32 $0xFFFFFEF7, lr;
	s5 =	simm.s32 $0xFFFFFFFF;
	p2 =	slt.u32 s8, $0xFFFFF086  }
0x1c: {  	p1 =	slt.u32 s9, $0xF7A;
	s5 =	simm.s32 @!p2 $0x0  }
0x1d: {  	s5 =	simm.s32 @p1 $0x1;
	p0 =	seq.s32 s7, s2  }
0x1e: {  	s7 =	smul.u32 @!p0 $0xF7A, s2;
	p2 =	seq.s32 @!p0 s5, $0x0  }
0x1f: {  	s9 =	smul.u32 $0xF7A, s1;
	s8 =	simm.s32 @!p0 $0x1BF5;
	p2 =	por !p2, p0  }
0x20: {  	[sflag:s8] =	ssyncset.s32 @!p0 $0xFFFFF086;
	s6 =	sadd.s32 @!p0 s3, s7;
	s7 =	simm.s32 @!p0 $0x108  }
0x21: {  	s3 =	sadd.s32 s3, s9;
	s6 =	sadd.s32 @!p0 $0x88, s6;
	s7 =	simm.s32 @p2 $0x1082  }
0x22: {  	[simem:s7], [sflag:s8] =	dma.local @!p0 [hbm:s6], $0xF7A  }
0x23: {  	s9 =	sor.u32 $0xD0000000, s2;
	s6 =	simm.s32 $0x108;
	_ =	swait.ge @!p0 [sflag:s8], $0x0  }
0x24: {  	s3 =	sadd.s32 $0x88, s3;
	s6 =	simm.s32 @!p1 $0x1082;
	[sflag:s4] =	ssyncset.s32 $0xFFFFF086  }
0x25: {  	[simem:s6], [sflag:s4] =	dma.local [hbm:s3], $0xF7A  }
0x26: {  	[smem:$0x3F9B] =	sst s1;
	(tag) =	ssettag s2;
	_ =	strace s9  }
0x27: {  	s1 =	sld [smem:$0x3FAB]  }
0x28: {  	s2 =	sld [smem:$0x3FAC]  }
0x29: {  	s4 =	sld [smem:$0x3FAE]  }
0x2a: {  	p0 =	seq.s32 s5, $0x0;
	s5 =	sld [smem:$0x3FAF]  }
0x2b: {  	s6 =	sld [smem:$0x3FB0]  }
0x2c: {  	s7 =	sld [smem:$0x3FB1]  }
0x2d: {  	s3 =	simm.s32 $0x108;
	s8 =	sld [smem:$0x3FB2]  }
0x2e: {  	s3 =	simm.s32 @!p0 $0x1082;
	s9 =	sld [smem:$0x3FB3]  }
0x2f: {  	lr =	sadd.s32 s0, s3;
	s0 =	sld [smem:$0x3FAA]  }
0x30: {  	s3 =	sld [smem:$0x3FAD]  }
0x31: {  	[smem:$0x3FB6] =	sst s10  }
0x32: {  	s10 =	sld [smem:$0x3FB4];
	_ =	sdelay $0x3  }
0x33: {  	p0 =	seq.s32 s10, $0x1;
	s10 =	sld [smem:$0x3FB6];
	_ =	sdelay $0x3  }
0x34: {  	[smem:$0x3FB6] =	sst s10  }
0x35: {  	s10 =	sld [smem:$0x3FB5];
	_ =	sdelay $0x3  }
0x36: {  	p1 =	seq.s32 s10, $0x1;
	s10 =	sld [smem:$0x3FB6];
	_ =	sdelay $0x3  }
0x37: {  	[smem:$0x3FB6] =	sst s10  }
0x38: {  	s10 =	sld [smem:$0x3FB7]  }
0x39: {  	_ = 	snop;
	(pc) =	sbr.ind lr, $3  }
0x3a: {  	_ = 	snop  }
0x3b: {  	_ = 	snop  }
0x3c: {  	p2 =	seq.s32 s10, $0x1;
	s10 =	sld [smem:$0x3FB6]  }
0x3d: {  	_ =	shalt  }
0x3e: {  	_ =	shalt  }
0x3f: {  	_ =	shalt  }
0x40: {  	_ =	shalt  }
0x41: {  	_ =	shalt  }
0x42: {  	_ =	shalt  }
0x43: {  	_ =	shalt  }
0x44: {  	_ =	shalt  }
0x45: {  	_ =	shalt  }
0x46: {  	_ =	shalt  }
0x47: {  	_ =	shalt  }
0x48: {  	_ =	shalt  }
0x49: {  	_ =	shalt  }
0x4a: {  	_ =	shalt  }
0x4b: {  	_ =	shalt  }
0x4c: {  	_ =	shalt  }
0x4d: {  	_ =	shalt  }
0x4e: {  	_ =	shalt  }
0x4f: {  	_ =	shalt  }
0x50: {  	_ =	shalt  }
0x51: {  	_ =	shalt  }
0x52: {  	_ =	shalt  }
0x53: {  	_ =	shalt  }
0x54: {  	_ =	shalt  }
0x55: {  	_ =	shalt  }
0x56: {  	_ =	shalt  }
0x57: {  	_ =	shalt  }
0x58: {  	_ =	shalt  }
0x59: {  	_ =	shalt  }
0x5a: {  	_ =	shalt  }
0x5b: {  	_ =	shalt  }
0x5c: {  	_ =	shalt  }
0x5d: {  	_ =	shalt  }
0x5e: {  	_ =	shalt  }
0x5f: {  	_ =	shalt  }
0x60: {  	_ =	shalt  }
0x61: {  	_ =	shalt  }
0x62: {  	_ =	shalt  }
0x63: {  	_ =	shalt  }
0x64: {  	_ =	shalt  }
0x65: {  	_ =	shalt  }
0x66: {  	_ =	shalt  }
0x67: {  	_ =	shalt  }
0x68: {  	_ =	shalt  }
0x69: {  	_ =	shalt  }
0x6a: {  	_ =	shalt  }
0x6b: {  	_ =	shalt  }
0x6c: {  	_ =	shalt  }
0x6d: {  	_ =	shalt  }
0x6e: {  	_ =	shalt  }
0x6f: {  	_ =	shalt  }
0x70: {  	_ =	shalt  }
0x71: {  	_ =	shalt  }
0x72: {  	_ =	shalt  }
0x73: {  	_ =	shalt  }
0x74: {  	_ =	shalt  }
0x75: {  	_ =	shalt  }
0x76: {  	_ =	shalt  }
0x77: {  	_ =	shalt  }
0x78: {  	_ =	shalt  }
0x79: {  	_ =	shalt  }
0x7a: {  	_ =	shalt  }
0x7b: {  	_ =	shalt  }
0x7c: {  	_ =	shalt  }
0x7d: {  	_ =	shalt  }
0x7e: {  	_ =	shalt  }
0x7f: {  	_ =	shalt  }
0x80: {  	_ =	shalt  }
0x81: {  	_ =	shalt  }
0x82: {  	_ =	shalt  }
0x83: {  	_ =	shalt  }
0x84: {  	_ =	shalt  }
0x85: {  	_ =	shalt  }
0x86: {  	_ =	shalt  }
0x87: {  	_ =	shalt  }
.Lfunc_end0:
.L_simem_size_0:
called_computation_lowered:
.L_overlay_start_0:
0x88: {  	s2 =	sld [smem:$0x3FD9]  }
0x89: {  	s3 =	sld [smem:$0x3FFE];
	_ =	sdelay $0x1  }
0x8a: {  	s1 =	srdreg.scid  }
0x8b: {  	s0 =	sand.u32 $0x1, s1  }
0x8c: {  	s17 =	sshll.u32 s0, $0xA;
	s2 =	sadd.s32 s3, s2  }
0x8d: {  	s2 =	sadd.s32 s2, s17  }
0x8e: {  	[smem:$0x3FC2] =	sst s2  }
0x8f: {  	_ = 	snop  }
0x90: {  	s2 =	sld [smem:$0x3FD0];
	(tm) =	ssettm $0x1  }
0x91: {  	s18 =	sld [smem:$0x3FFB];
	_ =	sdelay $0x3  }
0x92: {  	_ =	strace s18  }
0x93: {  	s3 =	sld [smem:$0x3FFC];
	_ =	sdelay $0x3  }
0x94: {  	_ =	strace s3  }
0x95: {  	s3 =	sld [smem:$0x3FFD];
	_ =	sdelay $0x3  }
0x96: {  	_ =	strace s3  }
0x97: {  	_ =	strace $0x8FFFFFFF  }
0x98: {  	s19 =	sld [smem:$0x3FDB];
	_ =	sdelay $0x1  }
0x99: {  	s4 =	simm.s32 $_scs_section_size  }
0x9a: {  	s5 =	simm.s32 $_size__tile_overlayer_lowered;
	s6 =	simm.s32 $_tile_overlayer_lowered  }
0x9b: {  	s22 =	simm.s32 $0x1BFF;
	s21 =	sshll.u32 s6, $0x1;
	s3 =	sadd.s32 s4, s19  }
0x9c: {  	s7 =	simm.s32 $0x0;
	s20 =	sshll.u32 s5, $0x1;
	s5 =	sadd.s32 s21, s3  }
0x9d: {  	[timem:s7], [sflag:s22] =	dma.local [hbm:s5], s20  }
0x9e: {  	_ =	swait.ge [sflag:s22], s20  }
0x9f: {  	s4 =	ssub.s32 $0x0, s20;
	[sflag:s22] =	ssyncset.done $0x0  }
0xa0: {  	[sflag:s22] =	ssyncadd.s32 s4;
	_ =	sdelay $0x1  }
0xa1: {  	s23 =	simm.s32 $0x1B8B  }
0xa2: {  	_ =	swait.ge [sflag:s23], $0x1  }
0xa3: {  	[sflag:s23] =	ssyncset.done $0x0  }
0xa4: {  	s25 =	simm.s32 $0x1B8E;
	s24 =	sld [smem:$0x3FFE];
	[sflag:s23] =	ssyncadd.s32 $0xFFFFFFFF  }
0xa5: {  	s26 =	simm.s32 $execute0_lowered;
	[smem:$0x3FD2] =	sst s25  }
0xa6: {  	s5 =	sshll.u32 s26, $0x1;
	_ =	strace $0x80000046;
	[dreg:$0x1] =	wrdreg $0xFFFFFFFF  }
0xa7: {  	s28 =	simm.s32 $_size_execute0_lowered;
	s3 =	sadd.s32 s3, s5;
	[dreg:$0x0] =	wrdreg $0x0  }
0xa8: {  	s5 =	sshll.u32 s28, $0x1;
	[dreg:$0x2] =	wrdreg s3  }
0xa9: {  	[dreg:$0x3] =	wrdreg s5  }
0xaa: {  	[dreg:$0x4] =	wrdreg $0xC0  }
0xab: {  	_ =	task [dreg:s7], $0x5FFFF  }
0xac: {  	[dreg:$0x1] =	wrdreg $0xFFFFFFFF  }
0xad: {  	[dreg:$0x0] =	wrdreg $0x60  }
0xae: {  	[dreg:$0x2] =	wrdreg s24  }
0xaf: {  	[dreg:$0x3] =	wrdreg s2  }
0xb0: {  	[dreg:$0x4] =	wrdreg $0x10000  }
0xb1: {  	[dreg:$0x5] =	wrdreg $0x9  }
0xb2: {  	_ =	task.clear_ibuf [dreg:s7], $0x6FFFF;
	_ =	strace $0x90000046  }
0xb3: {  	s29 =	simm.s32 $0x9;
	_ =	strace $0x80000048  }
0xb4: {  	_ =	swait.ge [sflag:s29], $0x1  }
0xb5: {  	[sflag:s29] =	ssyncadd.s32 $0xFFFFFFFF  }
0xb6: {  	_ =	strace $0x90000048  }
0xb7: {  	_ =	sfence  }
0xb8: {  	s30 =	sld [smem:$0x0];
	_ =	sdelay $0x2  }
0xb9: {  	s31 =	sshll.u32 s1, $0xD;
	s1 =	sshrl.u32 s1, $0x2  }
0xba: {  	s3 =	sand.u32 $0x4000, s31;
	s1 =	sadd.s32 s1, s30  }
0xbb: {  	s0 =	sor.u32 s3, s0;
	s1 =	sshll.u32 s1, $0x11  }
0xbc: {  	s0 =	sor.u32 s1, s0  }
0xbd: {  	s0 =	sadd.s32 $0x8F2B, s0  }
0xbe: {  	[sflag:s0] =	ssyncadd.remote.s32 $0x1  }
0xbf: {  	_ =	sfence.sel $0xFFFF  }
0xc0: {  	[dreg:$0x0] =	wrdreg $0xFFFFFFFF;
	(pc) =	sbr.abs _section_cstart, $3  }
0xc1: {  	[dreg:$0x1] =	wrdreg $0xFFFFFFFF  }
0xc2: {  	_ =	task.clear_ibuf [dreg:s7], $0x2FFFF;
	_ =	strace $0x9FFFFFFF  }
0xc3: {  	(tm) =	ssettm $0x7FFFFFFF  }
tec
execute0_lowered:
.L_overlay_start_1:
0x0: {  	(tag) =	ssettag $0x1  }
0x1: {  	s0 =	rddreg [dreg:$0x0]  }
0x2: {  	s1 =	rddreg [dreg:$0x1]  }
0x3: {  	s2 =	rddreg [dreg:$0x2]  }
0x4: {  	s3 =	simm.s32 $0x0;
	s7 =	stileid.u32;
	s5 =	srdreg.scid  }
0x5: {  	s12 =	simm.s32 $0x800;
	s13 =	simm.s32 $0x3;
	s14 =	simm.s32 $0x400  }
0x6: {  	s15 =	simm.s32 $0x1;
	s16 =	simm.s32 $0x80;
	s17 =	simm.s32 $0x100  }
0x7: {  	s18 =	simm.s32 $0x180;
	s19 =	simm.s32 $0x200;
	s20 =	simm.s32 $0x280  }
0x8: {  	s21 =	simm.s32 $0x300;
	s28 =	simm.s32 $0x600;
	s4 =	smul.u32 $0xA00, s7  }
0x9: {  	s29 =	simm.s32 $0x680;
	s30 =	simm.s32 $0x700;
	s6 =	smul.u32 $0x9C80, s7  }
0xa: {  	[smem:$0x7FF] =	sst s3;
	s5 =	sand.u32 $0x1, s5;
	s7 =	smul.u32 $0x2720, s7  }
0xb: {  	s31 =	simm.s32 $0x780;
	_ =	strace $0x80000047;
	s9 =	smul.u32 $0x27200, s5  }
0xc: {  	s22 =	ssub.s32 $0x2, s5;
	s5 =	smul.u32 $0x500, s5;
	s0 =	sadd.s32 s4, s0  }
0xd: {  	s6 =	sshrl.u32 s6, $0x2;
	s8 =	sshrl.u32 s22, $0x1;
	s4 =	sadd.s32 s7, s2  }
0xe: {  	s6 =	sadd.s32 s6, s2;
	s10 =	ssub.s32 s22, s8;
	s9 =	sadd.s32 s7, s9  }
0xf: {  	s0 =	sadd.s32 s5, s0;
	s22 =	simm.s32 $0x380;
	s23 =	sadd.s32 $0x800, s6  }
0x10: {  	s24 =	sadd.s32 $0x1000, s6;
	s25 =	sadd.s32 $0x1800, s6;
	s8 =	sadd.s32 $0x2000, s6  }
0x11: {  	s26 =	sshrl.u32 s9, $0x3;
	s10 =	smax.u32 s10, $0x1;
	[dreg:$0x4] =	wrdreg s23  }
0x12: {  	s11 =	sadd.s32 $0x2200, s0;
	s0 =	simm.s32 $0x0;
	[dreg:$0x5] =	wrdreg s24  }
0x13: {  	[dreg:$0x6] =	wrdreg s25;
	s9 =	sadd.s32 s1, s26;
	s23 =	simm.s32 $0x2  }
0x14: {  	v0 =	vimm.f32 $0.0e+00;
	v1 =	vimm.f32 $1.000000000e+00;
	s24 =	simm.s32 $0x480;
	s25 =	simm.s32 $0x500;
	s26 =	simm.s32 $0x580  }
.LBB2_1:
0x15: {  	s1 =	simm.s32 $0x40;
	s5 =	simm.s32 $0x0  }
.LBB2_2:
0x16: {  	p0 =	sne.s32 s1, $0x1FC0;
	[tilespmem:s5+$0x800] =	vst v0;
	s5 =	smov.u32 s1;
	s1 =	sadd.s32 $0x40, s1  }
.Ltmp0:
0x17: {  	(pc) =	sbr.rel @p0 .LBB2_2-.Ltmp0, $2  }
0x18: {  	_ =	sdelay $0x2  }
0x19: {  	s5 =	sshra.s32 s5, $0x2  }
0x1a: {  	[tilespmem:s5+$0x800] =	vst v0  }
0x1b: {  	[spmem:s4] =	stream.linear.scatter [tilespmem:s12], [sflag:$0x3], $0x800, $0x38;
	[tilespmem:$0x3720] =	vst v63  }
0x1c: {  	_ =	swait.ge [sflag:s13], $0x800  }
0x1d: {  	[sflag:s13] =	ssyncset.done $0x0  }
0x1e: {  	s1 =	rddreg [dreg:$0x4];
	[sflag:s13] =	ssyncadd.s32 $0xFFFFF800  }
0x1f: {  	[spmem:s1] =	stream.linear.scatter [tilespmem:s12], [sflag:$0x3], $0x800, $0x38;
	[tilespmem:$0x3720] =	vst v63  }
0x20: {  	_ =	swait.ge [sflag:s13], $0x800  }
0x21: {  	[sflag:s13] =	ssyncset.done $0x0  }
0x22: {  	s6 =	rddreg [dreg:$0x5];
	[sflag:s13] =	ssyncadd.s32 $0xFFFFF800  }
0x23: {  	[spmem:s6] =	stream.linear.scatter [tilespmem:s12], [sflag:$0x3], $0x800, $0x38;
	[tilespmem:$0x3720] =	vst v63  }
0x24: {  	_ =	swait.ge [sflag:s13], $0x800  }
0x25: {  	[sflag:s13] =	ssyncset.done $0x0  }
0x26: {  	s7 =	rddreg [dreg:$0x6];
	[sflag:s13] =	ssyncadd.s32 $0xFFFFF800  }
0x27: {  	[spmem:s7] =	stream.linear.scatter [tilespmem:s12], [sflag:$0x3], $0x800, $0x38;
	[tilespmem:$0x3720] =	vst v63  }
0x28: {  	_ =	swait.ge [sflag:s13], $0x800  }
0x29: {  	[sflag:s13] =	ssyncset.done $0x0  }
0x2a: {  	[sflag:s13] =	ssyncadd.s32 $0xFFFFF800  }
0x2b: {  	[spmem:s8] =	stream.linear.scatter [tilespmem:s12], [sflag:$0x3], $0x720, $0x38;
	[tilespmem:$0x3720] =	vst v63  }
0x2c: {  	_ =	swait.ge [sflag:s13], $0x720  }
0x2d: {  	[sflag:s13] =	ssyncset.done $0x0  }
0x2e: {  	[sflag:s13] =	ssyncadd.s32 $0xFFFFF8E0  }
0x2f: {  	s5 =	simm.s32 $0x0;
	s1 =	simm.s32 $0x40;
	[bflag:$0x0] =	sbarrier.arrive $0xFFFF  }
.LBB2_4:
0x30: {  	p0 =	sne.s32 s1, $0x1FC0;
	[tilespmem:s5+$0x800] =	vst v1;
	s5 =	smov.u32 s1;
	s1 =	sadd.s32 $0x40, s1  }
.Ltmp1:
0x31: {  	(pc) =	sbr.rel @p0 .LBB2_4-.Ltmp1, $2  }
0x32: {  	_ =	sdelay $0x2  }
0x33: {  	s5 =	sshra.s32 s5, $0x2  }
0x34: {  	[tilespmem:s5+$0x800] =	vst v1;
	s1 =	sadd.s32 $0x0, s11  }
0x35: {  	[tilespmem:s3], [sflag:$0x1] =	stream.linear.gather [hbm4b:s1+s3], $0x400, $0x38;
	[tilespmem:$0x3720] =	vst v63  }
0x36: {  	s1 =	sadd.s32 $0x80, s1  }
0x37: {  	[tilespmem:s14], [sflag:$0x2] =	stream.linear.gather [hbm4b:s1+s3], $0x400, $0x38;
	[tilespmem:$0x3720] =	vst v63  }
0x38: {  	_ =	swait.ge [sflag:s15], $0x400  }
0x39: {  	[sflag:s15] =	ssyncset.done $0x0  }
0x3a: {  	[sflag:s15] =	ssyncadd.s32 $0xFFFFFC00  }
0x3b: {  	[spmem:s2] =	stream.indirect.scatter.add.f32 [tilespmem:s12], [sflag:$0x3], $0x10, s3, s16, $0xb8;
	[tilespmem:$0x3720] =	vst v63  }
0x3c: {  	_ =	swait.ge [sflag:s13], $0x800  }
0x3d: {  	[sflag:s13] =	ssyncset.done $0x0  }
0x3e: {  	[sflag:s13] =	ssyncadd.s32 $0xFFFFF800  }
0x3f: {  	[spmem:s2] =	stream.indirect.scatter.add.f32 [tilespmem:s12], [sflag:$0x3], $0x10, s16, s16, $0xb8;
	[tilespmem:$0x3720] =	vst v63  }
0x40: {  	_ =	swait.ge [sflag:s13], $0x800  }
0x41: {  	[sflag:s13] =	ssyncset.done $0x0  }
0x42: {  	[sflag:s13] =	ssyncadd.s32 $0xFFFFF800  }
0x43: {  	[spmem:s2] =	stream.indirect.scatter.add.f32 [tilespmem:s12], [sflag:$0x3], $0x10, s17, s16, $0xb8;
	[tilespmem:$0x3720] =	vst v63  }
0x44: {  	_ =	swait.ge [sflag:s13], $0x800  }
0x45: {  	[sflag:s13] =	ssyncset.done $0x0  }
0x46: {  	[sflag:s13] =	ssyncadd.s32 $0xFFFFF800  }
0x47: {  	[spmem:s2] =	stream.indirect.scatter.add.f32 [tilespmem:s12], [sflag:$0x3], $0x10, s18, s16, $0xb8;
	[tilespmem:$0x3720] =	vst v63  }
0x48: {  	_ =	swait.ge [sflag:s13], $0x800  }
0x49: {  	[sflag:s13] =	ssyncset.done $0x0  }
0x4a: {  	[sflag:s13] =	ssyncadd.s32 $0xFFFFF800  }
0x4b: {  	[spmem:s2] =	stream.indirect.scatter.add.f32 [tilespmem:s12], [sflag:$0x3], $0x10, s19, s16, $0xb8;
	[tilespmem:$0x3720] =	vst v63  }
0x4c: {  	_ =	swait.ge [sflag:s13], $0x800  }
0x4d: {  	[sflag:s13] =	ssyncset.done $0x0  }
0x4e: {  	[sflag:s13] =	ssyncadd.s32 $0xFFFFF800  }
0x4f: {  	[spmem:s2] =	stream.indirect.scatter.add.f32 [tilespmem:s12], [sflag:$0x3], $0x10, s20, s16, $0xb8;
	[tilespmem:$0x3720] =	vst v63  }
0x50: {  	_ =	swait.ge [sflag:s13], $0x800  }
0x51: {  	[sflag:s13] =	ssyncset.done $0x0  }
0x52: {  	[sflag:s13] =	ssyncadd.s32 $0xFFFFF800  }
0x53: {  	[spmem:s2] =	stream.indirect.scatter.add.f32 [tilespmem:s12], [sflag:$0x3], $0x10, s21, s16, $0xb8;
	[tilespmem:$0x3720] =	vst v63  }
0x54: {  	_ =	swait.ge [sflag:s13], $0x800  }
0x55: {  	[sflag:s13] =	ssyncset.done $0x0  }
0x56: {  	[sflag:s13] =	ssyncadd.s32 $0xFFFFF800  }
0x57: {  	[spmem:s2] =	stream.indirect.scatter.add.f32 [tilespmem:s12], [sflag:$0x3], $0x10, s22, s16, $0xb8;
	[tilespmem:$0x3720] =	vst v63  }
0x58: {  	_ =	swait.ge [sflag:s13], $0x800  }
0x59: {  	[sflag:s13] =	ssyncset.done $0x0  }
0x5a: {  	[sflag:s13] =	ssyncadd.s32 $0xFFFFF800  }
0x5b: {  	_ =	swait.ge [sflag:s23], $0x400  }
0x5c: {  	[sflag:s23] =	ssyncset.done $0x0  }
0x5d: {  	[sflag:s23] =	ssyncadd.s32 $0xFFFFFC00  }
0x5e: {  	[spmem:s2] =	stream.indirect.scatter.add.f32 [tilespmem:s12], [sflag:$0x3], $0x10, s14, s16, $0xb8;
	[tilespmem:$0x3720] =	vst v63  }
0x5f: {  	_ =	swait.ge [sflag:s13], $0x800  }
0x60: {  	[sflag:s13] =	ssyncset.done $0x0  }
0x61: {  	[sflag:s13] =	ssyncadd.s32 $0xFFFFF800  }
0x62: {  	[spmem:s2] =	stream.indirect.scatter.add.f32 [tilespmem:s12], [sflag:$0x3], $0x10, s24, s16, $0xb8;
	[tilespmem:$0x3720] =	vst v63  }
0x63: {  	_ =	swait.ge [sflag:s13], $0x800  }
0x64: {  	[sflag:s13] =	ssyncset.done $0x0  }
0x65: {  	[sflag:s13] =	ssyncadd.s32 $0xFFFFF800  }
0x66: {  	[spmem:s2] =	stream.indirect.scatter.add.f32 [tilespmem:s12], [sflag:$0x3], $0x10, s25, s16, $0xb8;
	[tilespmem:$0x3720] =	vst v63  }
0x67: {  	_ =	swait.ge [sflag:s13], $0x800  }
0x68: {  	[sflag:s13] =	ssyncset.done $0x0  }
0x69: {  	[sflag:s13] =	ssyncadd.s32 $0xFFFFF800  }
0x6a: {  	[spmem:s2] =	stream.indirect.scatter.add.f32 [tilespmem:s12], [sflag:$0x3], $0x10, s26, s16, $0xb8;
	[tilespmem:$0x3720] =	vst v63  }
0x6b: {  	_ =	swait.ge [sflag:s13], $0x800  }
0x6c: {  	[sflag:s13] =	ssyncset.done $0x0  }
0x6d: {  	[sflag:s13] =	ssyncadd.s32 $0xFFFFF800  }
0x6e: {  	[spmem:s2] =	stream.indirect.scatter.add.f32 [tilespmem:s12], [sflag:$0x3], $0x10, s28, s16, $0xb8;
	[tilespmem:$0x3720] =	vst v63  }
0x6f: {  	_ =	swait.ge [sflag:s13], $0x800  }
0x70: {  	[sflag:s13] =	ssyncset.done $0x0  }
0x71: {  	[sflag:s13] =	ssyncadd.s32 $0xFFFFF800  }
0x72: {  	[spmem:s2] =	stream.indirect.scatter.add.f32 [tilespmem:s12], [sflag:$0x3], $0x10, s29, s16, $0xb8;
	[tilespmem:$0x3720] =	vst v63  }
0x73: {  	_ =	swait.ge [sflag:s13], $0x800  }
0x74: {  	[sflag:s13] =	ssyncset.done $0x0  }
0x75: {  	[sflag:s13] =	ssyncadd.s32 $0xFFFFF800  }
0x76: {  	[spmem:s2] =	stream.indirect.scatter.add.f32 [tilespmem:s12], [sflag:$0x3], $0x10, s30, s16, $0xb8;
	[tilespmem:$0x3720] =	vst v63  }
0x77: {  	_ =	swait.ge [sflag:s13], $0x800  }
0x78: {  	[sflag:s13] =	ssyncset.done $0x0  }
0x79: {  	[sflag:s13] =	ssyncadd.s32 $0xFFFFF800  }
0x7a: {  	[spmem:s2] =	stream.indirect.scatter.add.f32 [tilespmem:s12], [sflag:$0x3], $0x10, s31, s16, $0xb8;
	[tilespmem:$0x3720] =	vst v63  }
0x7b: {  	_ =	swait.ge [sflag:s13], $0x800  }
0x7c: {  	s5 =	simm.s32 $0x200;
	s1 =	simm.s32 $0x100;
	[sflag:s13] =	ssyncset.done $0x0  }
.LBB2_6:
0x7d: {  	s7 =	sadd.s32 s1, s11  }
0x7e: {  	[sflag:s13] =	ssyncadd.s32 $0xFFFFF800;
	s1 =	smov.u32 s5;
	s6 =	sadd.s32 $0x100, s5  }
0x7f: {  	[tilespmem:s3], [sflag:$0x1] =	stream.linear.gather [hbm4b:s7+s3], $0x400, $0x38;
	[tilespmem:$0x3720] =	vst v63  }
0x80: {  	p0 =	sne.s32 s5, $0x400;
	s5 =	sadd.s32 $0x80, s7  }
0x81: {  	[tilespmem:s14], [sflag:$0x2] =	stream.linear.gather [hbm4b:s5+s3], $0x400, $0x38;
	[tilespmem:$0x3720] =	vst v63  }
0x82: {  	_ =	swait.ge [sflag:s15], $0x400  }
0x83: {  	[sflag:s15] =	ssyncset.done $0x0  }
0x84: {  	[sflag:s15] =	ssyncadd.s32 $0xFFFFFC00  }
0x85: {  	[spmem:s2] =	stream.indirect.scatter.add.f32 [tilespmem:s12], [sflag:$0x3], $0x10, s3, s16, $0xb8;
	[tilespmem:$0x3720] =	vst v63  }
0x86: {  	_ =	swait.ge [sflag:s13], $0x800  }
0x87: {  	[sflag:s13] =	ssyncset.done $0x0  }
0x88: {  	[sflag:s13] =	ssyncadd.s32 $0xFFFFF800  }
0x89: {  	[spmem:s2] =	stream.indirect.scatter.add.f32 [tilespmem:s12], [sflag:$0x3], $0x10, s16, s16, $0xb8;
	[tilespmem:$0x3720] =	vst v63  }
0x8a: {  	_ =	swait.ge [sflag:s13], $0x800  }
0x8b: {  	[sflag:s13] =	ssyncset.done $0x0  }
0x8c: {  	[sflag:s13] =	ssyncadd.s32 $0xFFFFF800  }
0x8d: {  	[spmem:s2] =	stream.indirect.scatter.add.f32 [tilespmem:s12], [sflag:$0x3], $0x10, s17, s16, $0xb8;
	[tilespmem:$0x3720] =	vst v63  }
0x8e: {  	_ =	swait.ge [sflag:s13], $0x800  }
0x8f: {  	[sflag:s13] =	ssyncset.done $0x0  }
0x90: {  	[sflag:s13] =	ssyncadd.s32 $0xFFFFF800  }
0x91: {  	[spmem:s2] =	stream.indirect.scatter.add.f32 [tilespmem:s12], [sflag:$0x3], $0x10, s18, s16, $0xb8;
	[tilespmem:$0x3720] =	vst v63  }
0x92: {  	_ =	swait.ge [sflag:s13], $0x800  }
0x93: {  	[sflag:s13] =	ssyncset.done $0x0  }
0x94: {  	[sflag:s13] =	ssyncadd.s32 $0xFFFFF800  }
0x95: {  	[spmem:s2] =	stream.indirect.scatter.add.f32 [tilespmem:s12], [sflag:$0x3], $0x10, s19, s16, $0xb8;
	[tilespmem:$0x3720] =	vst v63  }
0x96: {  	_ =	swait.ge [sflag:s13], $0x800  }
0x97: {  	[sflag:s13] =	ssyncset.done $0x0  }
0x98: {  	[sflag:s13] =	ssyncadd.s32 $0xFFFFF800  }
0x99: {  	[spmem:s2] =	stream.indirect.scatter.add.f32 [tilespmem:s12], [sflag:$0x3], $0x10, s20, s16, $0xb8;
	[tilespmem:$0x3720] =	vst v63  }
0x9a: {  	_ =	swait.ge [sflag:s13], $0x800  }
0x9b: {  	[sflag:s13] =	ssyncset.done $0x0  }
0x9c: {  	[sflag:s13] =	ssyncadd.s32 $0xFFFFF800  }
0x9d: {  	[spmem:s2] =	stream.indirect.scatter.add.f32 [tilespmem:s12], [sflag:$0x3], $0x10, s21, s16, $0xb8;
	[tilespmem:$0x3720] =	vst v63  }
0x9e: {  	_ =	swait.ge [sflag:s13], $0x800  }
0x9f: {  	[sflag:s13] =	ssyncset.done $0x0  }
0xa0: {  	[sflag:s13] =	ssyncadd.s32 $0xFFFFF800  }
0xa1: {  	[spmem:s2] =	stream.indirect.scatter.add.f32 [tilespmem:s12], [sflag:$0x3], $0x10, s22, s16, $0xb8;
	[tilespmem:$0x3720] =	vst v63  }
0xa2: {  	_ =	swait.ge [sflag:s13], $0x800  }
0xa3: {  	[sflag:s13] =	ssyncset.done $0x0  }
0xa4: {  	[sflag:s13] =	ssyncadd.s32 $0xFFFFF800  }
0xa5: {  	_ =	swait.ge [sflag:s23], $0x400  }
0xa6: {  	[sflag:s23] =	ssyncset.done $0x0  }
0xa7: {  	[sflag:s23] =	ssyncadd.s32 $0xFFFFFC00  }
0xa8: {  	[spmem:s2] =	stream.indirect.scatter.add.f32 [tilespmem:s12], [sflag:$0x3], $0x10, s14, s16, $0xb8;
	[tilespmem:$0x3720] =	vst v63  }
0xa9: {  	_ =	swait.ge [sflag:s13], $0x800  }
0xaa: {  	[sflag:s13] =	ssyncset.done $0x0  }
0xab: {  	[sflag:s13] =	ssyncadd.s32 $0xFFFFF800  }
0xac: {  	[spmem:s2] =	stream.indirect.scatter.add.f32 [tilespmem:s12], [sflag:$0x3], $0x10, s24, s16, $0xb8;
	[tilespmem:$0x3720] =	vst v63  }
0xad: {  	_ =	swait.ge [sflag:s13], $0x800  }
0xae: {  	[sflag:s13] =	ssyncset.done $0x0  }
0xaf: {  	[sflag:s13] =	ssyncadd.s32 $0xFFFFF800  }
0xb0: {  	[spmem:s2] =	stream.indirect.scatter.add.f32 [tilespmem:s12], [sflag:$0x3], $0x10, s25, s16, $0xb8;
	[tilespmem:$0x3720] =	vst v63  }
0xb1: {  	_ =	swait.ge [sflag:s13], $0x800  }
0xb2: {  	[sflag:s13] =	ssyncset.done $0x0  }
0xb3: {  	[sflag:s13] =	ssyncadd.s32 $0xFFFFF800  }
0xb4: {  	[spmem:s2] =	stream.indirect.scatter.add.f32 [tilespmem:s12], [sflag:$0x3], $0x10, s26, s16, $0xb8;
	[tilespmem:$0x3720] =	vst v63  }
0xb5: {  	_ =	swait.ge [sflag:s13], $0x800  }
0xb6: {  	[sflag:s13] =	ssyncset.done $0x0  }
0xb7: {  	[sflag:s13] =	ssyncadd.s32 $0xFFFFF800  }
0xb8: {  	[spmem:s2] =	stream.indirect.scatter.add.f32 [tilespmem:s12], [sflag:$0x3], $0x10, s28, s16, $0xb8;
	[tilespmem:$0x3720] =	vst v63  }
0xb9: {  	_ =	swait.ge [sflag:s13], $0x800  }
0xba: {  	[sflag:s13] =	ssyncset.done $0x0  }
0xbb: {  	[sflag:s13] =	ssyncadd.s32 $0xFFFFF800  }
0xbc: {  	[spmem:s2] =	stream.indirect.scatter.add.f32 [tilespmem:s12], [sflag:$0x3], $0x10, s29, s16, $0xb8;
	[tilespmem:$0x3720] =	vst v63  }
0xbd: {  	_ =	swait.ge [sflag:s13], $0x800  }
0xbe: {  	[sflag:s13] =	ssyncset.done $0x0  }
0xbf: {  	[sflag:s13] =	ssyncadd.s32 $0xFFFFF800  }
0xc0: {  	[spmem:s2] =	stream.indirect.scatter.add.f32 [tilespmem:s12], [sflag:$0x3], $0x10, s30, s16, $0xb8;
	[tilespmem:$0x3720] =	vst v63  }
0xc1: {  	_ =	swait.ge [sflag:s13], $0x800  }
.Ltmp2:
0xc2: {  	[sflag:s13] =	ssyncset.done $0x0;
	(pc) =	sbr.rel @p0 .LBB2_6-.Ltmp2, $4  }
0xc3: {  	[sflag:s13] =	ssyncadd.s32 $0xFFFFF800  }
0xc4: {  	[spmem:s2] =	stream.indirect.scatter.add.f32 [tilespmem:s12], [sflag:$0x3], $0x10, s31, s16, $0xb8;
	[tilespmem:$0x3720] =	vst v63  }
0xc5: {  	_ =	swait.ge [sflag:s13], $0x800  }
0xc6: {  	s5 =	smov.u32 s6;
	[sflag:s13] =	ssyncset.done $0x0  }
0xc7: {  	s1 =	sadd.s32 s1, s11;
	[sflag:s13] =	ssyncadd.s32 $0xFFFFF800  }
0xc8: {  	[tilespmem:s3], [sflag:$0x1] =	stream.linear.gather [hbm4b:s1+s3], $0x400, $0x38;
	[tilespmem:$0x3720] =	vst v63  }
0xc9: {  	s1 =	sadd.s32 $0x80, s1  }
0xca: {  	[tilespmem:s14], [sflag:$0x2] =	stream.linear.gather [hbm4b:s1+s3], $0x400, $0x38;
	[tilespmem:$0x3720] =	vst v63  }
0xcb: {  	_ =	swait.ge [sflag:s15], $0x400  }
0xcc: {  	[sflag:s15] =	ssyncset.done $0x0  }
0xcd: {  	[sflag:s15] =	ssyncadd.s32 $0xFFFFFC00  }
0xce: {  	[spmem:s2] =	stream.indirect.scatter.add.f32 [tilespmem:s12], [sflag:$0x3], $0x10, s3, s16, $0xb8;
	[tilespmem:$0x3720] =	vst v63  }
0xcf: {  	_ =	swait.ge [sflag:s13], $0x800  }
0xd0: {  	[sflag:s13] =	ssyncset.done $0x0  }
0xd1: {  	[sflag:s13] =	ssyncadd.s32 $0xFFFFF800  }
0xd2: {  	[spmem:s2] =	stream.indirect.scatter.add.f32 [tilespmem:s12], [sflag:$0x3], $0x10, s16, s16, $0xb8;
	[tilespmem:$0x3720] =	vst v63  }
0xd3: {  	_ =	swait.ge [sflag:s13], $0x800  }
0xd4: {  	[sflag:s13] =	ssyncset.done $0x0  }
0xd5: {  	[sflag:s13] =	ssyncadd.s32 $0xFFFFF800  }
0xd6: {  	[spmem:s2] =	stream.indirect.scatter.add.f32 [tilespmem:s12], [sflag:$0x3], $0x10, s17, s16, $0xb8;
	[tilespmem:$0x3720] =	vst v63  }
0xd7: {  	_ =	swait.ge [sflag:s13], $0x800  }
0xd8: {  	[sflag:s13] =	ssyncset.done $0x0  }
0xd9: {  	[sflag:s13] =	ssyncadd.s32 $0xFFFFF800  }
0xda: {  	[spmem:s2] =	stream.indirect.scatter.add.f32 [tilespmem:s12], [sflag:$0x3], $0x10, s18, s16, $0xb8;
	[tilespmem:$0x3720] =	vst v63  }
0xdb: {  	_ =	swait.ge [sflag:s13], $0x800  }
0xdc: {  	[sflag:s13] =	ssyncset.done $0x0  }
0xdd: {  	[sflag:s13] =	ssyncadd.s32 $0xFFFFF800  }
0xde: {  	[spmem:s2] =	stream.indirect.scatter.add.f32 [tilespmem:s12], [sflag:$0x3], $0x10, s19, s16, $0xb8;
	[tilespmem:$0x3720] =	vst v63  }
0xdf: {  	_ =	swait.ge [sflag:s13], $0x800  }
0xe0: {  	[sflag:s13] =	ssyncset.done $0x0  }
0xe1: {  	[sflag:s13] =	ssyncadd.s32 $0xFFFFF800  }
0xe2: {  	[spmem:s2] =	stream.indirect.scatter.add.f32 [tilespmem:s12], [sflag:$0x3], $0x10, s20, s16, $0xb8;
	[tilespmem:$0x3720] =	vst v63  }
0xe3: {  	_ =	swait.ge [sflag:s13], $0x800  }
0xe4: {  	[sflag:s13] =	ssyncset.done $0x0  }
0xe5: {  	[sflag:s13] =	ssyncadd.s32 $0xFFFFF800  }
0xe6: {  	[spmem:s2] =	stream.indirect.scatter.add.f32 [tilespmem:s12], [sflag:$0x3], $0x10, s21, s16, $0xb8;
	[tilespmem:$0x3720] =	vst v63  }
0xe7: {  	_ =	swait.ge [sflag:s13], $0x800  }
0xe8: {  	[sflag:s13] =	ssyncset.done $0x0  }
0xe9: {  	[sflag:s13] =	ssyncadd.s32 $0xFFFFF800  }
0xea: {  	[spmem:s2] =	stream.indirect.scatter.add.f32 [tilespmem:s12], [sflag:$0x3], $0x10, s22, s16, $0xb8;
	[tilespmem:$0x3720] =	vst v63  }
0xeb: {  	_ =	swait.ge [sflag:s13], $0x800  }
0xec: {  	[sflag:s13] =	ssyncset.done $0x0  }
0xed: {  	[sflag:s13] =	ssyncadd.s32 $0xFFFFF800  }
0xee: {  	_ =	swait.ge [sflag:s23], $0x400  }
0xef: {  	[sflag:s23] =	ssyncset.done $0x0  }
0xf0: {  	[sflag:s23] =	ssyncadd.s32 $0xFFFFFC00  }
0xf1: {  	[spmem:s2] =	stream.indirect.scatter.add.f32 [tilespmem:s12], [sflag:$0x3], $0x10, s14, s16, $0xb8;
	[tilespmem:$0x3720] =	vst v63  }
0xf2: {  	_ =	swait.ge [sflag:s13], $0x800  }
0xf3: {  	[sflag:s13] =	ssyncset.done $0x0  }
0xf4: {  	[sflag:s13] =	ssyncadd.s32 $0xFFFFF800  }
0xf5: {  	[spmem:s2] =	stream.indirect.scatter.add.f32 [tilespmem:s12], [sflag:$0x3], $0x10, s24, s16, $0xb8;
	[tilespmem:$0x3720] =	vst v63  }
0xf6: {  	_ =	swait.ge [sflag:s13], $0x800  }
0xf7: {  	[sflag:s13] =	ssyncset.done $0x0  }
0xf8: {  	[sflag:s13] =	ssyncadd.s32 $0xFFFFF800  }
0xf9: {  	[spmem:s2] =	stream.indirect.scatter.add.f32 [tilespmem:s12], [sflag:$0x3], $0x10, s25, s16, $0xb8;
	[tilespmem:$0x3720] =	vst v63  }
0xfa: {  	_ =	swait.ge [sflag:s13], $0x800  }
0xfb: {  	[sflag:s13] =	ssyncset.done $0x0  }
0xfc: {  	[sflag:s13] =	ssyncadd.s32 $0xFFFFF800  }
0xfd: {  	[spmem:s2] =	stream.indirect.scatter.add.f32 [tilespmem:s12], [sflag:$0x3], $0x10, s26, s16, $0xb8;
	[tilespmem:$0x3720] =	vst v63  }
0xfe: {  	_ =	swait.ge [sflag:s13], $0x800  }
0xff: {  	[sflag:s13] =	ssyncset.done $0x0  }
0x100: {  	[sflag:s13] =	ssyncadd.s32 $0xFFFFF800  }
0x101: {  	[spmem:s2] =	stream.indirect.scatter.add.f32 [tilespmem:s12], [sflag:$0x3], $0x10, s28, s16, $0xb8;
	[tilespmem:$0x3720] =	vst v63  }
0x102: {  	_ =	swait.ge [sflag:s13], $0x800  }
0x103: {  	[sflag:s13] =	ssyncset.done $0x0  }
0x104: {  	[sflag:s13] =	ssyncadd.s32 $0xFFFFF800  }
0x105: {  	[spmem:s2] =	stream.indirect.scatter.add.f32 [tilespmem:s12], [sflag:$0x3], $0x10, s29, s16, $0xb8;
	[tilespmem:$0x3720] =	vst v63  }
0x106: {  	_ =	swait.ge [sflag:s13], $0x800  }
0x107: {  	[sflag:s13] =	ssyncset.done $0x0  }
0x108: {  	[sflag:s13] =	ssyncadd.s32 $0xFFFFF800  }
0x109: {  	[spmem:s2] =	stream.indirect.scatter.add.f32 [tilespmem:s12], [sflag:$0x3], $0x10, s30, s16, $0xb8;
	[tilespmem:$0x3720] =	vst v63  }
0x10a: {  	_ =	swait.ge [sflag:s13], $0x800  }
0x10b: {  	[sflag:s13] =	ssyncset.done $0x0  }
0x10c: {  	[sflag:s13] =	ssyncadd.s32 $0xFFFFF800  }
0x10d: {  	[spmem:s2] =	stream.indirect.scatter.add.f32 [tilespmem:s12], [sflag:$0x3], $0x10, s31, s16, $0xb8;
	[tilespmem:$0x3720] =	vst v63  }
0x10e: {  	s7 =	stileid.u32;
	_ =	swait.ge [sflag:s13], $0x800  }
0x10f: {  	s5 =	sshrl.u32 s4, $0x3;
	s0 =	sadd.s32 $0x1, s0;
	[sflag:s13] =	ssyncset.done $0x0  }
0x110: {  	p0 =	sne.s32 s0, s10;
	s1 =	sshll.u32 s7, $0x6;
	[sflag:s13] =	ssyncadd.s32 $0xFFFFF800  }
.Ltmp3:
0x111: {  	s1 =	sor.u32 $0x1C03, s1;
	[bflag:$0x0] =	sbarrier.arrive $0xFFFF;
	(pc) =	sbr.rel @p0 .LBB2_1-.Ltmp3, $4  }
0x112: {  	[hbm:s9], [sflag:s1] =	dma.local [spmem:s5], $0x4E4  }
0x113: {  	_ =	swait.ge [sflag:s13], $0x4E4  }
0x114: {  	[sflag:s13] =	ssyncset.done $0x0  }
0x115: {  	[sflag:s13] =	ssyncadd.s32 $0xFFFFFB1C  }
0x116: {  	_ =	sfence.sel $0x180000  }
0x117: {  	[bflag:$0x0] =	sbarrier.arrive $0xFFFF  }
0x118: {  	_ =	strace $0x90000047  }
0x119: {  	s0 =	stileid.u32;
	[bflag:$0x2] =	sbarrier.arrive $0xFFFF  }
0x11a: {  	p0 =	sne.s32 s0, $0x0;
	s0 =	rddreg [dreg:$0x3]  }
0x11b: {  	s0 =	sadd.s32 @!p0 $0x100000, s0  }
0x11c: {  	[sflag:s0] =	ssyncadd.tile.s32 @!p0 $0x1;
	_ =	shalt  }
.Lfunc_end2:
_tile_overlayer_lowered:
.L_overlay_start_2:
0x11d: {  	(tag) =	ssettag $0x2  }
0x11e: {  	s0 =	rddreg [dreg:$0x0];
	s2 =	stileid.u32  }
0x11f: {  	s1 =	rddreg [dreg:$0x1];
	p0 =	sne.s32 s2, $0x0  }
0x120: {  	s3 =	rddreg [dreg:$0x2];
	[bflag:$0x3] =	sbarrier.arrive $0xFFFF;
	s2 =	simm.s32 @!p0 $0x1C03  }
0x121: {  	[timem:s3], [sflag:s2] =	dma.local @!p0 [hbm:s0], s1  }
0x122: {  	s0 =	simm.s32 @!p0 $0x3  }
0x123: {  	_ =	swait.ge @!p0 [sflag:s0], s1  }
0x124: {  	s1 =	ssub.s32 @!p0 $0x0, s1;
	[sflag:s0] =	ssyncset.done @!p0 $0x0  }
0x125: {  	[sflag:s0] =	ssyncadd.s32 @!p0 s1  }
0x126: {  	[bflag:$0x3] =	sbarrier.arrive $0xFFFF  }
0x127: {  	_ =	shalt  }

</sc_bundles>
